<compile_context>
chip_gen: v7x
topology: tpu7x:2x2x1
jax: 0.10.2.dev20260603
libtpu: 0.0.44.dev20260713+nightly
codegen_flags: <defaults>
</compile_context>

<pallas_src>
import functools

import jax
import jax.numpy as jnp
from jax import lax
from jax.experimental import pallas as pl
from jax.experimental.pallas import tpu as pltpu
from jax.experimental.pallas import tpu_sc as plsc

_N = 10000
_E = 320000
_NP = 10240
_CHUNK = 80
_NWORK = 32
_EPW = _E // _NWORK
_NCH = _EPW // _CHUNK
_ROWS_PT = _NP // 16


def _make_agg(d, chunk, nbuf, with_counts, async_s=True,
              dt=jnp.float32):
  nch = _EPW // chunk
  rem = _EPW - nch * chunk
  assert rem == 0
  mesh = plsc.VectorSubcoreMesh(core_axis_name="c", subcore_axis_name="s")
  src_1d = chunk % 8 == 0
  out_type = [jax.ShapeDtypeStruct((2, _NP, d), dt)]
  scratch = [
      pltpu.VMEM((_EPW,), jnp.int32) if src_1d
      else pltpu.VMEM((nch, chunk), jnp.int32),
      pltpu.VMEM((nch, chunk), jnp.int32),
  ]
  scratch += [pltpu.VMEM((chunk, d), dt) for _ in range(nbuf)]
  scratch += [pltpu.SemaphoreType.DMA for _ in range(2 * nbuf)]
  if with_counts:
    out_type.append(jax.ShapeDtypeStruct((2 * _NP,), jnp.float32))
    scratch += [
        pltpu.VMEM((128,), jnp.float32),
        pltpu.VMEM((_ROWS_PT,), jnp.float32),
        pltpu.VMEM_SHARED((_NP,), jnp.float32),
    ]
  scratch.append(pltpu.VMEM_SHARED((_NP, d), dt))

  def body(x_hbm, src_hbm, dst_hbm, out_hbm, *rest):
    if with_counts:
      cnt_hbm = rest[0]
      rest = rest[1:]
    src_v, dst_v = rest[0], rest[1]
    rows = rest[2:2 + nbuf]
    gsem = rest[2 + nbuf:2 + 2 * nbuf]
    ssem = rest[2 + 2 * nbuf:2 + 3 * nbuf]
    rest = rest[2 + 3 * nbuf:]
    if with_counts:
      ones_v, zcnt_v, cnt_acc = rest[0], rest[1], rest[2]
      rest = rest[3:]
    acc = rest[0]
    cid = lax.axis_index("c")
    sid = lax.axis_index("s")
    wid = sid * 2 + cid
    tid = sid

    if src_1d:
      pltpu.async_copy(src_hbm.at[pl.ds(wid * _EPW, _EPW)], src_v, gsem[0])
    else:
      pltpu.async_copy(src_hbm.at[wid], src_v, gsem[0])
    pltpu.async_copy(dst_hbm.at[wid], dst_v, gsem[0])

    lanes = 16 if dt == jnp.float32 else 32
    def zrow(r, c):
      for cc in range(d // lanes):
        rows[0][r, pl.ds(cc * lanes, lanes)] = jnp.zeros((lanes,), dt)
      return c
    lax.fori_loop(0, chunk, zrow, 0)
    nz = _ROWS_PT // chunk
    zr = _ROWS_PT - nz * chunk
    for j in range(nz):
      pltpu.async_copy(
          rows[0], acc.at[pl.ds(tid * _ROWS_PT + j * chunk, chunk)], ssem[0])
    if zr:
      pltpu.async_copy(
          rows[0].at[pl.ds(0, zr)],
          acc.at[pl.ds(tid * _ROWS_PT + nz * chunk, zr)], ssem[0])
    pltpu.make_async_copy(src_hbm.at[wid] if not src_1d
                          else src_hbm.at[pl.ds(0, _EPW)], src_v,
                          gsem[0]).wait()
    pltpu.make_async_copy(dst_hbm.at[0], dst_v, gsem[0]).wait()
    for j in range(nz):
      pltpu.make_async_copy(
          rows[0], acc.at[pl.ds(tid * _ROWS_PT + j * chunk, chunk)],
          ssem[0]).wait()
    if zr:
      pltpu.make_async_copy(
          rows[0].at[pl.ds(0, zr)],
          acc.at[pl.ds(tid * _ROWS_PT + nz * chunk, zr)], ssem[0]).wait()
    if with_counts:
      def zc(i, c):
        zcnt_v[pl.ds(i * 16, 16)] = jnp.zeros((16,), jnp.float32)
        return c
      lax.fori_loop(0, _ROWS_PT // 16, zc, 0)
      pltpu.sync_copy(zcnt_v, cnt_acc.at[pl.ds(tid * _ROWS_PT, _ROWS_PT)])
      for i in range(8):
        ones_v[pl.ds(i * 16, 16)] = jnp.ones((16,), jnp.float32)

    def fire_g(k, q):
      idx = (src_v.at[pl.ds(k * chunk, chunk)] if src_1d else src_v.at[k])
      pltpu.async_copy(x_hbm.at[idx], rows[q], gsem[q])

    def wait_g(q):
      pltpu.make_async_copy(
          x_hbm.at[pl.ds(0, chunk)], rows[q], gsem[q]).wait()

    def fire_s(k, q):
      if async_s:
        pltpu.async_copy(rows[q], acc.at[dst_v.at[k]], ssem[q], add=True)
      else:
        pltpu.sync_copy(rows[q], acc.at[dst_v.at[k]], add=True)
      if with_counts:
        pltpu.sync_copy(ones_v.at[pl.ds(0, chunk)],
                        cnt_acc.at[dst_v.at[k]], add=True)

    def wait_s(q):
      if async_s:
        pltpu.make_async_copy(
            x_hbm.at[pl.ds(0, chunk)], rows[q], ssem[q]).wait()

    for q in range(nbuf):
      fire_g(q, q)
    plsc.subcore_barrier()

    full = nch // nbuf
    def grp(kg, c):
      c0 = kg * nbuf
      if async_s:
        for q in range(nbuf):
          wait_g(q)
          fire_s(c0 + q, q)
        for q in range(nbuf):
          nxt = c0 + nbuf + q
          @pl.when(nxt < nch)
          def _():
            wait_s(q)
            fire_g(nxt, q)
      else:
        for q in range(nbuf):
          wait_g(q)
          fire_s(c0 + q, q)
          nxt = c0 + nbuf + q
          @pl.when(nxt < nch)
          def _():
            fire_g(nxt, q)
      return c
    lax.fori_loop(0, full, grp, 0)
    for q in range(nch - full * nbuf):
      wait_g(q)
      fire_s(full * nbuf + q, q)
    for q in range(nbuf):
      wait_s(q)

    plsc.subcore_barrier()
    row0 = tid * _ROWS_PT
    pltpu.async_copy(acc.at[pl.ds(row0, _ROWS_PT)],
                     out_hbm.at[cid, pl.ds(row0, _ROWS_PT)], gsem[0])
    if with_counts:
      pltpu.async_copy(cnt_acc.at[pl.ds(row0, _ROWS_PT)],
                       cnt_hbm.at[pl.ds(cid * _NP + row0, _ROWS_PT)], gsem[0])
    pltpu.make_async_copy(acc.at[pl.ds(row0, _ROWS_PT)],
                          out_hbm.at[cid, pl.ds(row0, _ROWS_PT)],
                          gsem[0]).wait()
    if with_counts:
      pltpu.make_async_copy(cnt_acc.at[pl.ds(row0, _ROWS_PT)],
                            cnt_hbm.at[pl.ds(cid * _NP + row0, _ROWS_PT)],
                            gsem[0]).wait()

  untiled = d == 64 or dt == jnp.bfloat16
  params = pltpu.CompilerParams(use_tc_tiling_on_sc=False) if untiled else None
  return pl.kernel(body, out_type=tuple(out_type), mesh=mesh,
                   scratch_types=tuple(scratch), compiler_params=params)


_BN = 2000


def _inv_of(cnt_blk):
  c = cnt_blk[0] + cnt_blk[1]
  return 1.0 / jnp.maximum(c, 1.0)


def _psum(p_ref):
  return (p_ref[0].astype(jnp.float32) + p_ref[1].astype(jnp.float32))


def _dot(a, b):
  return jax.lax.dot_general(a, b, (((1,), (0,)), ((), ())),
                             preferred_element_type=jnp.float32)


def _tc_call(body, out_shapes, in_specs, out_specs):
  return pl.pallas_call(
      body,
      grid=(_N // _BN,),
      in_specs=in_specs,
      out_specs=out_specs,
      out_shape=out_shapes,
  )


def _spec_rows(d):
  return pl.BlockSpec((_BN, d), lambda i: (i, 0))


def _spec_pair(d):
  return pl.BlockSpec((2, _BN, d), lambda i: (0, i, 0))


def _spec_cnt():
  return pl.BlockSpec((2, _BN, 1), lambda i: (0, i, 0))


def _spec_full(r, c):
  return pl.BlockSpec((r, c), lambda i: (0, 0))


def _stage_a(p0, cnt, x, wl0t, bl0, wr0t, wl1t):
  def body(p_ref, c_ref, x_ref, wl_ref, b_ref, wr_ref, w1_ref, h0_ref, t1_ref):
    m = _psum(p_ref) * _inv_of(c_ref)
    h0 = jnp.maximum(
        _dot(m, wl_ref[...]) + b_ref[...] + _dot(x_ref[...], wr_ref[...]), 0.0)
    h0_ref[...] = h0
    t1_ref[...] = _dot(h0, w1_ref[...])
  return _tc_call(
      body,
      (jax.ShapeDtypeStruct((_NP, 128), jnp.float32),
       jax.ShapeDtypeStruct((_NP, 64), jnp.float32)),
      [_spec_pair(128), _spec_cnt(), _spec_rows(128), _spec_full(128, 128),
       _spec_full(1, 128), _spec_full(128, 128), _spec_full(128, 64)],
      (_spec_rows(128), _spec_rows(64)),
  )(p0, cnt, x, wl0t, bl0, wr0t, wl1t)


def _stage_b(p1, cnt, h0, bl1, wr1t):
  def body(p_ref, c_ref, h_ref, b_ref, wr_ref, o_ref):
    m = _psum(p_ref) * _inv_of(c_ref)
    o_ref[...] = m + b_ref[...] + _dot(h_ref[...], wr_ref[...])
  return _tc_call(
      body,
      jax.ShapeDtypeStruct((_N, 64), jnp.float32),
      [_spec_pair(64), _spec_cnt(), _spec_rows(128), _spec_full(1, 64),
       _spec_full(128, 64)],
      _spec_rows(64),
  )(p1, cnt, h0, bl1, wr1t)


def _stage_c(p2, cnt, h1, wl2t, bl2, wr2t):
  def body(p_ref, c_ref, h_ref, wl_ref, b_ref, wr_ref, o_ref, ob_ref):
    m = _psum(p_ref) * _inv_of(c_ref)
    h2 = jnp.maximum(
        _dot(m, wl_ref[...]) + b_ref[...] + _dot(h_ref[...], wr_ref[...]), 0.0)
    o_ref[...] = h2
    ob_ref[...] = h2.astype(jnp.bfloat16)
  return _tc_call(
      body,
      (jax.ShapeDtypeStruct((_N, 128), jnp.float32),
       jax.ShapeDtypeStruct((_N, 128), jnp.bfloat16)),
      [_spec_pair(64), _spec_cnt(), _spec_rows(64), _spec_full(64, 128),
       _spec_full(1, 128), _spec_full(64, 128)],
      (_spec_rows(128), _spec_rows(128)),
  )(p2, cnt, h1, wl2t, bl2, wr2t)


def _stage_d(p3, cnt, h2, wl3t, bl3, wr3t):
  def body(p_ref, c_ref, h_ref, wl_ref, b_ref, wr_ref, o_ref):
    m = _psum(p_ref) * _inv_of(c_ref)
    o_ref[...] = (_dot(m, wl_ref[...]) + b_ref[...]
                  + _dot(h_ref[...], wr_ref[...]))
  return _tc_call(
      body,
      jax.ShapeDtypeStruct((_N, 128), jnp.float32),
      [_spec_pair(128), _spec_cnt(), _spec_rows(128), _spec_full(128, 128),
       _spec_full(1, 128), _spec_full(128, 128)],
      _spec_rows(128),
  )(p3, cnt, h2, wl3t, bl3, wr3t)


def _pad_cols(w, n):
  return jnp.concatenate([w, jnp.zeros((w.shape[0], n), jnp.float32)], axis=1)


def _pad_rows(w, n):
  return jnp.concatenate([w, jnp.zeros((n, w.shape[1]), jnp.float32)], axis=0)


@jax.jit
def _run(x, edge_index, Wl0, bl0, Wr0, Wl1, bl1, Wr1, Wl2, bl2, Wr2,
         Wl3, bl3, Wr3):
  src125 = edge_index[0].reshape(_NWORK, _EPW // 125, 125)
  dst125 = edge_index[1].reshape(_NWORK, _EPW // 125, 125)

  agg128c = _make_agg(128, 125, 4, True, dt=jnp.bfloat16)
  agg64 = _make_agg(64, 125, 4, False)
  agg128 = _make_agg(128, 125, 4, False, dt=jnp.bfloat16)

  xbf = x.astype(jnp.bfloat16)
  p0, cnt = agg128c(xbf, src125, dst125)
  cnt = cnt.reshape(2, _NP, 1)
  h0, t1 = _stage_a(p0, cnt, x, Wl0.T, bl0.reshape(1, 128), Wr0.T, Wl1.T)
  (p1,) = agg64(t1, src125, dst125)
  h1 = _stage_b(p1, cnt, h0, bl1.reshape(1, 64), Wr1.T)
  (p2,) = agg64(h1, src125, dst125)
  h2, h2bf = _stage_c(p2, cnt, h1, Wl2.T, bl2.reshape(1, 128), Wr2.T)
  (p3,) = agg128(h2bf, src125, dst125)
  return _stage_d(p3, cnt, h2, Wl3.T, bl3.reshape(1, 128), Wr3.T)


def kernel(x, edge_index, Wl0, bl0, Wr0, Wl1, bl1, Wr1, Wl2, bl2, Wr2,
           Wl3, bl3, Wr3):
  return _run(x, edge_index, Wl0, bl0, Wr0, Wl1, bl1, Wr1, Wl2, bl2, Wr2,
              Wl3, bl3, Wr3)

# --- scband reference (transcript-rebuilt; emitter-appended) ---
"""Pipeline reference for scband-enhanced-gnnautoencoder-8890582302923 (READ-ONLY COPY).

The authoritative reference and input builder live on the scoring server;
editing this copy changes nothing except your own understanding.
"""

import jax, jax.numpy as jnp
import numpy as np

N = 10000
E = 320000
D = 128
H = 64


def setup_inputs(seed: int = 0) -> dict:
    key = jax.random.key(seed)
    ks = jax.random.split(key, 16)
    inp = {}
    inp["x"] = jax.random.normal(ks[0], (N, D), dtype=jnp.float32)
    inp["edge_index"] = jax.random.randint(ks[1], (2, E), 0, N, dtype=jnp.int32)
    # SAGEConv params: lin_l (applied to mean-aggregated neighbors, with bias),
    # lin_r (applied to root/self features, no bias) -- matches PyG SAGEConv defaults.
    # Encoder layer 0: 128 -> 128
    inp["Wl0"] = jax.random.normal(ks[2], (D, D), dtype=jnp.float32) * 0.05
    inp["bl0"] = jnp.zeros((D,), dtype=jnp.float32)
    inp["Wr0"] = jax.random.normal(ks[3], (D, D), dtype=jnp.float32) * 0.05
    # Encoder layer 1: 128 -> 64
    inp["Wl1"] = jax.random.normal(ks[4], (H, D), dtype=jnp.float32) * 0.05
    inp["bl1"] = jnp.zeros((H,), dtype=jnp.float32)
    inp["Wr1"] = jax.random.normal(ks[5], (H, D), dtype=jnp.float32) * 0.05
    # Decoder layer 0: 64 -> 128
    inp["Wl2"] = jax.random.normal(ks[6], (D, H), dtype=jnp.float32) * 0.05
    inp["bl2"] = jnp.zeros((D,), dtype=jnp.float32)
    inp["Wr2"] = jax.random.normal(ks[7], (D, H), dtype=jnp.float32) * 0.05
    # Decoder layer 1: 128 -> 128
    inp["Wl3"] = jax.random.normal(ks[8], (D, D), dtype=jnp.float32) * 0.05
    inp["bl3"] = jnp.zeros((D,), dtype=jnp.float32)
    inp["Wr3"] = jax.random.normal(ks[9], (D, D), dtype=jnp.float32) * 0.05
    return inp


def _sage_conv(x, edge_index, Wl, bl, Wr):
    src = edge_index[0]
    dst = edge_index[1]
    msgs = jnp.take(x, src, axis=0)
    summed = jax.ops.segment_sum(msgs, dst, num_segments=N)
    cnt = jax.ops.segment_sum(jnp.ones((edge_index.shape[1],), dtype=x.dtype), dst, num_segments=N)
    mean = summed / jnp.clip(cnt, 1.0)[:, None]
    return mean @ Wl.T + bl + x @ Wr.T


def reference(x, edge_index, Wl0, bl0, Wr0, Wl1, bl1, Wr1, Wl2, bl2, Wr2, Wl3, bl3, Wr3):
    # Encoder (relu + dropout between layers; dropout=0.0 / eval mode -> identity)
    h = _sage_conv(x, edge_index, Wl0, bl0, Wr0)
    h = jax.nn.relu(h)
    h = _sage_conv(h, edge_index, Wl1, bl1, Wr1)
    # Decoder
    h = _sage_conv(h, edge_index, Wl2, bl2, Wr2)
    h = jax.nn.relu(h)
    h = _sage_conv(h, edge_index, Wl3, bl3, Wr3)
    return h

if __name__ == "__main__":
    import jax
    _d = setup_inputs()
    print(jax.jit(kernel)(*tuple(_d.values())))

</pallas_src>

<mosaic_0001>
#map = affine_map<(d0, d1) -> (0, 0)>
#map1 = affine_map<(d0, d1) -> (0, 0, 0)>
module attributes {stable_mosaic.version = 14 : i64} {
  func.func @body(%arg0: i32, %arg1: i32, %arg2: memref<10000x64xf32, #tpu.memory_space<hbm>>, %arg3: memref<32x80x125xi32, #tpu.memory_space<hbm>>, %arg4: memref<32x80x125xi32, #tpu.memory_space<hbm>>, %arg5: memref<2x10240x64xf32, #tpu.memory_space<hbm>>, %arg6: memref<80x125xi32, #tpu.memory_space<vmem>>, %arg7: memref<80x125xi32, #tpu.memory_space<vmem>>, %arg8: memref<125x64xf32, #tpu.memory_space<vmem>>, %arg9: memref<125x64xf32, #tpu.memory_space<vmem>>, %arg10: memref<125x64xf32, #tpu.memory_space<vmem>>, %arg11: memref<125x64xf32, #tpu.memory_space<vmem>>, %arg12: memref<!tpu.dma_semaphore, #tpu.memory_space<semaphore_mem>>, %arg13: memref<!tpu.dma_semaphore, #tpu.memory_space<semaphore_mem>>, %arg14: memref<!tpu.dma_semaphore, #tpu.memory_space<semaphore_mem>>, %arg15: memref<!tpu.dma_semaphore, #tpu.memory_space<semaphore_mem>>, %arg16: memref<!tpu.dma_semaphore, #tpu.memory_space<semaphore_mem>>, %arg17: memref<!tpu.dma_semaphore, #tpu.memory_space<semaphore_mem>>, %arg18: memref<!tpu.dma_semaphore, #tpu.memory_space<semaphore_mem>>, %arg19: memref<!tpu.dma_semaphore, #tpu.memory_space<semaphore_mem>>, %arg20: memref<10240x64xf32, #tpu.memory_space<vmem_shared>>) attributes {dimension_semantics = [#tpu.dimension_semantics<core_parallel>, #tpu.dimension_semantics<subcore_parallel>], iteration_bounds = array<i64: 2, 16>, scalar_prefetch = 0 : i64, scratch_operands = 15 : i64, tpu.core_type = #tpu.core_type<sc_vector_subcore>, window_params = [{transform_indices = #map}, {transform_indices = #map1}, {transform_indices = #map1}, {transform_indices = #map1}]} {
    %mul3A = arith.constant 2 : i32
    %mul3A_0 = arith.muli %arg1, %mul3A : i32
    %add3A = arith.addi %mul3A_0, %arg0 : i32
    %dma_start3A = arith.constant 0 : i32
    %dma_start3A_1 = arith.constant 0 : i32
    %dma_start3A_2 = tpu.memref_slice %arg3[%add3A, %dma_start3A, %dma_start3A_1] : memref<32x80x125xi32, #tpu.memory_space<hbm>> -> memref<1x80x125xi32, #tpu.memory_space<hbm>>
    %dma_start3A_3 = tpu.memref_squeeze %dma_start3A_2 : memref<1x80x125xi32, #tpu.memory_space<hbm>> -> memref<80x125xi32, #tpu.memory_space<hbm>>
    %dma_start3A_4 = arith.constant 0 : i32
    %dma_start3A_5 = arith.constant 0 : i32
    %dma_start3A_6 = tpu.memref_slice %arg3[%add3A, %dma_start3A_4, %dma_start3A_5] : memref<32x80x125xi32, #tpu.memory_space<hbm>> -> memref<1x80x125xi32, #tpu.memory_space<hbm>>
    %dma_start3A_7 = tpu.memref_squeeze %dma_start3A_6 : memref<1x80x125xi32, #tpu.memory_space<hbm>> -> memref<80x125xi32, #tpu.memory_space<hbm>>
    tpu.enqueue_dma source(%dma_start3A_7 : memref<80x125xi32, #tpu.memory_space<hbm>>) target(%arg6 : memref<80x125xi32, #tpu.memory_space<vmem>>) target_semaphore(%arg12 : memref<!tpu.dma_semaphore, #tpu.memory_space<semaphore_mem>>)
    %dma_start3A_8 = arith.constant 0 : i32
    %dma_start3A_9 = arith.constant 0 : i32
    %dma_start3A_10 = tpu.memref_slice %arg4[%add3A, %dma_start3A_8, %dma_start3A_9] : memref<32x80x125xi32, #tpu.memory_space<hbm>> -> memref<1x80x125xi32, #tpu.memory_space<hbm>>
    %dma_start3A_11 = tpu.memref_squeeze %dma_start3A_10 : memref<1x80x125xi32, #tpu.memory_space<hbm>> -> memref<80x125xi32, #tpu.memory_space<hbm>>
    %dma_start3A_12 = arith.constant 0 : i32
    %dma_start3A_13 = arith.constant 0 : i32
    %dma_start3A_14 = tpu.memref_slice %arg4[%add3A, %dma_start3A_12, %dma_start3A_13] : memref<32x80x125xi32, #tpu.memory_space<hbm>> -> memref<1x80x125xi32, #tpu.memory_space<hbm>>
    %dma_start3A_15 = tpu.memref_squeeze %dma_start3A_14 : memref<1x80x125xi32, #tpu.memory_space<hbm>> -> memref<80x125xi32, #tpu.memory_space<hbm>>
    tpu.enqueue_dma source(%dma_start3A_15 : memref<80x125xi32, #tpu.memory_space<hbm>>) target(%arg7 : memref<80x125xi32, #tpu.memory_space<vmem>>) target_semaphore(%arg12 : memref<!tpu.dma_semaphore, #tpu.memory_space<semaphore_mem>>)
    %scan3A = arith.constant 0 : i32
    %scan3A_16 = arith.constant 0 : i32
    %scan3A_17 = arith.constant 125 : i32
    %scan3A_18 = arith.addi %scan3A_16, %scan3A_17 : i32
    %scan3A_19 = arith.constant 1 : i32
    scf.for %scan3A_216 = %scan3A_16 to %scan3A_18 step %scan3A_19  : i32 {
      %broadcast_in_dim3A = arith.constant 0.000000e+00 : f32
      %broadcast_in_dim3A_217 = vector.broadcast %broadcast_in_dim3A : f32 to vector<16xf32>
      %swap3A = arith.index_cast %scan3A_216 : i32 to index
      %swap3A_218 = arith.constant 0 : index
      %swap3A_219 = tpu.vector_load %arg8[%swap3A, %swap3A_218] {strides = array<i32>} : memref<125x64xf32, #tpu.memory_space<vmem>>, vector<1x16xf32>,
      %swap3A_220 = vector.shape_cast %swap3A_219 : vector<1x16xf32> to vector<16xf32>
      %swap3A_221 = vector.shape_cast %broadcast_in_dim3A_217 : vector<16xf32> to vector<1x16xf32>
      tpu.vector_store %arg8[%swap3A, %swap3A_218], %swap3A_221 {strides = array<i32>} : memref<125x64xf32, #tpu.memory_space<vmem>>, vector<1x16xf32>,
      %broadcast_in_dim3A_222 = arith.constant 0.000000e+00 : f32
      %broadcast_in_dim3A_223 = vector.broadcast %broadcast_in_dim3A_222 : f32 to vector<16xf32>
      %swap3A_224 = arith.index_cast %scan3A_216 : i32 to index
      %swap3A_225 = arith.constant 16 : index
      %swap3A_226 = tpu.vector_load %arg8[%swap3A_224, %swap3A_225] {strides = array<i32>} : memref<125x64xf32, #tpu.memory_space<vmem>>, vector<1x16xf32>,
      %swap3A_227 = vector.shape_cast %swap3A_226 : vector<1x16xf32> to vector<16xf32>
      %swap3A_228 = vector.shape_cast %broadcast_in_dim3A_223 : vector<16xf32> to vector<1x16xf32>
      tpu.vector_store %arg8[%swap3A_224, %swap3A_225], %swap3A_228 {strides = array<i32>} : memref<125x64xf32, #tpu.memory_space<vmem>>, vector<1x16xf32>,
      %broadcast_in_dim3A_229 = arith.constant 0.000000e+00 : f32
      %broadcast_in_dim3A_230 = vector.broadcast %broadcast_in_dim3A_229 : f32 to vector<16xf32>
      %swap3A_231 = arith.index_cast %scan3A_216 : i32 to index
      %swap3A_232 = arith.constant 32 : index
      %swap3A_233 = tpu.vector_load %arg8[%swap3A_231, %swap3A_232] {strides = array<i32>} : memref<125x64xf32, #tpu.memory_space<vmem>>, vector<1x16xf32>,
      %swap3A_234 = vector.shape_cast %swap3A_233 : vector<1x16xf32> to vector<16xf32>
      %swap3A_235 = vector.shape_cast %broadcast_in_dim3A_230 : vector<16xf32> to vector<1x16xf32>
      tpu.vector_store %arg8[%swap3A_231, %swap3A_232], %swap3A_235 {strides = array<i32>} : memref<125x64xf32, #tpu.memory_space<vmem>>, vector<1x16xf32>,
      %broadcast_in_dim3A_236 = arith.constant 0.000000e+00 : f32
      %broadcast_in_dim3A_237 = vector.broadcast %broadcast_in_dim3A_236 : f32 to vector<16xf32>
      %swap3A_238 = arith.index_cast %scan3A_216 : i32 to index
      %swap3A_239 = arith.constant 48 : index
      %swap3A_240 = tpu.vector_load %arg8[%swap3A_238, %swap3A_239] {strides = array<i32>} : memref<125x64xf32, #tpu.memory_space<vmem>>, vector<1x16xf32>,
      %swap3A_241 = vector.shape_cast %swap3A_240 : vector<1x16xf32> to vector<16xf32>
      %swap3A_242 = vector.shape_cast %broadcast_in_dim3A_237 : vector<16xf32> to vector<1x16xf32>
      tpu.vector_store %arg8[%swap3A_238, %swap3A_239], %swap3A_242 {strides = array<i32>} : memref<125x64xf32, #tpu.memory_space<vmem>>, vector<1x16xf32>,
    }
    %scan3A_20 = arith.constant 125 : i32
    %mul3A_21 = arith.constant 640 : i32
    %mul3A_22 = arith.muli %arg1, %mul3A_21 : i32
    %add3A_23 = arith.constant 0 : i32
    %add3A_24 = arith.addi %mul3A_22, %add3A_23 : i32
    %dma_start3A_25 = arith.constant 0 : i32
    %dma_start3A_26 = tpu.memref_slice %arg20[%add3A_24, %dma_start3A_25] : memref<10240x64xf32, #tpu.memory_space<vmem_shared>> -> memref<125x64xf32, #tpu.memory_space<vmem_shared>>
    %dma_start3A_27 = arith.constant 0 : i32
    %dma_start3A_28 = tpu.memref_slice %arg20[%add3A_24, %dma_start3A_27] : memref<10240x64xf32, #tpu.memory_space<vmem_shared>> -> memref<125x64xf32, #tpu.memory_space<vmem_shared>>
    tpu.enqueue_dma source(%arg8 : memref<125x64xf32, #tpu.memory_space<vmem>>) target(%dma_start3A_28 : memref<125x64xf32, #tpu.memory_space<vmem_shared>>) target_semaphore(%arg16 : memref<!tpu.dma_semaphore, #tpu.memory_space<semaphore_mem>>)
    %mul3A_29 = arith.constant 640 : i32
    %mul3A_30 = arith.muli %arg1, %mul3A_29 : i32
    %add3A_31 = arith.constant 125 : i32
    %add3A_32 = arith.addi %mul3A_30, %add3A_31 : i32
    %dma_start3A_33 = arith.constant 0 : i32
    %dma_start3A_34 = tpu.memref_slice %arg20[%add3A_32, %dma_start3A_33] : memref<10240x64xf32, #tpu.memory_space<vmem_shared>> -> memref<125x64xf32, #tpu.memory_space<vmem_shared>>
    %dma_start3A_35 = arith.constant 0 : i32
    %dma_start3A_36 = tpu.memref_slice %arg20[%add3A_32, %dma_start3A_35] : memref<10240x64xf32, #tpu.memory_space<vmem_shared>> -> memref<125x64xf32, #tpu.memory_space<vmem_shared>>
    tpu.enqueue_dma source(%arg8 : memref<125x64xf32, #tpu.memory_space<vmem>>) target(%dma_start3A_36 : memref<125x64xf32, #tpu.memory_space<vmem_shared>>) target_semaphore(%arg16 : memref<!tpu.dma_semaphore, #tpu.memory_space<semaphore_mem>>)
    %mul3A_37 = arith.constant 640 : i32
    %mul3A_38 = arith.muli %arg1, %mul3A_37 : i32
    %add3A_39 = arith.constant 250 : i32
    %add3A_40 = arith.addi %mul3A_38, %add3A_39 : i32
    %dma_start3A_41 = arith.constant 0 : i32
    %dma_start3A_42 = tpu.memref_slice %arg20[%add3A_40, %dma_start3A_41] : memref<10240x64xf32, #tpu.memory_space<vmem_shared>> -> memref<125x64xf32, #tpu.memory_space<vmem_shared>>
    %dma_start3A_43 = arith.constant 0 : i32
    %dma_start3A_44 = tpu.memref_slice %arg20[%add3A_40, %dma_start3A_43] : memref<10240x64xf32, #tpu.memory_space<vmem_shared>> -> memref<125x64xf32, #tpu.memory_space<vmem_shared>>
    tpu.enqueue_dma source(%arg8 : memref<125x64xf32, #tpu.memory_space<vmem>>) target(%dma_start3A_44 : memref<125x64xf32, #tpu.memory_space<vmem_shared>>) target_semaphore(%arg16 : memref<!tpu.dma_semaphore, #tpu.memory_space<semaphore_mem>>)
    %mul3A_45 = arith.constant 640 : i32
    %mul3A_46 = arith.muli %arg1, %mul3A_45 : i32
    %add3A_47 = arith.constant 375 : i32
    %add3A_48 = arith.addi %mul3A_46, %add3A_47 : i32
    %dma_start3A_49 = arith.constant 0 : i32
    %dma_start3A_50 = tpu.memref_slice %arg20[%add3A_48, %dma_start3A_49] : memref<10240x64xf32, #tpu.memory_space<vmem_shared>> -> memref<125x64xf32, #tpu.memory_space<vmem_shared>>
    %dma_start3A_51 = arith.constant 0 : i32
    %dma_start3A_52 = tpu.memref_slice %arg20[%add3A_48, %dma_start3A_51] : memref<10240x64xf32, #tpu.memory_space<vmem_shared>> -> memref<125x64xf32, #tpu.memory_space<vmem_shared>>
    tpu.enqueue_dma source(%arg8 : memref<125x64xf32, #tpu.memory_space<vmem>>) target(%dma_start3A_52 : memref<125x64xf32, #tpu.memory_space<vmem_shared>>) target_semaphore(%arg16 : memref<!tpu.dma_semaphore, #tpu.memory_space<semaphore_mem>>)
    %mul3A_53 = arith.constant 640 : i32
    %mul3A_54 = arith.muli %arg1, %mul3A_53 : i32
    %add3A_55 = arith.constant 500 : i32
    %add3A_56 = arith.addi %mul3A_54, %add3A_55 : i32
    %dma_start3A_57 = arith.constant 0 : i32
    %dma_start3A_58 = tpu.memref_slice %arg20[%add3A_56, %dma_start3A_57] : memref<10240x64xf32, #tpu.memory_space<vmem_shared>> -> memref<125x64xf32, #tpu.memory_space<vmem_shared>>
    %dma_start3A_59 = arith.constant 0 : i32
    %dma_start3A_60 = tpu.memref_slice %arg20[%add3A_56, %dma_start3A_59] : memref<10240x64xf32, #tpu.memory_space<vmem_shared>> -> memref<125x64xf32, #tpu.memory_space<vmem_shared>>
    tpu.enqueue_dma source(%arg8 : memref<125x64xf32, #tpu.memory_space<vmem>>) target(%dma_start3A_60 : memref<125x64xf32, #tpu.memory_space<vmem_shared>>) target_semaphore(%arg16 : memref<!tpu.dma_semaphore, #tpu.memory_space<semaphore_mem>>)
    %mul3A_61 = arith.constant 640 : i32
    %mul3A_62 = arith.muli %arg1, %mul3A_61 : i32
    %add3A_63 = arith.constant 625 : i32
    %add3A_64 = arith.addi %mul3A_62, %add3A_63 : i32
    %dma_start3A_65 = arith.constant 0 : i32
    %dma_start3A_66 = arith.constant 0 : i32
    %dma_start3A_67 = tpu.memref_slice %arg8[%dma_start3A_65, %dma_start3A_66] : memref<125x64xf32, #tpu.memory_space<vmem>> -> memref<15x64xf32, #tpu.memory_space<vmem>>
    %dma_start3A_68 = arith.constant 0 : i32
    %dma_start3A_69 = tpu.memref_slice %arg20[%add3A_64, %dma_start3A_68] : memref<10240x64xf32, #tpu.memory_space<vmem_shared>> -> memref<15x64xf32, #tpu.memory_space<vmem_shared>>
    %dma_start3A_70 = arith.constant 0 : i32
    %dma_start3A_71 = tpu.memref_slice %arg20[%add3A_64, %dma_start3A_70] : memref<10240x64xf32, #tpu.memory_space<vmem_shared>> -> memref<15x64xf32, #tpu.memory_space<vmem_shared>>
    %dma_start3A_72 = arith.constant 0 : i32
    %dma_start3A_73 = arith.constant 0 : i32
    %dma_start3A_74 = tpu.memref_slice %arg8[%dma_start3A_72, %dma_start3A_73] : memref<125x64xf32, #tpu.memory_space<vmem>> -> memref<15x64xf32, #tpu.memory_space<vmem>>
    tpu.enqueue_dma source(%dma_start3A_74 : memref<15x64xf32, #tpu.memory_space<vmem>>) target(%dma_start3A_71 : memref<15x64xf32, #tpu.memory_space<vmem_shared>>) target_semaphore(%arg16 : memref<!tpu.dma_semaphore, #tpu.memory_space<semaphore_mem>>)
    %dma_wait3A = arith.constant 0 : i32
    %dma_wait3A_75 = arith.constant 0 : i32
    %dma_wait3A_76 = tpu.memref_slice %arg3[%add3A, %dma_wait3A, %dma_wait3A_75] : memref<32x80x125xi32, #tpu.memory_space<hbm>> -> memref<1x80x125xi32, #tpu.memory_space<hbm>>
    %dma_wait3A_77 = tpu.memref_squeeze %dma_wait3A_76 : memref<1x80x125xi32, #tpu.memory_space<hbm>> -> memref<80x125xi32, #tpu.memory_space<hbm>>
    %dma_wait3A_78 = arith.constant 0 : i32
    %dma_wait3A_79 = arith.constant 0 : i32
    %dma_wait3A_80 = tpu.memref_slice %arg3[%add3A, %dma_wait3A_78, %dma_wait3A_79] : memref<32x80x125xi32, #tpu.memory_space<hbm>> -> memref<1x80x125xi32, #tpu.memory_space<hbm>>
    %dma_wait3A_81 = tpu.memref_squeeze %dma_wait3A_80 : memref<1x80x125xi32, #tpu.memory_space<hbm>> -> memref<80x125xi32, #tpu.memory_space<hbm>>
    tpu.wait_dma2 semaphore(%arg12 : memref<!tpu.dma_semaphore, #tpu.memory_space<semaphore_mem>>) src(%dma_wait3A_81 : memref<80x125xi32, #tpu.memory_space<hbm>>) dst(%arg6 : memref<80x125xi32, #tpu.memory_space<vmem>>)
    %dma_wait3A_82 = arith.constant 0 : i32
    %dma_wait3A_83 = arith.constant 0 : i32
    %dma_wait3A_84 = arith.constant 0 : i32
    %dma_wait3A_85 = tpu.memref_slice %arg4[%dma_wait3A_82, %dma_wait3A_83, %dma_wait3A_84] : memref<32x80x125xi32, #tpu.memory_space<hbm>> -> memref<1x80x125xi32, #tpu.memory_space<hbm>>
    %dma_wait3A_86 = tpu.memref_squeeze %dma_wait3A_85 : memref<1x80x125xi32, #tpu.memory_space<hbm>> -> memref<80x125xi32, #tpu.memory_space<hbm>>
    %dma_wait3A_87 = arith.constant 0 : i32
    %dma_wait3A_88 = arith.constant 0 : i32
    %dma_wait3A_89 = tpu.memref_slice %arg4[%dma_wait3A_82, %dma_wait3A_87, %dma_wait3A_88] : memref<32x80x125xi32, #tpu.memory_space<hbm>> -> memref<1x80x125xi32, #tpu.memory_space<hbm>>
    %dma_wait3A_90 = tpu.memref_squeeze %dma_wait3A_89 : memref<1x80x125xi32, #tpu.memory_space<hbm>> -> memref<80x125xi32, #tpu.memory_space<hbm>>
    tpu.wait_dma2 semaphore(%arg12 : memref<!tpu.dma_semaphore, #tpu.memory_space<semaphore_mem>>) src(%dma_wait3A_90 : memref<80x125xi32, #tpu.memory_space<hbm>>) dst(%arg7 : memref<80x125xi32, #tpu.memory_space<vmem>>)
    %mul3A_91 = arith.constant 640 : i32
    %mul3A_92 = arith.muli %arg1, %mul3A_91 : i32
    %add3A_93 = arith.constant 0 : i32
    %add3A_94 = arith.addi %mul3A_92, %add3A_93 : i32
    %dma_wait3A_95 = arith.constant 0 : i32
    %dma_wait3A_96 = tpu.memref_slice %arg20[%add3A_94, %dma_wait3A_95] : memref<10240x64xf32, #tpu.memory_space<vmem_shared>> -> memref<125x64xf32, #tpu.memory_space<vmem_shared>>
    %dma_wait3A_97 = arith.constant 0 : i32
    %dma_wait3A_98 = tpu.memref_slice %arg20[%add3A_94, %dma_wait3A_97] : memref<10240x64xf32, #tpu.memory_space<vmem_shared>> -> memref<125x64xf32, #tpu.memory_space<vmem_shared>>
    tpu.wait_dma2 semaphore(%arg16 : memref<!tpu.dma_semaphore, #tpu.memory_space<semaphore_mem>>) src(%arg8 : memref<125x64xf32, #tpu.memory_space<vmem>>) dst(%dma_wait3A_98 : memref<125x64xf32, #tpu.memory_space<vmem_shared>>)
    %mul3A_99 = arith.constant 640 : i32
    %mul3A_100 = arith.muli %arg1, %mul3A_99 : i32
    %add3A_101 = arith.constant 125 : i32
    %add3A_102 = arith.addi %mul3A_100, %add3A_101 : i32
    %dma_wait3A_103 = arith.constant 0 : i32
    %dma_wait3A_104 = tpu.memref_slice %arg20[%add3A_102, %dma_wait3A_103] : memref<10240x64xf32, #tpu.memory_space<vmem_shared>> -> memref<125x64xf32, #tpu.memory_space<vmem_shared>>
    %dma_wait3A_105 = arith.constant 0 : i32
    %dma_wait3A_106 = tpu.memref_slice %arg20[%add3A_102, %dma_wait3A_105] : memref<10240x64xf32, #tpu.memory_space<vmem_shared>> -> memref<125x64xf32, #tpu.memory_space<vmem_shared>>
    tpu.wait_dma2 semaphore(%arg16 : memref<!tpu.dma_semaphore, #tpu.memory_space<semaphore_mem>>) src(%arg8 : memref<125x64xf32, #tpu.memory_space<vmem>>) dst(%dma_wait3A_106 : memref<125x64xf32, #tpu.memory_space<vmem_shared>>)
    %mul3A_107 = arith.constant 640 : i32
    %mul3A_108 = arith.muli %arg1, %mul3A_107 : i32
    %add3A_109 = arith.constant 250 : i32
    %add3A_110 = arith.addi %mul3A_108, %add3A_109 : i32
    %dma_wait3A_111 = arith.constant 0 : i32
    %dma_wait3A_112 = tpu.memref_slice %arg20[%add3A_110, %dma_wait3A_111] : memref<10240x64xf32, #tpu.memory_space<vmem_shared>> -> memref<125x64xf32, #tpu.memory_space<vmem_shared>>
    %dma_wait3A_113 = arith.constant 0 : i32
    %dma_wait3A_114 = tpu.memref_slice %arg20[%add3A_110, %dma_wait3A_113] : memref<10240x64xf32, #tpu.memory_space<vmem_shared>> -> memref<125x64xf32, #tpu.memory_space<vmem_shared>>
    tpu.wait_dma2 semaphore(%arg16 : memref<!tpu.dma_semaphore, #tpu.memory_space<semaphore_mem>>) src(%arg8 : memref<125x64xf32, #tpu.memory_space<vmem>>) dst(%dma_wait3A_114 : memref<125x64xf32, #tpu.memory_space<vmem_shared>>)
    %mul3A_115 = arith.constant 640 : i32
    %mul3A_116 = arith.muli %arg1, %mul3A_115 : i32
    %add3A_117 = arith.constant 375 : i32
    %add3A_118 = arith.addi %mul3A_116, %add3A_117 : i32
    %dma_wait3A_119 = arith.constant 0 : i32
    %dma_wait3A_120 = tpu.memref_slice %arg20[%add3A_118, %dma_wait3A_119] : memref<10240x64xf32, #tpu.memory_space<vmem_shared>> -> memref<125x64xf32, #tpu.memory_space<vmem_shared>>
    %dma_wait3A_121 = arith.constant 0 : i32
    %dma_wait3A_122 = tpu.memref_slice %arg20[%add3A_118, %dma_wait3A_121] : memref<10240x64xf32, #tpu.memory_space<vmem_shared>> -> memref<125x64xf32, #tpu.memory_space<vmem_shared>>
    tpu.wait_dma2 semaphore(%arg16 : memref<!tpu.dma_semaphore, #tpu.memory_space<semaphore_mem>>) src(%arg8 : memref<125x64xf32, #tpu.memory_space<vmem>>) dst(%dma_wait3A_122 : memref<125x64xf32, #tpu.memory_space<vmem_shared>>)
    %mul3A_123 = arith.constant 640 : i32
    %mul3A_124 = arith.muli %arg1, %mul3A_123 : i32
    %add3A_125 = arith.constant 500 : i32
    %add3A_126 = arith.addi %mul3A_124, %add3A_125 : i32
    %dma_wait3A_127 = arith.constant 0 : i32
    %dma_wait3A_128 = tpu.memref_slice %arg20[%add3A_126, %dma_wait3A_127] : memref<10240x64xf32, #tpu.memory_space<vmem_shared>> -> memref<125x64xf32, #tpu.memory_space<vmem_shared>>
    %dma_wait3A_129 = arith.constant 0 : i32
    %dma_wait3A_130 = tpu.memref_slice %arg20[%add3A_126, %dma_wait3A_129] : memref<10240x64xf32, #tpu.memory_space<vmem_shared>> -> memref<125x64xf32, #tpu.memory_space<vmem_shared>>
    tpu.wait_dma2 semaphore(%arg16 : memref<!tpu.dma_semaphore, #tpu.memory_space<semaphore_mem>>) src(%arg8 : memref<125x64xf32, #tpu.memory_space<vmem>>) dst(%dma_wait3A_130 : memref<125x64xf32, #tpu.memory_space<vmem_shared>>)
    %mul3A_131 = arith.constant 640 : i32
    %mul3A_132 = arith.muli %arg1, %mul3A_131 : i32
    %add3A_133 = arith.constant 625 : i32
    %add3A_134 = arith.addi %mul3A_132, %add3A_133 : i32
    %dma_wait3A_135 = arith.constant 0 : i32
    %dma_wait3A_136 = arith.constant 0 : i32
    %dma_wait3A_137 = tpu.memref_slice %arg8[%dma_wait3A_135, %dma_wait3A_136] : memref<125x64xf32, #tpu.memory_space<vmem>> -> memref<15x64xf32, #tpu.memory_space<vmem>>
    %dma_wait3A_138 = arith.constant 0 : i32
    %dma_wait3A_139 = tpu.memref_slice %arg20[%add3A_134, %dma_wait3A_138] : memref<10240x64xf32, #tpu.memory_space<vmem_shared>> -> memref<15x64xf32, #tpu.memory_space<vmem_shared>>
    %dma_wait3A_140 = arith.constant 0 : i32
    %dma_wait3A_141 = tpu.memref_slice %arg20[%add3A_134, %dma_wait3A_140] : memref<10240x64xf32, #tpu.memory_space<vmem_shared>> -> memref<15x64xf32, #tpu.memory_space<vmem_shared>>
    %dma_wait3A_142 = arith.constant 0 : i32
    %dma_wait3A_143 = arith.constant 0 : i32
    %dma_wait3A_144 = tpu.memref_slice %arg8[%dma_wait3A_142, %dma_wait3A_143] : memref<125x64xf32, #tpu.memory_space<vmem>> -> memref<15x64xf32, #tpu.memory_space<vmem>>
    tpu.wait_dma2 semaphore(%arg16 : memref<!tpu.dma_semaphore, #tpu.memory_space<semaphore_mem>>) src(%dma_wait3A_144 : memref<15x64xf32, #tpu.memory_space<vmem>>) dst(%dma_wait3A_141 : memref<15x64xf32, #tpu.memory_space<vmem_shared>>)
    %dma_start3A_145 = arith.constant 0 : i32
    %dma_start3A_146 = arith.constant 0 : i32
    %dma_start3A_147 = tpu.memref_slice %arg6[%dma_start3A_145, %dma_start3A_146] : memref<80x125xi32, #tpu.memory_space<vmem>> -> memref<1x125xi32, #tpu.memory_space<vmem>>
    %dma_start3A_148 = tpu.memref_squeeze %dma_start3A_147 : memref<1x125xi32, #tpu.memory_space<vmem>> -> memref<125xi32, #tpu.memory_space<vmem>>
    %dma_start3A_149 = arith.constant 0 : i32
    %dma_start3A_150 = arith.constant 0 : i32
    %dma_start3A_151 = tpu.memref_slice %arg2[%dma_start3A_149, %dma_start3A_150] : memref<10000x64xf32, #tpu.memory_space<hbm>> -> memref<10000x64xf32, #tpu.memory_space<hbm>>
    tpu.enqueue_indirect_dma source(%dma_start3A_151 : memref<10000x64xf32, #tpu.memory_space<hbm>>) target(%arg8 : memref<125x64xf32, #tpu.memory_space<vmem>>) offsets(%dma_start3A_148 : memref<125xi32, #tpu.memory_space<vmem>>) semaphore(%arg12 : memref<!tpu.dma_semaphore, #tpu.memory_space<semaphore_mem>>)
    %dma_start3A_152 = arith.constant 1 : i32
    %dma_start3A_153 = arith.constant 0 : i32
    %dma_start3A_154 = tpu.memref_slice %arg6[%dma_start3A_152, %dma_start3A_153] : memref<80x125xi32, #tpu.memory_space<vmem>> -> memref<1x125xi32, #tpu.memory_space<vmem>>
    %dma_start3A_155 = tpu.memref_squeeze %dma_start3A_154 : memref<1x125xi32, #tpu.memory_space<vmem>> -> memref<125xi32, #tpu.memory_space<vmem>>
    %dma_start3A_156 = arith.constant 0 : i32
    %dma_start3A_157 = arith.constant 0 : i32
    %dma_start3A_158 = tpu.memref_slice %arg2[%dma_start3A_156, %dma_start3A_157] : memref<10000x64xf32, #tpu.memory_space<hbm>> -> memref<10000x64xf32, #tpu.memory_space<hbm>>
    tpu.enqueue_indirect_dma source(%dma_start3A_158 : memref<10000x64xf32, #tpu.memory_space<hbm>>) target(%arg9 : memref<125x64xf32, #tpu.memory_space<vmem>>) offsets(%dma_start3A_155 : memref<125xi32, #tpu.memory_space<vmem>>) semaphore(%arg13 : memref<!tpu.dma_semaphore, #tpu.memory_space<semaphore_mem>>)
    %dma_start3A_159 = arith.constant 2 : i32
    %dma_start3A_160 = arith.constant 0 : i32
    %dma_start3A_161 = tpu.memref_slice %arg6[%dma_start3A_159, %dma_start3A_160] : memref<80x125xi32, #tpu.memory_space<vmem>> -> memref<1x125xi32, #tpu.memory_space<vmem>>
    %dma_start3A_162 = tpu.memref_squeeze %dma_start3A_161 : memref<1x125xi32, #tpu.memory_space<vmem>> -> memref<125xi32, #tpu.memory_space<vmem>>
    %dma_start3A_163 = arith.constant 0 : i32
    %dma_start3A_164 = arith.constant 0 : i32
    %dma_start3A_165 = tpu.memref_slice %arg2[%dma_start3A_163, %dma_start3A_164] : memref<10000x64xf32, #tpu.memory_space<hbm>> -> memref<10000x64xf32, #tpu.memory_space<hbm>>
    tpu.enqueue_indirect_dma source(%dma_start3A_165 : memref<10000x64xf32, #tpu.memory_space<hbm>>) target(%arg10 : memref<125x64xf32, #tpu.memory_space<vmem>>) offsets(%dma_start3A_162 : memref<125xi32, #tpu.memory_space<vmem>>) semaphore(%arg14 : memref<!tpu.dma_semaphore, #tpu.memory_space<semaphore_mem>>)
    %dma_start3A_166 = arith.constant 3 : i32
    %dma_start3A_167 = arith.constant 0 : i32
    %dma_start3A_168 = tpu.memref_slice %arg6[%dma_start3A_166, %dma_start3A_167] : memref<80x125xi32, #tpu.memory_space<vmem>> -> memref<1x125xi32, #tpu.memory_space<vmem>>
    %dma_start3A_169 = tpu.memref_squeeze %dma_start3A_168 : memref<1x125xi32, #tpu.memory_space<vmem>> -> memref<125xi32, #tpu.memory_space<vmem>>
    %dma_start3A_170 = arith.constant 0 : i32
    %dma_start3A_171 = arith.constant 0 : i32
    %dma_start3A_172 = tpu.memref_slice %arg2[%dma_start3A_170, %dma_start3A_171] : memref<10000x64xf32, #tpu.memory_space<hbm>> -> memref<10000x64xf32, #tpu.memory_space<hbm>>
    tpu.enqueue_indirect_dma source(%dma_start3A_172 : memref<10000x64xf32, #tpu.memory_space<hbm>>) target(%arg11 : memref<125x64xf32, #tpu.memory_space<vmem>>) offsets(%dma_start3A_169 : memref<125xi32, #tpu.memory_space<vmem>>) semaphore(%arg15 : memref<!tpu.dma_semaphore, #tpu.memory_space<semaphore_mem>>)
    %barrier3A = arith.constant 0 : index
    tpu.barrier barrier_id(%barrier3A)
    %scan3A_173 = arith.constant 0 : i32
    %scan3A_174 = arith.constant 0 : i32
    %scan3A_175 = arith.constant 20 : i32
    %scan3A_176 = arith.addi %scan3A_174, %scan3A_175 : i32
    %scan3A_177 = arith.constant 1 : i32
    scf.for %scan3A_216 = %scan3A_174 to %scan3A_176 step %scan3A_177  : i32 {
      %mul3A_217 = arith.constant 4 : i32
      %mul3A_218 = arith.muli %scan3A_216, %mul3A_217 : i32
      %dma_wait3A_219 = arith.constant 0 : i32
      %dma_wait3A_220 = arith.constant 0 : i32
      %dma_wait3A_221 = tpu.memref_slice %arg2[%dma_wait3A_219, %dma_wait3A_220] : memref<10000x64xf32, #tpu.memory_space<hbm>> -> memref<125x64xf32, #tpu.memory_space<hbm>>
      %dma_wait3A_222 = arith.constant 0 : i32
      %dma_wait3A_223 = arith.constant 0 : i32
      %dma_wait3A_224 = tpu.memref_slice %arg2[%dma_wait3A_222, %dma_wait3A_223] : memref<10000x64xf32, #tpu.memory_space<hbm>> -> memref<125x64xf32, #tpu.memory_space<hbm>>
      tpu.wait_dma2 semaphore(%arg12 : memref<!tpu.dma_semaphore, #tpu.memory_space<semaphore_mem>>) src(%dma_wait3A_224 : memref<125x64xf32, #tpu.memory_space<hbm>>) dst(%arg8 : memref<125x64xf32, #tpu.memory_space<vmem>>)
      %add3A_225 = arith.constant 0 : i32
      %add3A_226 = arith.addi %mul3A_218, %add3A_225 : i32
      %dma_start3A_227 = arith.constant 0 : i32
      %dma_start3A_228 = tpu.memref_slice %arg7[%add3A_226, %dma_start3A_227] : memref<80x125xi32, #tpu.memory_space<vmem>> -> memref<1x125xi32, #tpu.memory_space<vmem>>
      %dma_start3A_229 = tpu.memref_squeeze %dma_start3A_228 : memref<1x125xi32, #tpu.memory_space<vmem>> -> memref<125xi32, #tpu.memory_space<vmem>>
      %dma_start3A_230 = arith.constant 0 : i32
      %dma_start3A_231 = arith.constant 0 : i32
      %dma_start3A_232 = tpu.memref_slice %arg20[%dma_start3A_230, %dma_start3A_231] : memref<10240x64xf32, #tpu.memory_space<vmem_shared>> -> memref<10240x64xf32, #tpu.memory_space<vmem_shared>>
      tpu.enqueue_indirect_dma source(%arg8 : memref<125x64xf32, #tpu.memory_space<vmem>>) target(%dma_start3A_232 : memref<10240x64xf32, #tpu.memory_space<vmem_shared>>) offsets(%dma_start3A_229 : memref<125xi32, #tpu.memory_space<vmem>>) semaphore(%arg16 : memref<!tpu.dma_semaphore, #tpu.memory_space<semaphore_mem>>) {add = true}
      %dma_wait3A_233 = arith.constant 0 : i32
      %dma_wait3A_234 = arith.constant 0 : i32
      %dma_wait3A_235 = tpu.memref_slice %arg2[%dma_wait3A_233, %dma_wait3A_234] : memref<10000x64xf32, #tpu.memory_space<hbm>> -> memref<125x64xf32, #tpu.memory_space<hbm>>
      %dma_wait3A_236 = arith.constant 0 : i32
      %dma_wait3A_237 = arith.constant 0 : i32
      %dma_wait3A_238 = tpu.memref_slice %arg2[%dma_wait3A_236, %dma_wait3A_237] : memref<10000x64xf32, #tpu.memory_space<hbm>> -> memref<125x64xf32, #tpu.memory_space<hbm>>
      tpu.wait_dma2 semaphore(%arg13 : memref<!tpu.dma_semaphore, #tpu.memory_space<semaphore_mem>>) src(%dma_wait3A_238 : memref<125x64xf32, #tpu.memory_space<hbm>>) dst(%arg9 : memref<125x64xf32, #tpu.memory_space<vmem>>)
      %add3A_239 = arith.constant 1 : i32
      %add3A_240 = arith.addi %mul3A_218, %add3A_239 : i32
      %dma_start3A_241 = arith.constant 0 : i32
      %dma_start3A_242 = tpu.memref_slice %arg7[%add3A_240, %dma_start3A_241] : memref<80x125xi32, #tpu.memory_space<vmem>> -> memref<1x125xi32, #tpu.memory_space<vmem>>
      %dma_start3A_243 = tpu.memref_squeeze %dma_start3A_242 : memref<1x125xi32, #tpu.memory_space<vmem>> -> memref<125xi32, #tpu.memory_space<vmem>>
      %dma_start3A_244 = arith.constant 0 : i32
      %dma_start3A_245 = arith.constant 0 : i32
      %dma_start3A_246 = tpu.memref_slice %arg20[%dma_start3A_244, %dma_start3A_245] : memref<10240x64xf32, #tpu.memory_space<vmem_shared>> -> memref<10240x64xf32, #tpu.memory_space<vmem_shared>>
      tpu.enqueue_indirect_dma source(%arg9 : memref<125x64xf32, #tpu.memory_space<vmem>>) target(%dma_start3A_246 : memref<10240x64xf32, #tpu.memory_space<vmem_shared>>) offsets(%dma_start3A_243 : memref<125xi32, #tpu.memory_space<vmem>>) semaphore(%arg17 : memref<!tpu.dma_semaphore, #tpu.memory_space<semaphore_mem>>) {add = true}
      %dma_wait3A_247 = arith.constant 0 : i32
      %dma_wait3A_248 = arith.constant 0 : i32
      %dma_wait3A_249 = tpu.memref_slice %arg2[%dma_wait3A_247, %dma_wait3A_248] : memref<10000x64xf32, #tpu.memory_space<hbm>> -> memref<125x64xf32, #tpu.memory_space<hbm>>
      %dma_wait3A_250 = arith.constant 0 : i32
      %dma_wait3A_251 = arith.constant 0 : i32
      %dma_wait3A_252 = tpu.memref_slice %arg2[%dma_wait3A_250, %dma_wait3A_251] : memref<10000x64xf32, #tpu.memory_space<hbm>> -> memref<125x64xf32, #tpu.memory_space<hbm>>
      tpu.wait_dma2 semaphore(%arg14 : memref<!tpu.dma_semaphore, #tpu.memory_space<semaphore_mem>>) src(%dma_wait3A_252 : memref<125x64xf32, #tpu.memory_space<hbm>>) dst(%arg10 : memref<125x64xf32, #tpu.memory_space<vmem>>)
      %add3A_253 = arith.constant 2 : i32
      %add3A_254 = arith.addi %mul3A_218, %add3A_253 : i32
      %dma_start3A_255 = arith.constant 0 : i32
      %dma_start3A_256 = tpu.memref_slice %arg7[%add3A_254, %dma_start3A_255] : memref<80x125xi32, #tpu.memory_space<vmem>> -> memref<1x125xi32, #tpu.memory_space<vmem>>
      %dma_start3A_257 = tpu.memref_squeeze %dma_start3A_256 : memref<1x125xi32, #tpu.memory_space<vmem>> -> memref<125xi32, #tpu.memory_space<vmem>>
      %dma_start3A_258 = arith.constant 0 : i32
      %dma_start3A_259 = arith.constant 0 : i32
      %dma_start3A_260 = tpu.memref_slice %arg20[%dma_start3A_258, %dma_start3A_259] : memref<10240x64xf32, #tpu.memory_space<vmem_shared>> -> memref<10240x64xf32, #tpu.memory_space<vmem_shared>>
      tpu.enqueue_indirect_dma source(%arg10 : memref<125x64xf32, #tpu.memory_space<vmem>>) target(%dma_start3A_260 : memref<10240x64xf32, #tpu.memory_space<vmem_shared>>) offsets(%dma_start3A_257 : memref<125xi32, #tpu.memory_space<vmem>>) semaphore(%arg18 : memref<!tpu.dma_semaphore, #tpu.memory_space<semaphore_mem>>) {add = true}
      %dma_wait3A_261 = arith.constant 0 : i32
      %dma_wait3A_262 = arith.constant 0 : i32
      %dma_wait3A_263 = tpu.memref_slice %arg2[%dma_wait3A_261, %dma_wait3A_262] : memref<10000x64xf32, #tpu.memory_space<hbm>> -> memref<125x64xf32, #tpu.memory_space<hbm>>
      %dma_wait3A_264 = arith.constant 0 : i32
      %dma_wait3A_265 = arith.constant 0 : i32
      %dma_wait3A_266 = tpu.memref_slice %arg2[%dma_wait3A_264, %dma_wait3A_265] : memref<10000x64xf32, #tpu.memory_space<hbm>> -> memref<125x64xf32, #tpu.memory_space<hbm>>
      tpu.wait_dma2 semaphore(%arg15 : memref<!tpu.dma_semaphore, #tpu.memory_space<semaphore_mem>>) src(%dma_wait3A_266 : memref<125x64xf32, #tpu.memory_space<hbm>>) dst(%arg11 : memref<125x64xf32, #tpu.memory_space<vmem>>)
      %add3A_267 = arith.constant 3 : i32
      %add3A_268 = arith.addi %mul3A_218, %add3A_267 : i32
      %dma_start3A_269 = arith.constant 0 : i32
      %dma_start3A_270 = tpu.memref_slice %arg7[%add3A_268, %dma_start3A_269] : memref<80x125xi32, #tpu.memory_space<vmem>> -> memref<1x125xi32, #tpu.memory_space<vmem>>
      %dma_start3A_271 = tpu.memref_squeeze %dma_start3A_270 : memref<1x125xi32, #tpu.memory_space<vmem>> -> memref<125xi32, #tpu.memory_space<vmem>>
      %dma_start3A_272 = arith.constant 0 : i32
      %dma_start3A_273 = arith.constant 0 : i32
      %dma_start3A_274 = tpu.memref_slice %arg20[%dma_start3A_272, %dma_start3A_273] : memref<10240x64xf32, #tpu.memory_space<vmem_shared>> -> memref<10240x64xf32, #tpu.memory_space<vmem_shared>>
      tpu.enqueue_indirect_dma source(%arg11 : memref<125x64xf32, #tpu.memory_space<vmem>>) target(%dma_start3A_274 : memref<10240x64xf32, #tpu.memory_space<vmem_shared>>) offsets(%dma_start3A_271 : memref<125xi32, #tpu.memory_space<vmem>>) semaphore(%arg19 : memref<!tpu.dma_semaphore, #tpu.memory_space<semaphore_mem>>) {add = true}
      %add3A_275 = arith.constant 4 : i32
      %add3A_276 = arith.addi %mul3A_218, %add3A_275 : i32
      %add3A_277 = arith.constant 0 : i32
      %add3A_278 = arith.addi %add3A_276, %add3A_277 : i32
      %lt3A = arith.constant 80 : i32
      %lt3A_279 = arith.cmpi slt, %add3A_278, %lt3A : i32
      %convert_element_type3A = arith.extui %lt3A_279 : i1 to i32
      %cond3A = arith.constant 0 : i32
      %cond3A_280 = arith.cmpi ne, %convert_element_type3A, %cond3A : i32
      scf.if %cond3A_280 {
        %dma_wait3A_308 = arith.constant 0 : i32
        %dma_wait3A_309 = arith.constant 0 : i32
        %dma_wait3A_310 = tpu.memref_slice %arg2[%dma_wait3A_308, %dma_wait3A_309] : memref<10000x64xf32, #tpu.memory_space<hbm>> -> memref<125x64xf32, #tpu.memory_space<hbm>>
        %dma_wait3A_311 = arith.constant 0 : i32
        %dma_wait3A_312 = arith.constant 0 : i32
        %dma_wait3A_313 = tpu.memref_slice %arg2[%dma_wait3A_311, %dma_wait3A_312] : memref<10000x64xf32, #tpu.memory_space<hbm>> -> memref<125x64xf32, #tpu.memory_space<hbm>>
        tpu.wait_dma2 semaphore(%arg16 : memref<!tpu.dma_semaphore, #tpu.memory_space<semaphore_mem>>) src(%dma_wait3A_313 : memref<125x64xf32, #tpu.memory_space<hbm>>) dst(%arg8 : memref<125x64xf32, #tpu.memory_space<vmem>>)
        %dma_start3A_314 = arith.constant 0 : i32
        %dma_start3A_315 = tpu.memref_slice %arg6[%add3A_278, %dma_start3A_314] : memref<80x125xi32, #tpu.memory_space<vmem>> -> memref<1x125xi32, #tpu.memory_space<vmem>>
        %dma_start3A_316 = tpu.memref_squeeze %dma_start3A_315 : memref<1x125xi32, #tpu.memory_space<vmem>> -> memref<125xi32, #tpu.memory_space<vmem>>
        %dma_start3A_317 = arith.constant 0 : i32
        %dma_start3A_318 = arith.constant 0 : i32
        %dma_start3A_319 = tpu.memref_slice %arg2[%dma_start3A_317, %dma_start3A_318] : memref<10000x64xf32, #tpu.memory_space<hbm>> -> memref<10000x64xf32, #tpu.memory_space<hbm>>
        tpu.enqueue_indirect_dma source(%dma_start3A_319 : memref<10000x64xf32, #tpu.memory_space<hbm>>) target(%arg8 : memref<125x64xf32, #tpu.memory_space<vmem>>) offsets(%dma_start3A_316 : memref<125xi32, #tpu.memory_space<vmem>>) semaphore(%arg12 : memref<!tpu.dma_semaphore, #tpu.memory_space<semaphore_mem>>)
      } else {
      }
      %add3A_281 = arith.constant 4 : i32
      %add3A_282 = arith.addi %mul3A_218, %add3A_281 : i32
      %add3A_283 = arith.constant 1 : i32
      %add3A_284 = arith.addi %add3A_282, %add3A_283 : i32
      %lt3A_285 = arith.constant 80 : i32
      %lt3A_286 = arith.cmpi slt, %add3A_284, %lt3A_285 : i32
      %convert_element_type3A_287 = arith.extui %lt3A_286 : i1 to i32
      %cond3A_288 = arith.constant 0 : i32
      %cond3A_289 = arith.cmpi ne, %convert_element_type3A_287, %cond3A_288 : i32
      scf.if %cond3A_289 {
        %dma_wait3A_308 = arith.constant 0 : i32
        %dma_wait3A_309 = arith.constant 0 : i32
        %dma_wait3A_310 = tpu.memref_slice %arg2[%dma_wait3A_308, %dma_wait3A_309] : memref<10000x64xf32, #tpu.memory_space<hbm>> -> memref<125x64xf32, #tpu.memory_space<hbm>>
        %dma_wait3A_311 = arith.constant 0 : i32
        %dma_wait3A_312 = arith.constant 0 : i32
        %dma_wait3A_313 = tpu.memref_slice %arg2[%dma_wait3A_311, %dma_wait3A_312] : memref<10000x64xf32, #tpu.memory_space<hbm>> -> memref<125x64xf32, #tpu.memory_space<hbm>>
        tpu.wait_dma2 semaphore(%arg17 : memref<!tpu.dma_semaphore, #tpu.memory_space<semaphore_mem>>) src(%dma_wait3A_313 : memref<125x64xf32, #tpu.memory_space<hbm>>) dst(%arg9 : memref<125x64xf32, #tpu.memory_space<vmem>>)
        %dma_start3A_314 = arith.constant 0 : i32
        %dma_start3A_315 = tpu.memref_slice %arg6[%add3A_284, %dma_start3A_314] : memref<80x125xi32, #tpu.memory_space<vmem>> -> memref<1x125xi32, #tpu.memory_space<vmem>>
        %dma_start3A_316 = tpu.memref_squeeze %dma_start3A_315 : memref<1x125xi32, #tpu.memory_space<vmem>> -> memref<125xi32, #tpu.memory_space<vmem>>
        %dma_start3A_317 = arith.constant 0 : i32
        %dma_start3A_318 = arith.constant 0 : i32
        %dma_start3A_319 = tpu.memref_slice %arg2[%dma_start3A_317, %dma_start3A_318] : memref<10000x64xf32, #tpu.memory_space<hbm>> -> memref<10000x64xf32, #tpu.memory_space<hbm>>
        tpu.enqueue_indirect_dma source(%dma_start3A_319 : memref<10000x64xf32, #tpu.memory_space<hbm>>) target(%arg9 : memref<125x64xf32, #tpu.memory_space<vmem>>) offsets(%dma_start3A_316 : memref<125xi32, #tpu.memory_space<vmem>>) semaphore(%arg13 : memref<!tpu.dma_semaphore, #tpu.memory_space<semaphore_mem>>)
      } else {
      }
      %add3A_290 = arith.constant 4 : i32
      %add3A_291 = arith.addi %mul3A_218, %add3A_290 : i32
      %add3A_292 = arith.constant 2 : i32
      %add3A_293 = arith.addi %add3A_291, %add3A_292 : i32
      %lt3A_294 = arith.constant 80 : i32
      %lt3A_295 = arith.cmpi slt, %add3A_293, %lt3A_294 : i32
      %convert_element_type3A_296 = arith.extui %lt3A_295 : i1 to i32
      %cond3A_297 = arith.constant 0 : i32
      %cond3A_298 = arith.cmpi ne, %convert_element_type3A_296, %cond3A_297 : i32
      scf.if %cond3A_298 {
        %dma_wait3A_308 = arith.constant 0 : i32
        %dma_wait3A_309 = arith.constant 0 : i32
        %dma_wait3A_310 = tpu.memref_slice %arg2[%dma_wait3A_308, %dma_wait3A_309] : memref<10000x64xf32, #tpu.memory_space<hbm>> -> memref<125x64xf32, #tpu.memory_space<hbm>>
        %dma_wait3A_311 = arith.constant 0 : i32
        %dma_wait3A_312 = arith.constant 0 : i32
        %dma_wait3A_313 = tpu.memref_slice %arg2[%dma_wait3A_311, %dma_wait3A_312] : memref<10000x64xf32, #tpu.memory_space<hbm>> -> memref<125x64xf32, #tpu.memory_space<hbm>>
        tpu.wait_dma2 semaphore(%arg18 : memref<!tpu.dma_semaphore, #tpu.memory_space<semaphore_mem>>) src(%dma_wait3A_313 : memref<125x64xf32, #tpu.memory_space<hbm>>) dst(%arg10 : memref<125x64xf32, #tpu.memory_space<vmem>>)
        %dma_start3A_314 = arith.constant 0 : i32
        %dma_start3A_315 = tpu.memref_slice %arg6[%add3A_293, %dma_start3A_314] : memref<80x125xi32, #tpu.memory_space<vmem>> -> memref<1x125xi32, #tpu.memory_space<vmem>>
        %dma_start3A_316 = tpu.memref_squeeze %dma_start3A_315 : memref<1x125xi32, #tpu.memory_space<vmem>> -> memref<125xi32, #tpu.memory_space<vmem>>
        %dma_start3A_317 = arith.constant 0 : i32
        %dma_start3A_318 = arith.constant 0 : i32
        %dma_start3A_319 = tpu.memref_slice %arg2[%dma_start3A_317, %dma_start3A_318] : memref<10000x64xf32, #tpu.memory_space<hbm>> -> memref<10000x64xf32, #tpu.memory_space<hbm>>
        tpu.enqueue_indirect_dma source(%dma_start3A_319 : memref<10000x64xf32, #tpu.memory_space<hbm>>) target(%arg10 : memref<125x64xf32, #tpu.memory_space<vmem>>) offsets(%dma_start3A_316 : memref<125xi32, #tpu.memory_space<vmem>>) semaphore(%arg14 : memref<!tpu.dma_semaphore, #tpu.memory_space<semaphore_mem>>)
      } else {
      }
      %add3A_299 = arith.constant 4 : i32
      %add3A_300 = arith.addi %mul3A_218, %add3A_299 : i32
      %add3A_301 = arith.constant 3 : i32
      %add3A_302 = arith.addi %add3A_300, %add3A_301 : i32
      %lt3A_303 = arith.constant 80 : i32
      %lt3A_304 = arith.cmpi slt, %add3A_302, %lt3A_303 : i32
      %convert_element_type3A_305 = arith.extui %lt3A_304 : i1 to i32
      %cond3A_306 = arith.constant 0 : i32
      %cond3A_307 = arith.cmpi ne, %convert_element_type3A_305, %cond3A_306 : i32
      scf.if %cond3A_307 {
        %dma_wait3A_308 = arith.constant 0 : i32
        %dma_wait3A_309 = arith.constant 0 : i32
        %dma_wait3A_310 = tpu.memref_slice %arg2[%dma_wait3A_308, %dma_wait3A_309] : memref<10000x64xf32, #tpu.memory_space<hbm>> -> memref<125x64xf32, #tpu.memory_space<hbm>>
        %dma_wait3A_311 = arith.constant 0 : i32
        %dma_wait3A_312 = arith.constant 0 : i32
        %dma_wait3A_313 = tpu.memref_slice %arg2[%dma_wait3A_311, %dma_wait3A_312] : memref<10000x64xf32, #tpu.memory_space<hbm>> -> memref<125x64xf32, #tpu.memory_space<hbm>>
        tpu.wait_dma2 semaphore(%arg19 : memref<!tpu.dma_semaphore, #tpu.memory_space<semaphore_mem>>) src(%dma_wait3A_313 : memref<125x64xf32, #tpu.memory_space<hbm>>) dst(%arg11 : memref<125x64xf32, #tpu.memory_space<vmem>>)
        %dma_start3A_314 = arith.constant 0 : i32
        %dma_start3A_315 = tpu.memref_slice %arg6[%add3A_302, %dma_start3A_314] : memref<80x125xi32, #tpu.memory_space<vmem>> -> memref<1x125xi32, #tpu.memory_space<vmem>>
        %dma_start3A_316 = tpu.memref_squeeze %dma_start3A_315 : memref<1x125xi32, #tpu.memory_space<vmem>> -> memref<125xi32, #tpu.memory_space<vmem>>
        %dma_start3A_317 = arith.constant 0 : i32
        %dma_start3A_318 = arith.constant 0 : i32
        %dma_start3A_319 = tpu.memref_slice %arg2[%dma_start3A_317, %dma_start3A_318] : memref<10000x64xf32, #tpu.memory_space<hbm>> -> memref<10000x64xf32, #tpu.memory_space<hbm>>
        tpu.enqueue_indirect_dma source(%dma_start3A_319 : memref<10000x64xf32, #tpu.memory_space<hbm>>) target(%arg11 : memref<125x64xf32, #tpu.memory_space<vmem>>) offsets(%dma_start3A_316 : memref<125xi32, #tpu.memory_space<vmem>>) semaphore(%arg15 : memref<!tpu.dma_semaphore, #tpu.memory_space<semaphore_mem>>)
      } else {
      }
    }
    %scan3A_178 = arith.constant 20 : i32
    %dma_wait3A_179 = arith.constant 0 : i32
    %dma_wait3A_180 = arith.constant 0 : i32
    %dma_wait3A_181 = tpu.memref_slice %arg2[%dma_wait3A_179, %dma_wait3A_180] : memref<10000x64xf32, #tpu.memory_space<hbm>> -> memref<125x64xf32, #tpu.memory_space<hbm>>
    %dma_wait3A_182 = arith.constant 0 : i32
    %dma_wait3A_183 = arith.constant 0 : i32
    %dma_wait3A_184 = tpu.memref_slice %arg2[%dma_wait3A_182, %dma_wait3A_183] : memref<10000x64xf32, #tpu.memory_space<hbm>> -> memref<125x64xf32, #tpu.memory_space<hbm>>
    tpu.wait_dma2 semaphore(%arg16 : memref<!tpu.dma_semaphore, #tpu.memory_space<semaphore_mem>>) src(%dma_wait3A_184 : memref<125x64xf32, #tpu.memory_space<hbm>>) dst(%arg8 : memref<125x64xf32, #tpu.memory_space<vmem>>)
    %dma_wait3A_185 = arith.constant 0 : i32
    %dma_wait3A_186 = arith.constant 0 : i32
    %dma_wait3A_187 = tpu.memref_slice %arg2[%dma_wait3A_185, %dma_wait3A_186] : memref<10000x64xf32, #tpu.memory_space<hbm>> -> memref<125x64xf32, #tpu.memory_space<hbm>>
    %dma_wait3A_188 = arith.constant 0 : i32
    %dma_wait3A_189 = arith.constant 0 : i32
    %dma_wait3A_190 = tpu.memref_slice %arg2[%dma_wait3A_188, %dma_wait3A_189] : memref<10000x64xf32, #tpu.memory_space<hbm>> -> memref<125x64xf32, #tpu.memory_space<hbm>>
    tpu.wait_dma2 semaphore(%arg17 : memref<!tpu.dma_semaphore, #tpu.memory_space<semaphore_mem>>) src(%dma_wait3A_190 : memref<125x64xf32, #tpu.memory_space<hbm>>) dst(%arg9 : memref<125x64xf32, #tpu.memory_space<vmem>>)
    %dma_wait3A_191 = arith.constant 0 : i32
    %dma_wait3A_192 = arith.constant 0 : i32
    %dma_wait3A_193 = tpu.memref_slice %arg2[%dma_wait3A_191, %dma_wait3A_192] : memref<10000x64xf32, #tpu.memory_space<hbm>> -> memref<125x64xf32, #tpu.memory_space<hbm>>
    %dma_wait3A_194 = arith.constant 0 : i32
    %dma_wait3A_195 = arith.constant 0 : i32
    %dma_wait3A_196 = tpu.memref_slice %arg2[%dma_wait3A_194, %dma_wait3A_195] : memref<10000x64xf32, #tpu.memory_space<hbm>> -> memref<125x64xf32, #tpu.memory_space<hbm>>
    tpu.wait_dma2 semaphore(%arg18 : memref<!tpu.dma_semaphore, #tpu.memory_space<semaphore_mem>>) src(%dma_wait3A_196 : memref<125x64xf32, #tpu.memory_space<hbm>>) dst(%arg10 : memref<125x64xf32, #tpu.memory_space<vmem>>)
    %dma_wait3A_197 = arith.constant 0 : i32
    %dma_wait3A_198 = arith.constant 0 : i32
    %dma_wait3A_199 = tpu.memref_slice %arg2[%dma_wait3A_197, %dma_wait3A_198] : memref<10000x64xf32, #tpu.memory_space<hbm>> -> memref<125x64xf32, #tpu.memory_space<hbm>>
    %dma_wait3A_200 = arith.constant 0 : i32
    %dma_wait3A_201 = arith.constant 0 : i32
    %dma_wait3A_202 = tpu.memref_slice %arg2[%dma_wait3A_200, %dma_wait3A_201] : memref<10000x64xf32, #tpu.memory_space<hbm>> -> memref<125x64xf32, #tpu.memory_space<hbm>>
    tpu.wait_dma2 semaphore(%arg19 : memref<!tpu.dma_semaphore, #tpu.memory_space<semaphore_mem>>) src(%dma_wait3A_202 : memref<125x64xf32, #tpu.memory_space<hbm>>) dst(%arg11 : memref<125x64xf32, #tpu.memory_space<vmem>>)
    %barrier3A_203 = arith.constant 0 : index
    tpu.barrier barrier_id(%barrier3A_203)
    %mul3A_204 = arith.constant 640 : i32
    %mul3A_205 = arith.muli %arg1, %mul3A_204 : i32
    %dma_start3A_206 = arith.constant 0 : i32
    %dma_start3A_207 = tpu.memref_slice %arg5[%arg0, %mul3A_205, %dma_start3A_206] : memref<2x10240x64xf32, #tpu.memory_space<hbm>> -> memref<1x640x64xf32, #tpu.memory_space<hbm>>
    %dma_start3A_208 = tpu.memref_squeeze %dma_start3A_207 : memref<1x640x64xf32, #tpu.memory_space<hbm>> -> memref<640x64xf32, #tpu.memory_space<hbm>>
    %dma_start3A_209 = arith.constant 0 : i32
    %dma_start3A_210 = tpu.memref_slice %arg20[%mul3A_205, %dma_start3A_209] : memref<10240x64xf32, #tpu.memory_space<vmem_shared>> -> memref<640x64xf32, #tpu.memory_space<vmem_shared>>
    tpu.enqueue_dma source(%dma_start3A_210 : memref<640x64xf32, #tpu.memory_space<vmem_shared>>) target(%dma_start3A_208 : memref<640x64xf32, #tpu.memory_space<hbm>>) target_semaphore(%arg12 : memref<!tpu.dma_semaphore, #tpu.memory_space<semaphore_mem>>)
    %dma_wait3A_211 = arith.constant 0 : i32
    %dma_wait3A_212 = tpu.memref_slice %arg5[%arg0, %mul3A_205, %dma_wait3A_211] : memref<2x10240x64xf32, #tpu.memory_space<hbm>> -> memref<1x640x64xf32, #tpu.memory_space<hbm>>
    %dma_wait3A_213 = tpu.memref_squeeze %dma_wait3A_212 : memref<1x640x64xf32, #tpu.memory_space<hbm>> -> memref<640x64xf32, #tpu.memory_space<hbm>>
    %dma_wait3A_214 = arith.constant 0 : i32
    %dma_wait3A_215 = tpu.memref_slice %arg20[%mul3A_205, %dma_wait3A_214] : memref<10240x64xf32, #tpu.memory_space<vmem_shared>> -> memref<640x64xf32, #tpu.memory_space<vmem_shared>>
    tpu.wait_dma2 semaphore(%arg12 : memref<!tpu.dma_semaphore, #tpu.memory_space<semaphore_mem>>) src(%dma_wait3A_215 : memref<640x64xf32, #tpu.memory_space<vmem_shared>>) dst(%dma_wait3A_213 : memref<640x64xf32, #tpu.memory_space<hbm>>)
    return
  }
}

#map = affine_map<(d0, d1) -> (0, 0)>
#map1 = affine_map<(d0, d1) -> (0, 0, 0)>
module attributes {stable_mosaic.version = 14 : i64} {
  func.func @body(%arg0: i32, %arg1: i32, %arg2: memref<10240x64xf32, #tpu.memory_space<hbm>>, %arg3: memref<32x80x125xi32, #tpu.memory_space<hbm>>, %arg4: memref<32x80x125xi32, #tpu.memory_space<hbm>>, %arg5: memref<2x10240x64xf32, #tpu.memory_space<hbm>>, %arg6: memref<80x125xi32, #tpu.memory_space<vmem>>, %arg7: memref<80x125xi32, #tpu.memory_space<vmem>>, %arg8: memref<125x64xf32, #tpu.memory_space<vmem>>, %arg9: memref<125x64xf32, #tpu.memory_space<vmem>>, %arg10: memref<125x64xf32, #tpu.memory_space<vmem>>, %arg11: memref<125x64xf32, #tpu.memory_space<vmem>>, %arg12: memref<!tpu.dma_semaphore, #tpu.memory_space<semaphore_mem>>, %arg13: memref<!tpu.dma_semaphore, #tpu.memory_space<semaphore_mem>>, %arg14: memref<!tpu.dma_semaphore, #tpu.memory_space<semaphore_mem>>, %arg15: memref<!tpu.dma_semaphore, #tpu.memory_space<semaphore_mem>>, %arg16: memref<!tpu.dma_semaphore, #tpu.memory_space<semaphore_mem>>, %arg17: memref<!tpu.dma_semaphore, #tpu.memory_space<semaphore_mem>>, %arg18: memref<!tpu.dma_semaphore, #tpu.memory_space<semaphore_mem>>, %arg19: memref<!tpu.dma_semaphore, #tpu.memory_space<semaphore_mem>>, %arg20: memref<10240x64xf32, #tpu.memory_space<vmem_shared>>) attributes {dimension_semantics = [#tpu.dimension_semantics<core_parallel>, #tpu.dimension_semantics<subcore_parallel>], iteration_bounds = array<i64: 2, 16>, scalar_prefetch = 0 : i64, scratch_operands = 15 : i64, tpu.core_type = #tpu.core_type<sc_vector_subcore>, window_params = [{transform_indices = #map}, {transform_indices = #map1}, {transform_indices = #map1}, {transform_indices = #map1}]} {
    %mul3A = arith.constant 2 : i32
    %mul3A_0 = arith.muli %arg1, %mul3A : i32
    %add3A = arith.addi %mul3A_0, %arg0 : i32
    %dma_start3A = arith.constant 0 : i32
    %dma_start3A_1 = arith.constant 0 : i32
    %dma_start3A_2 = tpu.memref_slice %arg3[%add3A, %dma_start3A, %dma_start3A_1] : memref<32x80x125xi32, #tpu.memory_space<hbm>> -> memref<1x80x125xi32, #tpu.memory_space<hbm>>
    %dma_start3A_3 = tpu.memref_squeeze %dma_start3A_2 : memref<1x80x125xi32, #tpu.memory_space<hbm>> -> memref<80x125xi32, #tpu.memory_space<hbm>>
    %dma_start3A_4 = arith.constant 0 : i32
    %dma_start3A_5 = arith.constant 0 : i32
    %dma_start3A_6 = tpu.memref_slice %arg3[%add3A, %dma_start3A_4, %dma_start3A_5] : memref<32x80x125xi32, #tpu.memory_space<hbm>> -> memref<1x80x125xi32, #tpu.memory_space<hbm>>
    %dma_start3A_7 = tpu.memref_squeeze %dma_start3A_6 : memref<1x80x125xi32, #tpu.memory_space<hbm>> -> memref<80x125xi32, #tpu.memory_space<hbm>>
    tpu.enqueue_dma source(%dma_start3A_7 : memref<80x125xi32, #tpu.memory_space<hbm>>) target(%arg6 : memref<80x125xi32, #tpu.memory_space<vmem>>) target_semaphore(%arg12 : memref<!tpu.dma_semaphore, #tpu.memory_space<semaphore_mem>>)
    %dma_start3A_8 = arith.constant 0 : i32
    %dma_start3A_9 = arith.constant 0 : i32
    %dma_start3A_10 = tpu.memref_slice %arg4[%add3A, %dma_start3A_8, %dma_start3A_9] : memref<32x80x125xi32, #tpu.memory_space<hbm>> -> memref<1x80x125xi32, #tpu.memory_space<hbm>>
    %dma_start3A_11 = tpu.memref_squeeze %dma_start3A_10 : memref<1x80x125xi32, #tpu.memory_space<hbm>> -> memref<80x125xi32, #tpu.memory_space<hbm>>
    %dma_start3A_12 = arith.constant 0 : i32
    %dma_start3A_13 = arith.constant 0 : i32
    %dma_start3A_14 = tpu.memref_slice %arg4[%add3A, %dma_start3A_12, %dma_start3A_13] : memref<32x80x125xi32, #tpu.memory_space<hbm>> -> memref<1x80x125xi32, #tpu.memory_space<hbm>>
    %dma_start3A_15 = tpu.memref_squeeze %dma_start3A_14 : memref<1x80x125xi32, #tpu.memory_space<hbm>> -> memref<80x125xi32, #tpu.memory_space<hbm>>
    tpu.enqueue_dma source(%dma_start3A_15 : memref<80x125xi32, #tpu.memory_space<hbm>>) target(%arg7 : memref<80x125xi32, #tpu.memory_space<vmem>>) target_semaphore(%arg12 : memref<!tpu.dma_semaphore, #tpu.memory_space<semaphore_mem>>)
    %scan3A = arith.constant 0 : i32
    %scan3A_16 = arith.constant 0 : i32
    %scan3A_17 = arith.constant 125 : i32
    %scan3A_18 = arith.addi %scan3A_16, %scan3A_17 : i32
    %scan3A_19 = arith.constant 1 : i32
    scf.for %scan3A_216 = %scan3A_16 to %scan3A_18 step %scan3A_19  : i32 {
      %broadcast_in_dim3A = arith.constant 0.000000e+00 : f32
      %broadcast_in_dim3A_217 = vector.broadcast %broadcast_in_dim3A : f32 to vector<16xf32>
      %swap3A = arith.index_cast %scan3A_216 : i32 to index
      %swap3A_218 = arith.constant 0 : index
      %swap3A_219 = tpu.vector_load %arg8[%swap3A, %swap3A_218] {strides = array<i32>} : memref<125x64xf32, #tpu.memory_space<vmem>>, vector<1x16xf32>,
      %swap3A_220 = vector.shape_cast %swap3A_219 : vector<1x16xf32> to vector<16xf32>
      %swap3A_221 = vector.shape_cast %broadcast_in_dim3A_217 : vector<16xf32> to vector<1x16xf32>
      tpu.vector_store %arg8[%swap3A, %swap3A_218], %swap3A_221 {strides = array<i32>} : memref<125x64xf32, #tpu.memory_space<vmem>>, vector<1x16xf32>,
      %broadcast_in_dim3A_222 = arith.constant 0.000000e+00 : f32
      %broadcast_in_dim3A_223 = vector.broadcast %broadcast_in_dim3A_222 : f32 to vector<16xf32>
      %swap3A_224 = arith.index_cast %scan3A_216 : i32 to index
      %swap3A_225 = arith.constant 16 : index
      %swap3A_226 = tpu.vector_load %arg8[%swap3A_224, %swap3A_225] {strides = array<i32>} : memref<125x64xf32, #tpu.memory_space<vmem>>, vector<1x16xf32>,
      %swap3A_227 = vector.shape_cast %swap3A_226 : vector<1x16xf32> to vector<16xf32>
      %swap3A_228 = vector.shape_cast %broadcast_in_dim3A_223 : vector<16xf32> to vector<1x16xf32>
      tpu.vector_store %arg8[%swap3A_224, %swap3A_225], %swap3A_228 {strides = array<i32>} : memref<125x64xf32, #tpu.memory_space<vmem>>, vector<1x16xf32>,
      %broadcast_in_dim3A_229 = arith.constant 0.000000e+00 : f32
      %broadcast_in_dim3A_230 = vector.broadcast %broadcast_in_dim3A_229 : f32 to vector<16xf32>
      %swap3A_231 = arith.index_cast %scan3A_216 : i32 to index
      %swap3A_232 = arith.constant 32 : index
      %swap3A_233 = tpu.vector_load %arg8[%swap3A_231, %swap3A_232] {strides = array<i32>} : memref<125x64xf32, #tpu.memory_space<vmem>>, vector<1x16xf32>,
      %swap3A_234 = vector.shape_cast %swap3A_233 : vector<1x16xf32> to vector<16xf32>
      %swap3A_235 = vector.shape_cast %broadcast_in_dim3A_230 : vector<16xf32> to vector<1x16xf32>
      tpu.vector_store %arg8[%swap3A_231, %swap3A_232], %swap3A_235 {strides = array<i32>} : memref<125x64xf32, #tpu.memory_space<vmem>>, vector<1x16xf32>,
      %broadcast_in_dim3A_236 = arith.constant 0.000000e+00 : f32
      %broadcast_in_dim3A_237 = vector.broadcast %broadcast_in_dim3A_236 : f32 to vector<16xf32>
      %swap3A_238 = arith.index_cast %scan3A_216 : i32 to index
      %swap3A_239 = arith.constant 48 : index
      %swap3A_240 = tpu.vector_load %arg8[%swap3A_238, %swap3A_239] {strides = array<i32>} : memref<125x64xf32, #tpu.memory_space<vmem>>, vector<1x16xf32>,
      %swap3A_241 = vector.shape_cast %swap3A_240 : vector<1x16xf32> to vector<16xf32>
      %swap3A_242 = vector.shape_cast %broadcast_in_dim3A_237 : vector<16xf32> to vector<1x16xf32>
      tpu.vector_store %arg8[%swap3A_238, %swap3A_239], %swap3A_242 {strides = array<i32>} : memref<125x64xf32, #tpu.memory_space<vmem>>, vector<1x16xf32>,
    }
    %scan3A_20 = arith.constant 125 : i32
    %mul3A_21 = arith.constant 640 : i32
    %mul3A_22 = arith.muli %arg1, %mul3A_21 : i32
    %add3A_23 = arith.constant 0 : i32
    %add3A_24 = arith.addi %mul3A_22, %add3A_23 : i32
    %dma_start3A_25 = arith.constant 0 : i32
    %dma_start3A_26 = tpu.memref_slice %arg20[%add3A_24, %dma_start3A_25] : memref<10240x64xf32, #tpu.memory_space<vmem_shared>> -> memref<125x64xf32, #tpu.memory_space<vmem_shared>>
    %dma_start3A_27 = arith.constant 0 : i32
    %dma_start3A_28 = tpu.memref_slice %arg20[%add3A_24, %dma_start3A_27] : memref<10240x64xf32, #tpu.memory_space<vmem_shared>> -> memref<125x64xf32, #tpu.memory_space<vmem_shared>>
    tpu.enqueue_dma source(%arg8 : memref<125x64xf32, #tpu.memory_space<vmem>>) target(%dma_start3A_28 : memref<125x64xf32, #tpu.memory_space<vmem_shared>>) target_semaphore(%arg16 : memref<!tpu.dma_semaphore, #tpu.memory_space<semaphore_mem>>)
    %mul3A_29 = arith.constant 640 : i32
    %mul3A_30 = arith.muli %arg1, %mul3A_29 : i32
    %add3A_31 = arith.constant 125 : i32
    %add3A_32 = arith.addi %mul3A_30, %add3A_31 : i32
    %dma_start3A_33 = arith.constant 0 : i32
    %dma_start3A_34 = tpu.memref_slice %arg20[%add3A_32, %dma_start3A_33] : memref<10240x64xf32, #tpu.memory_space<vmem_shared>> -> memref<125x64xf32, #tpu.memory_space<vmem_shared>>
    %dma_start3A_35 = arith.constant 0 : i32
    %dma_start3A_36 = tpu.memref_slice %arg20[%add3A_32, %dma_start3A_35] : memref<10240x64xf32, #tpu.memory_space<vmem_shared>> -> memref<125x64xf32, #tpu.memory_space<vmem_shared>>
    tpu.enqueue_dma source(%arg8 : memref<125x64xf32, #tpu.memory_space<vmem>>) target(%dma_start3A_36 : memref<125x64xf32, #tpu.memory_space<vmem_shared>>) target_semaphore(%arg16 : memref<!tpu.dma_semaphore, #tpu.memory_space<semaphore_mem>>)
    %mul3A_37 = arith.constant 640 : i32
    %mul3A_38 = arith.muli %arg1, %mul3A_37 : i32
    %add3A_39 = arith.constant 250 : i32
    %add3A_40 = arith.addi %mul3A_38, %add3A_39 : i32
    %dma_start3A_41 = arith.constant 0 : i32
    %dma_start3A_42 = tpu.memref_slice %arg20[%add3A_40, %dma_start3A_41] : memref<10240x64xf32, #tpu.memory_space<vmem_shared>> -> memref<125x64xf32, #tpu.memory_space<vmem_shared>>
    %dma_start3A_43 = arith.constant 0 : i32
    %dma_start3A_44 = tpu.memref_slice %arg20[%add3A_40, %dma_start3A_43] : memref<10240x64xf32, #tpu.memory_space<vmem_shared>> -> memref<125x64xf32, #tpu.memory_space<vmem_shared>>
    tpu.enqueue_dma source(%arg8 : memref<125x64xf32, #tpu.memory_space<vmem>>) target(%dma_start3A_44 : memref<125x64xf32, #tpu.memory_space<vmem_shared>>) target_semaphore(%arg16 : memref<!tpu.dma_semaphore, #tpu.memory_space<semaphore_mem>>)
    %mul3A_45 = arith.constant 640 : i32
    %mul3A_46 = arith.muli %arg1, %mul3A_45 : i32
    %add3A_47 = arith.constant 375 : i32
    %add3A_48 = arith.addi %mul3A_46, %add3A_47 : i32
    %dma_start3A_49 = arith.constant 0 : i32
    %dma_start3A_50 = tpu.memref_slice %arg20[%add3A_48, %dma_start3A_49] : memref<10240x64xf32, #tpu.memory_space<vmem_shared>> -> memref<125x64xf32, #tpu.memory_space<vmem_shared>>
    %dma_start3A_51 = arith.constant 0 : i32
    %dma_start3A_52 = tpu.memref_slice %arg20[%add3A_48, %dma_start3A_51] : memref<10240x64xf32, #tpu.memory_space<vmem_shared>> -> memref<125x64xf32, #tpu.memory_space<vmem_shared>>
    tpu.enqueue_dma source(%arg8 : memref<125x64xf32, #tpu.memory_space<vmem>>) target(%dma_start3A_52 : memref<125x64xf32, #tpu.memory_space<vmem_shared>>) target_semaphore(%arg16 : memref<!tpu.dma_semaphore, #tpu.memory_space<semaphore_mem>>)
    %mul3A_53 = arith.constant 640 : i32
    %mul3A_54 = arith.muli %arg1, %mul3A_53 : i32
    %add3A_55 = arith.constant 500 : i32
    %add3A_56 = arith.addi %mul3A_54, %add3A_55 : i32
    %dma_start3A_57 = arith.constant 0 : i32
    %dma_start3A_58 = tpu.memref_slice %arg20[%add3A_56, %dma_start3A_57] : memref<10240x64xf32, #tpu.memory_space<vmem_shared>> -> memref<125x64xf32, #tpu.memory_space<vmem_shared>>
    %dma_start3A_59 = arith.constant 0 : i32
    %dma_start3A_60 = tpu.memref_slice %arg20[%add3A_56, %dma_start3A_59] : memref<10240x64xf32, #tpu.memory_space<vmem_shared>> -> memref<125x64xf32, #tpu.memory_space<vmem_shared>>
    tpu.enqueue_dma source(%arg8 : memref<125x64xf32, #tpu.memory_space<vmem>>) target(%dma_start3A_60 : memref<125x64xf32, #tpu.memory_space<vmem_shared>>) target_semaphore(%arg16 : memref<!tpu.dma_semaphore, #tpu.memory_space<semaphore_mem>>)
    %mul3A_61 = arith.constant 640 : i32
    %mul3A_62 = arith.muli %arg1, %mul3A_61 : i32
    %add3A_63 = arith.constant 625 : i32
    %add3A_64 = arith.addi %mul3A_62, %add3A_63 : i32
    %dma_start3A_65 = arith.constant 0 : i32
    %dma_start3A_66 = arith.constant 0 : i32
    %dma_start3A_67 = tpu.memref_slice %arg8[%dma_start3A_65, %dma_start3A_66] : memref<125x64xf32, #tpu.memory_space<vmem>> -> memref<15x64xf32, #tpu.memory_space<vmem>>
    %dma_start3A_68 = arith.constant 0 : i32
    %dma_start3A_69 = tpu.memref_slice %arg20[%add3A_64, %dma_start3A_68] : memref<10240x64xf32, #tpu.memory_space<vmem_shared>> -> memref<15x64xf32, #tpu.memory_space<vmem_shared>>
    %dma_start3A_70 = arith.constant 0 : i32
    %dma_start3A_71 = tpu.memref_slice %arg20[%add3A_64, %dma_start3A_70] : memref<10240x64xf32, #tpu.memory_space<vmem_shared>> -> memref<15x64xf32, #tpu.memory_space<vmem_shared>>
    %dma_start3A_72 = arith.constant 0 : i32
    %dma_start3A_73 = arith.constant 0 : i32
    %dma_start3A_74 = tpu.memref_slice %arg8[%dma_start3A_72, %dma_start3A_73] : memref<125x64xf32, #tpu.memory_space<vmem>> -> memref<15x64xf32, #tpu.memory_space<vmem>>
    tpu.enqueue_dma source(%dma_start3A_74 : memref<15x64xf32, #tpu.memory_space<vmem>>) target(%dma_start3A_71 : memref<15x64xf32, #tpu.memory_space<vmem_shared>>) target_semaphore(%arg16 : memref<!tpu.dma_semaphore, #tpu.memory_space<semaphore_mem>>)
    %dma_wait3A = arith.constant 0 : i32
    %dma_wait3A_75 = arith.constant 0 : i32
    %dma_wait3A_76 = tpu.memref_slice %arg3[%add3A, %dma_wait3A, %dma_wait3A_75] : memref<32x80x125xi32, #tpu.memory_space<hbm>> -> memref<1x80x125xi32, #tpu.memory_space<hbm>>
    %dma_wait3A_77 = tpu.memref_squeeze %dma_wait3A_76 : memref<1x80x125xi32, #tpu.memory_space<hbm>> -> memref<80x125xi32, #tpu.memory_space<hbm>>
    %dma_wait3A_78 = arith.constant 0 : i32
    %dma_wait3A_79 = arith.constant 0 : i32
    %dma_wait3A_80 = tpu.memref_slice %arg3[%add3A, %dma_wait3A_78, %dma_wait3A_79] : memref<32x80x125xi32, #tpu.memory_space<hbm>> -> memref<1x80x125xi32, #tpu.memory_space<hbm>>
    %dma_wait3A_81 = tpu.memref_squeeze %dma_wait3A_80 : memref<1x80x125xi32, #tpu.memory_space<hbm>> -> memref<80x125xi32, #tpu.memory_space<hbm>>
    tpu.wait_dma2 semaphore(%arg12 : memref<!tpu.dma_semaphore, #tpu.memory_space<semaphore_mem>>) src(%dma_wait3A_81 : memref<80x125xi32, #tpu.memory_space<hbm>>) dst(%arg6 : memref<80x125xi32, #tpu.memory_space<vmem>>)
    %dma_wait3A_82 = arith.constant 0 : i32
    %dma_wait3A_83 = arith.constant 0 : i32
    %dma_wait3A_84 = arith.constant 0 : i32
    %dma_wait3A_85 = tpu.memref_slice %arg4[%dma_wait3A_82, %dma_wait3A_83, %dma_wait3A_84] : memref<32x80x125xi32, #tpu.memory_space<hbm>> -> memref<1x80x125xi32, #tpu.memory_space<hbm>>
    %dma_wait3A_86 = tpu.memref_squeeze %dma_wait3A_85 : memref<1x80x125xi32, #tpu.memory_space<hbm>> -> memref<80x125xi32, #tpu.memory_space<hbm>>
    %dma_wait3A_87 = arith.constant 0 : i32
    %dma_wait3A_88 = arith.constant 0 : i32
    %dma_wait3A_89 = tpu.memref_slice %arg4[%dma_wait3A_82, %dma_wait3A_87, %dma_wait3A_88] : memref<32x80x125xi32, #tpu.memory_space<hbm>> -> memref<1x80x125xi32, #tpu.memory_space<hbm>>
    %dma_wait3A_90 = tpu.memref_squeeze %dma_wait3A_89 : memref<1x80x125xi32, #tpu.memory_space<hbm>> -> memref<80x125xi32, #tpu.memory_space<hbm>>
    tpu.wait_dma2 semaphore(%arg12 : memref<!tpu.dma_semaphore, #tpu.memory_space<semaphore_mem>>) src(%dma_wait3A_90 : memref<80x125xi32, #tpu.memory_space<hbm>>) dst(%arg7 : memref<80x125xi32, #tpu.memory_space<vmem>>)
    %mul3A_91 = arith.constant 640 : i32
    %mul3A_92 = arith.muli %arg1, %mul3A_91 : i32
    %add3A_93 = arith.constant 0 : i32
    %add3A_94 = arith.addi %mul3A_92, %add3A_93 : i32
    %dma_wait3A_95 = arith.constant 0 : i32
    %dma_wait3A_96 = tpu.memref_slice %arg20[%add3A_94, %dma_wait3A_95] : memref<10240x64xf32, #tpu.memory_space<vmem_shared>> -> memref<125x64xf32, #tpu.memory_space<vmem_shared>>
    %dma_wait3A_97 = arith.constant 0 : i32
    %dma_wait3A_98 = tpu.memref_slice %arg20[%add3A_94, %dma_wait3A_97] : memref<10240x64xf32, #tpu.memory_space<vmem_shared>> -> memref<125x64xf32, #tpu.memory_space<vmem_shared>>
    tpu.wait_dma2 semaphore(%arg16 : memref<!tpu.dma_semaphore, #tpu.memory_space<semaphore_mem>>) src(%arg8 : memref<125x64xf32, #tpu.memory_space<vmem>>) dst(%dma_wait3A_98 : memref<125x64xf32, #tpu.memory_space<vmem_shared>>)
    %mul3A_99 = arith.constant 640 : i32
    %mul3A_100 = arith.muli %arg1, %mul3A_99 : i32
    %add3A_101 = arith.constant 125 : i32
    %add3A_102 = arith.addi %mul3A_100, %add3A_101 : i32
    %dma_wait3A_103 = arith.constant 0 : i32
    %dma_wait3A_104 = tpu.memref_slice %arg20[%add3A_102, %dma_wait3A_103] : memref<10240x64xf32, #tpu.memory_space<vmem_shared>> -> memref<125x64xf32, #tpu.memory_space<vmem_shared>>
    %dma_wait3A_105 = arith.constant 0 : i32
    %dma_wait3A_106 = tpu.memref_slice %arg20[%add3A_102, %dma_wait3A_105] : memref<10240x64xf32, #tpu.memory_space<vmem_shared>> -> memref<125x64xf32, #tpu.memory_space<vmem_shared>>
    tpu.wait_dma2 semaphore(%arg16 : memref<!tpu.dma_semaphore, #tpu.memory_space<semaphore_mem>>) src(%arg8 : memref<125x64xf32, #tpu.memory_space<vmem>>) dst(%dma_wait3A_106 : memref<125x64xf32, #tpu.memory_space<vmem_shared>>)
    %mul3A_107 = arith.constant 640 : i32
    %mul3A_108 = arith.muli %arg1, %mul3A_107 : i32
    %add3A_109 = arith.constant 250 : i32
    %add3A_110 = arith.addi %mul3A_108, %add3A_109 : i32
    %dma_wait3A_111 = arith.constant 0 : i32
    %dma_wait3A_112 = tpu.memref_slice %arg20[%add3A_110, %dma_wait3A_111] : memref<10240x64xf32, #tpu.memory_space<vmem_shared>> -> memref<125x64xf32, #tpu.memory_space<vmem_shared>>
    %dma_wait3A_113 = arith.constant 0 : i32
    %dma_wait3A_114 = tpu.memref_slice %arg20[%add3A_110, %dma_wait3A_113] : memref<10240x64xf32, #tpu.memory_space<vmem_shared>> -> memref<125x64xf32, #tpu.memory_space<vmem_shared>>
    tpu.wait_dma2 semaphore(%arg16 : memref<!tpu.dma_semaphore, #tpu.memory_space<semaphore_mem>>) src(%arg8 : memref<125x64xf32, #tpu.memory_space<vmem>>) dst(%dma_wait3A_114 : memref<125x64xf32, #tpu.memory_space<vmem_shared>>)
    %mul3A_115 = arith.constant 640 : i32
    %mul3A_116 = arith.muli %arg1, %mul3A_115 : i32
    %add3A_117 = arith.constant 375 : i32
    %add3A_118 = arith.addi %mul3A_116, %add3A_117 : i32
    %dma_wait3A_119 = arith.constant 0 : i32
    %dma_wait3A_120 = tpu.memref_slice %arg20[%add3A_118, %dma_wait3A_119] : memref<10240x64xf32, #tpu.memory_space<vmem_shared>> -> memref<125x64xf32, #tpu.memory_space<vmem_shared>>
    %dma_wait3A_121 = arith.constant 0 : i32
    %dma_wait3A_122 = tpu.memref_slice %arg20[%add3A_118, %dma_wait3A_121] : memref<10240x64xf32, #tpu.memory_space<vmem_shared>> -> memref<125x64xf32, #tpu.memory_space<vmem_shared>>
    tpu.wait_dma2 semaphore(%arg16 : memref<!tpu.dma_semaphore, #tpu.memory_space<semaphore_mem>>) src(%arg8 : memref<125x64xf32, #tpu.memory_space<vmem>>) dst(%dma_wait3A_122 : memref<125x64xf32, #tpu.memory_space<vmem_shared>>)
    %mul3A_123 = arith.constant 640 : i32
    %mul3A_124 = arith.muli %arg1, %mul3A_123 : i32
    %add3A_125 = arith.constant 500 : i32
    %add3A_126 = arith.addi %mul3A_124, %add3A_125 : i32
    %dma_wait3A_127 = arith.constant 0 : i32
    %dma_wait3A_128 = tpu.memref_slice %arg20[%add3A_126, %dma_wait3A_127] : memref<10240x64xf32, #tpu.memory_space<vmem_shared>> -> memref<125x64xf32, #tpu.memory_space<vmem_shared>>
    %dma_wait3A_129 = arith.constant 0 : i32
    %dma_wait3A_130 = tpu.memref_slice %arg20[%add3A_126, %dma_wait3A_129] : memref<10240x64xf32, #tpu.memory_space<vmem_shared>> -> memref<125x64xf32, #tpu.memory_space<vmem_shared>>
    tpu.wait_dma2 semaphore(%arg16 : memref<!tpu.dma_semaphore, #tpu.memory_space<semaphore_mem>>) src(%arg8 : memref<125x64xf32, #tpu.memory_space<vmem>>) dst(%dma_wait3A_130 : memref<125x64xf32, #tpu.memory_space<vmem_shared>>)
    %mul3A_131 = arith.constant 640 : i32
    %mul3A_132 = arith.muli %arg1, %mul3A_131 : i32
    %add3A_133 = arith.constant 625 : i32
    %add3A_134 = arith.addi %mul3A_132, %add3A_133 : i32
    %dma_wait3A_135 = arith.constant 0 : i32
    %dma_wait3A_136 = arith.constant 0 : i32
    %dma_wait3A_137 = tpu.memref_slice %arg8[%dma_wait3A_135, %dma_wait3A_136] : memref<125x64xf32, #tpu.memory_space<vmem>> -> memref<15x64xf32, #tpu.memory_space<vmem>>
    %dma_wait3A_138 = arith.constant 0 : i32
    %dma_wait3A_139 = tpu.memref_slice %arg20[%add3A_134, %dma_wait3A_138] : memref<10240x64xf32, #tpu.memory_space<vmem_shared>> -> memref<15x64xf32, #tpu.memory_space<vmem_shared>>
    %dma_wait3A_140 = arith.constant 0 : i32
    %dma_wait3A_141 = tpu.memref_slice %arg20[%add3A_134, %dma_wait3A_140] : memref<10240x64xf32, #tpu.memory_space<vmem_shared>> -> memref<15x64xf32, #tpu.memory_space<vmem_shared>>
    %dma_wait3A_142 = arith.constant 0 : i32
    %dma_wait3A_143 = arith.constant 0 : i32
    %dma_wait3A_144 = tpu.memref_slice %arg8[%dma_wait3A_142, %dma_wait3A_143] : memref<125x64xf32, #tpu.memory_space<vmem>> -> memref<15x64xf32, #tpu.memory_space<vmem>>
    tpu.wait_dma2 semaphore(%arg16 : memref<!tpu.dma_semaphore, #tpu.memory_space<semaphore_mem>>) src(%dma_wait3A_144 : memref<15x64xf32, #tpu.memory_space<vmem>>) dst(%dma_wait3A_141 : memref<15x64xf32, #tpu.memory_space<vmem_shared>>)
    %dma_start3A_145 = arith.constant 0 : i32
    %dma_start3A_146 = arith.constant 0 : i32
    %dma_start3A_147 = tpu.memref_slice %arg6[%dma_start3A_145, %dma_start3A_146] : memref<80x125xi32, #tpu.memory_space<vmem>> -> memref<1x125xi32, #tpu.memory_space<vmem>>
    %dma_start3A_148 = tpu.memref_squeeze %dma_start3A_147 : memref<1x125xi32, #tpu.memory_space<vmem>> -> memref<125xi32, #tpu.memory_space<vmem>>
    %dma_start3A_149 = arith.constant 0 : i32
    %dma_start3A_150 = arith.constant 0 : i32
    %dma_start3A_151 = tpu.memref_slice %arg2[%dma_start3A_149, %dma_start3A_150] : memref<10240x64xf32, #tpu.memory_space<hbm>> -> memref<10240x64xf32, #tpu.memory_space<hbm>>
    tpu.enqueue_indirect_dma source(%dma_start3A_151 : memref<10240x64xf32, #tpu.memory_space<hbm>>) target(%arg8 : memref<125x64xf32, #tpu.memory_space<vmem>>) offsets(%dma_start3A_148 : memref<125xi32, #tpu.memory_space<vmem>>) semaphore(%arg12 : memref<!tpu.dma_semaphore, #tpu.memory_space<semaphore_mem>>)
    %dma_start3A_152 = arith.constant 1 : i32
    %dma_start3A_153 = arith.constant 0 : i32
    %dma_start3A_154 = tpu.memref_slice %arg6[%dma_start3A_152, %dma_start3A_153] : memref<80x125xi32, #tpu.memory_space<vmem>> -> memref<1x125xi32, #tpu.memory_space<vmem>>
    %dma_start3A_155 = tpu.memref_squeeze %dma_start3A_154 : memref<1x125xi32, #tpu.memory_space<vmem>> -> memref<125xi32, #tpu.memory_space<vmem>>
    %dma_start3A_156 = arith.constant 0 : i32
    %dma_start3A_157 = arith.constant 0 : i32
    %dma_start3A_158 = tpu.memref_slice %arg2[%dma_start3A_156, %dma_start3A_157] : memref<10240x64xf32, #tpu.memory_space<hbm>> -> memref<10240x64xf32, #tpu.memory_space<hbm>>
    tpu.enqueue_indirect_dma source(%dma_start3A_158 : memref<10240x64xf32, #tpu.memory_space<hbm>>) target(%arg9 : memref<125x64xf32, #tpu.memory_space<vmem>>) offsets(%dma_start3A_155 : memref<125xi32, #tpu.memory_space<vmem>>) semaphore(%arg13 : memref<!tpu.dma_semaphore, #tpu.memory_space<semaphore_mem>>)
    %dma_start3A_159 = arith.constant 2 : i32
    %dma_start3A_160 = arith.constant 0 : i32
    %dma_start3A_161 = tpu.memref_slice %arg6[%dma_start3A_159, %dma_start3A_160] : memref<80x125xi32, #tpu.memory_space<vmem>> -> memref<1x125xi32, #tpu.memory_space<vmem>>
    %dma_start3A_162 = tpu.memref_squeeze %dma_start3A_161 : memref<1x125xi32, #tpu.memory_space<vmem>> -> memref<125xi32, #tpu.memory_space<vmem>>
    %dma_start3A_163 = arith.constant 0 : i32
    %dma_start3A_164 = arith.constant 0 : i32
    %dma_start3A_165 = tpu.memref_slice %arg2[%dma_start3A_163, %dma_start3A_164] : memref<10240x64xf32, #tpu.memory_space<hbm>> -> memref<10240x64xf32, #tpu.memory_space<hbm>>
    tpu.enqueue_indirect_dma source(%dma_start3A_165 : memref<10240x64xf32, #tpu.memory_space<hbm>>) target(%arg10 : memref<125x64xf32, #tpu.memory_space<vmem>>) offsets(%dma_start3A_162 : memref<125xi32, #tpu.memory_space<vmem>>) semaphore(%arg14 : memref<!tpu.dma_semaphore, #tpu.memory_space<semaphore_mem>>)
    %dma_start3A_166 = arith.constant 3 : i32
    %dma_start3A_167 = arith.constant 0 : i32
    %dma_start3A_168 = tpu.memref_slice %arg6[%dma_start3A_166, %dma_start3A_167] : memref<80x125xi32, #tpu.memory_space<vmem>> -> memref<1x125xi32, #tpu.memory_space<vmem>>
    %dma_start3A_169 = tpu.memref_squeeze %dma_start3A_168 : memref<1x125xi32, #tpu.memory_space<vmem>> -> memref<125xi32, #tpu.memory_space<vmem>>
    %dma_start3A_170 = arith.constant 0 : i32
    %dma_start3A_171 = arith.constant 0 : i32
    %dma_start3A_172 = tpu.memref_slice %arg2[%dma_start3A_170, %dma_start3A_171] : memref<10240x64xf32, #tpu.memory_space<hbm>> -> memref<10240x64xf32, #tpu.memory_space<hbm>>
    tpu.enqueue_indirect_dma source(%dma_start3A_172 : memref<10240x64xf32, #tpu.memory_space<hbm>>) target(%arg11 : memref<125x64xf32, #tpu.memory_space<vmem>>) offsets(%dma_start3A_169 : memref<125xi32, #tpu.memory_space<vmem>>) semaphore(%arg15 : memref<!tpu.dma_semaphore, #tpu.memory_space<semaphore_mem>>)
    %barrier3A = arith.constant 0 : index
    tpu.barrier barrier_id(%barrier3A)
    %scan3A_173 = arith.constant 0 : i32
    %scan3A_174 = arith.constant 0 : i32
    %scan3A_175 = arith.constant 20 : i32
    %scan3A_176 = arith.addi %scan3A_174, %scan3A_175 : i32
    %scan3A_177 = arith.constant 1 : i32
    scf.for %scan3A_216 = %scan3A_174 to %scan3A_176 step %scan3A_177  : i32 {
      %mul3A_217 = arith.constant 4 : i32
      %mul3A_218 = arith.muli %scan3A_216, %mul3A_217 : i32
      %dma_wait3A_219 = arith.constant 0 : i32
      %dma_wait3A_220 = arith.constant 0 : i32
      %dma_wait3A_221 = tpu.memref_slice %arg2[%dma_wait3A_219, %dma_wait3A_220] : memref<10240x64xf32, #tpu.memory_space<hbm>> -> memref<125x64xf32, #tpu.memory_space<hbm>>
      %dma_wait3A_222 = arith.constant 0 : i32
      %dma_wait3A_223 = arith.constant 0 : i32
      %dma_wait3A_224 = tpu.memref_slice %arg2[%dma_wait3A_222, %dma_wait3A_223] : memref<10240x64xf32, #tpu.memory_space<hbm>> -> memref<125x64xf32, #tpu.memory_space<hbm>>
      tpu.wait_dma2 semaphore(%arg12 : memref<!tpu.dma_semaphore, #tpu.memory_space<semaphore_mem>>) src(%dma_wait3A_224 : memref<125x64xf32, #tpu.memory_space<hbm>>) dst(%arg8 : memref<125x64xf32, #tpu.memory_space<vmem>>)
      %add3A_225 = arith.constant 0 : i32
      %add3A_226 = arith.addi %mul3A_218, %add3A_225 : i32
      %dma_start3A_227 = arith.constant 0 : i32
      %dma_start3A_228 = tpu.memref_slice %arg7[%add3A_226, %dma_start3A_227] : memref<80x125xi32, #tpu.memory_space<vmem>> -> memref<1x125xi32, #tpu.memory_space<vmem>>
      %dma_start3A_229 = tpu.memref_squeeze %dma_start3A_228 : memref<1x125xi32, #tpu.memory_space<vmem>> -> memref<125xi32, #tpu.memory_space<vmem>>
      %dma_start3A_230 = arith.constant 0 : i32
      %dma_start3A_231 = arith.constant 0 : i32
      %dma_start3A_232 = tpu.memref_slice %arg20[%dma_start3A_230, %dma_start3A_231] : memref<10240x64xf32, #tpu.memory_space<vmem_shared>> -> memref<10240x64xf32, #tpu.memory_space<vmem_shared>>
      tpu.enqueue_indirect_dma source(%arg8 : memref<125x64xf32, #tpu.memory_space<vmem>>) target(%dma_start3A_232 : memref<10240x64xf32, #tpu.memory_space<vmem_shared>>) offsets(%dma_start3A_229 : memref<125xi32, #tpu.memory_space<vmem>>) semaphore(%arg16 : memref<!tpu.dma_semaphore, #tpu.memory_space<semaphore_mem>>) {add = true}
      %dma_wait3A_233 = arith.constant 0 : i32
      %dma_wait3A_234 = arith.constant 0 : i32
      %dma_wait3A_235 = tpu.memref_slice %arg2[%dma_wait3A_233, %dma_wait3A_234] : memref<10240x64xf32, #tpu.memory_space<hbm>> -> memref<125x64xf32, #tpu.memory_space<hbm>>
      %dma_wait3A_236 = arith.constant 0 : i32
      %dma_wait3A_237 = arith.constant 0 : i32
      %dma_wait3A_238 = tpu.memref_slice %arg2[%dma_wait3A_236, %dma_wait3A_237] : memref<10240x64xf32, #tpu.memory_space<hbm>> -> memref<125x64xf32, #tpu.memory_space<hbm>>
      tpu.wait_dma2 semaphore(%arg13 : memref<!tpu.dma_semaphore, #tpu.memory_space<semaphore_mem>>) src(%dma_wait3A_238 : memref<125x64xf32, #tpu.memory_space<hbm>>) dst(%arg9 : memref<125x64xf32, #tpu.memory_space<vmem>>)
      %add3A_239 = arith.constant 1 : i32
      %add3A_240 = arith.addi %mul3A_218, %add3A_239 : i32
      %dma_start3A_241 = arith.constant 0 : i32
      %dma_start3A_242 = tpu.memref_slice %arg7[%add3A_240, %dma_start3A_241] : memref<80x125xi32, #tpu.memory_space<vmem>> -> memref<1x125xi32, #tpu.memory_space<vmem>>
      %dma_start3A_243 = tpu.memref_squeeze %dma_start3A_242 : memref<1x125xi32, #tpu.memory_space<vmem>> -> memref<125xi32, #tpu.memory_space<vmem>>
      %dma_start3A_244 = arith.constant 0 : i32
      %dma_start3A_245 = arith.constant 0 : i32
      %dma_start3A_246 = tpu.memref_slice %arg20[%dma_start3A_244, %dma_start3A_245] : memref<10240x64xf32, #tpu.memory_space<vmem_shared>> -> memref<10240x64xf32, #tpu.memory_space<vmem_shared>>
      tpu.enqueue_indirect_dma source(%arg9 : memref<125x64xf32, #tpu.memory_space<vmem>>) target(%dma_start3A_246 : memref<10240x64xf32, #tpu.memory_space<vmem_shared>>) offsets(%dma_start3A_243 : memref<125xi32, #tpu.memory_space<vmem>>) semaphore(%arg17 : memref<!tpu.dma_semaphore, #tpu.memory_space<semaphore_mem>>) {add = true}
      %dma_wait3A_247 = arith.constant 0 : i32
      %dma_wait3A_248 = arith.constant 0 : i32
      %dma_wait3A_249 = tpu.memref_slice %arg2[%dma_wait3A_247, %dma_wait3A_248] : memref<10240x64xf32, #tpu.memory_space<hbm>> -> memref<125x64xf32, #tpu.memory_space<hbm>>
      %dma_wait3A_250 = arith.constant 0 : i32
      %dma_wait3A_251 = arith.constant 0 : i32
      %dma_wait3A_252 = tpu.memref_slice %arg2[%dma_wait3A_250, %dma_wait3A_251] : memref<10240x64xf32, #tpu.memory_space<hbm>> -> memref<125x64xf32, #tpu.memory_space<hbm>>
      tpu.wait_dma2 semaphore(%arg14 : memref<!tpu.dma_semaphore, #tpu.memory_space<semaphore_mem>>) src(%dma_wait3A_252 : memref<125x64xf32, #tpu.memory_space<hbm>>) dst(%arg10 : memref<125x64xf32, #tpu.memory_space<vmem>>)
      %add3A_253 = arith.constant 2 : i32
      %add3A_254 = arith.addi %mul3A_218, %add3A_253 : i32
      %dma_start3A_255 = arith.constant 0 : i32
      %dma_start3A_256 = tpu.memref_slice %arg7[%add3A_254, %dma_start3A_255] : memref<80x125xi32, #tpu.memory_space<vmem>> -> memref<1x125xi32, #tpu.memory_space<vmem>>
      %dma_start3A_257 = tpu.memref_squeeze %dma_start3A_256 : memref<1x125xi32, #tpu.memory_space<vmem>> -> memref<125xi32, #tpu.memory_space<vmem>>
      %dma_start3A_258 = arith.constant 0 : i32
      %dma_start3A_259 = arith.constant 0 : i32
      %dma_start3A_260 = tpu.memref_slice %arg20[%dma_start3A_258, %dma_start3A_259] : memref<10240x64xf32, #tpu.memory_space<vmem_shared>> -> memref<10240x64xf32, #tpu.memory_space<vmem_shared>>
      tpu.enqueue_indirect_dma source(%arg10 : memref<125x64xf32, #tpu.memory_space<vmem>>) target(%dma_start3A_260 : memref<10240x64xf32, #tpu.memory_space<vmem_shared>>) offsets(%dma_start3A_257 : memref<125xi32, #tpu.memory_space<vmem>>) semaphore(%arg18 : memref<!tpu.dma_semaphore, #tpu.memory_space<semaphore_mem>>) {add = true}
      %dma_wait3A_261 = arith.constant 0 : i32
      %dma_wait3A_262 = arith.constant 0 : i32
      %dma_wait3A_263 = tpu.memref_slice %arg2[%dma_wait3A_261, %dma_wait3A_262] : memref<10240x64xf32, #tpu.memory_space<hbm>> -> memref<125x64xf32, #tpu.memory_space<hbm>>
      %dma_wait3A_264 = arith.constant 0 : i32
      %dma_wait3A_265 = arith.constant 0 : i32
      %dma_wait3A_266 = tpu.memref_slice %arg2[%dma_wait3A_264, %dma_wait3A_265] : memref<10240x64xf32, #tpu.memory_space<hbm>> -> memref<125x64xf32, #tpu.memory_space<hbm>>
      tpu.wait_dma2 semaphore(%arg15 : memref<!tpu.dma_semaphore, #tpu.memory_space<semaphore_mem>>) src(%dma_wait3A_266 : memref<125x64xf32, #tpu.memory_space<hbm>>) dst(%arg11 : memref<125x64xf32, #tpu.memory_space<vmem>>)
      %add3A_267 = arith.constant 3 : i32
      %add3A_268 = arith.addi %mul3A_218, %add3A_267 : i32
      %dma_start3A_269 = arith.constant 0 : i32
      %dma_start3A_270 = tpu.memref_slice %arg7[%add3A_268, %dma_start3A_269] : memref<80x125xi32, #tpu.memory_space<vmem>> -> memref<1x125xi32, #tpu.memory_space<vmem>>
      %dma_start3A_271 = tpu.memref_squeeze %dma_start3A_270 : memref<1x125xi32, #tpu.memory_space<vmem>> -> memref<125xi32, #tpu.memory_space<vmem>>
      %dma_start3A_272 = arith.constant 0 : i32
      %dma_start3A_273 = arith.constant 0 : i32
      %dma_start3A_274 = tpu.memref_slice %arg20[%dma_start3A_272, %dma_start3A_273] : memref<10240x64xf32, #tpu.memory_space<vmem_shared>> -> memref<10240x64xf32, #tpu.memory_space<vmem_shared>>
      tpu.enqueue_indirect_dma source(%arg11 : memref<125x64xf32, #tpu.memory_space<vmem>>) target(%dma_start3A_274 : memref<10240x64xf32, #tpu.memory_space<vmem_shared>>) offsets(%dma_start3A_271 : memref<125xi32, #tpu.memory_space<vmem>>) semaphore(%arg19 : memref<!tpu.dma_semaphore, #tpu.memory_space<semaphore_mem>>) {add = true}
      %add3A_275 = arith.constant 4 : i32
      %add3A_276 = arith.addi %mul3A_218, %add3A_275 : i32
      %add3A_277 = arith.constant 0 : i32
      %add3A_278 = arith.addi %add3A_276, %add3A_277 : i32
      %lt3A = arith.constant 80 : i32
      %lt3A_279 = arith.cmpi slt, %add3A_278, %lt3A : i32
      %convert_element_type3A = arith.extui %lt3A_279 : i1 to i32
      %cond3A = arith.constant 0 : i32
      %cond3A_280 = arith.cmpi ne, %convert_element_type3A, %cond3A : i32
      scf.if %cond3A_280 {
        %dma_wait3A_308 = arith.constant 0 : i32
        %dma_wait3A_309 = arith.constant 0 : i32
        %dma_wait3A_310 = tpu.memref_slice %arg2[%dma_wait3A_308, %dma_wait3A_309] : memref<10240x64xf32, #tpu.memory_space<hbm>> -> memref<125x64xf32, #tpu.memory_space<hbm>>
        %dma_wait3A_311 = arith.constant 0 : i32
        %dma_wait3A_312 = arith.constant 0 : i32
        %dma_wait3A_313 = tpu.memref_slice %arg2[%dma_wait3A_311, %dma_wait3A_312] : memref<10240x64xf32, #tpu.memory_space<hbm>> -> memref<125x64xf32, #tpu.memory_space<hbm>>
        tpu.wait_dma2 semaphore(%arg16 : memref<!tpu.dma_semaphore, #tpu.memory_space<semaphore_mem>>) src(%dma_wait3A_313 : memref<125x64xf32, #tpu.memory_space<hbm>>) dst(%arg8 : memref<125x64xf32, #tpu.memory_space<vmem>>)
        %dma_start3A_314 = arith.constant 0 : i32
        %dma_start3A_315 = tpu.memref_slice %arg6[%add3A_278, %dma_start3A_314] : memref<80x125xi32, #tpu.memory_space<vmem>> -> memref<1x125xi32, #tpu.memory_space<vmem>>
        %dma_start3A_316 = tpu.memref_squeeze %dma_start3A_315 : memref<1x125xi32, #tpu.memory_space<vmem>> -> memref<125xi32, #tpu.memory_space<vmem>>
        %dma_start3A_317 = arith.constant 0 : i32
        %dma_start3A_318 = arith.constant 0 : i32
        %dma_start3A_319 = tpu.memref_slice %arg2[%dma_start3A_317, %dma_start3A_318] : memref<10240x64xf32, #tpu.memory_space<hbm>> -> memref<10240x64xf32, #tpu.memory_space<hbm>>
        tpu.enqueue_indirect_dma source(%dma_start3A_319 : memref<10240x64xf32, #tpu.memory_space<hbm>>) target(%arg8 : memref<125x64xf32, #tpu.memory_space<vmem>>) offsets(%dma_start3A_316 : memref<125xi32, #tpu.memory_space<vmem>>) semaphore(%arg12 : memref<!tpu.dma_semaphore, #tpu.memory_space<semaphore_mem>>)
      } else {
      }
      %add3A_281 = arith.constant 4 : i32
      %add3A_282 = arith.addi %mul3A_218, %add3A_281 : i32
      %add3A_283 = arith.constant 1 : i32
      %add3A_284 = arith.addi %add3A_282, %add3A_283 : i32
      %lt3A_285 = arith.constant 80 : i32
      %lt3A_286 = arith.cmpi slt, %add3A_284, %lt3A_285 : i32
      %convert_element_type3A_287 = arith.extui %lt3A_286 : i1 to i32
      %cond3A_288 = arith.constant 0 : i32
      %cond3A_289 = arith.cmpi ne, %convert_element_type3A_287, %cond3A_288 : i32
      scf.if %cond3A_289 {
        %dma_wait3A_308 = arith.constant 0 : i32
        %dma_wait3A_309 = arith.constant 0 : i32
        %dma_wait3A_310 = tpu.memref_slice %arg2[%dma_wait3A_308, %dma_wait3A_309] : memref<10240x64xf32, #tpu.memory_space<hbm>> -> memref<125x64xf32, #tpu.memory_space<hbm>>
        %dma_wait3A_311 = arith.constant 0 : i32
        %dma_wait3A_312 = arith.constant 0 : i32
        %dma_wait3A_313 = tpu.memref_slice %arg2[%dma_wait3A_311, %dma_wait3A_312] : memref<10240x64xf32, #tpu.memory_space<hbm>> -> memref<125x64xf32, #tpu.memory_space<hbm>>
        tpu.wait_dma2 semaphore(%arg17 : memref<!tpu.dma_semaphore, #tpu.memory_space<semaphore_mem>>) src(%dma_wait3A_313 : memref<125x64xf32, #tpu.memory_space<hbm>>) dst(%arg9 : memref<125x64xf32, #tpu.memory_space<vmem>>)
        %dma_start3A_314 = arith.constant 0 : i32
        %dma_start3A_315 = tpu.memref_slice %arg6[%add3A_284, %dma_start3A_314] : memref<80x125xi32, #tpu.memory_space<vmem>> -> memref<1x125xi32, #tpu.memory_space<vmem>>
        %dma_start3A_316 = tpu.memref_squeeze %dma_start3A_315 : memref<1x125xi32, #tpu.memory_space<vmem>> -> memref<125xi32, #tpu.memory_space<vmem>>
        %dma_start3A_317 = arith.constant 0 : i32
        %dma_start3A_318 = arith.constant 0 : i32
        %dma_start3A_319 = tpu.memref_slice %arg2[%dma_start3A_317, %dma_start3A_318] : memref<10240x64xf32, #tpu.memory_space<hbm>> -> memref<10240x64xf32, #tpu.memory_space<hbm>>
        tpu.enqueue_indirect_dma source(%dma_start3A_319 : memref<10240x64xf32, #tpu.memory_space<hbm>>) target(%arg9 : memref<125x64xf32, #tpu.memory_space<vmem>>) offsets(%dma_start3A_316 : memref<125xi32, #tpu.memory_space<vmem>>) semaphore(%arg13 : memref<!tpu.dma_semaphore, #tpu.memory_space<semaphore_mem>>)
      } else {
      }
      %add3A_290 = arith.constant 4 : i32
      %add3A_291 = arith.addi %mul3A_218, %add3A_290 : i32
      %add3A_292 = arith.constant 2 : i32
      %add3A_293 = arith.addi %add3A_291, %add3A_292 : i32
      %lt3A_294 = arith.constant 80 : i32
      %lt3A_295 = arith.cmpi slt, %add3A_293, %lt3A_294 : i32
      %convert_element_type3A_296 = arith.extui %lt3A_295 : i1 to i32
      %cond3A_297 = arith.constant 0 : i32
      %cond3A_298 = arith.cmpi ne, %convert_element_type3A_296, %cond3A_297 : i32
      scf.if %cond3A_298 {
        %dma_wait3A_308 = arith.constant 0 : i32
        %dma_wait3A_309 = arith.constant 0 : i32
        %dma_wait3A_310 = tpu.memref_slice %arg2[%dma_wait3A_308, %dma_wait3A_309] : memref<10240x64xf32, #tpu.memory_space<hbm>> -> memref<125x64xf32, #tpu.memory_space<hbm>>
        %dma_wait3A_311 = arith.constant 0 : i32
        %dma_wait3A_312 = arith.constant 0 : i32
        %dma_wait3A_313 = tpu.memref_slice %arg2[%dma_wait3A_311, %dma_wait3A_312] : memref<10240x64xf32, #tpu.memory_space<hbm>> -> memref<125x64xf32, #tpu.memory_space<hbm>>
        tpu.wait_dma2 semaphore(%arg18 : memref<!tpu.dma_semaphore, #tpu.memory_space<semaphore_mem>>) src(%dma_wait3A_313 : memref<125x64xf32, #tpu.memory_space<hbm>>) dst(%arg10 : memref<125x64xf32, #tpu.memory_space<vmem>>)
        %dma_start3A_314 = arith.constant 0 : i32
        %dma_start3A_315 = tpu.memref_slice %arg6[%add3A_293, %dma_start3A_314] : memref<80x125xi32, #tpu.memory_space<vmem>> -> memref<1x125xi32, #tpu.memory_space<vmem>>
        %dma_start3A_316 = tpu.memref_squeeze %dma_start3A_315 : memref<1x125xi32, #tpu.memory_space<vmem>> -> memref<125xi32, #tpu.memory_space<vmem>>
        %dma_start3A_317 = arith.constant 0 : i32
        %dma_start3A_318 = arith.constant 0 : i32
        %dma_start3A_319 = tpu.memref_slice %arg2[%dma_start3A_317, %dma_start3A_318] : memref<10240x64xf32, #tpu.memory_space<hbm>> -> memref<10240x64xf32, #tpu.memory_space<hbm>>
        tpu.enqueue_indirect_dma source(%dma_start3A_319 : memref<10240x64xf32, #tpu.memory_space<hbm>>) target(%arg10 : memref<125x64xf32, #tpu.memory_space<vmem>>) offsets(%dma_start3A_316 : memref<125xi32, #tpu.memory_space<vmem>>) semaphore(%arg14 : memref<!tpu.dma_semaphore, #tpu.memory_space<semaphore_mem>>)
      } else {
      }
      %add3A_299 = arith.constant 4 : i32
      %add3A_300 = arith.addi %mul3A_218, %add3A_299 : i32
      %add3A_301 = arith.constant 3 : i32
      %add3A_302 = arith.addi %add3A_300, %add3A_301 : i32
      %lt3A_303 = arith.constant 80 : i32
      %lt3A_304 = arith.cmpi slt, %add3A_302, %lt3A_303 : i32
      %convert_element_type3A_305 = arith.extui %lt3A_304 : i1 to i32
      %cond3A_306 = arith.constant 0 : i32
      %cond3A_307 = arith.cmpi ne, %convert_element_type3A_305, %cond3A_306 : i32
      scf.if %cond3A_307 {
        %dma_wait3A_308 = arith.constant 0 : i32
        %dma_wait3A_309 = arith.constant 0 : i32
        %dma_wait3A_310 = tpu.memref_slice %arg2[%dma_wait3A_308, %dma_wait3A_309] : memref<10240x64xf32, #tpu.memory_space<hbm>> -> memref<125x64xf32, #tpu.memory_space<hbm>>
        %dma_wait3A_311 = arith.constant 0 : i32
        %dma_wait3A_312 = arith.constant 0 : i32
        %dma_wait3A_313 = tpu.memref_slice %arg2[%dma_wait3A_311, %dma_wait3A_312] : memref<10240x64xf32, #tpu.memory_space<hbm>> -> memref<125x64xf32, #tpu.memory_space<hbm>>
        tpu.wait_dma2 semaphore(%arg19 : memref<!tpu.dma_semaphore, #tpu.memory_space<semaphore_mem>>) src(%dma_wait3A_313 : memref<125x64xf32, #tpu.memory_space<hbm>>) dst(%arg11 : memref<125x64xf32, #tpu.memory_space<vmem>>)
        %dma_start3A_314 = arith.constant 0 : i32
        %dma_start3A_315 = tpu.memref_slice %arg6[%add3A_302, %dma_start3A_314] : memref<80x125xi32, #tpu.memory_space<vmem>> -> memref<1x125xi32, #tpu.memory_space<vmem>>
        %dma_start3A_316 = tpu.memref_squeeze %dma_start3A_315 : memref<1x125xi32, #tpu.memory_space<vmem>> -> memref<125xi32, #tpu.memory_space<vmem>>
        %dma_start3A_317 = arith.constant 0 : i32
        %dma_start3A_318 = arith.constant 0 : i32
        %dma_start3A_319 = tpu.memref_slice %arg2[%dma_start3A_317, %dma_start3A_318] : memref<10240x64xf32, #tpu.memory_space<hbm>> -> memref<10240x64xf32, #tpu.memory_space<hbm>>
        tpu.enqueue_indirect_dma source(%dma_start3A_319 : memref<10240x64xf32, #tpu.memory_space<hbm>>) target(%arg11 : memref<125x64xf32, #tpu.memory_space<vmem>>) offsets(%dma_start3A_316 : memref<125xi32, #tpu.memory_space<vmem>>) semaphore(%arg15 : memref<!tpu.dma_semaphore, #tpu.memory_space<semaphore_mem>>)
      } else {
      }
    }
    %scan3A_178 = arith.constant 20 : i32
    %dma_wait3A_179 = arith.constant 0 : i32
    %dma_wait3A_180 = arith.constant 0 : i32
    %dma_wait3A_181 = tpu.memref_slice %arg2[%dma_wait3A_179, %dma_wait3A_180] : memref<10240x64xf32, #tpu.memory_space<hbm>> -> memref<125x64xf32, #tpu.memory_space<hbm>>
    %dma_wait3A_182 = arith.constant 0 : i32
    %dma_wait3A_183 = arith.constant 0 : i32
    %dma_wait3A_184 = tpu.memref_slice %arg2[%dma_wait3A_182, %dma_wait3A_183] : memref<10240x64xf32, #tpu.memory_space<hbm>> -> memref<125x64xf32, #tpu.memory_space<hbm>>
    tpu.wait_dma2 semaphore(%arg16 : memref<!tpu.dma_semaphore, #tpu.memory_space<semaphore_mem>>) src(%dma_wait3A_184 : memref<125x64xf32, #tpu.memory_space<hbm>>) dst(%arg8 : memref<125x64xf32, #tpu.memory_space<vmem>>)
    %dma_wait3A_185 = arith.constant 0 : i32
    %dma_wait3A_186 = arith.constant 0 : i32
    %dma_wait3A_187 = tpu.memref_slice %arg2[%dma_wait3A_185, %dma_wait3A_186] : memref<10240x64xf32, #tpu.memory_space<hbm>> -> memref<125x64xf32, #tpu.memory_space<hbm>>
    %dma_wait3A_188 = arith.constant 0 : i32
    %dma_wait3A_189 = arith.constant 0 : i32
    %dma_wait3A_190 = tpu.memref_slice %arg2[%dma_wait3A_188, %dma_wait3A_189] : memref<10240x64xf32, #tpu.memory_space<hbm>> -> memref<125x64xf32, #tpu.memory_space<hbm>>
    tpu.wait_dma2 semaphore(%arg17 : memref<!tpu.dma_semaphore, #tpu.memory_space<semaphore_mem>>) src(%dma_wait3A_190 : memref<125x64xf32, #tpu.memory_space<hbm>>) dst(%arg9 : memref<125x64xf32, #tpu.memory_space<vmem>>)
    %dma_wait3A_191 = arith.constant 0 : i32
    %dma_wait3A_192 = arith.constant 0 : i32
    %dma_wait3A_193 = tpu.memref_slice %arg2[%dma_wait3A_191, %dma_wait3A_192] : memref<10240x64xf32, #tpu.memory_space<hbm>> -> memref<125x64xf32, #tpu.memory_space<hbm>>
    %dma_wait3A_194 = arith.constant 0 : i32
    %dma_wait3A_195 = arith.constant 0 : i32
    %dma_wait3A_196 = tpu.memref_slice %arg2[%dma_wait3A_194, %dma_wait3A_195] : memref<10240x64xf32, #tpu.memory_space<hbm>> -> memref<125x64xf32, #tpu.memory_space<hbm>>
    tpu.wait_dma2 semaphore(%arg18 : memref<!tpu.dma_semaphore, #tpu.memory_space<semaphore_mem>>) src(%dma_wait3A_196 : memref<125x64xf32, #tpu.memory_space<hbm>>) dst(%arg10 : memref<125x64xf32, #tpu.memory_space<vmem>>)
    %dma_wait3A_197 = arith.constant 0 : i32
    %dma_wait3A_198 = arith.constant 0 : i32
    %dma_wait3A_199 = tpu.memref_slice %arg2[%dma_wait3A_197, %dma_wait3A_198] : memref<10240x64xf32, #tpu.memory_space<hbm>> -> memref<125x64xf32, #tpu.memory_space<hbm>>
    %dma_wait3A_200 = arith.constant 0 : i32
    %dma_wait3A_201 = arith.constant 0 : i32
    %dma_wait3A_202 = tpu.memref_slice %arg2[%dma_wait3A_200, %dma_wait3A_201] : memref<10240x64xf32, #tpu.memory_space<hbm>> -> memref<125x64xf32, #tpu.memory_space<hbm>>
    tpu.wait_dma2 semaphore(%arg19 : memref<!tpu.dma_semaphore, #tpu.memory_space<semaphore_mem>>) src(%dma_wait3A_202 : memref<125x64xf32, #tpu.memory_space<hbm>>) dst(%arg11 : memref<125x64xf32, #tpu.memory_space<vmem>>)
    %barrier3A_203 = arith.constant 0 : index
    tpu.barrier barrier_id(%barrier3A_203)
    %mul3A_204 = arith.constant 640 : i32
    %mul3A_205 = arith.muli %arg1, %mul3A_204 : i32
    %dma_start3A_206 = arith.constant 0 : i32
    %dma_start3A_207 = tpu.memref_slice %arg5[%arg0, %mul3A_205, %dma_start3A_206] : memref<2x10240x64xf32, #tpu.memory_space<hbm>> -> memref<1x640x64xf32, #tpu.memory_space<hbm>>
    %dma_start3A_208 = tpu.memref_squeeze %dma_start3A_207 : memref<1x640x64xf32, #tpu.memory_space<hbm>> -> memref<640x64xf32, #tpu.memory_space<hbm>>
    %dma_start3A_209 = arith.constant 0 : i32
    %dma_start3A_210 = tpu.memref_slice %arg20[%mul3A_205, %dma_start3A_209] : memref<10240x64xf32, #tpu.memory_space<vmem_shared>> -> memref<640x64xf32, #tpu.memory_space<vmem_shared>>
    tpu.enqueue_dma source(%dma_start3A_210 : memref<640x64xf32, #tpu.memory_space<vmem_shared>>) target(%dma_start3A_208 : memref<640x64xf32, #tpu.memory_space<hbm>>) target_semaphore(%arg12 : memref<!tpu.dma_semaphore, #tpu.memory_space<semaphore_mem>>)
    %dma_wait3A_211 = arith.constant 0 : i32
    %dma_wait3A_212 = tpu.memref_slice %arg5[%arg0, %mul3A_205, %dma_wait3A_211] : memref<2x10240x64xf32, #tpu.memory_space<hbm>> -> memref<1x640x64xf32, #tpu.memory_space<hbm>>
    %dma_wait3A_213 = tpu.memref_squeeze %dma_wait3A_212 : memref<1x640x64xf32, #tpu.memory_space<hbm>> -> memref<640x64xf32, #tpu.memory_space<hbm>>
    %dma_wait3A_214 = arith.constant 0 : i32
    %dma_wait3A_215 = tpu.memref_slice %arg20[%mul3A_205, %dma_wait3A_214] : memref<10240x64xf32, #tpu.memory_space<vmem_shared>> -> memref<640x64xf32, #tpu.memory_space<vmem_shared>>
    tpu.wait_dma2 semaphore(%arg12 : memref<!tpu.dma_semaphore, #tpu.memory_space<semaphore_mem>>) src(%dma_wait3A_215 : memref<640x64xf32, #tpu.memory_space<vmem_shared>>) dst(%dma_wait3A_213 : memref<640x64xf32, #tpu.memory_space<hbm>>)
    return
  }
}

#map = affine_map<(d0, d1) -> (0, 0)>
#map1 = affine_map<(d0, d1) -> (0, 0, 0)>
#map2 = affine_map<(d0, d1) -> (0)>
module attributes {stable_mosaic.version = 14 : i64} {
  func.func @body(%arg0: i32, %arg1: i32, %arg2: memref<10000x128xbf16, #tpu.memory_space<hbm>>, %arg3: memref<32x80x125xi32, #tpu.memory_space<hbm>>, %arg4: memref<32x80x125xi32, #tpu.memory_space<hbm>>, %arg5: memref<2x10240x128xbf16, #tpu.memory_space<hbm>>, %arg6: memref<20480xf32, #tpu.memory_space<hbm>>, %arg7: memref<80x125xi32, #tpu.memory_space<vmem>>, %arg8: memref<80x125xi32, #tpu.memory_space<vmem>>, %arg9: memref<125x128xbf16, #tpu.memory_space<vmem>>, %arg10: memref<125x128xbf16, #tpu.memory_space<vmem>>, %arg11: memref<125x128xbf16, #tpu.memory_space<vmem>>, %arg12: memref<125x128xbf16, #tpu.memory_space<vmem>>, %arg13: memref<!tpu.dma_semaphore, #tpu.memory_space<semaphore_mem>>, %arg14: memref<!tpu.dma_semaphore, #tpu.memory_space<semaphore_mem>>, %arg15: memref<!tpu.dma_semaphore, #tpu.memory_space<semaphore_mem>>, %arg16: memref<!tpu.dma_semaphore, #tpu.memory_space<semaphore_mem>>, %arg17: memref<!tpu.dma_semaphore, #tpu.memory_space<semaphore_mem>>, %arg18: memref<!tpu.dma_semaphore, #tpu.memory_space<semaphore_mem>>, %arg19: memref<!tpu.dma_semaphore, #tpu.memory_space<semaphore_mem>>, %arg20: memref<!tpu.dma_semaphore, #tpu.memory_space<semaphore_mem>>, %arg21: memref<128xf32, #tpu.memory_space<vmem>>, %arg22: memref<640xf32, #tpu.memory_space<vmem>>, %arg23: memref<10240xf32, #tpu.memory_space<vmem_shared>>, %arg24: memref<10240x128xbf16, #tpu.memory_space<vmem_shared>>) attributes {dimension_semantics = [#tpu.dimension_semantics<core_parallel>, #tpu.dimension_semantics<subcore_parallel>], iteration_bounds = array<i64: 2, 16>, scalar_prefetch = 0 : i64, scratch_operands = 18 : i64, tpu.core_type = #tpu.core_type<sc_vector_subcore>, window_params = [{transform_indices = #map}, {transform_indices = #map1}, {transform_indices = #map1}, {transform_indices = #map1}, {transform_indices = #map2}]} {
    %mul3A = arith.constant 2 : i32
    %mul3A_0 = arith.muli %arg1, %mul3A : i32
    %add3A = arith.addi %mul3A_0, %arg0 : i32
    %dma_start3A = arith.constant 0 : i32
    %dma_start3A_1 = arith.constant 0 : i32
    %dma_start3A_2 = tpu.memref_slice %arg3[%add3A, %dma_start3A, %dma_start3A_1] : memref<32x80x125xi32, #tpu.memory_space<hbm>> -> memref<1x80x125xi32, #tpu.memory_space<hbm>>
    %dma_start3A_3 = tpu.memref_squeeze %dma_start3A_2 : memref<1x80x125xi32, #tpu.memory_space<hbm>> -> memref<80x125xi32, #tpu.memory_space<hbm>>
    %dma_start3A_4 = arith.constant 0 : i32
    %dma_start3A_5 = arith.constant 0 : i32
    %dma_start3A_6 = tpu.memref_slice %arg3[%add3A, %dma_start3A_4, %dma_start3A_5] : memref<32x80x125xi32, #tpu.memory_space<hbm>> -> memref<1x80x125xi32, #tpu.memory_space<hbm>>
    %dma_start3A_7 = tpu.memref_squeeze %dma_start3A_6 : memref<1x80x125xi32, #tpu.memory_space<hbm>> -> memref<80x125xi32, #tpu.memory_space<hbm>>
    tpu.enqueue_dma source(%dma_start3A_7 : memref<80x125xi32, #tpu.memory_space<hbm>>) target(%arg7 : memref<80x125xi32, #tpu.memory_space<vmem>>) target_semaphore(%arg13 : memref<!tpu.dma_semaphore, #tpu.memory_space<semaphore_mem>>)
    %dma_start3A_8 = arith.constant 0 : i32
    %dma_start3A_9 = arith.constant 0 : i32
    %dma_start3A_10 = tpu.memref_slice %arg4[%add3A, %dma_start3A_8, %dma_start3A_9] : memref<32x80x125xi32, #tpu.memory_space<hbm>> -> memref<1x80x125xi32, #tpu.memory_space<hbm>>
    %dma_start3A_11 = tpu.memref_squeeze %dma_start3A_10 : memref<1x80x125xi32, #tpu.memory_space<hbm>> -> memref<80x125xi32, #tpu.memory_space<hbm>>
    %dma_start3A_12 = arith.constant 0 : i32
    %dma_start3A_13 = arith.constant 0 : i32
    %dma_start3A_14 = tpu.memref_slice %arg4[%add3A, %dma_start3A_12, %dma_start3A_13] : memref<32x80x125xi32, #tpu.memory_space<hbm>> -> memref<1x80x125xi32, #tpu.memory_space<hbm>>
    %dma_start3A_15 = tpu.memref_squeeze %dma_start3A_14 : memref<1x80x125xi32, #tpu.memory_space<hbm>> -> memref<80x125xi32, #tpu.memory_space<hbm>>
    tpu.enqueue_dma source(%dma_start3A_15 : memref<80x125xi32, #tpu.memory_space<hbm>>) target(%arg8 : memref<80x125xi32, #tpu.memory_space<vmem>>) target_semaphore(%arg13 : memref<!tpu.dma_semaphore, #tpu.memory_space<semaphore_mem>>)
    %scan3A = arith.constant 0 : i32
    %scan3A_16 = arith.constant 0 : i32
    %scan3A_17 = arith.constant 125 : i32
    %scan3A_18 = arith.addi %scan3A_16, %scan3A_17 : i32
    %scan3A_19 = arith.constant 1 : i32
    scf.for %scan3A_280 = %scan3A_16 to %scan3A_18 step %scan3A_19  : i32 {
      %broadcast_in_dim3A_281 = arith.constant 0.000000e+00 : bf16
      %broadcast_in_dim3A_282 = vector.broadcast %broadcast_in_dim3A_281 : bf16 to vector<32xbf16>
      %swap3A_283 = arith.index_cast %scan3A_280 : i32 to index
      %swap3A_284 = arith.constant 0 : index
      %swap3A_285 = tpu.vector_load %arg9[%swap3A_283, %swap3A_284] {strides = array<i32>} : memref<125x128xbf16, #tpu.memory_space<vmem>>, vector<1x32xbf16>,
      %swap3A_286 = vector.shape_cast %swap3A_285 : vector<1x32xbf16> to vector<32xbf16>
      %swap3A_287 = vector.shape_cast %broadcast_in_dim3A_282 : vector<32xbf16> to vector<1x32xbf16>
      tpu.vector_store %arg9[%swap3A_283, %swap3A_284], %swap3A_287 {strides = array<i32>} : memref<125x128xbf16, #tpu.memory_space<vmem>>, vector<1x32xbf16>,
      %broadcast_in_dim3A_288 = arith.constant 0.000000e+00 : bf16
      %broadcast_in_dim3A_289 = vector.broadcast %broadcast_in_dim3A_288 : bf16 to vector<32xbf16>
      %swap3A_290 = arith.index_cast %scan3A_280 : i32 to index
      %swap3A_291 = arith.constant 32 : index
      %swap3A_292 = tpu.vector_load %arg9[%swap3A_290, %swap3A_291] {strides = array<i32>} : memref<125x128xbf16, #tpu.memory_space<vmem>>, vector<1x32xbf16>,
      %swap3A_293 = vector.shape_cast %swap3A_292 : vector<1x32xbf16> to vector<32xbf16>
      %swap3A_294 = vector.shape_cast %broadcast_in_dim3A_289 : vector<32xbf16> to vector<1x32xbf16>
      tpu.vector_store %arg9[%swap3A_290, %swap3A_291], %swap3A_294 {strides = array<i32>} : memref<125x128xbf16, #tpu.memory_space<vmem>>, vector<1x32xbf16>,
      %broadcast_in_dim3A_295 = arith.constant 0.000000e+00 : bf16
      %broadcast_in_dim3A_296 = vector.broadcast %broadcast_in_dim3A_295 : bf16 to vector<32xbf16>
      %swap3A_297 = arith.index_cast %scan3A_280 : i32 to index
      %swap3A_298 = arith.constant 64 : index
      %swap3A_299 = tpu.vector_load %arg9[%swap3A_297, %swap3A_298] {strides = array<i32>} : memref<125x128xbf16, #tpu.memory_space<vmem>>, vector<1x32xbf16>,
      %swap3A_300 = vector.shape_cast %swap3A_299 : vector<1x32xbf16> to vector<32xbf16>
      %swap3A_301 = vector.shape_cast %broadcast_in_dim3A_296 : vector<32xbf16> to vector<1x32xbf16>
      tpu.vector_store %arg9[%swap3A_297, %swap3A_298], %swap3A_301 {strides = array<i32>} : memref<125x128xbf16, #tpu.memory_space<vmem>>, vector<1x32xbf16>,
      %broadcast_in_dim3A_302 = arith.constant 0.000000e+00 : bf16
      %broadcast_in_dim3A_303 = vector.broadcast %broadcast_in_dim3A_302 : bf16 to vector<32xbf16>
      %swap3A_304 = arith.index_cast %scan3A_280 : i32 to index
      %swap3A_305 = arith.constant 96 : index
      %swap3A_306 = tpu.vector_load %arg9[%swap3A_304, %swap3A_305] {strides = array<i32>} : memref<125x128xbf16, #tpu.memory_space<vmem>>, vector<1x32xbf16>,
      %swap3A_307 = vector.shape_cast %swap3A_306 : vector<1x32xbf16> to vector<32xbf16>
      %swap3A_308 = vector.shape_cast %broadcast_in_dim3A_303 : vector<32xbf16> to vector<1x32xbf16>
      tpu.vector_store %arg9[%swap3A_304, %swap3A_305], %swap3A_308 {strides = array<i32>} : memref<125x128xbf16, #tpu.memory_space<vmem>>, vector<1x32xbf16>,
    }
    %scan3A_20 = arith.constant 125 : i32
    %mul3A_21 = arith.constant 640 : i32
    %mul3A_22 = arith.muli %arg1, %mul3A_21 : i32
    %add3A_23 = arith.constant 0 : i32
    %add3A_24 = arith.addi %mul3A_22, %add3A_23 : i32
    %dma_start3A_25 = arith.constant 0 : i32
    %dma_start3A_26 = tpu.memref_slice %arg24[%add3A_24, %dma_start3A_25] : memref<10240x128xbf16, #tpu.memory_space<vmem_shared>> -> memref<125x128xbf16, #tpu.memory_space<vmem_shared>>
    %dma_start3A_27 = arith.constant 0 : i32
    %dma_start3A_28 = tpu.memref_slice %arg24[%add3A_24, %dma_start3A_27] : memref<10240x128xbf16, #tpu.memory_space<vmem_shared>> -> memref<125x128xbf16, #tpu.memory_space<vmem_shared>>
    tpu.enqueue_dma source(%arg9 : memref<125x128xbf16, #tpu.memory_space<vmem>>) target(%dma_start3A_28 : memref<125x128xbf16, #tpu.memory_space<vmem_shared>>) target_semaphore(%arg17 : memref<!tpu.dma_semaphore, #tpu.memory_space<semaphore_mem>>)
    %mul3A_29 = arith.constant 640 : i32
    %mul3A_30 = arith.muli %arg1, %mul3A_29 : i32
    %add3A_31 = arith.constant 125 : i32
    %add3A_32 = arith.addi %mul3A_30, %add3A_31 : i32
    %dma_start3A_33 = arith.constant 0 : i32
    %dma_start3A_34 = tpu.memref_slice %arg24[%add3A_32, %dma_start3A_33] : memref<10240x128xbf16, #tpu.memory_space<vmem_shared>> -> memref<125x128xbf16, #tpu.memory_space<vmem_shared>>
    %dma_start3A_35 = arith.constant 0 : i32
    %dma_start3A_36 = tpu.memref_slice %arg24[%add3A_32, %dma_start3A_35] : memref<10240x128xbf16, #tpu.memory_space<vmem_shared>> -> memref<125x128xbf16, #tpu.memory_space<vmem_shared>>
    tpu.enqueue_dma source(%arg9 : memref<125x128xbf16, #tpu.memory_space<vmem>>) target(%dma_start3A_36 : memref<125x128xbf16, #tpu.memory_space<vmem_shared>>) target_semaphore(%arg17 : memref<!tpu.dma_semaphore, #tpu.memory_space<semaphore_mem>>)
    %mul3A_37 = arith.constant 640 : i32
    %mul3A_38 = arith.muli %arg1, %mul3A_37 : i32
    %add3A_39 = arith.constant 250 : i32
    %add3A_40 = arith.addi %mul3A_38, %add3A_39 : i32
    %dma_start3A_41 = arith.constant 0 : i32
    %dma_start3A_42 = tpu.memref_slice %arg24[%add3A_40, %dma_start3A_41] : memref<10240x128xbf16, #tpu.memory_space<vmem_shared>> -> memref<125x128xbf16, #tpu.memory_space<vmem_shared>>
    %dma_start3A_43 = arith.constant 0 : i32
    %dma_start3A_44 = tpu.memref_slice %arg24[%add3A_40, %dma_start3A_43] : memref<10240x128xbf16, #tpu.memory_space<vmem_shared>> -> memref<125x128xbf16, #tpu.memory_space<vmem_shared>>
    tpu.enqueue_dma source(%arg9 : memref<125x128xbf16, #tpu.memory_space<vmem>>) target(%dma_start3A_44 : memref<125x128xbf16, #tpu.memory_space<vmem_shared>>) target_semaphore(%arg17 : memref<!tpu.dma_semaphore, #tpu.memory_space<semaphore_mem>>)
    %mul3A_45 = arith.constant 640 : i32
    %mul3A_46 = arith.muli %arg1, %mul3A_45 : i32
    %add3A_47 = arith.constant 375 : i32
    %add3A_48 = arith.addi %mul3A_46, %add3A_47 : i32
    %dma_start3A_49 = arith.constant 0 : i32
    %dma_start3A_50 = tpu.memref_slice %arg24[%add3A_48, %dma_start3A_49] : memref<10240x128xbf16, #tpu.memory_space<vmem_shared>> -> memref<125x128xbf16, #tpu.memory_space<vmem_shared>>
    %dma_start3A_51 = arith.constant 0 : i32
    %dma_start3A_52 = tpu.memref_slice %arg24[%add3A_48, %dma_start3A_51] : memref<10240x128xbf16, #tpu.memory_space<vmem_shared>> -> memref<125x128xbf16, #tpu.memory_space<vmem_shared>>
    tpu.enqueue_dma source(%arg9 : memref<125x128xbf16, #tpu.memory_space<vmem>>) target(%dma_start3A_52 : memref<125x128xbf16, #tpu.memory_space<vmem_shared>>) target_semaphore(%arg17 : memref<!tpu.dma_semaphore, #tpu.memory_space<semaphore_mem>>)
    %mul3A_53 = arith.constant 640 : i32
    %mul3A_54 = arith.muli %arg1, %mul3A_53 : i32
    %add3A_55 = arith.constant 500 : i32
    %add3A_56 = arith.addi %mul3A_54, %add3A_55 : i32
    %dma_start3A_57 = arith.constant 0 : i32
    %dma_start3A_58 = tpu.memref_slice %arg24[%add3A_56, %dma_start3A_57] : memref<10240x128xbf16, #tpu.memory_space<vmem_shared>> -> memref<125x128xbf16, #tpu.memory_space<vmem_shared>>
    %dma_start3A_59 = arith.constant 0 : i32
    %dma_start3A_60 = tpu.memref_slice %arg24[%add3A_56, %dma_start3A_59] : memref<10240x128xbf16, #tpu.memory_space<vmem_shared>> -> memref<125x128xbf16, #tpu.memory_space<vmem_shared>>
    tpu.enqueue_dma source(%arg9 : memref<125x128xbf16, #tpu.memory_space<vmem>>) target(%dma_start3A_60 : memref<125x128xbf16, #tpu.memory_space<vmem_shared>>) target_semaphore(%arg17 : memref<!tpu.dma_semaphore, #tpu.memory_space<semaphore_mem>>)
    %mul3A_61 = arith.constant 640 : i32
    %mul3A_62 = arith.muli %arg1, %mul3A_61 : i32
    %add3A_63 = arith.constant 625 : i32
    %add3A_64 = arith.addi %mul3A_62, %add3A_63 : i32
    %dma_start3A_65 = arith.constant 0 : i32
    %dma_start3A_66 = arith.constant 0 : i32
    %dma_start3A_67 = tpu.memref_slice %arg9[%dma_start3A_65, %dma_start3A_66] : memref<125x128xbf16, #tpu.memory_space<vmem>> -> memref<15x128xbf16, #tpu.memory_space<vmem>>
    %dma_start3A_68 = arith.constant 0 : i32
    %dma_start3A_69 = tpu.memref_slice %arg24[%add3A_64, %dma_start3A_68] : memref<10240x128xbf16, #tpu.memory_space<vmem_shared>> -> memref<15x128xbf16, #tpu.memory_space<vmem_shared>>
    %dma_start3A_70 = arith.constant 0 : i32
    %dma_start3A_71 = tpu.memref_slice %arg24[%add3A_64, %dma_start3A_70] : memref<10240x128xbf16, #tpu.memory_space<vmem_shared>> -> memref<15x128xbf16, #tpu.memory_space<vmem_shared>>
    %dma_start3A_72 = arith.constant 0 : i32
    %dma_start3A_73 = arith.constant 0 : i32
    %dma_start3A_74 = tpu.memref_slice %arg9[%dma_start3A_72, %dma_start3A_73] : memref<125x128xbf16, #tpu.memory_space<vmem>> -> memref<15x128xbf16, #tpu.memory_space<vmem>>
    tpu.enqueue_dma source(%dma_start3A_74 : memref<15x128xbf16, #tpu.memory_space<vmem>>) target(%dma_start3A_71 : memref<15x128xbf16, #tpu.memory_space<vmem_shared>>) target_semaphore(%arg17 : memref<!tpu.dma_semaphore, #tpu.memory_space<semaphore_mem>>)
    %dma_wait3A = arith.constant 0 : i32
    %dma_wait3A_75 = arith.constant 0 : i32
    %dma_wait3A_76 = tpu.memref_slice %arg3[%add3A, %dma_wait3A, %dma_wait3A_75] : memref<32x80x125xi32, #tpu.memory_space<hbm>> -> memref<1x80x125xi32, #tpu.memory_space<hbm>>
    %dma_wait3A_77 = tpu.memref_squeeze %dma_wait3A_76 : memref<1x80x125xi32, #tpu.memory_space<hbm>> -> memref<80x125xi32, #tpu.memory_space<hbm>>
    %dma_wait3A_78 = arith.constant 0 : i32
    %dma_wait3A_79 = arith.constant 0 : i32
    %dma_wait3A_80 = tpu.memref_slice %arg3[%add3A, %dma_wait3A_78, %dma_wait3A_79] : memref<32x80x125xi32, #tpu.memory_space<hbm>> -> memref<1x80x125xi32, #tpu.memory_space<hbm>>
    %dma_wait3A_81 = tpu.memref_squeeze %dma_wait3A_80 : memref<1x80x125xi32, #tpu.memory_space<hbm>> -> memref<80x125xi32, #tpu.memory_space<hbm>>
    tpu.wait_dma2 semaphore(%arg13 : memref<!tpu.dma_semaphore, #tpu.memory_space<semaphore_mem>>) src(%dma_wait3A_81 : memref<80x125xi32, #tpu.memory_space<hbm>>) dst(%arg7 : memref<80x125xi32, #tpu.memory_space<vmem>>)
    %dma_wait3A_82 = arith.constant 0 : i32
    %dma_wait3A_83 = arith.constant 0 : i32
    %dma_wait3A_84 = arith.constant 0 : i32
    %dma_wait3A_85 = tpu.memref_slice %arg4[%dma_wait3A_82, %dma_wait3A_83, %dma_wait3A_84] : memref<32x80x125xi32, #tpu.memory_space<hbm>> -> memref<1x80x125xi32, #tpu.memory_space<hbm>>
    %dma_wait3A_86 = tpu.memref_squeeze %dma_wait3A_85 : memref<1x80x125xi32, #tpu.memory_space<hbm>> -> memref<80x125xi32, #tpu.memory_space<hbm>>
    %dma_wait3A_87 = arith.constant 0 : i32
    %dma_wait3A_88 = arith.constant 0 : i32
    %dma_wait3A_89 = tpu.memref_slice %arg4[%dma_wait3A_82, %dma_wait3A_87, %dma_wait3A_88] : memref<32x80x125xi32, #tpu.memory_space<hbm>> -> memref<1x80x125xi32, #tpu.memory_space<hbm>>
    %dma_wait3A_90 = tpu.memref_squeeze %dma_wait3A_89 : memref<1x80x125xi32, #tpu.memory_space<hbm>> -> memref<80x125xi32, #tpu.memory_space<hbm>>
    tpu.wait_dma2 semaphore(%arg13 : memref<!tpu.dma_semaphore, #tpu.memory_space<semaphore_mem>>) src(%dma_wait3A_90 : memref<80x125xi32, #tpu.memory_space<hbm>>) dst(%arg8 : memref<80x125xi32, #tpu.memory_space<vmem>>)
    %mul3A_91 = arith.constant 640 : i32
    %mul3A_92 = arith.muli %arg1, %mul3A_91 : i32
    %add3A_93 = arith.constant 0 : i32
    %add3A_94 = arith.addi %mul3A_92, %add3A_93 : i32
    %dma_wait3A_95 = arith.constant 0 : i32
    %dma_wait3A_96 = tpu.memref_slice %arg24[%add3A_94, %dma_wait3A_95] : memref<10240x128xbf16, #tpu.memory_space<vmem_shared>> -> memref<125x128xbf16, #tpu.memory_space<vmem_shared>>
    %dma_wait3A_97 = arith.constant 0 : i32
    %dma_wait3A_98 = tpu.memref_slice %arg24[%add3A_94, %dma_wait3A_97] : memref<10240x128xbf16, #tpu.memory_space<vmem_shared>> -> memref<125x128xbf16, #tpu.memory_space<vmem_shared>>
    tpu.wait_dma2 semaphore(%arg17 : memref<!tpu.dma_semaphore, #tpu.memory_space<semaphore_mem>>) src(%arg9 : memref<125x128xbf16, #tpu.memory_space<vmem>>) dst(%dma_wait3A_98 : memref<125x128xbf16, #tpu.memory_space<vmem_shared>>)
    %mul3A_99 = arith.constant 640 : i32
    %mul3A_100 = arith.muli %arg1, %mul3A_99 : i32
    %add3A_101 = arith.constant 125 : i32
    %add3A_102 = arith.addi %mul3A_100, %add3A_101 : i32
    %dma_wait3A_103 = arith.constant 0 : i32
    %dma_wait3A_104 = tpu.memref_slice %arg24[%add3A_102, %dma_wait3A_103] : memref<10240x128xbf16, #tpu.memory_space<vmem_shared>> -> memref<125x128xbf16, #tpu.memory_space<vmem_shared>>
    %dma_wait3A_105 = arith.constant 0 : i32
    %dma_wait3A_106 = tpu.memref_slice %arg24[%add3A_102, %dma_wait3A_105] : memref<10240x128xbf16, #tpu.memory_space<vmem_shared>> -> memref<125x128xbf16, #tpu.memory_space<vmem_shared>>
    tpu.wait_dma2 semaphore(%arg17 : memref<!tpu.dma_semaphore, #tpu.memory_space<semaphore_mem>>) src(%arg9 : memref<125x128xbf16, #tpu.memory_space<vmem>>) dst(%dma_wait3A_106 : memref<125x128xbf16, #tpu.memory_space<vmem_shared>>)
    %mul3A_107 = arith.constant 640 : i32
    %mul3A_108 = arith.muli %arg1, %mul3A_107 : i32
    %add3A_109 = arith.constant 250 : i32
    %add3A_110 = arith.addi %mul3A_108, %add3A_109 : i32
    %dma_wait3A_111 = arith.constant 0 : i32
    %dma_wait3A_112 = tpu.memref_slice %arg24[%add3A_110, %dma_wait3A_111] : memref<10240x128xbf16, #tpu.memory_space<vmem_shared>> -> memref<125x128xbf16, #tpu.memory_space<vmem_shared>>
    %dma_wait3A_113 = arith.constant 0 : i32
    %dma_wait3A_114 = tpu.memref_slice %arg24[%add3A_110, %dma_wait3A_113] : memref<10240x128xbf16, #tpu.memory_space<vmem_shared>> -> memref<125x128xbf16, #tpu.memory_space<vmem_shared>>
    tpu.wait_dma2 semaphore(%arg17 : memref<!tpu.dma_semaphore, #tpu.memory_space<semaphore_mem>>) src(%arg9 : memref<125x128xbf16, #tpu.memory_space<vmem>>) dst(%dma_wait3A_114 : memref<125x128xbf16, #tpu.memory_space<vmem_shared>>)
    %mul3A_115 = arith.constant 640 : i32
    %mul3A_116 = arith.muli %arg1, %mul3A_115 : i32
    %add3A_117 = arith.constant 375 : i32
    %add3A_118 = arith.addi %mul3A_116, %add3A_117 : i32
    %dma_wait3A_119 = arith.constant 0 : i32
    %dma_wait3A_120 = tpu.memref_slice %arg24[%add3A_118, %dma_wait3A_119] : memref<10240x128xbf16, #tpu.memory_space<vmem_shared>> -> memref<125x128xbf16, #tpu.memory_space<vmem_shared>>
    %dma_wait3A_121 = arith.constant 0 : i32
    %dma_wait3A_122 = tpu.memref_slice %arg24[%add3A_118, %dma_wait3A_121] : memref<10240x128xbf16, #tpu.memory_space<vmem_shared>> -> memref<125x128xbf16, #tpu.memory_space<vmem_shared>>
    tpu.wait_dma2 semaphore(%arg17 : memref<!tpu.dma_semaphore, #tpu.memory_space<semaphore_mem>>) src(%arg9 : memref<125x128xbf16, #tpu.memory_space<vmem>>) dst(%dma_wait3A_122 : memref<125x128xbf16, #tpu.memory_space<vmem_shared>>)
    %mul3A_123 = arith.constant 640 : i32
    %mul3A_124 = arith.muli %arg1, %mul3A_123 : i32
    %add3A_125 = arith.constant 500 : i32
    %add3A_126 = arith.addi %mul3A_124, %add3A_125 : i32
    %dma_wait3A_127 = arith.constant 0 : i32
    %dma_wait3A_128 = tpu.memref_slice %arg24[%add3A_126, %dma_wait3A_127] : memref<10240x128xbf16, #tpu.memory_space<vmem_shared>> -> memref<125x128xbf16, #tpu.memory_space<vmem_shared>>
    %dma_wait3A_129 = arith.constant 0 : i32
    %dma_wait3A_130 = tpu.memref_slice %arg24[%add3A_126, %dma_wait3A_129] : memref<10240x128xbf16, #tpu.memory_space<vmem_shared>> -> memref<125x128xbf16, #tpu.memory_space<vmem_shared>>
    tpu.wait_dma2 semaphore(%arg17 : memref<!tpu.dma_semaphore, #tpu.memory_space<semaphore_mem>>) src(%arg9 : memref<125x128xbf16, #tpu.memory_space<vmem>>) dst(%dma_wait3A_130 : memref<125x128xbf16, #tpu.memory_space<vmem_shared>>)
    %mul3A_131 = arith.constant 640 : i32
    %mul3A_132 = arith.muli %arg1, %mul3A_131 : i32
    %add3A_133 = arith.constant 625 : i32
    %add3A_134 = arith.addi %mul3A_132, %add3A_133 : i32
    %dma_wait3A_135 = arith.constant 0 : i32
    %dma_wait3A_136 = arith.constant 0 : i32
    %dma_wait3A_137 = tpu.memref_slice %arg9[%dma_wait3A_135, %dma_wait3A_136] : memref<125x128xbf16, #tpu.memory_space<vmem>> -> memref<15x128xbf16, #tpu.memory_space<vmem>>
    %dma_wait3A_138 = arith.constant 0 : i32
    %dma_wait3A_139 = tpu.memref_slice %arg24[%add3A_134, %dma_wait3A_138] : memref<10240x128xbf16, #tpu.memory_space<vmem_shared>> -> memref<15x128xbf16, #tpu.memory_space<vmem_shared>>
    %dma_wait3A_140 = arith.constant 0 : i32
    %dma_wait3A_141 = tpu.memref_slice %arg24[%add3A_134, %dma_wait3A_140] : memref<10240x128xbf16, #tpu.memory_space<vmem_shared>> -> memref<15x128xbf16, #tpu.memory_space<vmem_shared>>
    %dma_wait3A_142 = arith.constant 0 : i32
    %dma_wait3A_143 = arith.constant 0 : i32
    %dma_wait3A_144 = tpu.memref_slice %arg9[%dma_wait3A_142, %dma_wait3A_143] : memref<125x128xbf16, #tpu.memory_space<vmem>> -> memref<15x128xbf16, #tpu.memory_space<vmem>>
    tpu.wait_dma2 semaphore(%arg17 : memref<!tpu.dma_semaphore, #tpu.memory_space<semaphore_mem>>) src(%dma_wait3A_144 : memref<15x128xbf16, #tpu.memory_space<vmem>>) dst(%dma_wait3A_141 : memref<15x128xbf16, #tpu.memory_space<vmem_shared>>)
    %scan3A_145 = arith.constant 0 : i32
    %scan3A_146 = arith.constant 0 : i32
    %scan3A_147 = arith.constant 40 : i32
    %scan3A_148 = arith.addi %scan3A_146, %scan3A_147 : i32
    %scan3A_149 = arith.constant 1 : i32
    scf.for %scan3A_280 = %scan3A_146 to %scan3A_148 step %scan3A_149  : i32 {
      %broadcast_in_dim3A_281 = arith.constant 0.000000e+00 : f32
      %broadcast_in_dim3A_282 = vector.broadcast %broadcast_in_dim3A_281 : f32 to vector<16xf32>
      %mul3A_283 = arith.constant 16 : i32
      %mul3A_284 = arith.muli %scan3A_280, %mul3A_283 : i32
      %swap3A_285 = arith.index_cast %mul3A_284 : i32 to index
      %swap3A_286 = tpu.vector_load %arg22[%swap3A_285] {strides = array<i32>} : memref<640xf32, #tpu.memory_space<vmem>>, vector<16xf32>,
      %swap3A_287 = vector.shape_cast %swap3A_286 : vector<16xf32> to vector<16xf32>
      %swap3A_288 = vector.shape_cast %broadcast_in_dim3A_282 : vector<16xf32> to vector<16xf32>
      tpu.vector_store %arg22[%swap3A_285], %swap3A_288 {strides = array<i32>} : memref<640xf32, #tpu.memory_space<vmem>>, vector<16xf32>,
    }
    %scan3A_150 = arith.constant 40 : i32
    %mul3A_151 = arith.constant 640 : i32
    %mul3A_152 = arith.muli %arg1, %mul3A_151 : i32
    "tpu.region"() ({
      %run_scoped3A = tpu.sem_alloc : memref<!tpu.dma_semaphore, #tpu.memory_space<semaphore_mem>>
      %dma_start3A_280 = tpu.memref_slice %arg23[%mul3A_152] : memref<10240xf32, #tpu.memory_space<vmem_shared>> -> memref<640xf32, #tpu.memory_space<vmem_shared>>
      %dma_start3A_281 = tpu.memref_slice %arg23[%mul3A_152] : memref<10240xf32, #tpu.memory_space<vmem_shared>> -> memref<640xf32, #tpu.memory_space<vmem_shared>>
      tpu.enqueue_dma source(%arg22 : memref<640xf32, #tpu.memory_space<vmem>>) target(%dma_start3A_281 : memref<640xf32, #tpu.memory_space<vmem_shared>>) target_semaphore(%run_scoped3A : memref<!tpu.dma_semaphore, #tpu.memory_space<semaphore_mem>>)
      %dma_wait3A_282 = tpu.memref_slice %arg23[%mul3A_152] : memref<10240xf32, #tpu.memory_space<vmem_shared>> -> memref<640xf32, #tpu.memory_space<vmem_shared>>
      %dma_wait3A_283 = tpu.memref_slice %arg23[%mul3A_152] : memref<10240xf32, #tpu.memory_space<vmem_shared>> -> memref<640xf32, #tpu.memory_space<vmem_shared>>
      tpu.wait_dma2 semaphore(%run_scoped3A : memref<!tpu.dma_semaphore, #tpu.memory_space<semaphore_mem>>) src(%arg22 : memref<640xf32, #tpu.memory_space<vmem>>) dst(%dma_wait3A_283 : memref<640xf32, #tpu.memory_space<vmem_shared>>)
      tpu.yield
    }) : () -> ()
    %broadcast_in_dim3A = arith.constant 1.000000e+00 : f32
    %broadcast_in_dim3A_153 = vector.broadcast %broadcast_in_dim3A : f32 to vector<16xf32>
    %swap3A = arith.constant 0 : index
    %swap3A_154 = tpu.vector_load %arg21[%swap3A] {strides = array<i32>} : memref<128xf32, #tpu.memory_space<vmem>>, vector<16xf32>,
    %swap3A_155 = vector.shape_cast %swap3A_154 : vector<16xf32> to vector<16xf32>
    %swap3A_156 = vector.shape_cast %broadcast_in_dim3A_153 : vector<16xf32> to vector<16xf32>
    tpu.vector_store %arg21[%swap3A], %swap3A_156 {strides = array<i32>} : memref<128xf32, #tpu.memory_space<vmem>>, vector<16xf32>,
    %broadcast_in_dim3A_157 = arith.constant 1.000000e+00 : f32
    %broadcast_in_dim3A_158 = vector.broadcast %broadcast_in_dim3A_157 : f32 to vector<16xf32>
    %swap3A_159 = arith.constant 16 : index
    %swap3A_160 = tpu.vector_load %arg21[%swap3A_159] {strides = array<i32>} : memref<128xf32, #tpu.memory_space<vmem>>, vector<16xf32>,
    %swap3A_161 = vector.shape_cast %swap3A_160 : vector<16xf32> to vector<16xf32>
    %swap3A_162 = vector.shape_cast %broadcast_in_dim3A_158 : vector<16xf32> to vector<16xf32>
    tpu.vector_store %arg21[%swap3A_159], %swap3A_162 {strides = array<i32>} : memref<128xf32, #tpu.memory_space<vmem>>, vector<16xf32>,
    %broadcast_in_dim3A_163 = arith.constant 1.000000e+00 : f32
    %broadcast_in_dim3A_164 = vector.broadcast %broadcast_in_dim3A_163 : f32 to vector<16xf32>
    %swap3A_165 = arith.constant 32 : index
    %swap3A_166 = tpu.vector_load %arg21[%swap3A_165] {strides = array<i32>} : memref<128xf32, #tpu.memory_space<vmem>>, vector<16xf32>,
    %swap3A_167 = vector.shape_cast %swap3A_166 : vector<16xf32> to vector<16xf32>
    %swap3A_168 = vector.shape_cast %broadcast_in_dim3A_164 : vector<16xf32> to vector<16xf32>
    tpu.vector_store %arg21[%swap3A_165], %swap3A_168 {strides = array<i32>} : memref<128xf32, #tpu.memory_space<vmem>>, vector<16xf32>,
    %broadcast_in_dim3A_169 = arith.constant 1.000000e+00 : f32
    %broadcast_in_dim3A_170 = vector.broadcast %broadcast_in_dim3A_169 : f32 to vector<16xf32>
    %swap3A_171 = arith.constant 48 : index
    %swap3A_172 = tpu.vector_load %arg21[%swap3A_171] {strides = array<i32>} : memref<128xf32, #tpu.memory_space<vmem>>, vector<16xf32>,
    %swap3A_173 = vector.shape_cast %swap3A_172 : vector<16xf32> to vector<16xf32>
    %swap3A_174 = vector.shape_cast %broadcast_in_dim3A_170 : vector<16xf32> to vector<16xf32>
    tpu.vector_store %arg21[%swap3A_171], %swap3A_174 {strides = array<i32>} : memref<128xf32, #tpu.memory_space<vmem>>, vector<16xf32>,
    %broadcast_in_dim3A_175 = arith.constant 1.000000e+00 : f32
    %broadcast_in_dim3A_176 = vector.broadcast %broadcast_in_dim3A_175 : f32 to vector<16xf32>
    %swap3A_177 = arith.constant 64 : index
    %swap3A_178 = tpu.vector_load %arg21[%swap3A_177] {strides = array<i32>} : memref<128xf32, #tpu.memory_space<vmem>>, vector<16xf32>,
    %swap3A_179 = vector.shape_cast %swap3A_178 : vector<16xf32> to vector<16xf32>
    %swap3A_180 = vector.shape_cast %broadcast_in_dim3A_176 : vector<16xf32> to vector<16xf32>
    tpu.vector_store %arg21[%swap3A_177], %swap3A_180 {strides = array<i32>} : memref<128xf32, #tpu.memory_space<vmem>>, vector<16xf32>,
    %broadcast_in_dim3A_181 = arith.constant 1.000000e+00 : f32
    %broadcast_in_dim3A_182 = vector.broadcast %broadcast_in_dim3A_181 : f32 to vector<16xf32>
    %swap3A_183 = arith.constant 80 : index
    %swap3A_184 = tpu.vector_load %arg21[%swap3A_183] {strides = array<i32>} : memref<128xf32, #tpu.memory_space<vmem>>, vector<16xf32>,
    %swap3A_185 = vector.shape_cast %swap3A_184 : vector<16xf32> to vector<16xf32>
    %swap3A_186 = vector.shape_cast %broadcast_in_dim3A_182 : vector<16xf32> to vector<16xf32>
    tpu.vector_store %arg21[%swap3A_183], %swap3A_186 {strides = array<i32>} : memref<128xf32, #tpu.memory_space<vmem>>, vector<16xf32>,
    %broadcast_in_dim3A_187 = arith.constant 1.000000e+00 : f32
    %broadcast_in_dim3A_188 = vector.broadcast %broadcast_in_dim3A_187 : f32 to vector<16xf32>
    %swap3A_189 = arith.constant 96 : index
    %swap3A_190 = tpu.vector_load %arg21[%swap3A_189] {strides = array<i32>} : memref<128xf32, #tpu.memory_space<vmem>>, vector<16xf32>,
    %swap3A_191 = vector.shape_cast %swap3A_190 : vector<16xf32> to vector<16xf32>
    %swap3A_192 = vector.shape_cast %broadcast_in_dim3A_188 : vector<16xf32> to vector<16xf32>
    tpu.vector_store %arg21[%swap3A_189], %swap3A_192 {strides = array<i32>} : memref<128xf32, #tpu.memory_space<vmem>>, vector<16xf32>,
    %broadcast_in_dim3A_193 = arith.constant 1.000000e+00 : f32
    %broadcast_in_dim3A_194 = vector.broadcast %broadcast_in_dim3A_193 : f32 to vector<16xf32>
    %swap3A_195 = arith.constant 112 : index
    %swap3A_196 = tpu.vector_load %arg21[%swap3A_195] {strides = array<i32>} : memref<128xf32, #tpu.memory_space<vmem>>, vector<16xf32>,
    %swap3A_197 = vector.shape_cast %swap3A_196 : vector<16xf32> to vector<16xf32>
    %swap3A_198 = vector.shape_cast %broadcast_in_dim3A_194 : vector<16xf32> to vector<16xf32>
    tpu.vector_store %arg21[%swap3A_195], %swap3A_198 {strides = array<i32>} : memref<128xf32, #tpu.memory_space<vmem>>, vector<16xf32>,
    %dma_start3A_199 = arith.constant 0 : i32
    %dma_start3A_200 = arith.constant 0 : i32
    %dma_start3A_201 = tpu.memref_slice %arg7[%dma_start3A_199, %dma_start3A_200] : memref<80x125xi32, #tpu.memory_space<vmem>> -> memref<1x125xi32, #tpu.memory_space<vmem>>
    %dma_start3A_202 = tpu.memref_squeeze %dma_start3A_201 : memref<1x125xi32, #tpu.memory_space<vmem>> -> memref<125xi32, #tpu.memory_space<vmem>>
    %dma_start3A_203 = arith.constant 0 : i32
    %dma_start3A_204 = arith.constant 0 : i32
    %dma_start3A_205 = tpu.memref_slice %arg2[%dma_start3A_203, %dma_start3A_204] : memref<10000x128xbf16, #tpu.memory_space<hbm>> -> memref<10000x128xbf16, #tpu.memory_space<hbm>>
    tpu.enqueue_indirect_dma source(%dma_start3A_205 : memref<10000x128xbf16, #tpu.memory_space<hbm>>) target(%arg9 : memref<125x128xbf16, #tpu.memory_space<vmem>>) offsets(%dma_start3A_202 : memref<125xi32, #tpu.memory_space<vmem>>) semaphore(%arg13 : memref<!tpu.dma_semaphore, #tpu.memory_space<semaphore_mem>>)
    %dma_start3A_206 = arith.constant 1 : i32
    %dma_start3A_207 = arith.constant 0 : i32
    %dma_start3A_208 = tpu.memref_slice %arg7[%dma_start3A_206, %dma_start3A_207] : memref<80x125xi32, #tpu.memory_space<vmem>> -> memref<1x125xi32, #tpu.memory_space<vmem>>
    %dma_start3A_209 = tpu.memref_squeeze %dma_start3A_208 : memref<1x125xi32, #tpu.memory_space<vmem>> -> memref<125xi32, #tpu.memory_space<vmem>>
    %dma_start3A_210 = arith.constant 0 : i32
    %dma_start3A_211 = arith.constant 0 : i32
    %dma_start3A_212 = tpu.memref_slice %arg2[%dma_start3A_210, %dma_start3A_211] : memref<10000x128xbf16, #tpu.memory_space<hbm>> -> memref<10000x128xbf16, #tpu.memory_space<hbm>>
    tpu.enqueue_indirect_dma source(%dma_start3A_212 : memref<10000x128xbf16, #tpu.memory_space<hbm>>) target(%arg10 : memref<125x128xbf16, #tpu.memory_space<vmem>>) offsets(%dma_start3A_209 : memref<125xi32, #tpu.memory_space<vmem>>) semaphore(%arg14 : memref<!tpu.dma_semaphore, #tpu.memory_space<semaphore_mem>>)
    %dma_start3A_213 = arith.constant 2 : i32
    %dma_start3A_214 = arith.constant 0 : i32
    %dma_start3A_215 = tpu.memref_slice %arg7[%dma_start3A_213, %dma_start3A_214] : memref<80x125xi32, #tpu.memory_space<vmem>> -> memref<1x125xi32, #tpu.memory_space<vmem>>
    %dma_start3A_216 = tpu.memref_squeeze %dma_start3A_215 : memref<1x125xi32, #tpu.memory_space<vmem>> -> memref<125xi32, #tpu.memory_space<vmem>>
    %dma_start3A_217 = arith.constant 0 : i32
    %dma_start3A_218 = arith.constant 0 : i32
    %dma_start3A_219 = tpu.memref_slice %arg2[%dma_start3A_217, %dma_start3A_218] : memref<10000x128xbf16, #tpu.memory_space<hbm>> -> memref<10000x128xbf16, #tpu.memory_space<hbm>>
    tpu.enqueue_indirect_dma source(%dma_start3A_219 : memref<10000x128xbf16, #tpu.memory_space<hbm>>) target(%arg11 : memref<125x128xbf16, #tpu.memory_space<vmem>>) offsets(%dma_start3A_216 : memref<125xi32, #tpu.memory_space<vmem>>) semaphore(%arg15 : memref<!tpu.dma_semaphore, #tpu.memory_space<semaphore_mem>>)
    %dma_start3A_220 = arith.constant 3 : i32
    %dma_start3A_221 = arith.constant 0 : i32
    %dma_start3A_222 = tpu.memref_slice %arg7[%dma_start3A_220, %dma_start3A_221] : memref<80x125xi32, #tpu.memory_space<vmem>> -> memref<1x125xi32, #tpu.memory_space<vmem>>
    %dma_start3A_223 = tpu.memref_squeeze %dma_start3A_222 : memref<1x125xi32, #tpu.memory_space<vmem>> -> memref<125xi32, #tpu.memory_space<vmem>>
    %dma_start3A_224 = arith.constant 0 : i32
    %dma_start3A_225 = arith.constant 0 : i32
    %dma_start3A_226 = tpu.memref_slice %arg2[%dma_start3A_224, %dma_start3A_225] : memref<10000x128xbf16, #tpu.memory_space<hbm>> -> memref<10000x128xbf16, #tpu.memory_space<hbm>>
    tpu.enqueue_indirect_dma source(%dma_start3A_226 : memref<10000x128xbf16, #tpu.memory_space<hbm>>) target(%arg12 : memref<125x128xbf16, #tpu.memory_space<vmem>>) offsets(%dma_start3A_223 : memref<125xi32, #tpu.memory_space<vmem>>) semaphore(%arg16 : memref<!tpu.dma_semaphore, #tpu.memory_space<semaphore_mem>>)
    %barrier3A = arith.constant 0 : index
    tpu.barrier barrier_id(%barrier3A)
    %scan3A_227 = arith.constant 0 : i32
    %scan3A_228 = arith.constant 0 : i32
    %scan3A_229 = arith.constant 20 : i32
    %scan3A_230 = arith.addi %scan3A_228, %scan3A_229 : i32
    %scan3A_231 = arith.constant 1 : i32
    scf.for %scan3A_280 = %scan3A_228 to %scan3A_230 step %scan3A_231  : i32 {
      %mul3A_281 = arith.constant 4 : i32
      %mul3A_282 = arith.muli %scan3A_280, %mul3A_281 : i32
      %dma_wait3A_283 = arith.constant 0 : i32
      %dma_wait3A_284 = arith.constant 0 : i32
      %dma_wait3A_285 = tpu.memref_slice %arg2[%dma_wait3A_283, %dma_wait3A_284] : memref<10000x128xbf16, #tpu.memory_space<hbm>> -> memref<125x128xbf16, #tpu.memory_space<hbm>>
      %dma_wait3A_286 = arith.constant 0 : i32
      %dma_wait3A_287 = arith.constant 0 : i32
      %dma_wait3A_288 = tpu.memref_slice %arg2[%dma_wait3A_286, %dma_wait3A_287] : memref<10000x128xbf16, #tpu.memory_space<hbm>> -> memref<125x128xbf16, #tpu.memory_space<hbm>>
      tpu.wait_dma2 semaphore(%arg13 : memref<!tpu.dma_semaphore, #tpu.memory_space<semaphore_mem>>) src(%dma_wait3A_288 : memref<125x128xbf16, #tpu.memory_space<hbm>>) dst(%arg9 : memref<125x128xbf16, #tpu.memory_space<vmem>>)
      %add3A_289 = arith.constant 0 : i32
      %add3A_290 = arith.addi %mul3A_282, %add3A_289 : i32
      %dma_start3A_291 = arith.constant 0 : i32
      %dma_start3A_292 = tpu.memref_slice %arg8[%add3A_290, %dma_start3A_291] : memref<80x125xi32, #tpu.memory_space<vmem>> -> memref<1x125xi32, #tpu.memory_space<vmem>>
      %dma_start3A_293 = tpu.memref_squeeze %dma_start3A_292 : memref<1x125xi32, #tpu.memory_space<vmem>> -> memref<125xi32, #tpu.memory_space<vmem>>
      %dma_start3A_294 = arith.constant 0 : i32
      %dma_start3A_295 = arith.constant 0 : i32
      %dma_start3A_296 = tpu.memref_slice %arg24[%dma_start3A_294, %dma_start3A_295] : memref<10240x128xbf16, #tpu.memory_space<vmem_shared>> -> memref<10240x128xbf16, #tpu.memory_space<vmem_shared>>
      tpu.enqueue_indirect_dma source(%arg9 : memref<125x128xbf16, #tpu.memory_space<vmem>>) target(%dma_start3A_296 : memref<10240x128xbf16, #tpu.memory_space<vmem_shared>>) offsets(%dma_start3A_293 : memref<125xi32, #tpu.memory_space<vmem>>) semaphore(%arg17 : memref<!tpu.dma_semaphore, #tpu.memory_space<semaphore_mem>>) {add = true}
      "tpu.region"() ({
        %run_scoped3A = tpu.sem_alloc : memref<!tpu.dma_semaphore, #tpu.memory_space<semaphore_mem>>
        %dma_start3A_372 = arith.constant 0 : i32
        %dma_start3A_373 = tpu.memref_slice %arg21[%dma_start3A_372] : memref<128xf32, #tpu.memory_space<vmem>> -> memref<125xf32, #tpu.memory_space<vmem>>
        %dma_start3A_374 = arith.constant 0 : i32
        %dma_start3A_375 = tpu.memref_slice %arg8[%add3A_290, %dma_start3A_374] : memref<80x125xi32, #tpu.memory_space<vmem>> -> memref<1x125xi32, #tpu.memory_space<vmem>>
        %dma_start3A_376 = tpu.memref_squeeze %dma_start3A_375 : memref<1x125xi32, #tpu.memory_space<vmem>> -> memref<125xi32, #tpu.memory_space<vmem>>
        %dma_start3A_377 = arith.constant 0 : i32
        %dma_start3A_378 = tpu.memref_slice %arg23[%dma_start3A_377] : memref<10240xf32, #tpu.memory_space<vmem_shared>> -> memref<10240xf32, #tpu.memory_space<vmem_shared>>
        tpu.enqueue_indirect_dma source(%dma_start3A_373 : memref<125xf32, #tpu.memory_space<vmem>>) target(%dma_start3A_378 : memref<10240xf32, #tpu.memory_space<vmem_shared>>) offsets(%dma_start3A_376 : memref<125xi32, #tpu.memory_space<vmem>>) semaphore(%run_scoped3A : memref<!tpu.dma_semaphore, #tpu.memory_space<semaphore_mem>>) {add = true}
        %dma_wait3A_379 = arith.constant 0 : i32
        %dma_wait3A_380 = tpu.memref_slice %arg21[%dma_wait3A_379] : memref<128xf32, #tpu.memory_space<vmem>> -> memref<125xf32, #tpu.memory_space<vmem>>
        %dma_wait3A_381 = arith.constant 0 : i32
        %dma_wait3A_382 = tpu.memref_slice %arg8[%add3A_290, %dma_wait3A_381] : memref<80x125xi32, #tpu.memory_space<vmem>> -> memref<1x125xi32, #tpu.memory_space<vmem>>
        %dma_wait3A_383 = tpu.memref_squeeze %dma_wait3A_382 : memref<1x125xi32, #tpu.memory_space<vmem>> -> memref<125xi32, #tpu.memory_space<vmem>>
        %dma_wait3A_384 = arith.constant 0 : i32
        %dma_wait3A_385 = tpu.memref_slice %arg23[%dma_wait3A_384] : memref<10240xf32, #tpu.memory_space<vmem_shared>> -> memref<10240xf32, #tpu.memory_space<vmem_shared>>
        tpu.wait_indirect_dma semaphore(%run_scoped3A : memref<!tpu.dma_semaphore, #tpu.memory_space<semaphore_mem>>) src(%dma_wait3A_380 : memref<125xf32, #tpu.memory_space<vmem>>) dst(%dma_wait3A_385 : memref<10240xf32, #tpu.memory_space<vmem_shared>>)
        tpu.yield
      }) : () -> ()
      %dma_wait3A_297 = arith.constant 0 : i32
      %dma_wait3A_298 = arith.constant 0 : i32
      %dma_wait3A_299 = tpu.memref_slice %arg2[%dma_wait3A_297, %dma_wait3A_298] : memref<10000x128xbf16, #tpu.memory_space<hbm>> -> memref<125x128xbf16, #tpu.memory_space<hbm>>
      %dma_wait3A_300 = arith.constant 0 : i32
      %dma_wait3A_301 = arith.constant 0 : i32
      %dma_wait3A_302 = tpu.memref_slice %arg2[%dma_wait3A_300, %dma_wait3A_301] : memref<10000x128xbf16, #tpu.memory_space<hbm>> -> memref<125x128xbf16, #tpu.memory_space<hbm>>
      tpu.wait_dma2 semaphore(%arg14 : memref<!tpu.dma_semaphore, #tpu.memory_space<semaphore_mem>>) src(%dma_wait3A_302 : memref<125x128xbf16, #tpu.memory_space<hbm>>) dst(%arg10 : memref<125x128xbf16, #tpu.memory_space<vmem>>)
      %add3A_303 = arith.constant 1 : i32
      %add3A_304 = arith.addi %mul3A_282, %add3A_303 : i32
      %dma_start3A_305 = arith.constant 0 : i32
      %dma_start3A_306 = tpu.memref_slice %arg8[%add3A_304, %dma_start3A_305] : memref<80x125xi32, #tpu.memory_space<vmem>> -> memref<1x125xi32, #tpu.memory_space<vmem>>
      %dma_start3A_307 = tpu.memref_squeeze %dma_start3A_306 : memref<1x125xi32, #tpu.memory_space<vmem>> -> memref<125xi32, #tpu.memory_space<vmem>>
      %dma_start3A_308 = arith.constant 0 : i32
      %dma_start3A_309 = arith.constant 0 : i32
      %dma_start3A_310 = tpu.memref_slice %arg24[%dma_start3A_308, %dma_start3A_309] : memref<10240x128xbf16, #tpu.memory_space<vmem_shared>> -> memref<10240x128xbf16, #tpu.memory_space<vmem_shared>>
      tpu.enqueue_indirect_dma source(%arg10 : memref<125x128xbf16, #tpu.memory_space<vmem>>) target(%dma_start3A_310 : memref<10240x128xbf16, #tpu.memory_space<vmem_shared>>) offsets(%dma_start3A_307 : memref<125xi32, #tpu.memory_space<vmem>>) semaphore(%arg18 : memref<!tpu.dma_semaphore, #tpu.memory_space<semaphore_mem>>) {add = true}
      "tpu.region"() ({
        %run_scoped3A = tpu.sem_alloc : memref<!tpu.dma_semaphore, #tpu.memory_space<semaphore_mem>>
        %dma_start3A_372 = arith.constant 0 : i32
        %dma_start3A_373 = tpu.memref_slice %arg21[%dma_start3A_372] : memref<128xf32, #tpu.memory_space<vmem>> -> memref<125xf32, #tpu.memory_space<vmem>>
        %dma_start3A_374 = arith.constant 0 : i32
        %dma_start3A_375 = tpu.memref_slice %arg8[%add3A_304, %dma_start3A_374] : memref<80x125xi32, #tpu.memory_space<vmem>> -> memref<1x125xi32, #tpu.memory_space<vmem>>
        %dma_start3A_376 = tpu.memref_squeeze %dma_start3A_375 : memref<1x125xi32, #tpu.memory_space<vmem>> -> memref<125xi32, #tpu.memory_space<vmem>>
        %dma_start3A_377 = arith.constant 0 : i32
        %dma_start3A_378 = tpu.memref_slice %arg23[%dma_start3A_377] : memref<10240xf32, #tpu.memory_space<vmem_shared>> -> memref<10240xf32, #tpu.memory_space<vmem_shared>>
        tpu.enqueue_indirect_dma source(%dma_start3A_373 : memref<125xf32, #tpu.memory_space<vmem>>) target(%dma_start3A_378 : memref<10240xf32, #tpu.memory_space<vmem_shared>>) offsets(%dma_start3A_376 : memref<125xi32, #tpu.memory_space<vmem>>) semaphore(%run_scoped3A : memref<!tpu.dma_semaphore, #tpu.memory_space<semaphore_mem>>) {add = true}
        %dma_wait3A_379 = arith.constant 0 : i32
        %dma_wait3A_380 = tpu.memref_slice %arg21[%dma_wait3A_379] : memref<128xf32, #tpu.memory_space<vmem>> -> memref<125xf32, #tpu.memory_space<vmem>>
        %dma_wait3A_381 = arith.constant 0 : i32
        %dma_wait3A_382 = tpu.memref_slice %arg8[%add3A_304, %dma_wait3A_381] : memref<80x125xi32, #tpu.memory_space<vmem>> -> memref<1x125xi32, #tpu.memory_space<vmem>>
        %dma_wait3A_383 = tpu.memref_squeeze %dma_wait3A_382 : memref<1x125xi32, #tpu.memory_space<vmem>> -> memref<125xi32, #tpu.memory_space<vmem>>
        %dma_wait3A_384 = arith.constant 0 : i32
        %dma_wait3A_385 = tpu.memref_slice %arg23[%dma_wait3A_384] : memref<10240xf32, #tpu.memory_space<vmem_shared>> -> memref<10240xf32, #tpu.memory_space<vmem_shared>>
        tpu.wait_indirect_dma semaphore(%run_scoped3A : memref<!tpu.dma_semaphore, #tpu.memory_space<semaphore_mem>>) src(%dma_wait3A_380 : memref<125xf32, #tpu.memory_space<vmem>>) dst(%dma_wait3A_385 : memref<10240xf32, #tpu.memory_space<vmem_shared>>)
        tpu.yield
      }) : () -> ()
      %dma_wait3A_311 = arith.constant 0 : i32
      %dma_wait3A_312 = arith.constant 0 : i32
      %dma_wait3A_313 = tpu.memref_slice %arg2[%dma_wait3A_311, %dma_wait3A_312] : memref<10000x128xbf16, #tpu.memory_space<hbm>> -> memref<125x128xbf16, #tpu.memory_space<hbm>>
      %dma_wait3A_314 = arith.constant 0 : i32
      %dma_wait3A_315 = arith.constant 0 : i32
      %dma_wait3A_316 = tpu.memref_slice %arg2[%dma_wait3A_314, %dma_wait3A_315] : memref<10000x128xbf16, #tpu.memory_space<hbm>> -> memref<125x128xbf16, #tpu.memory_space<hbm>>
      tpu.wait_dma2 semaphore(%arg15 : memref<!tpu.dma_semaphore, #tpu.memory_space<semaphore_mem>>) src(%dma_wait3A_316 : memref<125x128xbf16, #tpu.memory_space<hbm>>) dst(%arg11 : memref<125x128xbf16, #tpu.memory_space<vmem>>)
      %add3A_317 = arith.constant 2 : i32
      %add3A_318 = arith.addi %mul3A_282, %add3A_317 : i32
      %dma_start3A_319 = arith.constant 0 : i32
      %dma_start3A_320 = tpu.memref_slice %arg8[%add3A_318, %dma_start3A_319] : memref<80x125xi32, #tpu.memory_space<vmem>> -> memref<1x125xi32, #tpu.memory_space<vmem>>
      %dma_start3A_321 = tpu.memref_squeeze %dma_start3A_320 : memref<1x125xi32, #tpu.memory_space<vmem>> -> memref<125xi32, #tpu.memory_space<vmem>>
      %dma_start3A_322 = arith.constant 0 : i32
      %dma_start3A_323 = arith.constant 0 : i32
      %dma_start3A_324 = tpu.memref_slice %arg24[%dma_start3A_322, %dma_start3A_323] : memref<10240x128xbf16, #tpu.memory_space<vmem_shared>> -> memref<10240x128xbf16, #tpu.memory_space<vmem_shared>>
      tpu.enqueue_indirect_dma source(%arg11 : memref<125x128xbf16, #tpu.memory_space<vmem>>) target(%dma_start3A_324 : memref<10240x128xbf16, #tpu.memory_space<vmem_shared>>) offsets(%dma_start3A_321 : memref<125xi32, #tpu.memory_space<vmem>>) semaphore(%arg19 : memref<!tpu.dma_semaphore, #tpu.memory_space<semaphore_mem>>) {add = true}
      "tpu.region"() ({
        %run_scoped3A = tpu.sem_alloc : memref<!tpu.dma_semaphore, #tpu.memory_space<semaphore_mem>>
        %dma_start3A_372 = arith.constant 0 : i32
        %dma_start3A_373 = tpu.memref_slice %arg21[%dma_start3A_372] : memref<128xf32, #tpu.memory_space<vmem>> -> memref<125xf32, #tpu.memory_space<vmem>>
        %dma_start3A_374 = arith.constant 0 : i32
        %dma_start3A_375 = tpu.memref_slice %arg8[%add3A_318, %dma_start3A_374] : memref<80x125xi32, #tpu.memory_space<vmem>> -> memref<1x125xi32, #tpu.memory_space<vmem>>
        %dma_start3A_376 = tpu.memref_squeeze %dma_start3A_375 : memref<1x125xi32, #tpu.memory_space<vmem>> -> memref<125xi32, #tpu.memory_space<vmem>>
        %dma_start3A_377 = arith.constant 0 : i32
        %dma_start3A_378 = tpu.memref_slice %arg23[%dma_start3A_377] : memref<10240xf32, #tpu.memory_space<vmem_shared>> -> memref<10240xf32, #tpu.memory_space<vmem_shared>>
        tpu.enqueue_indirect_dma source(%dma_start3A_373 : memref<125xf32, #tpu.memory_space<vmem>>) target(%dma_start3A_378 : memref<10240xf32, #tpu.memory_space<vmem_shared>>) offsets(%dma_start3A_376 : memref<125xi32, #tpu.memory_space<vmem>>) semaphore(%run_scoped3A : memref<!tpu.dma_semaphore, #tpu.memory_space<semaphore_mem>>) {add = true}
        %dma_wait3A_379 = arith.constant 0 : i32
        %dma_wait3A_380 = tpu.memref_slice %arg21[%dma_wait3A_379] : memref<128xf32, #tpu.memory_space<vmem>> -> memref<125xf32, #tpu.memory_space<vmem>>
        %dma_wait3A_381 = arith.constant 0 : i32
        %dma_wait3A_382 = tpu.memref_slice %arg8[%add3A_318, %dma_wait3A_381] : memref<80x125xi32, #tpu.memory_space<vmem>> -> memref<1x125xi32, #tpu.memory_space<vmem>>
        %dma_wait3A_383 = tpu.memref_squeeze %dma_wait3A_382 : memref<1x125xi32, #tpu.memory_space<vmem>> -> memref<125xi32, #tpu.memory_space<vmem>>
        %dma_wait3A_384 = arith.constant 0 : i32
        %dma_wait3A_385 = tpu.memref_slice %arg23[%dma_wait3A_384] : memref<10240xf32, #tpu.memory_space<vmem_shared>> -> memref<10240xf32, #tpu.memory_space<vmem_shared>>
        tpu.wait_indirect_dma semaphore(%run_scoped3A : memref<!tpu.dma_semaphore, #tpu.memory_space<semaphore_mem>>) src(%dma_wait3A_380 : memref<125xf32, #tpu.memory_space<vmem>>) dst(%dma_wait3A_385 : memref<10240xf32, #tpu.memory_space<vmem_shared>>)
        tpu.yield
      }) : () -> ()
      %dma_wait3A_325 = arith.constant 0 : i32
      %dma_wait3A_326 = arith.constant 0 : i32
      %dma_wait3A_327 = tpu.memref_slice %arg2[%dma_wait3A_325, %dma_wait3A_326] : memref<10000x128xbf16, #tpu.memory_space<hbm>> -> memref<125x128xbf16, #tpu.memory_space<hbm>>
      %dma_wait3A_328 = arith.constant 0 : i32
      %dma_wait3A_329 = arith.constant 0 : i32
      %dma_wait3A_330 = tpu.memref_slice %arg2[%dma_wait3A_328, %dma_wait3A_329] : memref<10000x128xbf16, #tpu.memory_space<hbm>> -> memref<125x128xbf16, #tpu.memory_space<hbm>>
      tpu.wait_dma2 semaphore(%arg16 : memref<!tpu.dma_semaphore, #tpu.memory_space<semaphore_mem>>) src(%dma_wait3A_330 : memref<125x128xbf16, #tpu.memory_space<hbm>>) dst(%arg12 : memref<125x128xbf16, #tpu.memory_space<vmem>>)
      %add3A_331 = arith.constant 3 : i32
      %add3A_332 = arith.addi %mul3A_282, %add3A_331 : i32
      %dma_start3A_333 = arith.constant 0 : i32
      %dma_start3A_334 = tpu.memref_slice %arg8[%add3A_332, %dma_start3A_333] : memref<80x125xi32, #tpu.memory_space<vmem>> -> memref<1x125xi32, #tpu.memory_space<vmem>>
      %dma_start3A_335 = tpu.memref_squeeze %dma_start3A_334 : memref<1x125xi32, #tpu.memory_space<vmem>> -> memref<125xi32, #tpu.memory_space<vmem>>
      %dma_start3A_336 = arith.constant 0 : i32
      %dma_start3A_337 = arith.constant 0 : i32
      %dma_start3A_338 = tpu.memref_slice %arg24[%dma_start3A_336, %dma_start3A_337] : memref<10240x128xbf16, #tpu.memory_space<vmem_shared>> -> memref<10240x128xbf16, #tpu.memory_space<vmem_shared>>
      tpu.enqueue_indirect_dma source(%arg12 : memref<125x128xbf16, #tpu.memory_space<vmem>>) target(%dma_start3A_338 : memref<10240x128xbf16, #tpu.memory_space<vmem_shared>>) offsets(%dma_start3A_335 : memref<125xi32, #tpu.memory_space<vmem>>) semaphore(%arg20 : memref<!tpu.dma_semaphore, #tpu.memory_space<semaphore_mem>>) {add = true}
      "tpu.region"() ({
        %run_scoped3A = tpu.sem_alloc : memref<!tpu.dma_semaphore, #tpu.memory_space<semaphore_mem>>
        %dma_start3A_372 = arith.constant 0 : i32
        %dma_start3A_373 = tpu.memref_slice %arg21[%dma_start3A_372] : memref<128xf32, #tpu.memory_space<vmem>> -> memref<125xf32, #tpu.memory_space<vmem>>
        %dma_start3A_374 = arith.constant 0 : i32
        %dma_start3A_375 = tpu.memref_slice %arg8[%add3A_332, %dma_start3A_374] : memref<80x125xi32, #tpu.memory_space<vmem>> -> memref<1x125xi32, #tpu.memory_space<vmem>>
        %dma_start3A_376 = tpu.memref_squeeze %dma_start3A_375 : memref<1x125xi32, #tpu.memory_space<vmem>> -> memref<125xi32, #tpu.memory_space<vmem>>
        %dma_start3A_377 = arith.constant 0 : i32
        %dma_start3A_378 = tpu.memref_slice %arg23[%dma_start3A_377] : memref<10240xf32, #tpu.memory_space<vmem_shared>> -> memref<10240xf32, #tpu.memory_space<vmem_shared>>
        tpu.enqueue_indirect_dma source(%dma_start3A_373 : memref<125xf32, #tpu.memory_space<vmem>>) target(%dma_start3A_378 : memref<10240xf32, #tpu.memory_space<vmem_shared>>) offsets(%dma_start3A_376 : memref<125xi32, #tpu.memory_space<vmem>>) semaphore(%run_scoped3A : memref<!tpu.dma_semaphore, #tpu.memory_space<semaphore_mem>>) {add = true}
        %dma_wait3A_379 = arith.constant 0 : i32
        %dma_wait3A_380 = tpu.memref_slice %arg21[%dma_wait3A_379] : memref<128xf32, #tpu.memory_space<vmem>> -> memref<125xf32, #tpu.memory_space<vmem>>
        %dma_wait3A_381 = arith.constant 0 : i32
        %dma_wait3A_382 = tpu.memref_slice %arg8[%add3A_332, %dma_wait3A_381] : memref<80x125xi32, #tpu.memory_space<vmem>> -> memref<1x125xi32, #tpu.memory_space<vmem>>
        %dma_wait3A_383 = tpu.memref_squeeze %dma_wait3A_382 : memref<1x125xi32, #tpu.memory_space<vmem>> -> memref<125xi32, #tpu.memory_space<vmem>>
        %dma_wait3A_384 = arith.constant 0 : i32
        %dma_wait3A_385 = tpu.memref_slice %arg23[%dma_wait3A_384] : memref<10240xf32, #tpu.memory_space<vmem_shared>> -> memref<10240xf32, #tpu.memory_space<vmem_shared>>
        tpu.wait_indirect_dma semaphore(%run_scoped3A : memref<!tpu.dma_semaphore, #tpu.memory_space<semaphore_mem>>) src(%dma_wait3A_380 : memref<125xf32, #tpu.memory_space<vmem>>) dst(%dma_wait3A_385 : memref<10240xf32, #tpu.memory_space<vmem_shared>>)
        tpu.yield
      }) : () -> ()
      %add3A_339 = arith.constant 4 : i32
      %add3A_340 = arith.addi %mul3A_282, %add3A_339 : i32
      %add3A_341 = arith.constant 0 : i32
      %add3A_342 = arith.addi %add3A_340, %add3A_341 : i32
      %lt3A = arith.constant 80 : i32
      %lt3A_343 = arith.cmpi slt, %add3A_342, %lt3A : i32
      %convert_element_type3A = arith.extui %lt3A_343 : i1 to i32
      %cond3A = arith.constant 0 : i32
      %cond3A_344 = arith.cmpi ne, %convert_element_type3A, %cond3A : i32
      scf.if %cond3A_344 {
        %dma_wait3A_372 = arith.constant 0 : i32
        %dma_wait3A_373 = arith.constant 0 : i32
        %dma_wait3A_374 = tpu.memref_slice %arg2[%dma_wait3A_372, %dma_wait3A_373] : memref<10000x128xbf16, #tpu.memory_space<hbm>> -> memref<125x128xbf16, #tpu.memory_space<hbm>>
        %dma_wait3A_375 = arith.constant 0 : i32
        %dma_wait3A_376 = arith.constant 0 : i32
        %dma_wait3A_377 = tpu.memref_slice %arg2[%dma_wait3A_375, %dma_wait3A_376] : memref<10000x128xbf16, #tpu.memory_space<hbm>> -> memref<125x128xbf16, #tpu.memory_space<hbm>>
        tpu.wait_dma2 semaphore(%arg17 : memref<!tpu.dma_semaphore, #tpu.memory_space<semaphore_mem>>) src(%dma_wait3A_377 : memref<125x128xbf16, #tpu.memory_space<hbm>>) dst(%arg9 : memref<125x128xbf16, #tpu.memory_space<vmem>>)
        %dma_start3A_378 = arith.constant 0 : i32
        %dma_start3A_379 = tpu.memref_slice %arg7[%add3A_342, %dma_start3A_378] : memref<80x125xi32, #tpu.memory_space<vmem>> -> memref<1x125xi32, #tpu.memory_space<vmem>>
        %dma_start3A_380 = tpu.memref_squeeze %dma_start3A_379 : memref<1x125xi32, #tpu.memory_space<vmem>> -> memref<125xi32, #tpu.memory_space<vmem>>
        %dma_start3A_381 = arith.constant 0 : i32
        %dma_start3A_382 = arith.constant 0 : i32
        %dma_start3A_383 = tpu.memref_slice %arg2[%dma_start3A_381, %dma_start3A_382] : memref<10000x128xbf16, #tpu.memory_space<hbm>> -> memref<10000x128xbf16, #tpu.memory_space<hbm>>
        tpu.enqueue_indirect_dma source(%dma_start3A_383 : memref<10000x128xbf16, #tpu.memory_space<hbm>>) target(%arg9 : memref<125x128xbf16, #tpu.memory_space<vmem>>) offsets(%dma_start3A_380 : memref<125xi32, #tpu.memory_space<vmem>>) semaphore(%arg13 : memref<!tpu.dma_semaphore, #tpu.memory_space<semaphore_mem>>)
      } else {
      }
      %add3A_345 = arith.constant 4 : i32
      %add3A_346 = arith.addi %mul3A_282, %add3A_345 : i32
      %add3A_347 = arith.constant 1 : i32
      %add3A_348 = arith.addi %add3A_346, %add3A_347 : i32
      %lt3A_349 = arith.constant 80 : i32
      %lt3A_350 = arith.cmpi slt, %add3A_348, %lt3A_349 : i32
      %convert_element_type3A_351 = arith.extui %lt3A_350 : i1 to i32
      %cond3A_352 = arith.constant 0 : i32
      %cond3A_353 = arith.cmpi ne, %convert_element_type3A_351, %cond3A_352 : i32
      scf.if %cond3A_353 {
        %dma_wait3A_372 = arith.constant 0 : i32
        %dma_wait3A_373 = arith.constant 0 : i32
        %dma_wait3A_374 = tpu.memref_slice %arg2[%dma_wait3A_372, %dma_wait3A_373] : memref<10000x128xbf16, #tpu.memory_space<hbm>> -> memref<125x128xbf16, #tpu.memory_space<hbm>>
        %dma_wait3A_375 = arith.constant 0 : i32
        %dma_wait3A_376 = arith.constant 0 : i32
        %dma_wait3A_377 = tpu.memref_slice %arg2[%dma_wait3A_375, %dma_wait3A_376] : memref<10000x128xbf16, #tpu.memory_space<hbm>> -> memref<125x128xbf16, #tpu.memory_space<hbm>>
        tpu.wait_dma2 semaphore(%arg18 : memref<!tpu.dma_semaphore, #tpu.memory_space<semaphore_mem>>) src(%dma_wait3A_377 : memref<125x128xbf16, #tpu.memory_space<hbm>>) dst(%arg10 : memref<125x128xbf16, #tpu.memory_space<vmem>>)
        %dma_start3A_378 = arith.constant 0 : i32
        %dma_start3A_379 = tpu.memref_slice %arg7[%add3A_348, %dma_start3A_378] : memref<80x125xi32, #tpu.memory_space<vmem>> -> memref<1x125xi32, #tpu.memory_space<vmem>>
        %dma_start3A_380 = tpu.memref_squeeze %dma_start3A_379 : memref<1x125xi32, #tpu.memory_space<vmem>> -> memref<125xi32, #tpu.memory_space<vmem>>
        %dma_start3A_381 = arith.constant 0 : i32
        %dma_start3A_382 = arith.constant 0 : i32
        %dma_start3A_383 = tpu.memref_slice %arg2[%dma_start3A_381, %dma_start3A_382] : memref<10000x128xbf16, #tpu.memory_space<hbm>> -> memref<10000x128xbf16, #tpu.memory_space<hbm>>
        tpu.enqueue_indirect_dma source(%dma_start3A_383 : memref<10000x128xbf16, #tpu.memory_space<hbm>>) target(%arg10 : memref<125x128xbf16, #tpu.memory_space<vmem>>) offsets(%dma_start3A_380 : memref<125xi32, #tpu.memory_space<vmem>>) semaphore(%arg14 : memref<!tpu.dma_semaphore, #tpu.memory_space<semaphore_mem>>)
      } else {
      }
      %add3A_354 = arith.constant 4 : i32
      %add3A_355 = arith.addi %mul3A_282, %add3A_354 : i32
      %add3A_356 = arith.constant 2 : i32
      %add3A_357 = arith.addi %add3A_355, %add3A_356 : i32
      %lt3A_358 = arith.constant 80 : i32
      %lt3A_359 = arith.cmpi slt, %add3A_357, %lt3A_358 : i32
      %convert_element_type3A_360 = arith.extui %lt3A_359 : i1 to i32
      %cond3A_361 = arith.constant 0 : i32
      %cond3A_362 = arith.cmpi ne, %convert_element_type3A_360, %cond3A_361 : i32
      scf.if %cond3A_362 {
        %dma_wait3A_372 = arith.constant 0 : i32
        %dma_wait3A_373 = arith.constant 0 : i32
        %dma_wait3A_374 = tpu.memref_slice %arg2[%dma_wait3A_372, %dma_wait3A_373] : memref<10000x128xbf16, #tpu.memory_space<hbm>> -> memref<125x128xbf16, #tpu.memory_space<hbm>>
        %dma_wait3A_375 = arith.constant 0 : i32
        %dma_wait3A_376 = arith.constant 0 : i32
        %dma_wait3A_377 = tpu.memref_slice %arg2[%dma_wait3A_375, %dma_wait3A_376] : memref<10000x128xbf16, #tpu.memory_space<hbm>> -> memref<125x128xbf16, #tpu.memory_space<hbm>>
        tpu.wait_dma2 semaphore(%arg19 : memref<!tpu.dma_semaphore, #tpu.memory_space<semaphore_mem>>) src(%dma_wait3A_377 : memref<125x128xbf16, #tpu.memory_space<hbm>>) dst(%arg11 : memref<125x128xbf16, #tpu.memory_space<vmem>>)
        %dma_start3A_378 = arith.constant 0 : i32
        %dma_start3A_379 = tpu.memref_slice %arg7[%add3A_357, %dma_start3A_378] : memref<80x125xi32, #tpu.memory_space<vmem>> -> memref<1x125xi32, #tpu.memory_space<vmem>>
        %dma_start3A_380 = tpu.memref_squeeze %dma_start3A_379 : memref<1x125xi32, #tpu.memory_space<vmem>> -> memref<125xi32, #tpu.memory_space<vmem>>
        %dma_start3A_381 = arith.constant 0 : i32
        %dma_start3A_382 = arith.constant 0 : i32
        %dma_start3A_383 = tpu.memref_slice %arg2[%dma_start3A_381, %dma_start3A_382] : memref<10000x128xbf16, #tpu.memory_space<hbm>> -> memref<10000x128xbf16, #tpu.memory_space<hbm>>
        tpu.enqueue_indirect_dma source(%dma_start3A_383 : memref<10000x128xbf16, #tpu.memory_space<hbm>>) target(%arg11 : memref<125x128xbf16, #tpu.memory_space<vmem>>) offsets(%dma_start3A_380 : memref<125xi32, #tpu.memory_space<vmem>>) semaphore(%arg15 : memref<!tpu.dma_semaphore, #tpu.memory_space<semaphore_mem>>)
      } else {
      }
      %add3A_363 = arith.constant 4 : i32
      %add3A_364 = arith.addi %mul3A_282, %add3A_363 : i32
      %add3A_365 = arith.constant 3 : i32
      %add3A_366 = arith.addi %add3A_364, %add3A_365 : i32
      %lt3A_367 = arith.constant 80 : i32
      %lt3A_368 = arith.cmpi slt, %add3A_366, %lt3A_367 : i32
      %convert_element_type3A_369 = arith.extui %lt3A_368 : i1 to i32
      %cond3A_370 = arith.constant 0 : i32
      %cond3A_371 = arith.cmpi ne, %convert_element_type3A_369, %cond3A_370 : i32
      scf.if %cond3A_371 {
        %dma_wait3A_372 = arith.constant 0 : i32
        %dma_wait3A_373 = arith.constant 0 : i32
        %dma_wait3A_374 = tpu.memref_slice %arg2[%dma_wait3A_372, %dma_wait3A_373] : memref<10000x128xbf16, #tpu.memory_space<hbm>> -> memref<125x128xbf16, #tpu.memory_space<hbm>>
        %dma_wait3A_375 = arith.constant 0 : i32
        %dma_wait3A_376 = arith.constant 0 : i32
        %dma_wait3A_377 = tpu.memref_slice %arg2[%dma_wait3A_375, %dma_wait3A_376] : memref<10000x128xbf16, #tpu.memory_space<hbm>> -> memref<125x128xbf16, #tpu.memory_space<hbm>>
        tpu.wait_dma2 semaphore(%arg20 : memref<!tpu.dma_semaphore, #tpu.memory_space<semaphore_mem>>) src(%dma_wait3A_377 : memref<125x128xbf16, #tpu.memory_space<hbm>>) dst(%arg12 : memref<125x128xbf16, #tpu.memory_space<vmem>>)
        %dma_start3A_378 = arith.constant 0 : i32
        %dma_start3A_379 = tpu.memref_slice %arg7[%add3A_366, %dma_start3A_378] : memref<80x125xi32, #tpu.memory_space<vmem>> -> memref<1x125xi32, #tpu.memory_space<vmem>>
        %dma_start3A_380 = tpu.memref_squeeze %dma_start3A_379 : memref<1x125xi32, #tpu.memory_space<vmem>> -> memref<125xi32, #tpu.memory_space<vmem>>
        %dma_start3A_381 = arith.constant 0 : i32
        %dma_start3A_382 = arith.constant 0 : i32
        %dma_start3A_383 = tpu.memref_slice %arg2[%dma_start3A_381, %dma_start3A_382] : memref<10000x128xbf16, #tpu.memory_space<hbm>> -> memref<10000x128xbf16, #tpu.memory_space<hbm>>
        tpu.enqueue_indirect_dma source(%dma_start3A_383 : memref<10000x128xbf16, #tpu.memory_space<hbm>>) target(%arg12 : memref<125x128xbf16, #tpu.memory_space<vmem>>) offsets(%dma_start3A_380 : memref<125xi32, #tpu.memory_space<vmem>>) semaphore(%arg16 : memref<!tpu.dma_semaphore, #tpu.memory_space<semaphore_mem>>)
      } else {
      }
    }
    %scan3A_232 = arith.constant 20 : i32
    %dma_wait3A_233 = arith.constant 0 : i32
    %dma_wait3A_234 = arith.constant 0 : i32
    %dma_wait3A_235 = tpu.memref_slice %arg2[%dma_wait3A_233, %dma_wait3A_234] : memref<10000x128xbf16, #tpu.memory_space<hbm>> -> memref<125x128xbf16, #tpu.memory_space<hbm>>
    %dma_wait3A_236 = arith.constant 0 : i32
    %dma_wait3A_237 = arith.constant 0 : i32
    %dma_wait3A_238 = tpu.memref_slice %arg2[%dma_wait3A_236, %dma_wait3A_237] : memref<10000x128xbf16, #tpu.memory_space<hbm>> -> memref<125x128xbf16, #tpu.memory_space<hbm>>
    tpu.wait_dma2 semaphore(%arg17 : memref<!tpu.dma_semaphore, #tpu.memory_space<semaphore_mem>>) src(%dma_wait3A_238 : memref<125x128xbf16, #tpu.memory_space<hbm>>) dst(%arg9 : memref<125x128xbf16, #tpu.memory_space<vmem>>)
    %dma_wait3A_239 = arith.constant 0 : i32
    %dma_wait3A_240 = arith.constant 0 : i32
    %dma_wait3A_241 = tpu.memref_slice %arg2[%dma_wait3A_239, %dma_wait3A_240] : memref<10000x128xbf16, #tpu.memory_space<hbm>> -> memref<125x128xbf16, #tpu.memory_space<hbm>>
    %dma_wait3A_242 = arith.constant 0 : i32
    %dma_wait3A_243 = arith.constant 0 : i32
    %dma_wait3A_244 = tpu.memref_slice %arg2[%dma_wait3A_242, %dma_wait3A_243] : memref<10000x128xbf16, #tpu.memory_space<hbm>> -> memref<125x128xbf16, #tpu.memory_space<hbm>>
    tpu.wait_dma2 semaphore(%arg18 : memref<!tpu.dma_semaphore, #tpu.memory_space<semaphore_mem>>) src(%dma_wait3A_244 : memref<125x128xbf16, #tpu.memory_space<hbm>>) dst(%arg10 : memref<125x128xbf16, #tpu.memory_space<vmem>>)
    %dma_wait3A_245 = arith.constant 0 : i32
    %dma_wait3A_246 = arith.constant 0 : i32
    %dma_wait3A_247 = tpu.memref_slice %arg2[%dma_wait3A_245, %dma_wait3A_246] : memref<10000x128xbf16, #tpu.memory_space<hbm>> -> memref<125x128xbf16, #tpu.memory_space<hbm>>
    %dma_wait3A_248 = arith.constant 0 : i32
    %dma_wait3A_249 = arith.constant 0 : i32
    %dma_wait3A_250 = tpu.memref_slice %arg2[%dma_wait3A_248, %dma_wait3A_249] : memref<10000x128xbf16, #tpu.memory_space<hbm>> -> memref<125x128xbf16, #tpu.memory_space<hbm>>
    tpu.wait_dma2 semaphore(%arg19 : memref<!tpu.dma_semaphore, #tpu.memory_space<semaphore_mem>>) src(%dma_wait3A_250 : memref<125x128xbf16, #tpu.memory_space<hbm>>) dst(%arg11 : memref<125x128xbf16, #tpu.memory_space<vmem>>)
    %dma_wait3A_251 = arith.constant 0 : i32
    %dma_wait3A_252 = arith.constant 0 : i32
    %dma_wait3A_253 = tpu.memref_slice %arg2[%dma_wait3A_251, %dma_wait3A_252] : memref<10000x128xbf16, #tpu.memory_space<hbm>> -> memref<125x128xbf16, #tpu.memory_space<hbm>>
    %dma_wait3A_254 = arith.constant 0 : i32
    %dma_wait3A_255 = arith.constant 0 : i32
    %dma_wait3A_256 = tpu.memref_slice %arg2[%dma_wait3A_254, %dma_wait3A_255] : memref<10000x128xbf16, #tpu.memory_space<hbm>> -> memref<125x128xbf16, #tpu.memory_space<hbm>>
    tpu.wait_dma2 semaphore(%arg20 : memref<!tpu.dma_semaphore, #tpu.memory_space<semaphore_mem>>) src(%dma_wait3A_256 : memref<125x128xbf16, #tpu.memory_space<hbm>>) dst(%arg12 : memref<125x128xbf16, #tpu.memory_space<vmem>>)
    %barrier3A_257 = arith.constant 0 : index
    tpu.barrier barrier_id(%barrier3A_257)
    %mul3A_258 = arith.constant 640 : i32
    %mul3A_259 = arith.muli %arg1, %mul3A_258 : i32
    %dma_start3A_260 = arith.constant 0 : i32
    %dma_start3A_261 = tpu.memref_slice %arg5[%arg0, %mul3A_259, %dma_start3A_260] : memref<2x10240x128xbf16, #tpu.memory_space<hbm>> -> memref<1x640x128xbf16, #tpu.memory_space<hbm>>
    %dma_start3A_262 = tpu.memref_squeeze %dma_start3A_261 : memref<1x640x128xbf16, #tpu.memory_space<hbm>> -> memref<640x128xbf16, #tpu.memory_space<hbm>>
    %dma_start3A_263 = arith.constant 0 : i32
    %dma_start3A_264 = tpu.memref_slice %arg24[%mul3A_259, %dma_start3A_263] : memref<10240x128xbf16, #tpu.memory_space<vmem_shared>> -> memref<640x128xbf16, #tpu.memory_space<vmem_shared>>
    tpu.enqueue_dma source(%dma_start3A_264 : memref<640x128xbf16, #tpu.memory_space<vmem_shared>>) target(%dma_start3A_262 : memref<640x128xbf16, #tpu.memory_space<hbm>>) target_semaphore(%arg13 : memref<!tpu.dma_semaphore, #tpu.memory_space<semaphore_mem>>)
    %mul3A_265 = arith.constant 10240 : i32
    %mul3A_266 = arith.muli %arg0, %mul3A_265 : i32
    %add3A_267 = arith.addi %mul3A_266, %mul3A_259 : i32
    %dma_start3A_268 = tpu.memref_slice %arg6[%add3A_267] : memref<20480xf32, #tpu.memory_space<hbm>> -> memref<640xf32, #tpu.memory_space<hbm>>
    %dma_start3A_269 = tpu.memref_slice %arg23[%mul3A_259] : memref<10240xf32, #tpu.memory_space<vmem_shared>> -> memref<640xf32, #tpu.memory_space<vmem_shared>>
    tpu.enqueue_dma source(%dma_start3A_269 : memref<640xf32, #tpu.memory_space<vmem_shared>>) target(%dma_start3A_268 : memref<640xf32, #tpu.memory_space<hbm>>) target_semaphore(%arg13 : memref<!tpu.dma_semaphore, #tpu.memory_space<semaphore_mem>>)
    %dma_wait3A_270 = arith.constant 0 : i32
    %dma_wait3A_271 = tpu.memref_slice %arg5[%arg0, %mul3A_259, %dma_wait3A_270] : memref<2x10240x128xbf16, #tpu.memory_space<hbm>> -> memref<1x640x128xbf16, #tpu.memory_space<hbm>>
    %dma_wait3A_272 = tpu.memref_squeeze %dma_wait3A_271 : memref<1x640x128xbf16, #tpu.memory_space<hbm>> -> memref<640x128xbf16, #tpu.memory_space<hbm>>
    %dma_wait3A_273 = arith.constant 0 : i32
    %dma_wait3A_274 = tpu.memref_slice %arg24[%mul3A_259, %dma_wait3A_273] : memref<10240x128xbf16, #tpu.memory_space<vmem_shared>> -> memref<640x128xbf16, #tpu.memory_space<vmem_shared>>
    tpu.wait_dma2 semaphore(%arg13 : memref<!tpu.dma_semaphore, #tpu.memory_space<semaphore_mem>>) src(%dma_wait3A_274 : memref<640x128xbf16, #tpu.memory_space<vmem_shared>>) dst(%dma_wait3A_272 : memref<640x128xbf16, #tpu.memory_space<hbm>>)
    %mul3A_275 = arith.constant 10240 : i32
    %mul3A_276 = arith.muli %arg0, %mul3A_275 : i32
    %add3A_277 = arith.addi %mul3A_276, %mul3A_259 : i32
    %dma_wait3A_278 = tpu.memref_slice %arg6[%add3A_277] : memref<20480xf32, #tpu.memory_space<hbm>> -> memref<640xf32, #tpu.memory_space<hbm>>
    %dma_wait3A_279 = tpu.memref_slice %arg23[%mul3A_259] : memref<10240xf32, #tpu.memory_space<vmem_shared>> -> memref<640xf32, #tpu.memory_space<vmem_shared>>
    tpu.wait_dma2 semaphore(%arg13 : memref<!tpu.dma_semaphore, #tpu.memory_space<semaphore_mem>>) src(%dma_wait3A_279 : memref<640xf32, #tpu.memory_space<vmem_shared>>) dst(%dma_wait3A_278 : memref<640xf32, #tpu.memory_space<hbm>>)
    return
  }
}

#map = affine_map<(d0, d1) -> (0, 0)>
#map1 = affine_map<(d0, d1) -> (0, 0, 0)>
module attributes {stable_mosaic.version = 14 : i64} {
  func.func @body(%arg0: i32, %arg1: i32, %arg2: memref<10000x128xbf16, #tpu.memory_space<hbm>>, %arg3: memref<32x80x125xi32, #tpu.memory_space<hbm>>, %arg4: memref<32x80x125xi32, #tpu.memory_space<hbm>>, %arg5: memref<2x10240x128xbf16, #tpu.memory_space<hbm>>, %arg6: memref<80x125xi32, #tpu.memory_space<vmem>>, %arg7: memref<80x125xi32, #tpu.memory_space<vmem>>, %arg8: memref<125x128xbf16, #tpu.memory_space<vmem>>, %arg9: memref<125x128xbf16, #tpu.memory_space<vmem>>, %arg10: memref<125x128xbf16, #tpu.memory_space<vmem>>, %arg11: memref<125x128xbf16, #tpu.memory_space<vmem>>, %arg12: memref<!tpu.dma_semaphore, #tpu.memory_space<semaphore_mem>>, %arg13: memref<!tpu.dma_semaphore, #tpu.memory_space<semaphore_mem>>, %arg14: memref<!tpu.dma_semaphore, #tpu.memory_space<semaphore_mem>>, %arg15: memref<!tpu.dma_semaphore, #tpu.memory_space<semaphore_mem>>, %arg16: memref<!tpu.dma_semaphore, #tpu.memory_space<semaphore_mem>>, %arg17: memref<!tpu.dma_semaphore, #tpu.memory_space<semaphore_mem>>, %arg18: memref<!tpu.dma_semaphore, #tpu.memory_space<semaphore_mem>>, %arg19: memref<!tpu.dma_semaphore, #tpu.memory_space<semaphore_mem>>, %arg20: memref<10240x128xbf16, #tpu.memory_space<vmem_shared>>) attributes {dimension_semantics = [#tpu.dimension_semantics<core_parallel>, #tpu.dimension_semantics<subcore_parallel>], iteration_bounds = array<i64: 2, 16>, scalar_prefetch = 0 : i64, scratch_operands = 15 : i64, tpu.core_type = #tpu.core_type<sc_vector_subcore>, window_params = [{transform_indices = #map}, {transform_indices = #map1}, {transform_indices = #map1}, {transform_indices = #map1}]} {
    %mul3A = arith.constant 2 : i32
    %mul3A_0 = arith.muli %arg1, %mul3A : i32
    %add3A = arith.addi %mul3A_0, %arg0 : i32
    %dma_start3A = arith.constant 0 : i32
    %dma_start3A_1 = arith.constant 0 : i32
    %dma_start3A_2 = tpu.memref_slice %arg3[%add3A, %dma_start3A, %dma_start3A_1] : memref<32x80x125xi32, #tpu.memory_space<hbm>> -> memref<1x80x125xi32, #tpu.memory_space<hbm>>
    %dma_start3A_3 = tpu.memref_squeeze %dma_start3A_2 : memref<1x80x125xi32, #tpu.memory_space<hbm>> -> memref<80x125xi32, #tpu.memory_space<hbm>>
    %dma_start3A_4 = arith.constant 0 : i32
    %dma_start3A_5 = arith.constant 0 : i32
    %dma_start3A_6 = tpu.memref_slice %arg3[%add3A, %dma_start3A_4, %dma_start3A_5] : memref<32x80x125xi32, #tpu.memory_space<hbm>> -> memref<1x80x125xi32, #tpu.memory_space<hbm>>
    %dma_start3A_7 = tpu.memref_squeeze %dma_start3A_6 : memref<1x80x125xi32, #tpu.memory_space<hbm>> -> memref<80x125xi32, #tpu.memory_space<hbm>>
    tpu.enqueue_dma source(%dma_start3A_7 : memref<80x125xi32, #tpu.memory_space<hbm>>) target(%arg6 : memref<80x125xi32, #tpu.memory_space<vmem>>) target_semaphore(%arg12 : memref<!tpu.dma_semaphore, #tpu.memory_space<semaphore_mem>>)
    %dma_start3A_8 = arith.constant 0 : i32
    %dma_start3A_9 = arith.constant 0 : i32
    %dma_start3A_10 = tpu.memref_slice %arg4[%add3A, %dma_start3A_8, %dma_start3A_9] : memref<32x80x125xi32, #tpu.memory_space<hbm>> -> memref<1x80x125xi32, #tpu.memory_space<hbm>>
    %dma_start3A_11 = tpu.memref_squeeze %dma_start3A_10 : memref<1x80x125xi32, #tpu.memory_space<hbm>> -> memref<80x125xi32, #tpu.memory_space<hbm>>
    %dma_start3A_12 = arith.constant 0 : i32
    %dma_start3A_13 = arith.constant 0 : i32
    %dma_start3A_14 = tpu.memref_slice %arg4[%add3A, %dma_start3A_12, %dma_start3A_13] : memref<32x80x125xi32, #tpu.memory_space<hbm>> -> memref<1x80x125xi32, #tpu.memory_space<hbm>>
    %dma_start3A_15 = tpu.memref_squeeze %dma_start3A_14 : memref<1x80x125xi32, #tpu.memory_space<hbm>> -> memref<80x125xi32, #tpu.memory_space<hbm>>
    tpu.enqueue_dma source(%dma_start3A_15 : memref<80x125xi32, #tpu.memory_space<hbm>>) target(%arg7 : memref<80x125xi32, #tpu.memory_space<vmem>>) target_semaphore(%arg12 : memref<!tpu.dma_semaphore, #tpu.memory_space<semaphore_mem>>)
    %scan3A = arith.constant 0 : i32
    %scan3A_16 = arith.constant 0 : i32
    %scan3A_17 = arith.constant 125 : i32
    %scan3A_18 = arith.addi %scan3A_16, %scan3A_17 : i32
    %scan3A_19 = arith.constant 1 : i32
    scf.for %scan3A_216 = %scan3A_16 to %scan3A_18 step %scan3A_19  : i32 {
      %broadcast_in_dim3A = arith.constant 0.000000e+00 : bf16
      %broadcast_in_dim3A_217 = vector.broadcast %broadcast_in_dim3A : bf16 to vector<32xbf16>
      %swap3A = arith.index_cast %scan3A_216 : i32 to index
      %swap3A_218 = arith.constant 0 : index
      %swap3A_219 = tpu.vector_load %arg8[%swap3A, %swap3A_218] {strides = array<i32>} : memref<125x128xbf16, #tpu.memory_space<vmem>>, vector<1x32xbf16>,
      %swap3A_220 = vector.shape_cast %swap3A_219 : vector<1x32xbf16> to vector<32xbf16>
      %swap3A_221 = vector.shape_cast %broadcast_in_dim3A_217 : vector<32xbf16> to vector<1x32xbf16>
      tpu.vector_store %arg8[%swap3A, %swap3A_218], %swap3A_221 {strides = array<i32>} : memref<125x128xbf16, #tpu.memory_space<vmem>>, vector<1x32xbf16>,
      %broadcast_in_dim3A_222 = arith.constant 0.000000e+00 : bf16
      %broadcast_in_dim3A_223 = vector.broadcast %broadcast_in_dim3A_222 : bf16 to vector<32xbf16>
      %swap3A_224 = arith.index_cast %scan3A_216 : i32 to index
      %swap3A_225 = arith.constant 32 : index
      %swap3A_226 = tpu.vector_load %arg8[%swap3A_224, %swap3A_225] {strides = array<i32>} : memref<125x128xbf16, #tpu.memory_space<vmem>>, vector<1x32xbf16>,
      %swap3A_227 = vector.shape_cast %swap3A_226 : vector<1x32xbf16> to vector<32xbf16>
      %swap3A_228 = vector.shape_cast %broadcast_in_dim3A_223 : vector<32xbf16> to vector<1x32xbf16>
      tpu.vector_store %arg8[%swap3A_224, %swap3A_225], %swap3A_228 {strides = array<i32>} : memref<125x128xbf16, #tpu.memory_space<vmem>>, vector<1x32xbf16>,
      %broadcast_in_dim3A_229 = arith.constant 0.000000e+00 : bf16
      %broadcast_in_dim3A_230 = vector.broadcast %broadcast_in_dim3A_229 : bf16 to vector<32xbf16>
      %swap3A_231 = arith.index_cast %scan3A_216 : i32 to index
      %swap3A_232 = arith.constant 64 : index
      %swap3A_233 = tpu.vector_load %arg8[%swap3A_231, %swap3A_232] {strides = array<i32>} : memref<125x128xbf16, #tpu.memory_space<vmem>>, vector<1x32xbf16>,
      %swap3A_234 = vector.shape_cast %swap3A_233 : vector<1x32xbf16> to vector<32xbf16>
      %swap3A_235 = vector.shape_cast %broadcast_in_dim3A_230 : vector<32xbf16> to vector<1x32xbf16>
      tpu.vector_store %arg8[%swap3A_231, %swap3A_232], %swap3A_235 {strides = array<i32>} : memref<125x128xbf16, #tpu.memory_space<vmem>>, vector<1x32xbf16>,
      %broadcast_in_dim3A_236 = arith.constant 0.000000e+00 : bf16
      %broadcast_in_dim3A_237 = vector.broadcast %broadcast_in_dim3A_236 : bf16 to vector<32xbf16>
      %swap3A_238 = arith.index_cast %scan3A_216 : i32 to index
      %swap3A_239 = arith.constant 96 : index
      %swap3A_240 = tpu.vector_load %arg8[%swap3A_238, %swap3A_239] {strides = array<i32>} : memref<125x128xbf16, #tpu.memory_space<vmem>>, vector<1x32xbf16>,
      %swap3A_241 = vector.shape_cast %swap3A_240 : vector<1x32xbf16> to vector<32xbf16>
      %swap3A_242 = vector.shape_cast %broadcast_in_dim3A_237 : vector<32xbf16> to vector<1x32xbf16>
      tpu.vector_store %arg8[%swap3A_238, %swap3A_239], %swap3A_242 {strides = array<i32>} : memref<125x128xbf16, #tpu.memory_space<vmem>>, vector<1x32xbf16>,
    }
    %scan3A_20 = arith.constant 125 : i32
    %mul3A_21 = arith.constant 640 : i32
    %mul3A_22 = arith.muli %arg1, %mul3A_21 : i32
    %add3A_23 = arith.constant 0 : i32
    %add3A_24 = arith.addi %mul3A_22, %add3A_23 : i32
    %dma_start3A_25 = arith.constant 0 : i32
    %dma_start3A_26 = tpu.memref_slice %arg20[%add3A_24, %dma_start3A_25] : memref<10240x128xbf16, #tpu.memory_space<vmem_shared>> -> memref<125x128xbf16, #tpu.memory_space<vmem_shared>>
    %dma_start3A_27 = arith.constant 0 : i32
    %dma_start3A_28 = tpu.memref_slice %arg20[%add3A_24, %dma_start3A_27] : memref<10240x128xbf16, #tpu.memory_space<vmem_shared>> -> memref<125x128xbf16, #tpu.memory_space<vmem_shared>>
    tpu.enqueue_dma source(%arg8 : memref<125x128xbf16, #tpu.memory_space<vmem>>) target(%dma_start3A_28 : memref<125x128xbf16, #tpu.memory_space<vmem_shared>>) target_semaphore(%arg16 : memref<!tpu.dma_semaphore, #tpu.memory_space<semaphore_mem>>)
    %mul3A_29 = arith.constant 640 : i32
    %mul3A_30 = arith.muli %arg1, %mul3A_29 : i32
    %add3A_31 = arith.constant 125 : i32
    %add3A_32 = arith.addi %mul3A_30, %add3A_31 : i32
    %dma_start3A_33 = arith.constant 0 : i32
    %dma_start3A_34 = tpu.memref_slice %arg20[%add3A_32, %dma_start3A_33] : memref<10240x128xbf16, #tpu.memory_space<vmem_shared>> -> memref<125x128xbf16, #tpu.memory_space<vmem_shared>>
    %dma_start3A_35 = arith.constant 0 : i32
    %dma_start3A_36 = tpu.memref_slice %arg20[%add3A_32, %dma_start3A_35] : memref<10240x128xbf16, #tpu.memory_space<vmem_shared>> -> memref<125x128xbf16, #tpu.memory_space<vmem_shared>>
    tpu.enqueue_dma source(%arg8 : memref<125x128xbf16, #tpu.memory_space<vmem>>) target(%dma_start3A_36 : memref<125x128xbf16, #tpu.memory_space<vmem_shared>>) target_semaphore(%arg16 : memref<!tpu.dma_semaphore, #tpu.memory_space<semaphore_mem>>)
    %mul3A_37 = arith.constant 640 : i32
    %mul3A_38 = arith.muli %arg1, %mul3A_37 : i32
    %add3A_39 = arith.constant 250 : i32
    %add3A_40 = arith.addi %mul3A_38, %add3A_39 : i32
    %dma_start3A_41 = arith.constant 0 : i32
    %dma_start3A_42 = tpu.memref_slice %arg20[%add3A_40, %dma_start3A_41] : memref<10240x128xbf16, #tpu.memory_space<vmem_shared>> -> memref<125x128xbf16, #tpu.memory_space<vmem_shared>>
    %dma_start3A_43 = arith.constant 0 : i32
    %dma_start3A_44 = tpu.memref_slice %arg20[%add3A_40, %dma_start3A_43] : memref<10240x128xbf16, #tpu.memory_space<vmem_shared>> -> memref<125x128xbf16, #tpu.memory_space<vmem_shared>>
    tpu.enqueue_dma source(%arg8 : memref<125x128xbf16, #tpu.memory_space<vmem>>) target(%dma_start3A_44 : memref<125x128xbf16, #tpu.memory_space<vmem_shared>>) target_semaphore(%arg16 : memref<!tpu.dma_semaphore, #tpu.memory_space<semaphore_mem>>)
    %mul3A_45 = arith.constant 640 : i32
    %mul3A_46 = arith.muli %arg1, %mul3A_45 : i32
    %add3A_47 = arith.constant 375 : i32
    %add3A_48 = arith.addi %mul3A_46, %add3A_47 : i32
    %dma_start3A_49 = arith.constant 0 : i32
    %dma_start3A_50 = tpu.memref_slice %arg20[%add3A_48, %dma_start3A_49] : memref<10240x128xbf16, #tpu.memory_space<vmem_shared>> -> memref<125x128xbf16, #tpu.memory_space<vmem_shared>>
    %dma_start3A_51 = arith.constant 0 : i32
    %dma_start3A_52 = tpu.memref_slice %arg20[%add3A_48, %dma_start3A_51] : memref<10240x128xbf16, #tpu.memory_space<vmem_shared>> -> memref<125x128xbf16, #tpu.memory_space<vmem_shared>>
    tpu.enqueue_dma source(%arg8 : memref<125x128xbf16, #tpu.memory_space<vmem>>) target(%dma_start3A_52 : memref<125x128xbf16, #tpu.memory_space<vmem_shared>>) target_semaphore(%arg16 : memref<!tpu.dma_semaphore, #tpu.memory_space<semaphore_mem>>)
    %mul3A_53 = arith.constant 640 : i32
    %mul3A_54 = arith.muli %arg1, %mul3A_53 : i32
    %add3A_55 = arith.constant 500 : i32
    %add3A_56 = arith.addi %mul3A_54, %add3A_55 : i32
    %dma_start3A_57 = arith.constant 0 : i32
    %dma_start3A_58 = tpu.memref_slice %arg20[%add3A_56, %dma_start3A_57] : memref<10240x128xbf16, #tpu.memory_space<vmem_shared>> -> memref<125x128xbf16, #tpu.memory_space<vmem_shared>>
    %dma_start3A_59 = arith.constant 0 : i32
    %dma_start3A_60 = tpu.memref_slice %arg20[%add3A_56, %dma_start3A_59] : memref<10240x128xbf16, #tpu.memory_space<vmem_shared>> -> memref<125x128xbf16, #tpu.memory_space<vmem_shared>>
    tpu.enqueue_dma source(%arg8 : memref<125x128xbf16, #tpu.memory_space<vmem>>) target(%dma_start3A_60 : memref<125x128xbf16, #tpu.memory_space<vmem_shared>>) target_semaphore(%arg16 : memref<!tpu.dma_semaphore, #tpu.memory_space<semaphore_mem>>)
    %mul3A_61 = arith.constant 640 : i32
    %mul3A_62 = arith.muli %arg1, %mul3A_61 : i32
    %add3A_63 = arith.constant 625 : i32
    %add3A_64 = arith.addi %mul3A_62, %add3A_63 : i32
    %dma_start3A_65 = arith.constant 0 : i32
    %dma_start3A_66 = arith.constant 0 : i32
    %dma_start3A_67 = tpu.memref_slice %arg8[%dma_start3A_65, %dma_start3A_66] : memref<125x128xbf16, #tpu.memory_space<vmem>> -> memref<15x128xbf16, #tpu.memory_space<vmem>>
    %dma_start3A_68 = arith.constant 0 : i32
    %dma_start3A_69 = tpu.memref_slice %arg20[%add3A_64, %dma_start3A_68] : memref<10240x128xbf16, #tpu.memory_space<vmem_shared>> -> memref<15x128xbf16, #tpu.memory_space<vmem_shared>>
    %dma_start3A_70 = arith.constant 0 : i32
    %dma_start3A_71 = tpu.memref_slice %arg20[%add3A_64, %dma_start3A_70] : memref<10240x128xbf16, #tpu.memory_space<vmem_shared>> -> memref<15x128xbf16, #tpu.memory_space<vmem_shared>>
    %dma_start3A_72 = arith.constant 0 : i32
    %dma_start3A_73 = arith.constant 0 : i32
    %dma_start3A_74 = tpu.memref_slice %arg8[%dma_start3A_72, %dma_start3A_73] : memref<125x128xbf16, #tpu.memory_space<vmem>> -> memref<15x128xbf16, #tpu.memory_space<vmem>>
    tpu.enqueue_dma source(%dma_start3A_74 : memref<15x128xbf16, #tpu.memory_space<vmem>>) target(%dma_start3A_71 : memref<15x128xbf16, #tpu.memory_space<vmem_shared>>) target_semaphore(%arg16 : memref<!tpu.dma_semaphore, #tpu.memory_space<semaphore_mem>>)
    %dma_wait3A = arith.constant 0 : i32
    %dma_wait3A_75 = arith.constant 0 : i32
    %dma_wait3A_76 = tpu.memref_slice %arg3[%add3A, %dma_wait3A, %dma_wait3A_75] : memref<32x80x125xi32, #tpu.memory_space<hbm>> -> memref<1x80x125xi32, #tpu.memory_space<hbm>>
    %dma_wait3A_77 = tpu.memref_squeeze %dma_wait3A_76 : memref<1x80x125xi32, #tpu.memory_space<hbm>> -> memref<80x125xi32, #tpu.memory_space<hbm>>
    %dma_wait3A_78 = arith.constant 0 : i32
    %dma_wait3A_79 = arith.constant 0 : i32
    %dma_wait3A_80 = tpu.memref_slice %arg3[%add3A, %dma_wait3A_78, %dma_wait3A_79] : memref<32x80x125xi32, #tpu.memory_space<hbm>> -> memref<1x80x125xi32, #tpu.memory_space<hbm>>
    %dma_wait3A_81 = tpu.memref_squeeze %dma_wait3A_80 : memref<1x80x125xi32, #tpu.memory_space<hbm>> -> memref<80x125xi32, #tpu.memory_space<hbm>>
    tpu.wait_dma2 semaphore(%arg12 : memref<!tpu.dma_semaphore, #tpu.memory_space<semaphore_mem>>) src(%dma_wait3A_81 : memref<80x125xi32, #tpu.memory_space<hbm>>) dst(%arg6 : memref<80x125xi32, #tpu.memory_space<vmem>>)
    %dma_wait3A_82 = arith.constant 0 : i32
    %dma_wait3A_83 = arith.constant 0 : i32
    %dma_wait3A_84 = arith.constant 0 : i32
    %dma_wait3A_85 = tpu.memref_slice %arg4[%dma_wait3A_82, %dma_wait3A_83, %dma_wait3A_84] : memref<32x80x125xi32, #tpu.memory_space<hbm>> -> memref<1x80x125xi32, #tpu.memory_space<hbm>>
    %dma_wait3A_86 = tpu.memref_squeeze %dma_wait3A_85 : memref<1x80x125xi32, #tpu.memory_space<hbm>> -> memref<80x125xi32, #tpu.memory_space<hbm>>
    %dma_wait3A_87 = arith.constant 0 : i32
    %dma_wait3A_88 = arith.constant 0 : i32
    %dma_wait3A_89 = tpu.memref_slice %arg4[%dma_wait3A_82, %dma_wait3A_87, %dma_wait3A_88] : memref<32x80x125xi32, #tpu.memory_space<hbm>> -> memref<1x80x125xi32, #tpu.memory_space<hbm>>
    %dma_wait3A_90 = tpu.memref_squeeze %dma_wait3A_89 : memref<1x80x125xi32, #tpu.memory_space<hbm>> -> memref<80x125xi32, #tpu.memory_space<hbm>>
    tpu.wait_dma2 semaphore(%arg12 : memref<!tpu.dma_semaphore, #tpu.memory_space<semaphore_mem>>) src(%dma_wait3A_90 : memref<80x125xi32, #tpu.memory_space<hbm>>) dst(%arg7 : memref<80x125xi32, #tpu.memory_space<vmem>>)
    %mul3A_91 = arith.constant 640 : i32
    %mul3A_92 = arith.muli %arg1, %mul3A_91 : i32
    %add3A_93 = arith.constant 0 : i32
    %add3A_94 = arith.addi %mul3A_92, %add3A_93 : i32
    %dma_wait3A_95 = arith.constant 0 : i32
    %dma_wait3A_96 = tpu.memref_slice %arg20[%add3A_94, %dma_wait3A_95] : memref<10240x128xbf16, #tpu.memory_space<vmem_shared>> -> memref<125x128xbf16, #tpu.memory_space<vmem_shared>>
    %dma_wait3A_97 = arith.constant 0 : i32
    %dma_wait3A_98 = tpu.memref_slice %arg20[%add3A_94, %dma_wait3A_97] : memref<10240x128xbf16, #tpu.memory_space<vmem_shared>> -> memref<125x128xbf16, #tpu.memory_space<vmem_shared>>
    tpu.wait_dma2 semaphore(%arg16 : memref<!tpu.dma_semaphore, #tpu.memory_space<semaphore_mem>>) src(%arg8 : memref<125x128xbf16, #tpu.memory_space<vmem>>) dst(%dma_wait3A_98 : memref<125x128xbf16, #tpu.memory_space<vmem_shared>>)
    %mul3A_99 = arith.constant 640 : i32
    %mul3A_100 = arith.muli %arg1, %mul3A_99 : i32
    %add3A_101 = arith.constant 125 : i32
    %add3A_102 = arith.addi %mul3A_100, %add3A_101 : i32
    %dma_wait3A_103 = arith.constant 0 : i32
    %dma_wait3A_104 = tpu.memref_slice %arg20[%add3A_102, %dma_wait3A_103] : memref<10240x128xbf16, #tpu.memory_space<vmem_shared>> -> memref<125x128xbf16, #tpu.memory_space<vmem_shared>>
    %dma_wait3A_105 = arith.constant 0 : i32
    %dma_wait3A_106 = tpu.memref_slice %arg20[%add3A_102, %dma_wait3A_105] : memref<10240x128xbf16, #tpu.memory_space<vmem_shared>> -> memref<125x128xbf16, #tpu.memory_space<vmem_shared>>
    tpu.wait_dma2 semaphore(%arg16 : memref<!tpu.dma_semaphore, #tpu.memory_space<semaphore_mem>>) src(%arg8 : memref<125x128xbf16, #tpu.memory_space<vmem>>) dst(%dma_wait3A_106 : memref<125x128xbf16, #tpu.memory_space<vmem_shared>>)
    %mul3A_107 = arith.constant 640 : i32
    %mul3A_108 = arith.muli %arg1, %mul3A_107 : i32
    %add3A_109 = arith.constant 250 : i32
    %add3A_110 = arith.addi %mul3A_108, %add3A_109 : i32
    %dma_wait3A_111 = arith.constant 0 : i32
    %dma_wait3A_112 = tpu.memref_slice %arg20[%add3A_110, %dma_wait3A_111] : memref<10240x128xbf16, #tpu.memory_space<vmem_shared>> -> memref<125x128xbf16, #tpu.memory_space<vmem_shared>>
    %dma_wait3A_113 = arith.constant 0 : i32
    %dma_wait3A_114 = tpu.memref_slice %arg20[%add3A_110, %dma_wait3A_113] : memref<10240x128xbf16, #tpu.memory_space<vmem_shared>> -> memref<125x128xbf16, #tpu.memory_space<vmem_shared>>
    tpu.wait_dma2 semaphore(%arg16 : memref<!tpu.dma_semaphore, #tpu.memory_space<semaphore_mem>>) src(%arg8 : memref<125x128xbf16, #tpu.memory_space<vmem>>) dst(%dma_wait3A_114 : memref<125x128xbf16, #tpu.memory_space<vmem_shared>>)
    %mul3A_115 = arith.constant 640 : i32
    %mul3A_116 = arith.muli %arg1, %mul3A_115 : i32
    %add3A_117 = arith.constant 375 : i32
    %add3A_118 = arith.addi %mul3A_116, %add3A_117 : i32
    %dma_wait3A_119 = arith.constant 0 : i32
    %dma_wait3A_120 = tpu.memref_slice %arg20[%add3A_118, %dma_wait3A_119] : memref<10240x128xbf16, #tpu.memory_space<vmem_shared>> -> memref<125x128xbf16, #tpu.memory_space<vmem_shared>>
    %dma_wait3A_121 = arith.constant 0 : i32
    %dma_wait3A_122 = tpu.memref_slice %arg20[%add3A_118, %dma_wait3A_121] : memref<10240x128xbf16, #tpu.memory_space<vmem_shared>> -> memref<125x128xbf16, #tpu.memory_space<vmem_shared>>
    tpu.wait_dma2 semaphore(%arg16 : memref<!tpu.dma_semaphore, #tpu.memory_space<semaphore_mem>>) src(%arg8 : memref<125x128xbf16, #tpu.memory_space<vmem>>) dst(%dma_wait3A_122 : memref<125x128xbf16, #tpu.memory_space<vmem_shared>>)
    %mul3A_123 = arith.constant 640 : i32
    %mul3A_124 = arith.muli %arg1, %mul3A_123 : i32
    %add3A_125 = arith.constant 500 : i32
    %add3A_126 = arith.addi %mul3A_124, %add3A_125 : i32
    %dma_wait3A_127 = arith.constant 0 : i32
    %dma_wait3A_128 = tpu.memref_slice %arg20[%add3A_126, %dma_wait3A_127] : memref<10240x128xbf16, #tpu.memory_space<vmem_shared>> -> memref<125x128xbf16, #tpu.memory_space<vmem_shared>>
    %dma_wait3A_129 = arith.constant 0 : i32
    %dma_wait3A_130 = tpu.memref_slice %arg20[%add3A_126, %dma_wait3A_129] : memref<10240x128xbf16, #tpu.memory_space<vmem_shared>> -> memref<125x128xbf16, #tpu.memory_space<vmem_shared>>
    tpu.wait_dma2 semaphore(%arg16 : memref<!tpu.dma_semaphore, #tpu.memory_space<semaphore_mem>>) src(%arg8 : memref<125x128xbf16, #tpu.memory_space<vmem>>) dst(%dma_wait3A_130 : memref<125x128xbf16, #tpu.memory_space<vmem_shared>>)
    %mul3A_131 = arith.constant 640 : i32
    %mul3A_132 = arith.muli %arg1, %mul3A_131 : i32
    %add3A_133 = arith.constant 625 : i32
    %add3A_134 = arith.addi %mul3A_132, %add3A_133 : i32
    %dma_wait3A_135 = arith.constant 0 : i32
    %dma_wait3A_136 = arith.constant 0 : i32
    %dma_wait3A_137 = tpu.memref_slice %arg8[%dma_wait3A_135, %dma_wait3A_136] : memref<125x128xbf16, #tpu.memory_space<vmem>> -> memref<15x128xbf16, #tpu.memory_space<vmem>>
    %dma_wait3A_138 = arith.constant 0 : i32
    %dma_wait3A_139 = tpu.memref_slice %arg20[%add3A_134, %dma_wait3A_138] : memref<10240x128xbf16, #tpu.memory_space<vmem_shared>> -> memref<15x128xbf16, #tpu.memory_space<vmem_shared>>
    %dma_wait3A_140 = arith.constant 0 : i32
    %dma_wait3A_141 = tpu.memref_slice %arg20[%add3A_134, %dma_wait3A_140] : memref<10240x128xbf16, #tpu.memory_space<vmem_shared>> -> memref<15x128xbf16, #tpu.memory_space<vmem_shared>>
    %dma_wait3A_142 = arith.constant 0 : i32
    %dma_wait3A_143 = arith.constant 0 : i32
    %dma_wait3A_144 = tpu.memref_slice %arg8[%dma_wait3A_142, %dma_wait3A_143] : memref<125x128xbf16, #tpu.memory_space<vmem>> -> memref<15x128xbf16, #tpu.memory_space<vmem>>
    tpu.wait_dma2 semaphore(%arg16 : memref<!tpu.dma_semaphore, #tpu.memory_space<semaphore_mem>>) src(%dma_wait3A_144 : memref<15x128xbf16, #tpu.memory_space<vmem>>) dst(%dma_wait3A_141 : memref<15x128xbf16, #tpu.memory_space<vmem_shared>>)
    %dma_start3A_145 = arith.constant 0 : i32
    %dma_start3A_146 = arith.constant 0 : i32
    %dma_start3A_147 = tpu.memref_slice %arg6[%dma_start3A_145, %dma_start3A_146] : memref<80x125xi32, #tpu.memory_space<vmem>> -> memref<1x125xi32, #tpu.memory_space<vmem>>
    %dma_start3A_148 = tpu.memref_squeeze %dma_start3A_147 : memref<1x125xi32, #tpu.memory_space<vmem>> -> memref<125xi32, #tpu.memory_space<vmem>>
    %dma_start3A_149 = arith.constant 0 : i32
    %dma_start3A_150 = arith.constant 0 : i32
    %dma_start3A_151 = tpu.memref_slice %arg2[%dma_start3A_149, %dma_start3A_150] : memref<10000x128xbf16, #tpu.memory_space<hbm>> -> memref<10000x128xbf16, #tpu.memory_space<hbm>>
    tpu.enqueue_indirect_dma source(%dma_start3A_151 : memref<10000x128xbf16, #tpu.memory_space<hbm>>) target(%arg8 : memref<125x128xbf16, #tpu.memory_space<vmem>>) offsets(%dma_start3A_148 : memref<125xi32, #tpu.memory_space<vmem>>) semaphore(%arg12 : memref<!tpu.dma_semaphore, #tpu.memory_space<semaphore_mem>>)
    %dma_start3A_152 = arith.constant 1 : i32
    %dma_start3A_153 = arith.constant 0 : i32
    %dma_start3A_154 = tpu.memref_slice %arg6[%dma_start3A_152, %dma_start3A_153] : memref<80x125xi32, #tpu.memory_space<vmem>> -> memref<1x125xi32, #tpu.memory_space<vmem>>
    %dma_start3A_155 = tpu.memref_squeeze %dma_start3A_154 : memref<1x125xi32, #tpu.memory_space<vmem>> -> memref<125xi32, #tpu.memory_space<vmem>>
    %dma_start3A_156 = arith.constant 0 : i32
    %dma_start3A_157 = arith.constant 0 : i32
    %dma_start3A_158 = tpu.memref_slice %arg2[%dma_start3A_156, %dma_start3A_157] : memref<10000x128xbf16, #tpu.memory_space<hbm>> -> memref<10000x128xbf16, #tpu.memory_space<hbm>>
    tpu.enqueue_indirect_dma source(%dma_start3A_158 : memref<10000x128xbf16, #tpu.memory_space<hbm>>) target(%arg9 : memref<125x128xbf16, #tpu.memory_space<vmem>>) offsets(%dma_start3A_155 : memref<125xi32, #tpu.memory_space<vmem>>) semaphore(%arg13 : memref<!tpu.dma_semaphore, #tpu.memory_space<semaphore_mem>>)
    %dma_start3A_159 = arith.constant 2 : i32
    %dma_start3A_160 = arith.constant 0 : i32
    %dma_start3A_161 = tpu.memref_slice %arg6[%dma_start3A_159, %dma_start3A_160] : memref<80x125xi32, #tpu.memory_space<vmem>> -> memref<1x125xi32, #tpu.memory_space<vmem>>
    %dma_start3A_162 = tpu.memref_squeeze %dma_start3A_161 : memref<1x125xi32, #tpu.memory_space<vmem>> -> memref<125xi32, #tpu.memory_space<vmem>>
    %dma_start3A_163 = arith.constant 0 : i32
    %dma_start3A_164 = arith.constant 0 : i32
    %dma_start3A_165 = tpu.memref_slice %arg2[%dma_start3A_163, %dma_start3A_164] : memref<10000x128xbf16, #tpu.memory_space<hbm>> -> memref<10000x128xbf16, #tpu.memory_space<hbm>>
    tpu.enqueue_indirect_dma source(%dma_start3A_165 : memref<10000x128xbf16, #tpu.memory_space<hbm>>) target(%arg10 : memref<125x128xbf16, #tpu.memory_space<vmem>>) offsets(%dma_start3A_162 : memref<125xi32, #tpu.memory_space<vmem>>) semaphore(%arg14 : memref<!tpu.dma_semaphore, #tpu.memory_space<semaphore_mem>>)
    %dma_start3A_166 = arith.constant 3 : i32
    %dma_start3A_167 = arith.constant 0 : i32
    %dma_start3A_168 = tpu.memref_slice %arg6[%dma_start3A_166, %dma_start3A_167] : memref<80x125xi32, #tpu.memory_space<vmem>> -> memref<1x125xi32, #tpu.memory_space<vmem>>
    %dma_start3A_169 = tpu.memref_squeeze %dma_start3A_168 : memref<1x125xi32, #tpu.memory_space<vmem>> -> memref<125xi32, #tpu.memory_space<vmem>>
    %dma_start3A_170 = arith.constant 0 : i32
    %dma_start3A_171 = arith.constant 0 : i32
    %dma_start3A_172 = tpu.memref_slice %arg2[%dma_start3A_170, %dma_start3A_171] : memref<10000x128xbf16, #tpu.memory_space<hbm>> -> memref<10000x128xbf16, #tpu.memory_space<hbm>>
    tpu.enqueue_indirect_dma source(%dma_start3A_172 : memref<10000x128xbf16, #tpu.memory_space<hbm>>) target(%arg11 : memref<125x128xbf16, #tpu.memory_space<vmem>>) offsets(%dma_start3A_169 : memref<125xi32, #tpu.memory_space<vmem>>) semaphore(%arg15 : memref<!tpu.dma_semaphore, #tpu.memory_space<semaphore_mem>>)
    %barrier3A = arith.constant 0 : index
    tpu.barrier barrier_id(%barrier3A)
    %scan3A_173 = arith.constant 0 : i32
    %scan3A_174 = arith.constant 0 : i32
    %scan3A_175 = arith.constant 20 : i32
    %scan3A_176 = arith.addi %scan3A_174, %scan3A_175 : i32
    %scan3A_177 = arith.constant 1 : i32
    scf.for %scan3A_216 = %scan3A_174 to %scan3A_176 step %scan3A_177  : i32 {
      %mul3A_217 = arith.constant 4 : i32
      %mul3A_218 = arith.muli %scan3A_216, %mul3A_217 : i32
      %dma_wait3A_219 = arith.constant 0 : i32
      %dma_wait3A_220 = arith.constant 0 : i32
      %dma_wait3A_221 = tpu.memref_slice %arg2[%dma_wait3A_219, %dma_wait3A_220] : memref<10000x128xbf16, #tpu.memory_space<hbm>> -> memref<125x128xbf16, #tpu.memory_space<hbm>>
      %dma_wait3A_222 = arith.constant 0 : i32
      %dma_wait3A_223 = arith.constant 0 : i32
      %dma_wait3A_224 = tpu.memref_slice %arg2[%dma_wait3A_222, %dma_wait3A_223] : memref<10000x128xbf16, #tpu.memory_space<hbm>> -> memref<125x128xbf16, #tpu.memory_space<hbm>>
      tpu.wait_dma2 semaphore(%arg12 : memref<!tpu.dma_semaphore, #tpu.memory_space<semaphore_mem>>) src(%dma_wait3A_224 : memref<125x128xbf16, #tpu.memory_space<hbm>>) dst(%arg8 : memref<125x128xbf16, #tpu.memory_space<vmem>>)
      %add3A_225 = arith.constant 0 : i32
      %add3A_226 = arith.addi %mul3A_218, %add3A_225 : i32
      %dma_start3A_227 = arith.constant 0 : i32
      %dma_start3A_228 = tpu.memref_slice %arg7[%add3A_226, %dma_start3A_227] : memref<80x125xi32, #tpu.memory_space<vmem>> -> memref<1x125xi32, #tpu.memory_space<vmem>>
      %dma_start3A_229 = tpu.memref_squeeze %dma_start3A_228 : memref<1x125xi32, #tpu.memory_space<vmem>> -> memref<125xi32, #tpu.memory_space<vmem>>
      %dma_start3A_230 = arith.constant 0 : i32
      %dma_start3A_231 = arith.constant 0 : i32
      %dma_start3A_232 = tpu.memref_slice %arg20[%dma_start3A_230, %dma_start3A_231] : memref<10240x128xbf16, #tpu.memory_space<vmem_shared>> -> memref<10240x128xbf16, #tpu.memory_space<vmem_shared>>
      tpu.enqueue_indirect_dma source(%arg8 : memref<125x128xbf16, #tpu.memory_space<vmem>>) target(%dma_start3A_232 : memref<10240x128xbf16, #tpu.memory_space<vmem_shared>>) offsets(%dma_start3A_229 : memref<125xi32, #tpu.memory_space<vmem>>) semaphore(%arg16 : memref<!tpu.dma_semaphore, #tpu.memory_space<semaphore_mem>>) {add = true}
      %dma_wait3A_233 = arith.constant 0 : i32
      %dma_wait3A_234 = arith.constant 0 : i32
      %dma_wait3A_235 = tpu.memref_slice %arg2[%dma_wait3A_233, %dma_wait3A_234] : memref<10000x128xbf16, #tpu.memory_space<hbm>> -> memref<125x128xbf16, #tpu.memory_space<hbm>>
      %dma_wait3A_236 = arith.constant 0 : i32
      %dma_wait3A_237 = arith.constant 0 : i32
      %dma_wait3A_238 = tpu.memref_slice %arg2[%dma_wait3A_236, %dma_wait3A_237] : memref<10000x128xbf16, #tpu.memory_space<hbm>> -> memref<125x128xbf16, #tpu.memory_space<hbm>>
      tpu.wait_dma2 semaphore(%arg13 : memref<!tpu.dma_semaphore, #tpu.memory_space<semaphore_mem>>) src(%dma_wait3A_238 : memref<125x128xbf16, #tpu.memory_space<hbm>>) dst(%arg9 : memref<125x128xbf16, #tpu.memory_space<vmem>>)
      %add3A_239 = arith.constant 1 : i32
      %add3A_240 = arith.addi %mul3A_218, %add3A_239 : i32
      %dma_start3A_241 = arith.constant 0 : i32
      %dma_start3A_242 = tpu.memref_slice %arg7[%add3A_240, %dma_start3A_241] : memref<80x125xi32, #tpu.memory_space<vmem>> -> memref<1x125xi32, #tpu.memory_space<vmem>>
      %dma_start3A_243 = tpu.memref_squeeze %dma_start3A_242 : memref<1x125xi32, #tpu.memory_space<vmem>> -> memref<125xi32, #tpu.memory_space<vmem>>
      %dma_start3A_244 = arith.constant 0 : i32
      %dma_start3A_245 = arith.constant 0 : i32
      %dma_start3A_246 = tpu.memref_slice %arg20[%dma_start3A_244, %dma_start3A_245] : memref<10240x128xbf16, #tpu.memory_space<vmem_shared>> -> memref<10240x128xbf16, #tpu.memory_space<vmem_shared>>
      tpu.enqueue_indirect_dma source(%arg9 : memref<125x128xbf16, #tpu.memory_space<vmem>>) target(%dma_start3A_246 : memref<10240x128xbf16, #tpu.memory_space<vmem_shared>>) offsets(%dma_start3A_243 : memref<125xi32, #tpu.memory_space<vmem>>) semaphore(%arg17 : memref<!tpu.dma_semaphore, #tpu.memory_space<semaphore_mem>>) {add = true}
      %dma_wait3A_247 = arith.constant 0 : i32
      %dma_wait3A_248 = arith.constant 0 : i32
      %dma_wait3A_249 = tpu.memref_slice %arg2[%dma_wait3A_247, %dma_wait3A_248] : memref<10000x128xbf16, #tpu.memory_space<hbm>> -> memref<125x128xbf16, #tpu.memory_space<hbm>>
      %dma_wait3A_250 = arith.constant 0 : i32
      %dma_wait3A_251 = arith.constant 0 : i32
      %dma_wait3A_252 = tpu.memref_slice %arg2[%dma_wait3A_250, %dma_wait3A_251] : memref<10000x128xbf16, #tpu.memory_space<hbm>> -> memref<125x128xbf16, #tpu.memory_space<hbm>>
      tpu.wait_dma2 semaphore(%arg14 : memref<!tpu.dma_semaphore, #tpu.memory_space<semaphore_mem>>) src(%dma_wait3A_252 : memref<125x128xbf16, #tpu.memory_space<hbm>>) dst(%arg10 : memref<125x128xbf16, #tpu.memory_space<vmem>>)
      %add3A_253 = arith.constant 2 : i32
      %add3A_254 = arith.addi %mul3A_218, %add3A_253 : i32
      %dma_start3A_255 = arith.constant 0 : i32
      %dma_start3A_256 = tpu.memref_slice %arg7[%add3A_254, %dma_start3A_255] : memref<80x125xi32, #tpu.memory_space<vmem>> -> memref<1x125xi32, #tpu.memory_space<vmem>>
      %dma_start3A_257 = tpu.memref_squeeze %dma_start3A_256 : memref<1x125xi32, #tpu.memory_space<vmem>> -> memref<125xi32, #tpu.memory_space<vmem>>
      %dma_start3A_258 = arith.constant 0 : i32
      %dma_start3A_259 = arith.constant 0 : i32
      %dma_start3A_260 = tpu.memref_slice %arg20[%dma_start3A_258, %dma_start3A_259] : memref<10240x128xbf16, #tpu.memory_space<vmem_shared>> -> memref<10240x128xbf16, #tpu.memory_space<vmem_shared>>
      tpu.enqueue_indirect_dma source(%arg10 : memref<125x128xbf16, #tpu.memory_space<vmem>>) target(%dma_start3A_260 : memref<10240x128xbf16, #tpu.memory_space<vmem_shared>>) offsets(%dma_start3A_257 : memref<125xi32, #tpu.memory_space<vmem>>) semaphore(%arg18 : memref<!tpu.dma_semaphore, #tpu.memory_space<semaphore_mem>>) {add = true}
      %dma_wait3A_261 = arith.constant 0 : i32
      %dma_wait3A_262 = arith.constant 0 : i32
      %dma_wait3A_263 = tpu.memref_slice %arg2[%dma_wait3A_261, %dma_wait3A_262] : memref<10000x128xbf16, #tpu.memory_space<hbm>> -> memref<125x128xbf16, #tpu.memory_space<hbm>>
      %dma_wait3A_264 = arith.constant 0 : i32
      %dma_wait3A_265 = arith.constant 0 : i32
      %dma_wait3A_266 = tpu.memref_slice %arg2[%dma_wait3A_264, %dma_wait3A_265] : memref<10000x128xbf16, #tpu.memory_space<hbm>> -> memref<125x128xbf16, #tpu.memory_space<hbm>>
      tpu.wait_dma2 semaphore(%arg15 : memref<!tpu.dma_semaphore, #tpu.memory_space<semaphore_mem>>) src(%dma_wait3A_266 : memref<125x128xbf16, #tpu.memory_space<hbm>>) dst(%arg11 : memref<125x128xbf16, #tpu.memory_space<vmem>>)
      %add3A_267 = arith.constant 3 : i32
      %add3A_268 = arith.addi %mul3A_218, %add3A_267 : i32
      %dma_start3A_269 = arith.constant 0 : i32
      %dma_start3A_270 = tpu.memref_slice %arg7[%add3A_268, %dma_start3A_269] : memref<80x125xi32, #tpu.memory_space<vmem>> -> memref<1x125xi32, #tpu.memory_space<vmem>>
      %dma_start3A_271 = tpu.memref_squeeze %dma_start3A_270 : memref<1x125xi32, #tpu.memory_space<vmem>> -> memref<125xi32, #tpu.memory_space<vmem>>
      %dma_start3A_272 = arith.constant 0 : i32
      %dma_start3A_273 = arith.constant 0 : i32
      %dma_start3A_274 = tpu.memref_slice %arg20[%dma_start3A_272, %dma_start3A_273] : memref<10240x128xbf16, #tpu.memory_space<vmem_shared>> -> memref<10240x128xbf16, #tpu.memory_space<vmem_shared>>
      tpu.enqueue_indirect_dma source(%arg11 : memref<125x128xbf16, #tpu.memory_space<vmem>>) target(%dma_start3A_274 : memref<10240x128xbf16, #tpu.memory_space<vmem_shared>>) offsets(%dma_start3A_271 : memref<125xi32, #tpu.memory_space<vmem>>) semaphore(%arg19 : memref<!tpu.dma_semaphore, #tpu.memory_space<semaphore_mem>>) {add = true}
      %add3A_275 = arith.constant 4 : i32
      %add3A_276 = arith.addi %mul3A_218, %add3A_275 : i32
      %add3A_277 = arith.constant 0 : i32
      %add3A_278 = arith.addi %add3A_276, %add3A_277 : i32
      %lt3A = arith.constant 80 : i32
      %lt3A_279 = arith.cmpi slt, %add3A_278, %lt3A : i32
      %convert_element_type3A = arith.extui %lt3A_279 : i1 to i32
      %cond3A = arith.constant 0 : i32
      %cond3A_280 = arith.cmpi ne, %convert_element_type3A, %cond3A : i32
      scf.if %cond3A_280 {
        %dma_wait3A_308 = arith.constant 0 : i32
        %dma_wait3A_309 = arith.constant 0 : i32
        %dma_wait3A_310 = tpu.memref_slice %arg2[%dma_wait3A_308, %dma_wait3A_309] : memref<10000x128xbf16, #tpu.memory_space<hbm>> -> memref<125x128xbf16, #tpu.memory_space<hbm>>
        %dma_wait3A_311 = arith.constant 0 : i32
        %dma_wait3A_312 = arith.constant 0 : i32
        %dma_wait3A_313 = tpu.memref_slice %arg2[%dma_wait3A_311, %dma_wait3A_312] : memref<10000x128xbf16, #tpu.memory_space<hbm>> -> memref<125x128xbf16, #tpu.memory_space<hbm>>
        tpu.wait_dma2 semaphore(%arg16 : memref<!tpu.dma_semaphore, #tpu.memory_space<semaphore_mem>>) src(%dma_wait3A_313 : memref<125x128xbf16, #tpu.memory_space<hbm>>) dst(%arg8 : memref<125x128xbf16, #tpu.memory_space<vmem>>)
        %dma_start3A_314 = arith.constant 0 : i32
        %dma_start3A_315 = tpu.memref_slice %arg6[%add3A_278, %dma_start3A_314] : memref<80x125xi32, #tpu.memory_space<vmem>> -> memref<1x125xi32, #tpu.memory_space<vmem>>
        %dma_start3A_316 = tpu.memref_squeeze %dma_start3A_315 : memref<1x125xi32, #tpu.memory_space<vmem>> -> memref<125xi32, #tpu.memory_space<vmem>>
        %dma_start3A_317 = arith.constant 0 : i32
        %dma_start3A_318 = arith.constant 0 : i32
        %dma_start3A_319 = tpu.memref_slice %arg2[%dma_start3A_317, %dma_start3A_318] : memref<10000x128xbf16, #tpu.memory_space<hbm>> -> memref<10000x128xbf16, #tpu.memory_space<hbm>>
        tpu.enqueue_indirect_dma source(%dma_start3A_319 : memref<10000x128xbf16, #tpu.memory_space<hbm>>) target(%arg8 : memref<125x128xbf16, #tpu.memory_space<vmem>>) offsets(%dma_start3A_316 : memref<125xi32, #tpu.memory_space<vmem>>) semaphore(%arg12 : memref<!tpu.dma_semaphore, #tpu.memory_space<semaphore_mem>>)
      } else {
      }
      %add3A_281 = arith.constant 4 : i32
      %add3A_282 = arith.addi %mul3A_218, %add3A_281 : i32
      %add3A_283 = arith.constant 1 : i32
      %add3A_284 = arith.addi %add3A_282, %add3A_283 : i32
      %lt3A_285 = arith.constant 80 : i32
      %lt3A_286 = arith.cmpi slt, %add3A_284, %lt3A_285 : i32
      %convert_element_type3A_287 = arith.extui %lt3A_286 : i1 to i32
      %cond3A_288 = arith.constant 0 : i32
      %cond3A_289 = arith.cmpi ne, %convert_element_type3A_287, %cond3A_288 : i32
      scf.if %cond3A_289 {
        %dma_wait3A_308 = arith.constant 0 : i32
        %dma_wait3A_309 = arith.constant 0 : i32
        %dma_wait3A_310 = tpu.memref_slice %arg2[%dma_wait3A_308, %dma_wait3A_309] : memref<10000x128xbf16, #tpu.memory_space<hbm>> -> memref<125x128xbf16, #tpu.memory_space<hbm>>
        %dma_wait3A_311 = arith.constant 0 : i32
        %dma_wait3A_312 = arith.constant 0 : i32
        %dma_wait3A_313 = tpu.memref_slice %arg2[%dma_wait3A_311, %dma_wait3A_312] : memref<10000x128xbf16, #tpu.memory_space<hbm>> -> memref<125x128xbf16, #tpu.memory_space<hbm>>
        tpu.wait_dma2 semaphore(%arg17 : memref<!tpu.dma_semaphore, #tpu.memory_space<semaphore_mem>>) src(%dma_wait3A_313 : memref<125x128xbf16, #tpu.memory_space<hbm>>) dst(%arg9 : memref<125x128xbf16, #tpu.memory_space<vmem>>)
        %dma_start3A_314 = arith.constant 0 : i32
        %dma_start3A_315 = tpu.memref_slice %arg6[%add3A_284, %dma_start3A_314] : memref<80x125xi32, #tpu.memory_space<vmem>> -> memref<1x125xi32, #tpu.memory_space<vmem>>
        %dma_start3A_316 = tpu.memref_squeeze %dma_start3A_315 : memref<1x125xi32, #tpu.memory_space<vmem>> -> memref<125xi32, #tpu.memory_space<vmem>>
        %dma_start3A_317 = arith.constant 0 : i32
        %dma_start3A_318 = arith.constant 0 : i32
        %dma_start3A_319 = tpu.memref_slice %arg2[%dma_start3A_317, %dma_start3A_318] : memref<10000x128xbf16, #tpu.memory_space<hbm>> -> memref<10000x128xbf16, #tpu.memory_space<hbm>>
        tpu.enqueue_indirect_dma source(%dma_start3A_319 : memref<10000x128xbf16, #tpu.memory_space<hbm>>) target(%arg9 : memref<125x128xbf16, #tpu.memory_space<vmem>>) offsets(%dma_start3A_316 : memref<125xi32, #tpu.memory_space<vmem>>) semaphore(%arg13 : memref<!tpu.dma_semaphore, #tpu.memory_space<semaphore_mem>>)
      } else {
      }
      %add3A_290 = arith.constant 4 : i32
      %add3A_291 = arith.addi %mul3A_218, %add3A_290 : i32
      %add3A_292 = arith.constant 2 : i32
      %add3A_293 = arith.addi %add3A_291, %add3A_292 : i32
      %lt3A_294 = arith.constant 80 : i32
      %lt3A_295 = arith.cmpi slt, %add3A_293, %lt3A_294 : i32
      %convert_element_type3A_296 = arith.extui %lt3A_295 : i1 to i32
      %cond3A_297 = arith.constant 0 : i32
      %cond3A_298 = arith.cmpi ne, %convert_element_type3A_296, %cond3A_297 : i32
      scf.if %cond3A_298 {
        %dma_wait3A_308 = arith.constant 0 : i32
        %dma_wait3A_309 = arith.constant 0 : i32
        %dma_wait3A_310 = tpu.memref_slice %arg2[%dma_wait3A_308, %dma_wait3A_309] : memref<10000x128xbf16, #tpu.memory_space<hbm>> -> memref<125x128xbf16, #tpu.memory_space<hbm>>
        %dma_wait3A_311 = arith.constant 0 : i32
        %dma_wait3A_312 = arith.constant 0 : i32
        %dma_wait3A_313 = tpu.memref_slice %arg2[%dma_wait3A_311, %dma_wait3A_312] : memref<10000x128xbf16, #tpu.memory_space<hbm>> -> memref<125x128xbf16, #tpu.memory_space<hbm>>
        tpu.wait_dma2 semaphore(%arg18 : memref<!tpu.dma_semaphore, #tpu.memory_space<semaphore_mem>>) src(%dma_wait3A_313 : memref<125x128xbf16, #tpu.memory_space<hbm>>) dst(%arg10 : memref<125x128xbf16, #tpu.memory_space<vmem>>)
        %dma_start3A_314 = arith.constant 0 : i32
        %dma_start3A_315 = tpu.memref_slice %arg6[%add3A_293, %dma_start3A_314] : memref<80x125xi32, #tpu.memory_space<vmem>> -> memref<1x125xi32, #tpu.memory_space<vmem>>
        %dma_start3A_316 = tpu.memref_squeeze %dma_start3A_315 : memref<1x125xi32, #tpu.memory_space<vmem>> -> memref<125xi32, #tpu.memory_space<vmem>>
        %dma_start3A_317 = arith.constant 0 : i32
        %dma_start3A_318 = arith.constant 0 : i32
        %dma_start3A_319 = tpu.memref_slice %arg2[%dma_start3A_317, %dma_start3A_318] : memref<10000x128xbf16, #tpu.memory_space<hbm>> -> memref<10000x128xbf16, #tpu.memory_space<hbm>>
        tpu.enqueue_indirect_dma source(%dma_start3A_319 : memref<10000x128xbf16, #tpu.memory_space<hbm>>) target(%arg10 : memref<125x128xbf16, #tpu.memory_space<vmem>>) offsets(%dma_start3A_316 : memref<125xi32, #tpu.memory_space<vmem>>) semaphore(%arg14 : memref<!tpu.dma_semaphore, #tpu.memory_space<semaphore_mem>>)
      } else {
      }
      %add3A_299 = arith.constant 4 : i32
      %add3A_300 = arith.addi %mul3A_218, %add3A_299 : i32
      %add3A_301 = arith.constant 3 : i32
      %add3A_302 = arith.addi %add3A_300, %add3A_301 : i32
      %lt3A_303 = arith.constant 80 : i32
      %lt3A_304 = arith.cmpi slt, %add3A_302, %lt3A_303 : i32
      %convert_element_type3A_305 = arith.extui %lt3A_304 : i1 to i32
      %cond3A_306 = arith.constant 0 : i32
      %cond3A_307 = arith.cmpi ne, %convert_element_type3A_305, %cond3A_306 : i32
      scf.if %cond3A_307 {
        %dma_wait3A_308 = arith.constant 0 : i32
        %dma_wait3A_309 = arith.constant 0 : i32
        %dma_wait3A_310 = tpu.memref_slice %arg2[%dma_wait3A_308, %dma_wait3A_309] : memref<10000x128xbf16, #tpu.memory_space<hbm>> -> memref<125x128xbf16, #tpu.memory_space<hbm>>
        %dma_wait3A_311 = arith.constant 0 : i32
        %dma_wait3A_312 = arith.constant 0 : i32
        %dma_wait3A_313 = tpu.memref_slice %arg2[%dma_wait3A_311, %dma_wait3A_312] : memref<10000x128xbf16, #tpu.memory_space<hbm>> -> memref<125x128xbf16, #tpu.memory_space<hbm>>
        tpu.wait_dma2 semaphore(%arg19 : memref<!tpu.dma_semaphore, #tpu.memory_space<semaphore_mem>>) src(%dma_wait3A_313 : memref<125x128xbf16, #tpu.memory_space<hbm>>) dst(%arg11 : memref<125x128xbf16, #tpu.memory_space<vmem>>)
        %dma_start3A_314 = arith.constant 0 : i32
        %dma_start3A_315 = tpu.memref_slice %arg6[%add3A_302, %dma_start3A_314] : memref<80x125xi32, #tpu.memory_space<vmem>> -> memref<1x125xi32, #tpu.memory_space<vmem>>
        %dma_start3A_316 = tpu.memref_squeeze %dma_start3A_315 : memref<1x125xi32, #tpu.memory_space<vmem>> -> memref<125xi32, #tpu.memory_space<vmem>>
        %dma_start3A_317 = arith.constant 0 : i32
        %dma_start3A_318 = arith.constant 0 : i32
        %dma_start3A_319 = tpu.memref_slice %arg2[%dma_start3A_317, %dma_start3A_318] : memref<10000x128xbf16, #tpu.memory_space<hbm>> -> memref<10000x128xbf16, #tpu.memory_space<hbm>>
        tpu.enqueue_indirect_dma source(%dma_start3A_319 : memref<10000x128xbf16, #tpu.memory_space<hbm>>) target(%arg11 : memref<125x128xbf16, #tpu.memory_space<vmem>>) offsets(%dma_start3A_316 : memref<125xi32, #tpu.memory_space<vmem>>) semaphore(%arg15 : memref<!tpu.dma_semaphore, #tpu.memory_space<semaphore_mem>>)
      } else {
      }
    }
    %scan3A_178 = arith.constant 20 : i32
    %dma_wait3A_179 = arith.constant 0 : i32
    %dma_wait3A_180 = arith.constant 0 : i32
    %dma_wait3A_181 = tpu.memref_slice %arg2[%dma_wait3A_179, %dma_wait3A_180] : memref<10000x128xbf16, #tpu.memory_space<hbm>> -> memref<125x128xbf16, #tpu.memory_space<hbm>>
    %dma_wait3A_182 = arith.constant 0 : i32
    %dma_wait3A_183 = arith.constant 0 : i32
    %dma_wait3A_184 = tpu.memref_slice %arg2[%dma_wait3A_182, %dma_wait3A_183] : memref<10000x128xbf16, #tpu.memory_space<hbm>> -> memref<125x128xbf16, #tpu.memory_space<hbm>>
    tpu.wait_dma2 semaphore(%arg16 : memref<!tpu.dma_semaphore, #tpu.memory_space<semaphore_mem>>) src(%dma_wait3A_184 : memref<125x128xbf16, #tpu.memory_space<hbm>>) dst(%arg8 : memref<125x128xbf16, #tpu.memory_space<vmem>>)
    %dma_wait3A_185 = arith.constant 0 : i32
    %dma_wait3A_186 = arith.constant 0 : i32
    %dma_wait3A_187 = tpu.memref_slice %arg2[%dma_wait3A_185, %dma_wait3A_186] : memref<10000x128xbf16, #tpu.memory_space<hbm>> -> memref<125x128xbf16, #tpu.memory_space<hbm>>
    %dma_wait3A_188 = arith.constant 0 : i32
    %dma_wait3A_189 = arith.constant 0 : i32
    %dma_wait3A_190 = tpu.memref_slice %arg2[%dma_wait3A_188, %dma_wait3A_189] : memref<10000x128xbf16, #tpu.memory_space<hbm>> -> memref<125x128xbf16, #tpu.memory_space<hbm>>
    tpu.wait_dma2 semaphore(%arg17 : memref<!tpu.dma_semaphore, #tpu.memory_space<semaphore_mem>>) src(%dma_wait3A_190 : memref<125x128xbf16, #tpu.memory_space<hbm>>) dst(%arg9 : memref<125x128xbf16, #tpu.memory_space<vmem>>)
    %dma_wait3A_191 = arith.constant 0 : i32
    %dma_wait3A_192 = arith.constant 0 : i32
    %dma_wait3A_193 = tpu.memref_slice %arg2[%dma_wait3A_191, %dma_wait3A_192] : memref<10000x128xbf16, #tpu.memory_space<hbm>> -> memref<125x128xbf16, #tpu.memory_space<hbm>>
    %dma_wait3A_194 = arith.constant 0 : i32
    %dma_wait3A_195 = arith.constant 0 : i32
    %dma_wait3A_196 = tpu.memref_slice %arg2[%dma_wait3A_194, %dma_wait3A_195] : memref<10000x128xbf16, #tpu.memory_space<hbm>> -> memref<125x128xbf16, #tpu.memory_space<hbm>>
    tpu.wait_dma2 semaphore(%arg18 : memref<!tpu.dma_semaphore, #tpu.memory_space<semaphore_mem>>) src(%dma_wait3A_196 : memref<125x128xbf16, #tpu.memory_space<hbm>>) dst(%arg10 : memref<125x128xbf16, #tpu.memory_space<vmem>>)
    %dma_wait3A_197 = arith.constant 0 : i32
    %dma_wait3A_198 = arith.constant 0 : i32
    %dma_wait3A_199 = tpu.memref_slice %arg2[%dma_wait3A_197, %dma_wait3A_198] : memref<10000x128xbf16, #tpu.memory_space<hbm>> -> memref<125x128xbf16, #tpu.memory_space<hbm>>
    %dma_wait3A_200 = arith.constant 0 : i32
    %dma_wait3A_201 = arith.constant 0 : i32
    %dma_wait3A_202 = tpu.memref_slice %arg2[%dma_wait3A_200, %dma_wait3A_201] : memref<10000x128xbf16, #tpu.memory_space<hbm>> -> memref<125x128xbf16, #tpu.memory_space<hbm>>
    tpu.wait_dma2 semaphore(%arg19 : memref<!tpu.dma_semaphore, #tpu.memory_space<semaphore_mem>>) src(%dma_wait3A_202 : memref<125x128xbf16, #tpu.memory_space<hbm>>) dst(%arg11 : memref<125x128xbf16, #tpu.memory_space<vmem>>)
    %barrier3A_203 = arith.constant 0 : index
    tpu.barrier barrier_id(%barrier3A_203)
    %mul3A_204 = arith.constant 640 : i32
    %mul3A_205 = arith.muli %arg1, %mul3A_204 : i32
    %dma_start3A_206 = arith.constant 0 : i32
    %dma_start3A_207 = tpu.memref_slice %arg5[%arg0, %mul3A_205, %dma_start3A_206] : memref<2x10240x128xbf16, #tpu.memory_space<hbm>> -> memref<1x640x128xbf16, #tpu.memory_space<hbm>>
    %dma_start3A_208 = tpu.memref_squeeze %dma_start3A_207 : memref<1x640x128xbf16, #tpu.memory_space<hbm>> -> memref<640x128xbf16, #tpu.memory_space<hbm>>
    %dma_start3A_209 = arith.constant 0 : i32
    %dma_start3A_210 = tpu.memref_slice %arg20[%mul3A_205, %dma_start3A_209] : memref<10240x128xbf16, #tpu.memory_space<vmem_shared>> -> memref<640x128xbf16, #tpu.memory_space<vmem_shared>>
    tpu.enqueue_dma source(%dma_start3A_210 : memref<640x128xbf16, #tpu.memory_space<vmem_shared>>) target(%dma_start3A_208 : memref<640x128xbf16, #tpu.memory_space<hbm>>) target_semaphore(%arg12 : memref<!tpu.dma_semaphore, #tpu.memory_space<semaphore_mem>>)
    %dma_wait3A_211 = arith.constant 0 : i32
    %dma_wait3A_212 = tpu.memref_slice %arg5[%arg0, %mul3A_205, %dma_wait3A_211] : memref<2x10240x128xbf16, #tpu.memory_space<hbm>> -> memref<1x640x128xbf16, #tpu.memory_space<hbm>>
    %dma_wait3A_213 = tpu.memref_squeeze %dma_wait3A_212 : memref<1x640x128xbf16, #tpu.memory_space<hbm>> -> memref<640x128xbf16, #tpu.memory_space<hbm>>
    %dma_wait3A_214 = arith.constant 0 : i32
    %dma_wait3A_215 = tpu.memref_slice %arg20[%mul3A_205, %dma_wait3A_214] : memref<10240x128xbf16, #tpu.memory_space<vmem_shared>> -> memref<640x128xbf16, #tpu.memory_space<vmem_shared>>
    tpu.wait_dma2 semaphore(%arg12 : memref<!tpu.dma_semaphore, #tpu.memory_space<semaphore_mem>>) src(%dma_wait3A_215 : memref<640x128xbf16, #tpu.memory_space<vmem_shared>>) dst(%dma_wait3A_213 : memref<640x128xbf16, #tpu.memory_space<hbm>>)
    return
  }
}

module attributes {stable_mosaic.version = 14 : i64} {
  func.func @body(%arg0: i32, %arg1: memref<2x2000x128xbf16, #tpu.memory_space<vmem>>, %arg2: memref<2x2000x1xf32, #tpu.memory_space<vmem>>, %arg3: memref<2000x128xf32, #tpu.memory_space<vmem>>, %arg4: memref<128x128xf32, #tpu.memory_space<vmem>>, %arg5: memref<1x128xf32, #tpu.memory_space<vmem>>, %arg6: memref<128x128xf32, #tpu.memory_space<vmem>>, %arg7: memref<128x64xf32, #tpu.memory_space<vmem>>, %arg8: memref<2000x128xf32, #tpu.memory_space<vmem>>, %arg9: memref<2000x64xf32, #tpu.memory_space<vmem>>) attributes {dimension_semantics = [#tpu.dimension_semantics<arbitrary>], iteration_bounds = array<i64: 5>, scalar_prefetch = 0 : i64, scratch_operands = 0 : i64, tpu.core_type = #tpu.core_type<tc>, window_params = [{transform_indices = @transform_0, window_bounds = array<i64: 2, 2000, 128>}, {transform_indices = @transform_1, window_bounds = array<i64: 2, 2000, 1>}, {transform_indices = @transform_2, window_bounds = array<i64: 2000, 128>}, {pipeline_mode = #tpu.pipeline_mode<synchronous>, transform_indices = @transform_3, window_bounds = array<i64: 128, 128>}, {pipeline_mode = #tpu.pipeline_mode<synchronous>, transform_indices = @transform_4, window_bounds = array<i64: 1, 128>}, {pipeline_mode = #tpu.pipeline_mode<synchronous>, transform_indices = @transform_5, window_bounds = array<i64: 128, 128>}, {pipeline_mode = #tpu.pipeline_mode<synchronous>, transform_indices = @transform_6, window_bounds = array<i64: 128, 64>}, {transform_indices = @transform_7, window_bounds = array<i64: 2000, 128>}, {transform_indices = @transform_8, window_bounds = array<i64: 2000, 64>}]} {
    %get3A = arith.constant 0 : index
    %get3A_0 = arith.constant 0 : index
    %get3A_1 = arith.constant 0 : index
    %get3A_2 = vector.load %arg1[%get3A, %get3A_0, %get3A_1] : memref<2x2000x128xbf16, #tpu.memory_space<vmem>>, vector<1x2000x128xbf16>
    %get3A_3 = vector.shape_cast %get3A_2 : vector<1x2000x128xbf16> to vector<2000x128xbf16>
    %convert_element_type3A = arith.extf %get3A_3 : vector<2000x128xbf16> to vector<2000x128xf32>
    %get3A_4 = arith.constant 1 : index
    %get3A_5 = arith.constant 0 : index
    %get3A_6 = arith.constant 0 : index
    %get3A_7 = vector.load %arg1[%get3A_4, %get3A_5, %get3A_6] : memref<2x2000x128xbf16, #tpu.memory_space<vmem>>, vector<1x2000x128xbf16>
    %get3A_8 = vector.shape_cast %get3A_7 : vector<1x2000x128xbf16> to vector<2000x128xbf16>
    %convert_element_type3A_9 = arith.extf %get3A_8 : vector<2000x128xbf16> to vector<2000x128xf32>
    %add3A = arith.addf %convert_element_type3A, %convert_element_type3A_9 : vector<2000x128xf32>
    %get3A_10 = arith.constant 0 : index
    %get3A_11 = arith.constant 0 : index
    %get3A_12 = arith.constant 0 : index
    %get3A_13 = vector.load %arg2[%get3A_10, %get3A_11, %get3A_12] : memref<2x2000x1xf32, #tpu.memory_space<vmem>>, vector<1x2000x1xf32>
    %get3A_14 = vector.shape_cast %get3A_13 : vector<1x2000x1xf32> to vector<2000x1xf32>
    %get3A_15 = arith.constant 1 : index
    %get3A_16 = arith.constant 0 : index
    %get3A_17 = arith.constant 0 : index
    %get3A_18 = vector.load %arg2[%get3A_15, %get3A_16, %get3A_17] : memref<2x2000x1xf32, #tpu.memory_space<vmem>>, vector<1x2000x1xf32>
    %get3A_19 = vector.shape_cast %get3A_18 : vector<1x2000x1xf32> to vector<2000x1xf32>
    %add3A_20 = arith.addf %get3A_14, %get3A_19 : vector<2000x1xf32>
    %max3A = arith.constant 1.000000e+00 : f32
    %max3A_21 = vector.broadcast %max3A : f32 to vector<2000x1xf32>
    %max3A_22 = arith.maximumf %add3A_20, %max3A_21 : vector<2000x1xf32>
    %div3A = arith.constant 1.000000e+00 : f32
    %div3A_23 = vector.broadcast %div3A : f32 to vector<2000x1xf32>
    %div3A_24 = arith.divf %div3A_23, %max3A_22 : vector<2000x1xf32>
    %mul3A = vector.broadcast %div3A_24 : vector<2000x1xf32> to vector<2000x128xf32>
    %mul3A_25 = arith.mulf %add3A, %mul3A : vector<2000x128xf32>
    %get3A_26 = arith.constant 0 : index
    %get3A_27 = arith.constant 0 : index
    %get3A_28 = vector.load %arg4[%get3A_26, %get3A_27] : memref<128x128xf32, #tpu.memory_space<vmem>>, vector<128x128xf32>
    %dot_general3A = arith.constant dense<0.000000e+00> : vector<2000x128xf32>
    %dot_general3A_29 = tpu.matmul %mul3A_25, %get3A_28, %dot_general3A {dimension_numbers = #tpu.dot_dimension_numbers<[1], [0], [0], [1], [0, 0, 1, 1], [], []>, transpose_lhs_hint = false} : vector<2000x128xf32>, vector<128x128xf32>, vector<2000x128xf32> -> vector<2000x128xf32>
    %get3A_30 = arith.constant 0 : index
    %get3A_31 = arith.constant 0 : index
    %get3A_32 = vector.load %arg5[%get3A_30, %get3A_31] : memref<1x128xf32, #tpu.memory_space<vmem>>, vector<1x128xf32>
    %add3A_33 = vector.broadcast %get3A_32 : vector<1x128xf32> to vector<2000x128xf32>
    %add3A_34 = arith.addf %dot_general3A_29, %add3A_33 : vector<2000x128xf32>
    %get3A_35 = arith.constant 0 : index
    %get3A_36 = arith.constant 0 : index
    %get3A_37 = vector.load %arg3[%get3A_35, %get3A_36] : memref<2000x128xf32, #tpu.memory_space<vmem>>, vector<2000x128xf32>
    %get3A_38 = arith.constant 0 : index
    %get3A_39 = arith.constant 0 : index
    %get3A_40 = vector.load %arg6[%get3A_38, %get3A_39] : memref<128x128xf32, #tpu.memory_space<vmem>>, vector<128x128xf32>
    %dot_general3A_41 = arith.constant dense<0.000000e+00> : vector<2000x128xf32>
    %dot_general3A_42 = tpu.matmul %get3A_37, %get3A_40, %dot_general3A_41 {dimension_numbers = #tpu.dot_dimension_numbers<[1], [0], [0], [1], [0, 0, 1, 1], [], []>, transpose_lhs_hint = false} : vector<2000x128xf32>, vector<128x128xf32>, vector<2000x128xf32> -> vector<2000x128xf32>
    %add3A_43 = arith.addf %add3A_34, %dot_general3A_42 : vector<2000x128xf32>
    %max3A_44 = arith.constant 0.000000e+00 : f32
    %max3A_45 = vector.broadcast %max3A_44 : f32 to vector<2000x128xf32>
    %max3A_46 = arith.maximumf %add3A_43, %max3A_45 : vector<2000x128xf32>
    %swap3A = arith.constant 0 : index
    %swap3A_47 = arith.constant 0 : index
    %swap3A_48 = vector.load %arg8[%swap3A, %swap3A_47] : memref<2000x128xf32, #tpu.memory_space<vmem>>, vector<2000x128xf32>
    tpu.vector_store %arg8[%swap3A, %swap3A_47], %max3A_46 {strides = array<i32>} : memref<2000x128xf32, #tpu.memory_space<vmem>>, vector<2000x128xf32>,
    %get3A_49 = arith.constant 0 : index
    %get3A_50 = arith.constant 0 : index
    %get3A_51 = vector.load %arg7[%get3A_49, %get3A_50] : memref<128x64xf32, #tpu.memory_space<vmem>>, vector<128x64xf32>
    %dot_general3A_52 = arith.constant dense<0.000000e+00> : vector<2000x64xf32>
    %dot_general3A_53 = tpu.matmul %max3A_46, %get3A_51, %dot_general3A_52 {dimension_numbers = #tpu.dot_dimension_numbers<[1], [0], [0], [1], [0, 0, 1, 1], [], []>, transpose_lhs_hint = false} : vector<2000x128xf32>, vector<128x64xf32>, vector<2000x64xf32> -> vector<2000x64xf32>
    %swap3A_54 = arith.constant 0 : index
    %swap3A_55 = arith.constant 0 : index
    %swap3A_56 = vector.load %arg9[%swap3A_54, %swap3A_55] : memref<2000x64xf32, #tpu.memory_space<vmem>>, vector<2000x64xf32>
    tpu.vector_store %arg9[%swap3A_54, %swap3A_55], %dot_general3A_53 {strides = array<i32>} : memref<2000x64xf32, #tpu.memory_space<vmem>>, vector<2000x64xf32>,
    return
  }
  func.func @transform_0(%arg0: i32) -> (i32, i32, i32) {
    %c0_i32 = arith.constant 0 : i32
    %c0_i32_0 = arith.constant 0 : i32
    %c0_i32_1 = arith.constant 0 : i32
    return %c0_i32, %arg0, %c0_i32_0 : i32, i32, i32
  }
  func.func @transform_1(%arg0: i32) -> (i32, i32, i32) {
    %c0_i32 = arith.constant 0 : i32
    %c0_i32_0 = arith.constant 0 : i32
    %c0_i32_1 = arith.constant 0 : i32
    return %c0_i32, %arg0, %c0_i32_0 : i32, i32, i32
  }
  func.func @transform_2(%arg0: i32) -> (i32, i32) {
    %c0_i32 = arith.constant 0 : i32
    %c0_i32_0 = arith.constant 0 : i32
    return %arg0, %c0_i32 : i32, i32
  }
  func.func @transform_3(%arg0: i32) -> (i32, i32) {
    %c0_i32 = arith.constant 0 : i32
    %c0_i32_0 = arith.constant 0 : i32
    %c0_i32_1 = arith.constant 0 : i32
    return %c0_i32, %c0_i32_0 : i32, i32
  }
  func.func @transform_4(%arg0: i32) -> (i32, i32) {
    %c0_i32 = arith.constant 0 : i32
    %c0_i32_0 = arith.constant 0 : i32
    %c0_i32_1 = arith.constant 0 : i32
    return %c0_i32, %c0_i32_0 : i32, i32
  }
  func.func @transform_5(%arg0: i32) -> (i32, i32) {
    %c0_i32 = arith.constant 0 : i32
    %c0_i32_0 = arith.constant 0 : i32
    %c0_i32_1 = arith.constant 0 : i32
    return %c0_i32, %c0_i32_0 : i32, i32
  }
  func.func @transform_6(%arg0: i32) -> (i32, i32) {
    %c0_i32 = arith.constant 0 : i32
    %c0_i32_0 = arith.constant 0 : i32
    %c0_i32_1 = arith.constant 0 : i32
    return %c0_i32, %c0_i32_0 : i32, i32
  }
  func.func @transform_7(%arg0: i32) -> (i32, i32) {
    %c0_i32 = arith.constant 0 : i32
    %c0_i32_0 = arith.constant 0 : i32
    return %arg0, %c0_i32 : i32, i32
  }
  func.func @transform_8(%arg0: i32) -> (i32, i32) {
    %c0_i32 = arith.constant 0 : i32
    %c0_i32_0 = arith.constant 0 : i32
    return %arg0, %c0_i32 : i32, i32
  }
}

module attributes {stable_mosaic.version = 14 : i64} {
  func.func @body(%arg0: i32, %arg1: memref<2x2000x64xf32, #tpu.memory_space<vmem>>, %arg2: memref<2x2000x1xf32, #tpu.memory_space<vmem>>, %arg3: memref<2000x128xf32, #tpu.memory_space<vmem>>, %arg4: memref<1x64xf32, #tpu.memory_space<vmem>>, %arg5: memref<128x64xf32, #tpu.memory_space<vmem>>, %arg6: memref<2000x64xf32, #tpu.memory_space<vmem>>) attributes {dimension_semantics = [#tpu.dimension_semantics<arbitrary>], iteration_bounds = array<i64: 5>, scalar_prefetch = 0 : i64, scratch_operands = 0 : i64, tpu.core_type = #tpu.core_type<tc>, window_params = [{transform_indices = @transform_0, window_bounds = array<i64: 2, 2000, 64>}, {transform_indices = @transform_1, window_bounds = array<i64: 2, 2000, 1>}, {transform_indices = @transform_2, window_bounds = array<i64: 2000, 128>}, {pipeline_mode = #tpu.pipeline_mode<synchronous>, transform_indices = @transform_3, window_bounds = array<i64: 1, 64>}, {pipeline_mode = #tpu.pipeline_mode<synchronous>, transform_indices = @transform_4, window_bounds = array<i64: 128, 64>}, {transform_indices = @transform_5, window_bounds = array<i64: 2000, 64>}]} {
    %get3A = arith.constant 0 : index
    %get3A_0 = arith.constant 0 : index
    %get3A_1 = arith.constant 0 : index
    %get3A_2 = vector.load %arg1[%get3A, %get3A_0, %get3A_1] : memref<2x2000x64xf32, #tpu.memory_space<vmem>>, vector<1x2000x64xf32>
    %get3A_3 = vector.shape_cast %get3A_2 : vector<1x2000x64xf32> to vector<2000x64xf32>
    %get3A_4 = arith.constant 1 : index
    %get3A_5 = arith.constant 0 : index
    %get3A_6 = arith.constant 0 : index
    %get3A_7 = vector.load %arg1[%get3A_4, %get3A_5, %get3A_6] : memref<2x2000x64xf32, #tpu.memory_space<vmem>>, vector<1x2000x64xf32>
    %get3A_8 = vector.shape_cast %get3A_7 : vector<1x2000x64xf32> to vector<2000x64xf32>
    %add3A = arith.addf %get3A_3, %get3A_8 : vector<2000x64xf32>
    %get3A_9 = arith.constant 0 : index
    %get3A_10 = arith.constant 0 : index
    %get3A_11 = arith.constant 0 : index
    %get3A_12 = vector.load %arg2[%get3A_9, %get3A_10, %get3A_11] : memref<2x2000x1xf32, #tpu.memory_space<vmem>>, vector<1x2000x1xf32>
    %get3A_13 = vector.shape_cast %get3A_12 : vector<1x2000x1xf32> to vector<2000x1xf32>
    %get3A_14 = arith.constant 1 : index
    %get3A_15 = arith.constant 0 : index
    %get3A_16 = arith.constant 0 : index
    %get3A_17 = vector.load %arg2[%get3A_14, %get3A_15, %get3A_16] : memref<2x2000x1xf32, #tpu.memory_space<vmem>>, vector<1x2000x1xf32>
    %get3A_18 = vector.shape_cast %get3A_17 : vector<1x2000x1xf32> to vector<2000x1xf32>
    %add3A_19 = arith.addf %get3A_13, %get3A_18 : vector<2000x1xf32>
    %max3A = arith.constant 1.000000e+00 : f32
    %max3A_20 = vector.broadcast %max3A : f32 to vector<2000x1xf32>
    %max3A_21 = arith.maximumf %add3A_19, %max3A_20 : vector<2000x1xf32>
    %div3A = arith.constant 1.000000e+00 : f32
    %div3A_22 = vector.broadcast %div3A : f32 to vector<2000x1xf32>
    %div3A_23 = arith.divf %div3A_22, %max3A_21 : vector<2000x1xf32>
    %mul3A = vector.broadcast %div3A_23 : vector<2000x1xf32> to vector<2000x64xf32>
    %mul3A_24 = arith.mulf %add3A, %mul3A : vector<2000x64xf32>
    %get3A_25 = arith.constant 0 : index
    %get3A_26 = arith.constant 0 : index
    %get3A_27 = vector.load %arg4[%get3A_25, %get3A_26] : memref<1x64xf32, #tpu.memory_space<vmem>>, vector<1x64xf32>
    %add3A_28 = vector.broadcast %get3A_27 : vector<1x64xf32> to vector<2000x64xf32>
    %add3A_29 = arith.addf %mul3A_24, %add3A_28 : vector<2000x64xf32>
    %get3A_30 = arith.constant 0 : index
    %get3A_31 = arith.constant 0 : index
    %get3A_32 = vector.load %arg3[%get3A_30, %get3A_31] : memref<2000x128xf32, #tpu.memory_space<vmem>>, vector<2000x128xf32>
    %get3A_33 = arith.constant 0 : index
    %get3A_34 = arith.constant 0 : index
    %get3A_35 = vector.load %arg5[%get3A_33, %get3A_34] : memref<128x64xf32, #tpu.memory_space<vmem>>, vector<128x64xf32>
    %dot_general3A = arith.constant dense<0.000000e+00> : vector<2000x64xf32>
    %dot_general3A_36 = tpu.matmul %get3A_32, %get3A_35, %dot_general3A {dimension_numbers = #tpu.dot_dimension_numbers<[1], [0], [0], [1], [0, 0, 1, 1], [], []>, transpose_lhs_hint = false} : vector<2000x128xf32>, vector<128x64xf32>, vector<2000x64xf32> -> vector<2000x64xf32>
    %add3A_37 = arith.addf %add3A_29, %dot_general3A_36 : vector<2000x64xf32>
    %swap3A = arith.constant 0 : index
    %swap3A_38 = arith.constant 0 : index
    %swap3A_39 = vector.load %arg6[%swap3A, %swap3A_38] : memref<2000x64xf32, #tpu.memory_space<vmem>>, vector<2000x64xf32>
    tpu.vector_store %arg6[%swap3A, %swap3A_38], %add3A_37 {strides = array<i32>} : memref<2000x64xf32, #tpu.memory_space<vmem>>, vector<2000x64xf32>,
    return
  }
  func.func @transform_0(%arg0: i32) -> (i32, i32, i32) {
    %c0_i32 = arith.constant 0 : i32
    %c0_i32_0 = arith.constant 0 : i32
    %c0_i32_1 = arith.constant 0 : i32
    return %c0_i32, %arg0, %c0_i32_0 : i32, i32, i32
  }
  func.func @transform_1(%arg0: i32) -> (i32, i32, i32) {
    %c0_i32 = arith.constant 0 : i32
    %c0_i32_0 = arith.constant 0 : i32
    %c0_i32_1 = arith.constant 0 : i32
    return %c0_i32, %arg0, %c0_i32_0 : i32, i32, i32
  }
  func.func @transform_2(%arg0: i32) -> (i32, i32) {
    %c0_i32 = arith.constant 0 : i32
    %c0_i32_0 = arith.constant 0 : i32
    return %arg0, %c0_i32 : i32, i32
  }
  func.func @transform_3(%arg0: i32) -> (i32, i32) {
    %c0_i32 = arith.constant 0 : i32
    %c0_i32_0 = arith.constant 0 : i32
    %c0_i32_1 = arith.constant 0 : i32
    return %c0_i32, %c0_i32_0 : i32, i32
  }
  func.func @transform_4(%arg0: i32) -> (i32, i32) {
    %c0_i32 = arith.constant 0 : i32
    %c0_i32_0 = arith.constant 0 : i32
    %c0_i32_1 = arith.constant 0 : i32
    return %c0_i32, %c0_i32_0 : i32, i32
  }
  func.func @transform_5(%arg0: i32) -> (i32, i32) {
    %c0_i32 = arith.constant 0 : i32
    %c0_i32_0 = arith.constant 0 : i32
    return %arg0, %c0_i32 : i32, i32
  }
}

module attributes {stable_mosaic.version = 14 : i64} {
  func.func @body(%arg0: i32, %arg1: memref<2x2000x64xf32, #tpu.memory_space<vmem>>, %arg2: memref<2x2000x1xf32, #tpu.memory_space<vmem>>, %arg3: memref<2000x64xf32, #tpu.memory_space<vmem>>, %arg4: memref<64x128xf32, #tpu.memory_space<vmem>>, %arg5: memref<1x128xf32, #tpu.memory_space<vmem>>, %arg6: memref<64x128xf32, #tpu.memory_space<vmem>>, %arg7: memref<2000x128xf32, #tpu.memory_space<vmem>>, %arg8: memref<2000x128xbf16, #tpu.memory_space<vmem>>) attributes {dimension_semantics = [#tpu.dimension_semantics<arbitrary>], iteration_bounds = array<i64: 5>, scalar_prefetch = 0 : i64, scratch_operands = 0 : i64, tpu.core_type = #tpu.core_type<tc>, window_params = [{transform_indices = @transform_0, window_bounds = array<i64: 2, 2000, 64>}, {transform_indices = @transform_1, window_bounds = array<i64: 2, 2000, 1>}, {transform_indices = @transform_2, window_bounds = array<i64: 2000, 64>}, {pipeline_mode = #tpu.pipeline_mode<synchronous>, transform_indices = @transform_3, window_bounds = array<i64: 64, 128>}, {pipeline_mode = #tpu.pipeline_mode<synchronous>, transform_indices = @transform_4, window_bounds = array<i64: 1, 128>}, {pipeline_mode = #tpu.pipeline_mode<synchronous>, transform_indices = @transform_5, window_bounds = array<i64: 64, 128>}, {transform_indices = @transform_6, window_bounds = array<i64: 2000, 128>}, {transform_indices = @transform_7, window_bounds = array<i64: 2000, 128>}]} {
    %get3A = arith.constant 0 : index
    %get3A_0 = arith.constant 0 : index
    %get3A_1 = arith.constant 0 : index
    %get3A_2 = vector.load %arg1[%get3A, %get3A_0, %get3A_1] : memref<2x2000x64xf32, #tpu.memory_space<vmem>>, vector<1x2000x64xf32>
    %get3A_3 = vector.shape_cast %get3A_2 : vector<1x2000x64xf32> to vector<2000x64xf32>
    %get3A_4 = arith.constant 1 : index
    %get3A_5 = arith.constant 0 : index
    %get3A_6 = arith.constant 0 : index
    %get3A_7 = vector.load %arg1[%get3A_4, %get3A_5, %get3A_6] : memref<2x2000x64xf32, #tpu.memory_space<vmem>>, vector<1x2000x64xf32>
    %get3A_8 = vector.shape_cast %get3A_7 : vector<1x2000x64xf32> to vector<2000x64xf32>
    %add3A = arith.addf %get3A_3, %get3A_8 : vector<2000x64xf32>
    %get3A_9 = arith.constant 0 : index
    %get3A_10 = arith.constant 0 : index
    %get3A_11 = arith.constant 0 : index
    %get3A_12 = vector.load %arg2[%get3A_9, %get3A_10, %get3A_11] : memref<2x2000x1xf32, #tpu.memory_space<vmem>>, vector<1x2000x1xf32>
    %get3A_13 = vector.shape_cast %get3A_12 : vector<1x2000x1xf32> to vector<2000x1xf32>
    %get3A_14 = arith.constant 1 : index
    %get3A_15 = arith.constant 0 : index
    %get3A_16 = arith.constant 0 : index
    %get3A_17 = vector.load %arg2[%get3A_14, %get3A_15, %get3A_16] : memref<2x2000x1xf32, #tpu.memory_space<vmem>>, vector<1x2000x1xf32>
    %get3A_18 = vector.shape_cast %get3A_17 : vector<1x2000x1xf32> to vector<2000x1xf32>
    %add3A_19 = arith.addf %get3A_13, %get3A_18 : vector<2000x1xf32>
    %max3A = arith.constant 1.000000e+00 : f32
    %max3A_20 = vector.broadcast %max3A : f32 to vector<2000x1xf32>
    %max3A_21 = arith.maximumf %add3A_19, %max3A_20 : vector<2000x1xf32>
    %div3A = arith.constant 1.000000e+00 : f32
    %div3A_22 = vector.broadcast %div3A : f32 to vector<2000x1xf32>
    %div3A_23 = arith.divf %div3A_22, %max3A_21 : vector<2000x1xf32>
    %mul3A = vector.broadcast %div3A_23 : vector<2000x1xf32> to vector<2000x64xf32>
    %mul3A_24 = arith.mulf %add3A, %mul3A : vector<2000x64xf32>
    %get3A_25 = arith.constant 0 : index
    %get3A_26 = arith.constant 0 : index
    %get3A_27 = vector.load %arg4[%get3A_25, %get3A_26] : memref<64x128xf32, #tpu.memory_space<vmem>>, vector<64x128xf32>
    %dot_general3A = arith.constant dense<0.000000e+00> : vector<2000x128xf32>
    %dot_general3A_28 = tpu.matmul %mul3A_24, %get3A_27, %dot_general3A {dimension_numbers = #tpu.dot_dimension_numbers<[1], [0], [0], [1], [0, 0, 1, 1], [], []>, transpose_lhs_hint = false} : vector<2000x64xf32>, vector<64x128xf32>, vector<2000x128xf32> -> vector<2000x128xf32>
    %get3A_29 = arith.constant 0 : index
    %get3A_30 = arith.constant 0 : index
    %get3A_31 = vector.load %arg5[%get3A_29, %get3A_30] : memref<1x128xf32, #tpu.memory_space<vmem>>, vector<1x128xf32>
    %add3A_32 = vector.broadcast %get3A_31 : vector<1x128xf32> to vector<2000x128xf32>
    %add3A_33 = arith.addf %dot_general3A_28, %add3A_32 : vector<2000x128xf32>
    %get3A_34 = arith.constant 0 : index
    %get3A_35 = arith.constant 0 : index
    %get3A_36 = vector.load %arg3[%get3A_34, %get3A_35] : memref<2000x64xf32, #tpu.memory_space<vmem>>, vector<2000x64xf32>
    %get3A_37 = arith.constant 0 : index
    %get3A_38 = arith.constant 0 : index
    %get3A_39 = vector.load %arg6[%get3A_37, %get3A_38] : memref<64x128xf32, #tpu.memory_space<vmem>>, vector<64x128xf32>
    %dot_general3A_40 = arith.constant dense<0.000000e+00> : vector<2000x128xf32>
    %dot_general3A_41 = tpu.matmul %get3A_36, %get3A_39, %dot_general3A_40 {dimension_numbers = #tpu.dot_dimension_numbers<[1], [0], [0], [1], [0, 0, 1, 1], [], []>, transpose_lhs_hint = false} : vector<2000x64xf32>, vector<64x128xf32>, vector<2000x128xf32> -> vector<2000x128xf32>
    %add3A_42 = arith.addf %add3A_33, %dot_general3A_41 : vector<2000x128xf32>
    %max3A_43 = arith.constant 0.000000e+00 : f32
    %max3A_44 = vector.broadcast %max3A_43 : f32 to vector<2000x128xf32>
    %max3A_45 = arith.maximumf %add3A_42, %max3A_44 : vector<2000x128xf32>
    %swap3A = arith.constant 0 : index
    %swap3A_46 = arith.constant 0 : index
    %swap3A_47 = vector.load %arg7[%swap3A, %swap3A_46] : memref<2000x128xf32, #tpu.memory_space<vmem>>, vector<2000x128xf32>
    tpu.vector_store %arg7[%swap3A, %swap3A_46], %max3A_45 {strides = array<i32>} : memref<2000x128xf32, #tpu.memory_space<vmem>>, vector<2000x128xf32>,
    %convert_element_type3A = arith.truncf %max3A_45 : vector<2000x128xf32> to vector<2000x128xbf16>
    %swap3A_48 = arith.constant 0 : index
    %swap3A_49 = arith.constant 0 : index
    %swap3A_50 = vector.load %arg8[%swap3A_48, %swap3A_49] : memref<2000x128xbf16, #tpu.memory_space<vmem>>, vector<2000x128xbf16>
    tpu.vector_store %arg8[%swap3A_48, %swap3A_49], %convert_element_type3A {strides = array<i32>} : memref<2000x128xbf16, #tpu.memory_space<vmem>>, vector<2000x128xbf16>,
    return
  }
  func.func @transform_0(%arg0: i32) -> (i32, i32, i32) {
    %c0_i32 = arith.constant 0 : i32
    %c0_i32_0 = arith.constant 0 : i32
    %c0_i32_1 = arith.constant 0 : i32
    return %c0_i32, %arg0, %c0_i32_0 : i32, i32, i32
  }
  func.func @transform_1(%arg0: i32) -> (i32, i32, i32) {
    %c0_i32 = arith.constant 0 : i32
    %c0_i32_0 = arith.constant 0 : i32
    %c0_i32_1 = arith.constant 0 : i32
    return %c0_i32, %arg0, %c0_i32_0 : i32, i32, i32
  }
  func.func @transform_2(%arg0: i32) -> (i32, i32) {
    %c0_i32 = arith.constant 0 : i32
    %c0_i32_0 = arith.constant 0 : i32
    return %arg0, %c0_i32 : i32, i32
  }
  func.func @transform_3(%arg0: i32) -> (i32, i32) {
    %c0_i32 = arith.constant 0 : i32
    %c0_i32_0 = arith.constant 0 : i32
    %c0_i32_1 = arith.constant 0 : i32
    return %c0_i32, %c0_i32_0 : i32, i32
  }
  func.func @transform_4(%arg0: i32) -> (i32, i32) {
    %c0_i32 = arith.constant 0 : i32
    %c0_i32_0 = arith.constant 0 : i32
    %c0_i32_1 = arith.constant 0 : i32
    return %c0_i32, %c0_i32_0 : i32, i32
  }
  func.func @transform_5(%arg0: i32) -> (i32, i32) {
    %c0_i32 = arith.constant 0 : i32
    %c0_i32_0 = arith.constant 0 : i32
    %c0_i32_1 = arith.constant 0 : i32
    return %c0_i32, %c0_i32_0 : i32, i32
  }
  func.func @transform_6(%arg0: i32) -> (i32, i32) {
    %c0_i32 = arith.constant 0 : i32
    %c0_i32_0 = arith.constant 0 : i32
    return %arg0, %c0_i32 : i32, i32
  }
  func.func @transform_7(%arg0: i32) -> (i32, i32) {
    %c0_i32 = arith.constant 0 : i32
    %c0_i32_0 = arith.constant 0 : i32
    return %arg0, %c0_i32 : i32, i32
  }
}

module attributes {stable_mosaic.version = 14 : i64} {
  func.func @body(%arg0: i32, %arg1: memref<2x2000x128xbf16, #tpu.memory_space<vmem>>, %arg2: memref<2x2000x1xf32, #tpu.memory_space<vmem>>, %arg3: memref<2000x128xf32, #tpu.memory_space<vmem>>, %arg4: memref<128x128xf32, #tpu.memory_space<vmem>>, %arg5: memref<1x128xf32, #tpu.memory_space<vmem>>, %arg6: memref<128x128xf32, #tpu.memory_space<vmem>>, %arg7: memref<2000x128xf32, #tpu.memory_space<vmem>>) attributes {dimension_semantics = [#tpu.dimension_semantics<arbitrary>], iteration_bounds = array<i64: 5>, scalar_prefetch = 0 : i64, scratch_operands = 0 : i64, tpu.core_type = #tpu.core_type<tc>, window_params = [{transform_indices = @transform_0, window_bounds = array<i64: 2, 2000, 128>}, {transform_indices = @transform_1, window_bounds = array<i64: 2, 2000, 1>}, {transform_indices = @transform_2, window_bounds = array<i64: 2000, 128>}, {pipeline_mode = #tpu.pipeline_mode<synchronous>, transform_indices = @transform_3, window_bounds = array<i64: 128, 128>}, {pipeline_mode = #tpu.pipeline_mode<synchronous>, transform_indices = @transform_4, window_bounds = array<i64: 1, 128>}, {pipeline_mode = #tpu.pipeline_mode<synchronous>, transform_indices = @transform_5, window_bounds = array<i64: 128, 128>}, {transform_indices = @transform_6, window_bounds = array<i64: 2000, 128>}]} {
    %get3A = arith.constant 0 : index
    %get3A_0 = arith.constant 0 : index
    %get3A_1 = arith.constant 0 : index
    %get3A_2 = vector.load %arg1[%get3A, %get3A_0, %get3A_1] : memref<2x2000x128xbf16, #tpu.memory_space<vmem>>, vector<1x2000x128xbf16>
    %get3A_3 = vector.shape_cast %get3A_2 : vector<1x2000x128xbf16> to vector<2000x128xbf16>
    %convert_element_type3A = arith.extf %get3A_3 : vector<2000x128xbf16> to vector<2000x128xf32>
    %get3A_4 = arith.constant 1 : index
    %get3A_5 = arith.constant 0 : index
    %get3A_6 = arith.constant 0 : index
    %get3A_7 = vector.load %arg1[%get3A_4, %get3A_5, %get3A_6] : memref<2x2000x128xbf16, #tpu.memory_space<vmem>>, vector<1x2000x128xbf16>
    %get3A_8 = vector.shape_cast %get3A_7 : vector<1x2000x128xbf16> to vector<2000x128xbf16>
    %convert_element_type3A_9 = arith.extf %get3A_8 : vector<2000x128xbf16> to vector<2000x128xf32>
    %add3A = arith.addf %convert_element_type3A, %convert_element_type3A_9 : vector<2000x128xf32>
    %get3A_10 = arith.constant 0 : index
    %get3A_11 = arith.constant 0 : index
    %get3A_12 = arith.constant 0 : index
    %get3A_13 = vector.load %arg2[%get3A_10, %get3A_11, %get3A_12] : memref<2x2000x1xf32, #tpu.memory_space<vmem>>, vector<1x2000x1xf32>
    %get3A_14 = vector.shape_cast %get3A_13 : vector<1x2000x1xf32> to vector<2000x1xf32>
    %get3A_15 = arith.constant 1 : index
    %get3A_16 = arith.constant 0 : index
    %get3A_17 = arith.constant 0 : index
    %get3A_18 = vector.load %arg2[%get3A_15, %get3A_16, %get3A_17] : memref<2x2000x1xf32, #tpu.memory_space<vmem>>, vector<1x2000x1xf32>
    %get3A_19 = vector.shape_cast %get3A_18 : vector<1x2000x1xf32> to vector<2000x1xf32>
    %add3A_20 = arith.addf %get3A_14, %get3A_19 : vector<2000x1xf32>
    %max3A = arith.constant 1.000000e+00 : f32
    %max3A_21 = vector.broadcast %max3A : f32 to vector<2000x1xf32>
    %max3A_22 = arith.maximumf %add3A_20, %max3A_21 : vector<2000x1xf32>
    %div3A = arith.constant 1.000000e+00 : f32
    %div3A_23 = vector.broadcast %div3A : f32 to vector<2000x1xf32>
    %div3A_24 = arith.divf %div3A_23, %max3A_22 : vector<2000x1xf32>
    %mul3A = vector.broadcast %div3A_24 : vector<2000x1xf32> to vector<2000x128xf32>
    %mul3A_25 = arith.mulf %add3A, %mul3A : vector<2000x128xf32>
    %get3A_26 = arith.constant 0 : index
    %get3A_27 = arith.constant 0 : index
    %get3A_28 = vector.load %arg4[%get3A_26, %get3A_27] : memref<128x128xf32, #tpu.memory_space<vmem>>, vector<128x128xf32>
    %dot_general3A = arith.constant dense<0.000000e+00> : vector<2000x128xf32>
    %dot_general3A_29 = tpu.matmul %mul3A_25, %get3A_28, %dot_general3A {dimension_numbers = #tpu.dot_dimension_numbers<[1], [0], [0], [1], [0, 0, 1, 1], [], []>, transpose_lhs_hint = false} : vector<2000x128xf32>, vector<128x128xf32>, vector<2000x128xf32> -> vector<2000x128xf32>
    %get3A_30 = arith.constant 0 : index
    %get3A_31 = arith.constant 0 : index
    %get3A_32 = vector.load %arg5[%get3A_30, %get3A_31] : memref<1x128xf32, #tpu.memory_space<vmem>>, vector<1x128xf32>
    %add3A_33 = vector.broadcast %get3A_32 : vector<1x128xf32> to vector<2000x128xf32>
    %add3A_34 = arith.addf %dot_general3A_29, %add3A_33 : vector<2000x128xf32>
    %get3A_35 = arith.constant 0 : index
    %get3A_36 = arith.constant 0 : index
    %get3A_37 = vector.load %arg3[%get3A_35, %get3A_36] : memref<2000x128xf32, #tpu.memory_space<vmem>>, vector<2000x128xf32>
    %get3A_38 = arith.constant 0 : index
    %get3A_39 = arith.constant 0 : index
    %get3A_40 = vector.load %arg6[%get3A_38, %get3A_39] : memref<128x128xf32, #tpu.memory_space<vmem>>, vector<128x128xf32>
    %dot_general3A_41 = arith.constant dense<0.000000e+00> : vector<2000x128xf32>
    %dot_general3A_42 = tpu.matmul %get3A_37, %get3A_40, %dot_general3A_41 {dimension_numbers = #tpu.dot_dimension_numbers<[1], [0], [0], [1], [0, 0, 1, 1], [], []>, transpose_lhs_hint = false} : vector<2000x128xf32>, vector<128x128xf32>, vector<2000x128xf32> -> vector<2000x128xf32>
    %add3A_43 = arith.addf %add3A_34, %dot_general3A_42 : vector<2000x128xf32>
    %swap3A = arith.constant 0 : index
    %swap3A_44 = arith.constant 0 : index
    %swap3A_45 = vector.load %arg7[%swap3A, %swap3A_44] : memref<2000x128xf32, #tpu.memory_space<vmem>>, vector<2000x128xf32>
    tpu.vector_store %arg7[%swap3A, %swap3A_44], %add3A_43 {strides = array<i32>} : memref<2000x128xf32, #tpu.memory_space<vmem>>, vector<2000x128xf32>,
    return
  }
  func.func @transform_0(%arg0: i32) -> (i32, i32, i32) {
    %c0_i32 = arith.constant 0 : i32
    %c0_i32_0 = arith.constant 0 : i32
    %c0_i32_1 = arith.constant 0 : i32
    return %c0_i32, %arg0, %c0_i32_0 : i32, i32, i32
  }
  func.func @transform_1(%arg0: i32) -> (i32, i32, i32) {
    %c0_i32 = arith.constant 0 : i32
    %c0_i32_0 = arith.constant 0 : i32
    %c0_i32_1 = arith.constant 0 : i32
    return %c0_i32, %arg0, %c0_i32_0 : i32, i32, i32
  }
  func.func @transform_2(%arg0: i32) -> (i32, i32) {
    %c0_i32 = arith.constant 0 : i32
    %c0_i32_0 = arith.constant 0 : i32
    return %arg0, %c0_i32 : i32, i32
  }
  func.func @transform_3(%arg0: i32) -> (i32, i32) {
    %c0_i32 = arith.constant 0 : i32
    %c0_i32_0 = arith.constant 0 : i32
    %c0_i32_1 = arith.constant 0 : i32
    return %c0_i32, %c0_i32_0 : i32, i32
  }
  func.func @transform_4(%arg0: i32) -> (i32, i32) {
    %c0_i32 = arith.constant 0 : i32
    %c0_i32_0 = arith.constant 0 : i32
    %c0_i32_1 = arith.constant 0 : i32
    return %c0_i32, %c0_i32_0 : i32, i32
  }
  func.func @transform_5(%arg0: i32) -> (i32, i32) {
    %c0_i32 = arith.constant 0 : i32
    %c0_i32_0 = arith.constant 0 : i32
    %c0_i32_1 = arith.constant 0 : i32
    return %c0_i32, %c0_i32_0 : i32, i32
  }
  func.func @transform_6(%arg0: i32) -> (i32, i32) {
    %c0_i32 = arith.constant 0 : i32
    %c0_i32_0 = arith.constant 0 : i32
    return %arg0, %c0_i32 : i32, i32
  }
}

</mosaic_0001>

<sc_bundles>
// kernel: _run.10.cloned.1.call-start
scs
__scs_entry_jumppad:
0x0: {  	(pc) =	sbr.rel $0x88, $3  }
0x1: {  	(tag) =	ssettag $0x0;
	lr =	simm.s32 $0x1  }
0x2: {  	[smem:$0x3F93] =	sst lr;
	_ =	strace $0xD0000000  }
0x3: {  	_ = 	snop  }
0x4: {  	_ = 	snop  }
0x5: {  	_ = 	snop  }
0x6: {  	_ = 	snop  }
0x7: {  	_ = 	snop  }
__scs_overlays_trampoline_lowered:
0x8: {  	[smem:$0x3FA2] =	sst s0  }
0x9: {  	[smem:$0x3FA3] =	sst s1  }
0xa: {  	[smem:$0x3FA4] =	sst s2  }
0xb: {  	[smem:$0x3FA5] =	sst s3  }
0xc: {  	[smem:$0x3FA6] =	sst s4  }
0xd: {  	[smem:$0x3FA7] =	sst s5  }
0xe: {  	[smem:$0x3FA8] =	sst s6  }
0xf: {  	[smem:$0x3FA9] =	sst s7  }
0x10: {  	[smem:$0x3FAA] =	sst s8  }
0x11: {  	[smem:$0x3FAB] =	sst s9;
	s0 =	simm.s32 @!p0 $0x0  }
0x12: {  	s1 =	sld [smem:$0x3F91];
	s0 =	simm.s32 @p0 $0x1  }
0x13: {  	[smem:$0x3FAC] =	sst s0;
	s0 =	simm.s32 @!p1 $0x0  }
0x14: {  	s2 =	sld [smem:$0x3F90];
	s0 =	simm.s32 @p1 $0x1  }
0x15: {  	[smem:$0x3FAD] =	sst s0;
	s0 =	simm.s32 @!p2 $0x0  }
0x16: {  	s3 =	sld [smem:$0x3FDB];
	s0 =	simm.s32 @p2 $0x1  }
0x17: {  	s4 =	simm.s32 $0x1BF5;
	[smem:$0x3FAF] =	sst s0  }
0x18: {  	s0 =	sld [smem:$0x3F92];
	_ =	swait.ge [sflag:s4], $0x0  }
0x19: {  	s7 =	sld [smem:$0x3F93]  }
0x1a: {  	s8 =	sadd.s32 $0xFFFFE003, lr  }
0x1b: {  	s9 =	sadd.s32 $0xFFFFFEF7, lr;
	s5 =	simm.s32 $0xFFFFFFFF;
	p2 =	slt.u32 s8, $0xFFFFF086  }
0x1c: {  	p1 =	slt.u32 s9, $0xF7A;
	s5 =	simm.s32 @!p2 $0x0  }
0x1d: {  	s5 =	simm.s32 @p1 $0x1;
	p0 =	seq.s32 s7, s2  }
0x1e: {  	s7 =	smul.u32 @!p0 $0xF7A, s2;
	p2 =	seq.s32 @!p0 s5, $0x0  }
0x1f: {  	s9 =	smul.u32 $0xF7A, s1;
	s8 =	simm.s32 @!p0 $0x1BF5;
	p2 =	por !p2, p0  }
0x20: {  	[sflag:s8] =	ssyncset.s32 @!p0 $0xFFFFF086;
	s6 =	sadd.s32 @!p0 s3, s7;
	s7 =	simm.s32 @!p0 $0x108  }
0x21: {  	s3 =	sadd.s32 s3, s9;
	s6 =	sadd.s32 @!p0 $0x88, s6;
	s7 =	simm.s32 @p2 $0x1082  }
0x22: {  	[simem:s7], [sflag:s8] =	dma.local @!p0 [hbm:s6], $0xF7A  }
0x23: {  	s9 =	sor.u32 $0xD0000000, s2;
	s6 =	simm.s32 $0x108;
	_ =	swait.ge @!p0 [sflag:s8], $0x0  }
0x24: {  	s3 =	sadd.s32 $0x88, s3;
	s6 =	simm.s32 @!p1 $0x1082;
	[sflag:s4] =	ssyncset.s32 $0xFFFFF086  }
0x25: {  	[simem:s6], [sflag:s4] =	dma.local [hbm:s3], $0xF7A  }
0x26: {  	[smem:$0x3F93] =	sst s1;
	(tag) =	ssettag s2;
	_ =	strace s9  }
0x27: {  	s1 =	sld [smem:$0x3FA3]  }
0x28: {  	s2 =	sld [smem:$0x3FA4]  }
0x29: {  	s4 =	sld [smem:$0x3FA6]  }
0x2a: {  	p0 =	seq.s32 s5, $0x0;
	s5 =	sld [smem:$0x3FA7]  }
0x2b: {  	s6 =	sld [smem:$0x3FA8]  }
0x2c: {  	s7 =	sld [smem:$0x3FA9]  }
0x2d: {  	s3 =	simm.s32 $0x108;
	s8 =	sld [smem:$0x3FAA]  }
0x2e: {  	s3 =	simm.s32 @!p0 $0x1082;
	s9 =	sld [smem:$0x3FAB]  }
0x2f: {  	lr =	sadd.s32 s0, s3;
	s0 =	sld [smem:$0x3FA2]  }
0x30: {  	s3 =	sld [smem:$0x3FA5]  }
0x31: {  	[smem:$0x3FAE] =	sst s10  }
0x32: {  	s10 =	sld [smem:$0x3FAC];
	_ =	sdelay $0x3  }
0x33: {  	p0 =	seq.s32 s10, $0x1;
	s10 =	sld [smem:$0x3FAE];
	_ =	sdelay $0x3  }
0x34: {  	[smem:$0x3FAE] =	sst s10  }
0x35: {  	s10 =	sld [smem:$0x3FAD];
	_ =	sdelay $0x3  }
0x36: {  	p1 =	seq.s32 s10, $0x1;
	s10 =	sld [smem:$0x3FAE];
	_ =	sdelay $0x3  }
0x37: {  	[smem:$0x3FAE] =	sst s10  }
0x38: {  	s10 =	sld [smem:$0x3FAF]  }
0x39: {  	_ = 	snop;
	(pc) =	sbr.ind lr, $3  }
0x3a: {  	_ = 	snop  }
0x3b: {  	_ = 	snop  }
0x3c: {  	p2 =	seq.s32 s10, $0x1;
	s10 =	sld [smem:$0x3FAE]  }
0x3d: {  	_ =	shalt  }
0x3e: {  	_ =	shalt  }
0x3f: {  	_ =	shalt  }
0x40: {  	_ =	shalt  }
0x41: {  	_ =	shalt  }
0x42: {  	_ =	shalt  }
0x43: {  	_ =	shalt  }
0x44: {  	_ =	shalt  }
0x45: {  	_ =	shalt  }
0x46: {  	_ =	shalt  }
0x47: {  	_ =	shalt  }
0x48: {  	_ =	shalt  }
0x49: {  	_ =	shalt  }
0x4a: {  	_ =	shalt  }
0x4b: {  	_ =	shalt  }
0x4c: {  	_ =	shalt  }
0x4d: {  	_ =	shalt  }
0x4e: {  	_ =	shalt  }
0x4f: {  	_ =	shalt  }
0x50: {  	_ =	shalt  }
0x51: {  	_ =	shalt  }
0x52: {  	_ =	shalt  }
0x53: {  	_ =	shalt  }
0x54: {  	_ =	shalt  }
0x55: {  	_ =	shalt  }
0x56: {  	_ =	shalt  }
0x57: {  	_ =	shalt  }
0x58: {  	_ =	shalt  }
0x59: {  	_ =	shalt  }
0x5a: {  	_ =	shalt  }
0x5b: {  	_ =	shalt  }
0x5c: {  	_ =	shalt  }
0x5d: {  	_ =	shalt  }
0x5e: {  	_ =	shalt  }
0x5f: {  	_ =	shalt  }
0x60: {  	_ =	shalt  }
0x61: {  	_ =	shalt  }
0x62: {  	_ =	shalt  }
0x63: {  	_ =	shalt  }
0x64: {  	_ =	shalt  }
0x65: {  	_ =	shalt  }
0x66: {  	_ =	shalt  }
0x67: {  	_ =	shalt  }
0x68: {  	_ =	shalt  }
0x69: {  	_ =	shalt  }
0x6a: {  	_ =	shalt  }
0x6b: {  	_ =	shalt  }
0x6c: {  	_ =	shalt  }
0x6d: {  	_ =	shalt  }
0x6e: {  	_ =	shalt  }
0x6f: {  	_ =	shalt  }
0x70: {  	_ =	shalt  }
0x71: {  	_ =	shalt  }
0x72: {  	_ =	shalt  }
0x73: {  	_ =	shalt  }
0x74: {  	_ =	shalt  }
0x75: {  	_ =	shalt  }
0x76: {  	_ =	shalt  }
0x77: {  	_ =	shalt  }
0x78: {  	_ =	shalt  }
0x79: {  	_ =	shalt  }
0x7a: {  	_ =	shalt  }
0x7b: {  	_ =	shalt  }
0x7c: {  	_ =	shalt  }
0x7d: {  	_ =	shalt  }
0x7e: {  	_ =	shalt  }
0x7f: {  	_ =	shalt  }
0x80: {  	_ =	shalt  }
0x81: {  	_ =	shalt  }
0x82: {  	_ =	shalt  }
0x83: {  	_ =	shalt  }
0x84: {  	_ =	shalt  }
0x85: {  	_ =	shalt  }
0x86: {  	_ =	shalt  }
0x87: {  	_ =	shalt  }
.Lfunc_end0:
.L_simem_size_0:
called_computation_lowered:
.L_overlay_start_0:
0x88: {  	s2 =	sld [smem:$0x3FD9]  }
0x89: {  	s3 =	sld [smem:$0x3FFE];
	_ =	sdelay $0x1  }
0x8a: {  	s1 =	srdreg.scid  }
0x8b: {  	s0 =	sand.u32 $0x1, s1  }
0x8c: {  	s17 =	sshll.u32 s0, $0xA;
	s2 =	sadd.s32 s3, s2  }
0x8d: {  	s2 =	sadd.s32 s2, s17  }
0x8e: {  	[smem:$0x3FBA] =	sst s2  }
0x8f: {  	_ = 	snop  }
0x90: {  	s2 =	sld [smem:$0x3FD0];
	(tm) =	ssettm $0x1  }
0x91: {  	s18 =	sld [smem:$0x3FFB];
	_ =	sdelay $0x3  }
0x92: {  	_ =	strace s18  }
0x93: {  	s3 =	sld [smem:$0x3FFC];
	_ =	sdelay $0x3  }
0x94: {  	_ =	strace s3  }
0x95: {  	s3 =	sld [smem:$0x3FFD];
	_ =	sdelay $0x3  }
0x96: {  	_ =	strace s3  }
0x97: {  	_ =	strace $0x8FFFFFFF  }
0x98: {  	s19 =	sld [smem:$0x3FDB];
	_ =	sdelay $0x1  }
0x99: {  	s4 =	simm.s32 $_scs_section_size  }
0x9a: {  	s5 =	simm.s32 $_size__tile_overlayer_lowered;
	s6 =	simm.s32 $_tile_overlayer_lowered  }
0x9b: {  	s22 =	simm.s32 $0x1BFF;
	s21 =	sshll.u32 s6, $0x1;
	s3 =	sadd.s32 s4, s19  }
0x9c: {  	s7 =	simm.s32 $0x0;
	s20 =	sshll.u32 s5, $0x1;
	s5 =	sadd.s32 s21, s3  }
0x9d: {  	[timem:s7], [sflag:s22] =	dma.local [hbm:s5], s20  }
0x9e: {  	_ =	swait.ge [sflag:s22], s20  }
0x9f: {  	s4 =	ssub.s32 $0x0, s20;
	[sflag:s22] =	ssyncset.done $0x0  }
0xa0: {  	[sflag:s22] =	ssyncadd.s32 s4;
	_ =	sdelay $0x1  }
0xa1: {  	s23 =	simm.s32 $0x1B8B  }
0xa2: {  	_ =	swait.ge [sflag:s23], $0x1  }
0xa3: {  	[sflag:s23] =	ssyncset.done $0x0  }
0xa4: {  	s25 =	simm.s32 $0x1B8E;
	s24 =	sld [smem:$0x3FFE];
	[sflag:s23] =	ssyncadd.s32 $0xFFFFFFFF  }
0xa5: {  	s26 =	simm.s32 $execute0_lowered;
	[smem:$0x3FD2] =	sst s25  }
0xa6: {  	s5 =	sshll.u32 s26, $0x1;
	_ =	strace $0x80000046;
	[dreg:$0x1] =	wrdreg $0xFFFFFFFF  }
0xa7: {  	s28 =	simm.s32 $_size_execute0_lowered;
	s3 =	sadd.s32 s3, s5;
	[dreg:$0x0] =	wrdreg $0x0  }
0xa8: {  	s5 =	sshll.u32 s28, $0x1;
	[dreg:$0x2] =	wrdreg s3  }
0xa9: {  	[dreg:$0x3] =	wrdreg s5  }
0xaa: {  	[dreg:$0x4] =	wrdreg $0xC0  }
0xab: {  	_ =	task [dreg:s7], $0x5FFFF  }
0xac: {  	[dreg:$0x1] =	wrdreg $0xFFFFFFFF  }
0xad: {  	[dreg:$0x0] =	wrdreg $0x60  }
0xae: {  	[dreg:$0x2] =	wrdreg s2  }
0xaf: {  	[dreg:$0x3] =	wrdreg s24  }
0xb0: {  	[dreg:$0x4] =	wrdreg $0xD2800  }
0xb1: {  	[dreg:$0x5] =	wrdreg $0xD0000  }
0xb2: {  	[dreg:$0x6] =	wrdreg $0x9  }
0xb3: {  	_ =	task.clear_ibuf [dreg:s7], $0x7FFFF;
	_ =	strace $0x90000046  }
0xb4: {  	s29 =	simm.s32 $0x9;
	_ =	strace $0x80000048  }
0xb5: {  	_ =	swait.ge [sflag:s29], $0x1  }
0xb6: {  	[sflag:s29] =	ssyncadd.s32 $0xFFFFFFFF  }
0xb7: {  	_ =	strace $0x90000048  }
0xb8: {  	_ =	sfence  }
0xb9: {  	s30 =	sld [smem:$0x0];
	_ =	sdelay $0x2  }
0xba: {  	s31 =	sshll.u32 s1, $0xD;
	s1 =	sshrl.u32 s1, $0x2  }
0xbb: {  	s3 =	sand.u32 $0x4000, s31;
	s1 =	sadd.s32 s1, s30  }
0xbc: {  	s0 =	sor.u32 s3, s0;
	s1 =	sshll.u32 s1, $0x11  }
0xbd: {  	s0 =	sor.u32 s1, s0  }
0xbe: {  	s0 =	sadd.s32 $0x8F2B, s0  }
0xbf: {  	[sflag:s0] =	ssyncadd.remote.s32 $0x1  }
0xc0: {  	_ =	sfence.sel $0xFFFF  }
0xc1: {  	[dreg:$0x0] =	wrdreg $0xFFFFFFFF;
	(pc) =	sbr.abs _section_cstart, $3  }
0xc2: {  	[dreg:$0x1] =	wrdreg $0xFFFFFFFF  }
0xc3: {  	_ =	task.clear_ibuf [dreg:s7], $0x2FFFF;
	_ =	strace $0x9FFFFFFF  }
0xc4: {  	(tm) =	ssettm $0x7FFFFFFF  }
0xc5: {  	_ =	shalt  }
tec
execute0_lowered:
.L_overlay_start_1:
0x0: {  	(tag) =	ssettag $0x1  }
0x1: {  	s1 =	rddreg [dreg:$0x0]  }
0x2: {  	s5 =	rddreg [dreg:$0x1]  }
0x3: {  	s0 =	srdreg.scid;
	s3 =	rddreg [dreg:$0x2]  }
0x4: {  	s10 =	stileid.u32;
	s4 =	rddreg [dreg:$0x3];
	s8 =	simm.s32 $0x0  }
0x5: {  	s29 =	simm.s32 $0x8E80;
	s31 =	simm.s32 $0xADC0;
	s6 =	smul.u32 $0x14000, s10  }
0x6: {  	s28 =	simm.s32 $0x6;
	s30 =	simm.s32 $0x7;
	s9 =	smul.u32 $0x280, s10  }
0x7: {  	s0 =	sand.u32 $0x1, s0;
	s2 =	sshll.u32 s10, $0x1;
	s10 =	smul.u32 $0x28000, s10  }
0x8: {  	[smem:$0x7FF] =	sst s8;
	s2 =	sor.u32 s0, s2;
	s7 =	smul.u32 $0x140000, s0  }
0x9: {  	s18 =	smul.u32 $0x2800, s0;
	_ =	strace $0x80000047;
	s0 =	ssub.s32 $0x2, s0  }
0xa: {  	s2 =	smul.u32 $0x500, s2;
	s11 =	sshrl.u32 s0, $0x1;
	s19 =	sshrl.u32 s10, $0x2  }
0xb: {  	s14 =	sadd.s32 s9, s4;
	s10 =	simm.s32 $0x0;
	s7 =	sadd.s32 s6, s7  }
0xc: {  	s8 =	sadd.s32 s9, s18;
	s0 =	ssub.s32 s0, s11;
	s6 =	sshrl.u32 s6, $0x1  }
0xd: {  	s21 =	sadd.s32 s19, s3;
	s19 =	simm.s32 $0x5000;
	s18 =	simm.s32 $0x2  }
0xe: {  	s9 =	simm.s32 $0x4F80;
	s2 =	sadd.s32 s2, s5;
	s7 =	sshrl.u32 s7, $0x4  }
0xf: {  	s8 =	sshrl.u32 s8, $0x3;
	s22 =	sadd.s32 $0x1F40, s21;
	s23 =	sadd.s32 $0x3E80, s21  }
0x10: {  	s24 =	sadd.s32 $0x5DC0, s21;
	s25 =	sadd.s32 $0x7D00, s21;
	s26 =	sadd.s32 $0x9C40, s21  }
0x11: {  	s17 =	smax.u32 s0, $0x1;
	s21 =	simm.s32 $0x5;
	[dreg:$0x7] =	wrdreg s22  }
0x12: {  	s0 =	simm.s32 $0x8;
	s7 =	sadd.s32 s7, s5;
	[dreg:$0x8] =	wrdreg s23  }
0x13: {  	s5 =	sadd.s32 s8, s5;
	s20 =	sadd.s32 $0xDE00, s2;
	[dreg:$0x9] =	wrdreg s24  }
0x14: {  	s2 =	sadd.s32 $0x3E00, s2;
	s8 =	sadd.s32 s6, s3;
	[dreg:$0xa] =	wrdreg s25  }
0x15: {  	[dreg:$0xb] =	wrdreg s26;
	s23 =	simm.s32 $0x9;
	s24 =	simm.s32 $0x7D  }
0x16: {  	s26 =	simm.s32 $0x6F40;
	s22 =	simm.s32 $0x3;
	[dreg:$0x5] =	wrdreg s20  }
0x17: {  	s25 =	simm.s32 $0x4;
	s6 =	simm.s32 $0x4E80;
	[dreg:$0x6] =	wrdreg s2  }
0x18: {  	s15 =	sadd.s32 $0x18800, s7;
	s16 =	sadd.s32 $0x17E00, s5;
	s20 =	simm.s32 $0x1  }
0x19: {  	v0 =	vimm.bf16 $0.0e+00;
	v1 =	vimm.f32 $0.0e+00;
	v2 =	vimm.f32 $1.000000000e+00;
	s2 =	simm.s32 $0xCD00;
	s5 =	simm.s32 $0x4E00;
	s7 =	simm.s32 $0x4F00  }
.LBB2_1:
0x1a: {  	s11 =	simm.s32 $0x0;
	s12 =	rddreg [dreg:$0x5]  }
0x1b: {  	[tilespmem:s11], [sflag:$0x1] =	stream.linear.gather [hbm4b:s12+s11], $0x2800, $0x38;
	[tilespmem:$0x17280] =	vst v63  }
0x1c: {  	s13 =	simm.s32 $0x2800;
	s12 =	rddreg [dreg:$0x6]  }
0x1d: {  	[tilespmem:s13], [sflag:$0x1] =	stream.linear.gather [hbm4b:s12+s11], $0x2800, $0x38;
	[tilespmem:$0x17280] =	vst v63  }
0x1e: {  	s12 =	simm.s32 $0x100;
	s11 =	simm.s32 $0x0  }
.LBB2_2:
0x1f: {  	p0 =	sne.s32 s12, $0x7C00;
	[tilespmem:s11+$0x5030] =	vst v0;
	s13 =	smov.u32 s12;
	s12 =	sadd.s32 $0x100, s12  }
.Ltmp0:
0x20: {  	[tilespmem:s11+$0x5020] =	vst v0;
	(pc) =	sbr.rel @p0 .LBB2_2-.Ltmp0, $3  }
0x21: {  	[tilespmem:s11+$0x5000] =	vst v0  }
0x22: {  	[tilespmem:s11+$0x5010] =	vst v0;
	_ =	sdelay $0x1  }
0x23: {  	s11 =	sshra.s32 s13, $0x2  }
0x24: {  	[tilespmem:s11+$0x5030] =	vst v0  }
0x25: {  	[tilespmem:s11+$0x5020] =	vst v0  }
0x26: {  	[tilespmem:s11+$0x5000] =	vst v0  }
0x27: {  	[tilespmem:s11+$0x5010] =	vst v0  }
0x28: {  	[spmem:s8] =	stream.linear.scatter [tilespmem:s19], [sflag:$0x5], $0x1F40, $0x38;
	[tilespmem:$0x17280] =	vst v63  }
0x29: {  	s13 =	rddreg [dreg:$0x7]  }
0x2a: {  	[spmem:s13] =	stream.linear.scatter [tilespmem:s19], [sflag:$0x5], $0x1F40, $0x38;
	[tilespmem:$0x17280] =	vst v63  }
0x2b: {  	s12 =	rddreg [dreg:$0x8]  }
0x2c: {  	[spmem:s12] =	stream.linear.scatter [tilespmem:s19], [sflag:$0x5], $0x1F40, $0x38;
	[tilespmem:$0x17280] =	vst v63  }
0x2d: {  	s13 =	rddreg [dreg:$0x9]  }
0x2e: {  	[spmem:s13] =	stream.linear.scatter [tilespmem:s19], [sflag:$0x5], $0x1F40, $0x38;
	[tilespmem:$0x17280] =	vst v63  }
0x2f: {  	s12 =	rddreg [dreg:$0xa]  }
0x30: {  	[spmem:s12] =	stream.linear.scatter [tilespmem:s19], [sflag:$0x5], $0x1F40, $0x38;
	[tilespmem:$0x17280] =	vst v63  }
0x31: {  	s13 =	rddreg [dreg:$0xb]  }
0x32: {  	[spmem:s13] =	stream.linear.scatter [tilespmem:s19], [sflag:$0x5], $0x3C0, $0x38;
	[tilespmem:$0x17280] =	vst v63  }
0x33: {  	_ =	swait.ge [sflag:s20], $0x2800  }
0x34: {  	[sflag:s20] =	ssyncset.done $0x0  }
0x35: {  	[sflag:s20] =	ssyncadd.s32 $0xFFFFD800  }
0x36: {  	_ =	swait.ge [sflag:s20], $0x2800  }
0x37: {  	[sflag:s20] =	ssyncset.done $0x0  }
0x38: {  	[sflag:s20] =	ssyncadd.s32 $0xFFFFD800  }
0x39: {  	_ =	swait.ge [sflag:s21], $0x1F40  }
0x3a: {  	[sflag:s21] =	ssyncset.done $0x0  }
0x3b: {  	[sflag:s21] =	ssyncadd.s32 $0xFFFFE0C0  }
0x3c: {  	_ =	swait.ge [sflag:s21], $0x1F40  }
0x3d: {  	[sflag:s21] =	ssyncset.done $0x0  }
0x3e: {  	[sflag:s21] =	ssyncadd.s32 $0xFFFFE0C0  }
0x3f: {  	_ =	swait.ge [sflag:s21], $0x1F40  }
0x40: {  	[sflag:s21] =	ssyncset.done $0x0  }
0x41: {  	[sflag:s21] =	ssyncadd.s32 $0xFFFFE0C0  }
0x42: {  	_ =	swait.ge [sflag:s21], $0x1F40  }
0x43: {  	[sflag:s21] =	ssyncset.done $0x0  }
0x44: {  	[sflag:s21] =	ssyncadd.s32 $0xFFFFE0C0  }
0x45: {  	_ =	swait.ge [sflag:s21], $0x1F40  }
0x46: {  	[sflag:s21] =	ssyncset.done $0x0  }
0x47: {  	[sflag:s21] =	ssyncadd.s32 $0xFFFFE0C0  }
0x48: {  	_ =	swait.ge [sflag:s21], $0x3C0  }
0x49: {  	[sflag:s21] =	ssyncset.done $0x0  }
0x4a: {  	[sflag:s21] =	ssyncadd.s32 $0xFFFFFC40  }
0x4b: {  	[tilespmem:$0xCD80] =	vst v1  }
0x4c: {  	[tilespmem:$0xCD90] =	vst v1  }
0x4d: {  	[tilespmem:$0xCDA0] =	vst v1  }
0x4e: {  	[tilespmem:$0xCDB0] =	vst v1  }
0x4f: {  	[tilespmem:$0xCDC0] =	vst v1  }
0x50: {  	[tilespmem:$0xCDD0] =	vst v1  }
0x51: {  	[tilespmem:$0xCDE0] =	vst v1  }
0x52: {  	[tilespmem:$0xCDF0] =	vst v1  }
0x53: {  	[tilespmem:$0xCE00] =	vst v1  }
0x54: {  	[tilespmem:$0xCE10] =	vst v1  }
0x55: {  	[tilespmem:$0xCE20] =	vst v1  }
0x56: {  	[tilespmem:$0xCE30] =	vst v1  }
0x57: {  	[tilespmem:$0xCE40] =	vst v1  }
0x58: {  	[tilespmem:$0xCE50] =	vst v1  }
0x59: {  	[tilespmem:$0xCE60] =	vst v1  }
0x5a: {  	[tilespmem:$0xCE70] =	vst v1  }
0x5b: {  	[tilespmem:$0xCE80] =	vst v1  }
0x5c: {  	[tilespmem:$0xCE90] =	vst v1  }
0x5d: {  	[tilespmem:$0xCEA0] =	vst v1  }
0x5e: {  	[tilespmem:$0xCEB0] =	vst v1  }
0x5f: {  	[tilespmem:$0xCEC0] =	vst v1  }
0x60: {  	[tilespmem:$0xCED0] =	vst v1  }
0x61: {  	[tilespmem:$0xCEE0] =	vst v1  }
0x62: {  	[tilespmem:$0xCEF0] =	vst v1  }
0x63: {  	[tilespmem:$0xCF00] =	vst v1  }
0x64: {  	[tilespmem:$0xCF10] =	vst v1  }
0x65: {  	[tilespmem:$0xCF20] =	vst v1  }
0x66: {  	[tilespmem:$0xCF30] =	vst v1  }
0x67: {  	[tilespmem:$0xCF40] =	vst v1  }
0x68: {  	[tilespmem:$0xCF50] =	vst v1  }
0x69: {  	[tilespmem:$0xCF60] =	vst v1  }
0x6a: {  	[tilespmem:$0xCF70] =	vst v1  }
0x6b: {  	[tilespmem:$0xCF80] =	vst v1  }
0x6c: {  	[tilespmem:$0xCF90] =	vst v1  }
0x6d: {  	[tilespmem:$0xCFA0] =	vst v1  }
0x6e: {  	[tilespmem:$0xCFB0] =	vst v1  }
0x6f: {  	[tilespmem:$0xCFC0] =	vst v1  }
0x70: {  	[tilespmem:$0xCFD0] =	vst v1  }
0x71: {  	[tilespmem:$0xCFE0] =	vst v1  }
0x72: {  	s12 =	simm.s32 $0xCD80;
	[tilespmem:$0xCFF0] =	vst v1  }
0x73: {  	[spmem:s14] =	stream.linear.scatter [tilespmem:s12], [sflag:$0x9], $0x280, $0x38;
	[tilespmem:$0x17280] =	vst v63  }
0x74: {  	_ =	swait.ge [sflag:s23], $0x280  }
0x75: {  	[sflag:s23] =	ssyncset.done $0x0  }
0x76: {  	[sflag:s23] =	ssyncadd.s32 $0xFFFFFD80  }
0x77: {  	[tilespmem:$0xCD00] =	vst v2  }
0x78: {  	[tilespmem:$0xCD10] =	vst v2  }
0x79: {  	[tilespmem:$0xCD20] =	vst v2  }
0x7a: {  	[tilespmem:$0xCD30] =	vst v2  }
0x7b: {  	[tilespmem:$0xCD40] =	vst v2  }
0x7c: {  	[tilespmem:$0xCD50] =	vst v2  }
0x7d: {  	[tilespmem:$0xCD60] =	vst v2  }
0x7e: {  	s13 =	simm.s32 $0x0;
	[tilespmem:$0xCD70] =	vst v2  }
0x7f: {  	[tilespmem:s19], [sflag:$0x1] =	stream.indirect.gather [hbm4b:s1+s24], $0x40, s13, s24, $0xb8;
	[tilespmem:$0x17280] =	vst v63  }
0x80: {  	s12 =	simm.s32 $0x80  }
0x81: {  	[tilespmem:s26], [sflag:$0x2] =	stream.indirect.gather [hbm4b:s1+s24], $0x40, s12, s24, $0xb8;
	[tilespmem:$0x17280] =	vst v63  }
0x82: {  	s13 =	simm.s32 $0x100  }
0x83: {  	[tilespmem:s29], [sflag:$0x3] =	stream.indirect.gather [hbm4b:s1+s24], $0x40, s13, s24, $0xb8;
	[tilespmem:$0x17280] =	vst v63  }
0x84: {  	s12 =	simm.s32 $0x180  }
0x85: {  	[tilespmem:s31], [sflag:$0x4] =	stream.indirect.gather [hbm4b:s1+s24], $0x40, s12, s24, $0xb8;
	[tilespmem:$0x17280] =	vst v63  }
0x86: {  	[bflag:$0x0] =	sbarrier.arrive $0xFFFF  }
0x87: {  	_ =	swait.ge [sflag:s20], $0x1F40  }
0x88: {  	[sflag:s20] =	ssyncset.done $0x0  }
0x89: {  	s13 =	simm.s32 $0x2800;
	[sflag:s20] =	ssyncadd.s32 $0xFFFFE0C0  }
0x8a: {  	[spmem:s3] =	stream.indirect.scatter.add.bf16 [tilespmem:s19], [sflag:$0x5], $0x40, s13, s24, $0xb8;
	[tilespmem:$0x17280] =	vst v63  }
0x8b: {  	_ = 	snop  }
0x8c: {  	[spmem:s4] =	stream.indirect.scatter.add.f32 [tilespmem:s2], [sflag:$0x9], $0x1, s13, s24, $0xb8;
	[tilespmem:$0x17280] =	vst v63  }
0x8d: {  	_ =	swait.ge [sflag:s23], $0x7D  }
0x8e: {  	[sflag:s23] =	ssyncset.done $0x0  }
0x8f: {  	[sflag:s23] =	ssyncadd.s32 $0xFFFFFF83  }
0x90: {  	_ =	swait.ge [sflag:s18], $0x1F40  }
0x91: {  	[sflag:s18] =	ssyncset.done $0x0  }
0x92: {  	s12 =	simm.s32 $0x2880;
	[sflag:s18] =	ssyncadd.s32 $0xFFFFE0C0  }
0x93: {  	[spmem:s3] =	stream.indirect.scatter.add.bf16 [tilespmem:s26], [sflag:$0x6], $0x40, s12, s24, $0xb8;
	[tilespmem:$0x17280] =	vst v63  }
0x94: {  	_ = 	snop  }
0x95: {  	[spmem:s4] =	stream.indirect.scatter.add.f32 [tilespmem:s2], [sflag:$0x9], $0x1, s12, s24, $0xb8;
	[tilespmem:$0x17280] =	vst v63  }
0x96: {  	_ =	swait.ge [sflag:s23], $0x7D  }
0x97: {  	[sflag:s23] =	ssyncset.done $0x0  }
0x98: {  	[sflag:s23] =	ssyncadd.s32 $0xFFFFFF83  }
0x99: {  	_ =	swait.ge [sflag:s22], $0x1F40  }
0x9a: {  	[sflag:s22] =	ssyncset.done $0x0  }
0x9b: {  	s13 =	simm.s32 $0x2900;
	[sflag:s22] =	ssyncadd.s32 $0xFFFFE0C0  }
0x9c: {  	[spmem:s3] =	stream.indirect.scatter.add.bf16 [tilespmem:s29], [sflag:$0x7], $0x40, s13, s24, $0xb8;
	[tilespmem:$0x17280] =	vst v63  }
0x9d: {  	_ = 	snop  }
0x9e: {  	[spmem:s4] =	stream.indirect.scatter.add.f32 [tilespmem:s2], [sflag:$0x9], $0x1, s13, s24, $0xb8;
	[tilespmem:$0x17280] =	vst v63  }
0x9f: {  	_ =	swait.ge [sflag:s23], $0x7D  }
0xa0: {  	[sflag:s23] =	ssyncset.done $0x0  }
0xa1: {  	[sflag:s23] =	ssyncadd.s32 $0xFFFFFF83  }
0xa2: {  	_ =	swait.ge [sflag:s25], $0x1F40  }
0xa3: {  	[sflag:s25] =	ssyncset.done $0x0  }
0xa4: {  	s12 =	simm.s32 $0x2980;
	[sflag:s25] =	ssyncadd.s32 $0xFFFFE0C0  }
0xa5: {  	[spmem:s3] =	stream.indirect.scatter.add.bf16 [tilespmem:s31], [sflag:$0x8], $0x40, s12, s24, $0xb8;
	[tilespmem:$0x17280] =	vst v63  }
0xa6: {  	_ = 	snop  }
0xa7: {  	[spmem:s4] =	stream.indirect.scatter.add.f32 [tilespmem:s2], [sflag:$0x9], $0x1, s12, s24, $0xb8;
	[tilespmem:$0x17280] =	vst v63  }
0xa8: {  	_ =	swait.ge [sflag:s23], $0x7D  }
0xa9: {  	[sflag:s23] =	ssyncset.done $0x0  }
0xaa: {  	[sflag:s23] =	ssyncadd.s32 $0xFFFFFF83  }
0xab: {  	_ =	swait.ge [sflag:s21], $0x1F40  }
0xac: {  	[sflag:s21] =	ssyncset.done $0x0  }
0xad: {  	s13 =	simm.s32 $0x200;
	[sflag:s21] =	ssyncadd.s32 $0xFFFFE0C0  }
0xae: {  	[tilespmem:s19], [sflag:$0x1] =	stream.indirect.gather [hbm4b:s1+s24], $0x40, s13, s24, $0xb8;
	[tilespmem:$0x17280] =	vst v63  }
0xaf: {  	_ =	swait.ge [sflag:s28], $0x1F40  }
0xb0: {  	[sflag:s28] =	ssyncset.done $0x0  }
0xb1: {  	s12 =	simm.s32 $0x280;
	[sflag:s28] =	ssyncadd.s32 $0xFFFFE0C0  }
0xb2: {  	[tilespmem:s26], [sflag:$0x2] =	stream.indirect.gather [hbm4b:s1+s24], $0x40, s12, s24, $0xb8;
	[tilespmem:$0x17280] =	vst v63  }
0xb3: {  	_ =	swait.ge [sflag:s30], $0x1F40  }
0xb4: {  	[sflag:s30] =	ssyncset.done $0x0  }
0xb5: {  	s13 =	simm.s32 $0x300;
	[sflag:s30] =	ssyncadd.s32 $0xFFFFE0C0  }
0xb6: {  	[tilespmem:s29], [sflag:$0x3] =	stream.indirect.gather [hbm4b:s1+s24], $0x40, s13, s24, $0xb8;
	[tilespmem:$0x17280] =	vst v63  }
0xb7: {  	_ =	swait.ge [sflag:s0], $0x1F40  }
0xb8: {  	[sflag:s0] =	ssyncset.done $0x0  }
0xb9: {  	s11 =	simm.s32 $0x800;
	s12 =	simm.s32 $0x380;
	[sflag:s0] =	ssyncadd.s32 $0xFFFFE0C0  }
.LBB2_4:
0xba: {  	[tilespmem:s31], [sflag:$0x4] =	stream.indirect.gather [hbm4b:s1+s24], $0x40, s12, s24, $0xb8;
	[tilespmem:$0x17280] =	vst v63  }
0xbb: {  	s12 =	smov.u32 s11  }
0xbc: {  	p0 =	sne.s32 s11, $0x9000;
	s11 =	sadd.s32 $0x800, s11;
	_ =	swait.ge [sflag:s20], $0x1F40  }
0xbd: {  	s12 =	sshra.s32 s12, $0x2;
	[sflag:s20] =	ssyncset.done $0x0  }
0xbe: {  	s13 =	sadd.s32 $0x2800, s12;
	[sflag:s20] =	ssyncadd.s32 $0xFFFFE0C0  }
0xbf: {  	[spmem:s3] =	stream.indirect.scatter.add.bf16 [tilespmem:s19], [sflag:$0x5], $0x40, s13, s24, $0xb8;
	[tilespmem:$0x17280] =	vst v63  }
0xc0: {  	_ = 	snop  }
0xc1: {  	[spmem:s4] =	stream.indirect.scatter.add.f32 [tilespmem:s2], [sflag:$0x9], $0x1, s13, s24, $0xb8;
	[tilespmem:$0x17280] =	vst v63  }
0xc2: {  	_ =	swait.ge [sflag:s23], $0x7D  }
0xc3: {  	[sflag:s23] =	ssyncset.done $0x0  }
0xc4: {  	[sflag:s23] =	ssyncadd.s32 $0xFFFFFF83  }
0xc5: {  	_ =	swait.ge [sflag:s18], $0x1F40  }
0xc6: {  	[sflag:s18] =	ssyncset.done $0x0  }
0xc7: {  	s13 =	sadd.s32 $0x2880, s12;
	[sflag:s18] =	ssyncadd.s32 $0xFFFFE0C0  }
0xc8: {  	[spmem:s3] =	stream.indirect.scatter.add.bf16 [tilespmem:s26], [sflag:$0x6], $0x40, s13, s24, $0xb8;
	[tilespmem:$0x17280] =	vst v63  }
0xc9: {  	_ = 	snop  }
0xca: {  	[spmem:s4] =	stream.indirect.scatter.add.f32 [tilespmem:s2], [sflag:$0x9], $0x1, s13, s24, $0xb8;
	[tilespmem:$0x17280] =	vst v63  }
0xcb: {  	_ =	swait.ge [sflag:s23], $0x7D  }
0xcc: {  	[sflag:s23] =	ssyncset.done $0x0  }
0xcd: {  	[sflag:s23] =	ssyncadd.s32 $0xFFFFFF83  }
0xce: {  	_ =	swait.ge [sflag:s22], $0x1F40  }
0xcf: {  	[sflag:s22] =	ssyncset.done $0x0  }
0xd0: {  	s13 =	sadd.s32 $0x2900, s12;
	[sflag:s22] =	ssyncadd.s32 $0xFFFFE0C0  }
0xd1: {  	[spmem:s3] =	stream.indirect.scatter.add.bf16 [tilespmem:s29], [sflag:$0x7], $0x40, s13, s24, $0xb8;
	[tilespmem:$0x17280] =	vst v63  }
0xd2: {  	_ = 	snop  }
0xd3: {  	[spmem:s4] =	stream.indirect.scatter.add.f32 [tilespmem:s2], [sflag:$0x9], $0x1, s13, s24, $0xb8;
	[tilespmem:$0x17280] =	vst v63  }
0xd4: {  	_ =	swait.ge [sflag:s23], $0x7D  }
0xd5: {  	[sflag:s23] =	ssyncset.done $0x0  }
0xd6: {  	[sflag:s23] =	ssyncadd.s32 $0xFFFFFF83  }
0xd7: {  	_ =	swait.ge [sflag:s25], $0x1F40  }
0xd8: {  	[sflag:s25] =	ssyncset.done $0x0  }
0xd9: {  	s13 =	sadd.s32 $0x2980, s12;
	[sflag:s25] =	ssyncadd.s32 $0xFFFFE0C0  }
0xda: {  	[spmem:s3] =	stream.indirect.scatter.add.bf16 [tilespmem:s31], [sflag:$0x8], $0x40, s13, s24, $0xb8;
	[tilespmem:$0x17280] =	vst v63  }
0xdb: {  	_ = 	snop  }
0xdc: {  	[spmem:s4] =	stream.indirect.scatter.add.f32 [tilespmem:s2], [sflag:$0x9], $0x1, s13, s24, $0xb8;
	[tilespmem:$0x17280] =	vst v63  }
0xdd: {  	_ =	swait.ge [sflag:s23], $0x7D  }
0xde: {  	[sflag:s23] =	ssyncset.done $0x0  }
0xdf: {  	[sflag:s23] =	ssyncadd.s32 $0xFFFFFF83  }
0xe0: {  	_ =	swait.ge [sflag:s21], $0x1F40  }
0xe1: {  	[sflag:s21] =	ssyncset.done $0x0  }
0xe2: {  	s13 =	sadd.s32 $0x200, s12;
	[sflag:s21] =	ssyncadd.s32 $0xFFFFE0C0  }
0xe3: {  	[tilespmem:s19], [sflag:$0x1] =	stream.indirect.gather [hbm4b:s1+s24], $0x40, s13, s24, $0xb8;
	[tilespmem:$0x17280] =	vst v63  }
0xe4: {  	_ =	swait.ge [sflag:s28], $0x1F40  }
0xe5: {  	[sflag:s28] =	ssyncset.done $0x0  }
0xe6: {  	s13 =	sadd.s32 $0x280, s12;
	[sflag:s28] =	ssyncadd.s32 $0xFFFFE0C0  }
0xe7: {  	[tilespmem:s26], [sflag:$0x2] =	stream.indirect.gather [hbm4b:s1+s24], $0x40, s13, s24, $0xb8;
	[tilespmem:$0x17280] =	vst v63  }
0xe8: {  	_ =	swait.ge [sflag:s30], $0x1F40  }
0xe9: {  	[sflag:s30] =	ssyncset.done $0x0  }
.Ltmp1:
0xea: {  	s13 =	sadd.s32 $0x300, s12;
	[sflag:s30] =	ssyncadd.s32 $0xFFFFE0C0;
	(pc) =	sbr.rel @p0 .LBB2_4-.Ltmp1, $4  }
0xeb: {  	[tilespmem:s29], [sflag:$0x3] =	stream.indirect.gather [hbm4b:s1+s24], $0x40, s13, s24, $0xb8;
	[tilespmem:$0x17280] =	vst v63  }
0xec: {  	_ =	swait.ge [sflag:s0], $0x1F40  }
0xed: {  	[sflag:s0] =	ssyncset.done $0x0  }
0xee: {  	s12 =	sadd.s32 $0x380, s12;
	[sflag:s0] =	ssyncadd.s32 $0xFFFFE0C0  }
0xef: {  	[tilespmem:s31], [sflag:$0x4] =	stream.indirect.gather [hbm4b:s1+s24], $0x40, s12, s24, $0xb8;
	[tilespmem:$0x17280] =	vst v63  }
0xf0: {  	_ =	swait.ge [sflag:s20], $0x1F40  }
0xf1: {  	[sflag:s20] =	ssyncset.done $0x0  }
0xf2: {  	[sflag:s20] =	ssyncadd.s32 $0xFFFFE0C0  }
0xf3: {  	[spmem:s3] =	stream.indirect.scatter.add.bf16 [tilespmem:s19], [sflag:$0x5], $0x40, s5, s24, $0xb8;
	[tilespmem:$0x17280] =	vst v63  }
0xf4: {  	_ = 	snop  }
0xf5: {  	[spmem:s4] =	stream.indirect.scatter.add.f32 [tilespmem:s2], [sflag:$0x9], $0x1, s5, s24, $0xb8;
	[tilespmem:$0x17280] =	vst v63  }
0xf6: {  	_ =	swait.ge [sflag:s23], $0x7D  }
0xf7: {  	[sflag:s23] =	ssyncset.done $0x0  }
0xf8: {  	[sflag:s23] =	ssyncadd.s32 $0xFFFFFF83  }
0xf9: {  	_ =	swait.ge [sflag:s18], $0x1F40  }
0xfa: {  	[sflag:s18] =	ssyncset.done $0x0  }
0xfb: {  	[sflag:s18] =	ssyncadd.s32 $0xFFFFE0C0  }
0xfc: {  	[spmem:s3] =	stream.indirect.scatter.add.bf16 [tilespmem:s26], [sflag:$0x6], $0x40, s6, s24, $0xb8;
	[tilespmem:$0x17280] =	vst v63  }
0xfd: {  	_ = 	snop  }
0xfe: {  	[spmem:s4] =	stream.indirect.scatter.add.f32 [tilespmem:s2], [sflag:$0x9], $0x1, s6, s24, $0xb8;
	[tilespmem:$0x17280] =	vst v63  }
0xff: {  	_ =	swait.ge [sflag:s23], $0x7D  }
0x100: {  	[sflag:s23] =	ssyncset.done $0x0  }
0x101: {  	[sflag:s23] =	ssyncadd.s32 $0xFFFFFF83  }
0x102: {  	_ =	swait.ge [sflag:s22], $0x1F40  }
0x103: {  	[sflag:s22] =	ssyncset.done $0x0  }
0x104: {  	[sflag:s22] =	ssyncadd.s32 $0xFFFFE0C0  }
0x105: {  	[spmem:s3] =	stream.indirect.scatter.add.bf16 [tilespmem:s29], [sflag:$0x7], $0x40, s7, s24, $0xb8;
	[tilespmem:$0x17280] =	vst v63  }
0x106: {  	_ = 	snop  }
0x107: {  	[spmem:s4] =	stream.indirect.scatter.add.f32 [tilespmem:s2], [sflag:$0x9], $0x1, s7, s24, $0xb8;
	[tilespmem:$0x17280] =	vst v63  }
0x108: {  	_ =	swait.ge [sflag:s23], $0x7D  }
0x109: {  	[sflag:s23] =	ssyncset.done $0x0  }
0x10a: {  	[sflag:s23] =	ssyncadd.s32 $0xFFFFFF83  }
0x10b: {  	_ =	swait.ge [sflag:s25], $0x1F40  }
0x10c: {  	[sflag:s25] =	ssyncset.done $0x0  }
0x10d: {  	[sflag:s25] =	ssyncadd.s32 $0xFFFFE0C0  }
0x10e: {  	[spmem:s3] =	stream.indirect.scatter.add.bf16 [tilespmem:s31], [sflag:$0x8], $0x40, s9, s24, $0xb8;
	[tilespmem:$0x17280] =	vst v63  }
0x10f: {  	_ = 	snop  }
0x110: {  	[spmem:s4] =	stream.indirect.scatter.add.f32 [tilespmem:s2], [sflag:$0x9], $0x1, s9, s24, $0xb8;
	[tilespmem:$0x17280] =	vst v63  }
0x111: {  	_ =	swait.ge [sflag:s23], $0x7D  }
0x112: {  	[sflag:s23] =	ssyncset.done $0x0  }
0x113: {  	[sflag:s23] =	ssyncadd.s32 $0xFFFFFF83  }
0x114: {  	_ =	swait.ge [sflag:s21], $0x1F40  }
0x115: {  	[sflag:s21] =	ssyncset.done $0x0  }
0x116: {  	[sflag:s21] =	ssyncadd.s32 $0xFFFFE0C0  }
0x117: {  	_ =	swait.ge [sflag:s28], $0x1F40  }
0x118: {  	[sflag:s28] =	ssyncset.done $0x0  }
0x119: {  	[sflag:s28] =	ssyncadd.s32 $0xFFFFE0C0  }
0x11a: {  	_ =	swait.ge [sflag:s30], $0x1F40  }
0x11b: {  	[sflag:s30] =	ssyncset.done $0x0  }
0x11c: {  	[sflag:s30] =	ssyncadd.s32 $0xFFFFE0C0  }
0x11d: {  	_ =	swait.ge [sflag:s0], $0x1F40  }
0x11e: {  	s11 =	stileid.u32;
	[sflag:s0] =	ssyncset.done $0x0  }
0x11f: {  	s11 =	sshll.u32 s11, $0x6;
	[sflag:s0] =	ssyncadd.s32 $0xFFFFE0C0  }
0x120: {  	s13 =	sshrl.u32 s8, $0x3;
	s11 =	sor.u32 $0x1C01, s11;
	[bflag:$0x0] =	sbarrier.arrive $0xFFFF  }
0x121: {  	[hbm:s15], [sflag:s11] =	dma.local [spmem:s13], $0x1400  }
0x122: {  	s10 =	sadd.s32 $0x1, s10;
	s13 =	sshrl.u32 s14, $0x3  }
0x123: {  	[hbm:s16], [sflag:s11] =	dma.local [spmem:s13], $0x50  }
0x124: {  	p0 =	sne.s32 s10, s17;
	_ =	swait.ge [sflag:s20], $0x1400  }
.Ltmp2:
0x125: {  	[sflag:s20] =	ssyncset.done $0x0;
	(pc) =	sbr.rel @p0 .LBB2_1-.Ltmp2, $4  }
0x126: {  	[sflag:s20] =	ssyncadd.s32 $0xFFFFEC00  }
0x127: {  	_ =	swait.ge [sflag:s20], $0x50  }
0x128: {  	[sflag:s20] =	ssyncset.done $0x0  }
0x129: {  	[sflag:s20] =	ssyncadd.s32 $0xFFFFFFB0  }
0x12a: {  	_ =	sfence.sel $0x180000  }
0x12b: {  	[bflag:$0x0] =	sbarrier.arrive $0xFFFF  }
0x12c: {  	_ =	strace $0x90000047  }
0x12d: {  	s0 =	stileid.u32;
	[bflag:$0x2] =	sbarrier.arrive $0xFFFF  }
0x12e: {  	p0 =	sne.s32 s0, $0x0;
	s0 =	rddreg [dreg:$0x4]  }
0x12f: {  	s0 =	sadd.s32 @!p0 $0x100000, s0  }
0x130: {  	[sflag:s0] =	ssyncadd.tile.s32 @!p0 $0x1;
	_ =	shalt  }
.Lfunc_end2:
_tile_overlayer_lowered:
.L_overlay_start_2:
0x131: {  	(tag) =	ssettag $0x2  }
0x132: {  	s0 =	rddreg [dreg:$0x0];
	s2 =	stileid.u32  }
0x133: {  	s1 =	rddreg [dreg:$0x1];
	p0 =	sne.s32 s2, $0x0  }
0x134: {  	s3 =	rddreg [dreg:$0x2];
	[bflag:$0x3] =	sbarrier.arrive $0xFFFF;
	s2 =	simm.s32 @!p0 $0x1C09  }
0x135: {  	[timem:s3], [sflag:s2] =	dma.local @!p0 [hbm:s0], s1  }
0x136: {  	s0 =	simm.s32 @!p0 $0x9  }
0x137: {  	_ =	swait.ge @!p0 [sflag:s0], s1  }
0x138: {  	s1 =	ssub.s32 @!p0 $0x0, s1;
	[sflag:s0] =	ssyncset.done @!p0 $0x0  }
0x139: {  	[sflag:s0] =	ssyncadd.s32 @!p0 s1  }
0x13a: {  	[bflag:$0x3] =	sbarrier.arrive $0xFFFF  }
0x13b: {  	_ =	shalt  }

// kernel: _run.13.cloned.1.call-start
scs
__scs_entry_jumppad:
0x0: {  	(pc) =	sbr.rel $0x88, $3  }
0x1: {  	(tag) =	ssettag $0x0;
	lr =	simm.s32 $0x1  }
0x2: {  	[smem:$0x3F93] =	sst lr;
	_ =	strace $0xD0000000  }
0x3: {  	_ = 	snop  }
0x4: {  	_ = 	snop  }
0x5: {  	_ = 	snop  }
0x6: {  	_ = 	snop  }
0x7: {  	_ = 	snop  }
__scs_overlays_trampoline_lowered:
0x8: {  	[smem:$0x3FA2] =	sst s0  }
0x9: {  	[smem:$0x3FA3] =	sst s1  }
0xa: {  	[smem:$0x3FA4] =	sst s2  }
0xb: {  	[smem:$0x3FA5] =	sst s3  }
0xc: {  	[smem:$0x3FA6] =	sst s4  }
0xd: {  	[smem:$0x3FA7] =	sst s5  }
0xe: {  	[smem:$0x3FA8] =	sst s6  }
0xf: {  	[smem:$0x3FA9] =	sst s7  }
0x10: {  	[smem:$0x3FAA] =	sst s8  }
0x11: {  	[smem:$0x3FAB] =	sst s9;
	s0 =	simm.s32 @!p0 $0x0  }
0x12: {  	s1 =	sld [smem:$0x3F91];
	s0 =	simm.s32 @p0 $0x1  }
0x13: {  	[smem:$0x3FAC] =	sst s0;
	s0 =	simm.s32 @!p1 $0x0  }
0x14: {  	s2 =	sld [smem:$0x3F90];
	s0 =	simm.s32 @p1 $0x1  }
0x15: {  	[smem:$0x3FAD] =	sst s0;
	s0 =	simm.s32 @!p2 $0x0  }
0x16: {  	s3 =	sld [smem:$0x3FDB];
	s0 =	simm.s32 @p2 $0x1  }
0x17: {  	s4 =	simm.s32 $0x1BF5;
	[smem:$0x3FAF] =	sst s0  }
0x18: {  	s0 =	sld [smem:$0x3F92];
	_ =	swait.ge [sflag:s4], $0x0  }
0x19: {  	s7 =	sld [smem:$0x3F93]  }
0x1a: {  	s8 =	sadd.s32 $0xFFFFE003, lr  }
0x1b: {  	s9 =	sadd.s32 $0xFFFFFEF7, lr;
	s5 =	simm.s32 $0xFFFFFFFF;
	p2 =	slt.u32 s8, $0xFFFFF086  }
0x1c: {  	p1 =	slt.u32 s9, $0xF7A;
	s5 =	simm.s32 @!p2 $0x0  }
0x1d: {  	s5 =	simm.s32 @p1 $0x1;
	p0 =	seq.s32 s7, s2  }
0x1e: {  	s7 =	smul.u32 @!p0 $0xF7A, s2;
	p2 =	seq.s32 @!p0 s5, $0x0  }
0x1f: {  	s9 =	smul.u32 $0xF7A, s1;
	s8 =	simm.s32 @!p0 $0x1BF5;
	p2 =	por !p2, p0  }
0x20: {  	[sflag:s8] =	ssyncset.s32 @!p0 $0xFFFFF086;
	s6 =	sadd.s32 @!p0 s3, s7;
	s7 =	simm.s32 @!p0 $0x108  }
0x21: {  	s3 =	sadd.s32 s3, s9;
	s6 =	sadd.s32 @!p0 $0x88, s6;
	s7 =	simm.s32 @p2 $0x1082  }
0x22: {  	[simem:s7], [sflag:s8] =	dma.local @!p0 [hbm:s6], $0xF7A  }
0x23: {  	s9 =	sor.u32 $0xD0000000, s2;
	s6 =	simm.s32 $0x108;
	_ =	swait.ge @!p0 [sflag:s8], $0x0  }
0x24: {  	s3 =	sadd.s32 $0x88, s3;
	s6 =	simm.s32 @!p1 $0x1082;
	[sflag:s4] =	ssyncset.s32 $0xFFFFF086  }
0x25: {  	[simem:s6], [sflag:s4] =	dma.local [hbm:s3], $0xF7A  }
0x26: {  	[smem:$0x3F93] =	sst s1;
	(tag) =	ssettag s2;
	_ =	strace s9  }
0x27: {  	s1 =	sld [smem:$0x3FA3]  }
0x28: {  	s2 =	sld [smem:$0x3FA4]  }
0x29: {  	s4 =	sld [smem:$0x3FA6]  }
0x2a: {  	p0 =	seq.s32 s5, $0x0;
	s5 =	sld [smem:$0x3FA7]  }
0x2b: {  	s6 =	sld [smem:$0x3FA8]  }
0x2c: {  	s7 =	sld [smem:$0x3FA9]  }
0x2d: {  	s3 =	simm.s32 $0x108;
	s8 =	sld [smem:$0x3FAA]  }
0x2e: {  	s3 =	simm.s32 @!p0 $0x1082;
	s9 =	sld [smem:$0x3FAB]  }
0x2f: {  	lr =	sadd.s32 s0, s3;
	s0 =	sld [smem:$0x3FA2]  }
0x30: {  	s3 =	sld [smem:$0x3FA5]  }
0x31: {  	[smem:$0x3FAE] =	sst s10  }
0x32: {  	s10 =	sld [smem:$0x3FAC];
	_ =	sdelay $0x3  }
0x33: {  	p0 =	seq.s32 s10, $0x1;
	s10 =	sld [smem:$0x3FAE];
	_ =	sdelay $0x3  }
0x34: {  	[smem:$0x3FAE] =	sst s10  }
0x35: {  	s10 =	sld [smem:$0x3FAD];
	_ =	sdelay $0x3  }
0x36: {  	p1 =	seq.s32 s10, $0x1;
	s10 =	sld [smem:$0x3FAE];
	_ =	sdelay $0x3  }
0x37: {  	[smem:$0x3FAE] =	sst s10  }
0x38: {  	s10 =	sld [smem:$0x3FAF]  }
0x39: {  	_ = 	snop;
	(pc) =	sbr.ind lr, $3  }
0x3a: {  	_ = 	snop  }
0x3b: {  	_ = 	snop  }
0x3c: {  	p2 =	seq.s32 s10, $0x1;
	s10 =	sld [smem:$0x3FAE]  }
0x3d: {  	_ =	shalt  }
0x3e: {  	_ =	shalt  }
0x3f: {  	_ =	shalt  }
0x40: {  	_ =	shalt  }
0x41: {  	_ =	shalt  }
0x42: {  	_ =	shalt  }
0x43: {  	_ =	shalt  }
0x44: {  	_ =	shalt  }
0x45: {  	_ =	shalt  }
0x46: {  	_ =	shalt  }
0x47: {  	_ =	shalt  }
0x48: {  	_ =	shalt  }
0x49: {  	_ =	shalt  }
0x4a: {  	_ =	shalt  }
0x4b: {  	_ =	shalt  }
0x4c: {  	_ =	shalt  }
0x4d: {  	_ =	shalt  }
0x4e: {  	_ =	shalt  }
0x4f: {  	_ =	shalt  }
0x50: {  	_ =	shalt  }
0x51: {  	_ =	shalt  }
0x52: {  	_ =	shalt  }
0x53: {  	_ =	shalt  }
0x54: {  	_ =	shalt  }
0x55: {  	_ =	shalt  }
0x56: {  	_ =	shalt  }
0x57: {  	_ =	shalt  }
0x58: {  	_ =	shalt  }
0x59: {  	_ =	shalt  }
0x5a: {  	_ =	shalt  }
0x5b: {  	_ =	shalt  }
0x5c: {  	_ =	shalt  }
0x5d: {  	_ =	shalt  }
0x5e: {  	_ =	shalt  }
0x5f: {  	_ =	shalt  }
0x60: {  	_ =	shalt  }
0x61: {  	_ =	shalt  }
0x62: {  	_ =	shalt  }
0x63: {  	_ =	shalt  }
0x64: {  	_ =	shalt  }
0x65: {  	_ =	shalt  }
0x66: {  	_ =	shalt  }
0x67: {  	_ =	shalt  }
0x68: {  	_ =	shalt  }
0x69: {  	_ =	shalt  }
0x6a: {  	_ =	shalt  }
0x6b: {  	_ =	shalt  }
0x6c: {  	_ =	shalt  }
0x6d: {  	_ =	shalt  }
0x6e: {  	_ =	shalt  }
0x6f: {  	_ =	shalt  }
0x70: {  	_ =	shalt  }
0x71: {  	_ =	shalt  }
0x72: {  	_ =	shalt  }
0x73: {  	_ =	shalt  }
0x74: {  	_ =	shalt  }
0x75: {  	_ =	shalt  }
0x76: {  	_ =	shalt  }
0x77: {  	_ =	shalt  }
0x78: {  	_ =	shalt  }
0x79: {  	_ =	shalt  }
0x7a: {  	_ =	shalt  }
0x7b: {  	_ =	shalt  }
0x7c: {  	_ =	shalt  }
0x7d: {  	_ =	shalt  }
0x7e: {  	_ =	shalt  }
0x7f: {  	_ =	shalt  }
0x80: {  	_ =	shalt  }
0x81: {  	_ =	shalt  }
0x82: {  	_ =	shalt  }
0x83: {  	_ =	shalt  }
0x84: {  	_ =	shalt  }
0x85: {  	_ =	shalt  }
0x86: {  	_ =	shalt  }
0x87: {  	_ =	shalt  }
.Lfunc_end0:
.L_simem_size_0:
called_computation.1_lowered:
.L_overlay_start_0:
0x88: {  	s2 =	sld [smem:$0x3FD9]  }
0x89: {  	s3 =	sld [smem:$0x3FFE];
	_ =	sdelay $0x1  }
0x8a: {  	s1 =	srdreg.scid  }
0x8b: {  	s0 =	sand.u32 $0x1, s1  }
0x8c: {  	s17 =	sshll.u32 s0, $0xA;
	s2 =	sadd.s32 s3, s2  }
0x8d: {  	s2 =	sadd.s32 s2, s17  }
0x8e: {  	[smem:$0x3FBA] =	sst s2  }
0x8f: {  	_ = 	snop  }
0x90: {  	s2 =	sld [smem:$0x3FD0];
	(tm) =	ssettm $0x1  }
0x91: {  	s18 =	sld [smem:$0x3FFB];
	_ =	sdelay $0x3  }
0x92: {  	_ =	strace s18  }
0x93: {  	s3 =	sld [smem:$0x3FFC];
	_ =	sdelay $0x3  }
0x94: {  	_ =	strace s3  }
0x95: {  	s3 =	sld [smem:$0x3FFD];
	_ =	sdelay $0x3  }
0x96: {  	_ =	strace s3  }
0x97: {  	_ =	strace $0x8FFFFFFF  }
0x98: {  	s19 =	sld [smem:$0x3FDB];
	_ =	sdelay $0x1  }
0x99: {  	s4 =	simm.s32 $_scs_section_size  }
0x9a: {  	s5 =	simm.s32 $_size__tile_overlayer_lowered;
	s6 =	simm.s32 $_tile_overlayer_lowered  }
0x9b: {  	s22 =	simm.s32 $0x1BFF;
	s21 =	sshll.u32 s6, $0x1;
	s3 =	sadd.s32 s4, s19  }
0x9c: {  	s7 =	simm.s32 $0x0;
	s20 =	sshll.u32 s5, $0x1;
	s5 =	sadd.s32 s21, s3  }
0x9d: {  	[timem:s7], [sflag:s22] =	dma.local [hbm:s5], s20  }
0x9e: {  	_ =	swait.ge [sflag:s22], s20  }
0x9f: {  	s4 =	ssub.s32 $0x0, s20;
	[sflag:s22] =	ssyncset.done $0x0  }
0xa0: {  	[sflag:s22] =	ssyncadd.s32 s4;
	_ =	sdelay $0x1  }
0xa1: {  	s23 =	simm.s32 $0x1B8B  }
0xa2: {  	_ =	swait.ge [sflag:s23], $0x1  }
0xa3: {  	[sflag:s23] =	ssyncset.done $0x0  }
0xa4: {  	s25 =	simm.s32 $0x1B8E;
	s24 =	sld [smem:$0x3FFE];
	[sflag:s23] =	ssyncadd.s32 $0xFFFFFFFF  }
0xa5: {  	s26 =	simm.s32 $execute0_lowered;
	[smem:$0x3FD2] =	sst s25  }
0xa6: {  	s5 =	sshll.u32 s26, $0x1;
	_ =	strace $0x80000049;
	[dreg:$0x1] =	wrdreg $0xFFFFFFFF  }
0xa7: {  	s28 =	simm.s32 $_size_execute0_lowered;
	s3 =	sadd.s32 s3, s5;
	[dreg:$0x0] =	wrdreg $0x0  }
0xa8: {  	s5 =	sshll.u32 s28, $0x1;
	[dreg:$0x2] =	wrdreg s3  }
0xa9: {  	[dreg:$0x3] =	wrdreg s5  }
0xaa: {  	[dreg:$0x4] =	wrdreg $0xC0  }
0xab: {  	_ =	task [dreg:s7], $0x5FFFF  }
0xac: {  	[dreg:$0x1] =	wrdreg $0xFFFFFFFF  }
0xad: {  	[dreg:$0x0] =	wrdreg $0x60  }
0xae: {  	[dreg:$0x2] =	wrdreg s2  }
0xaf: {  	[dreg:$0x3] =	wrdreg s24  }
0xb0: {  	[dreg:$0x4] =	wrdreg $0xCD000  }
0xb1: {  	[dreg:$0x5] =	wrdreg $0x9  }
0xb2: {  	_ =	task.clear_ibuf [dreg:s7], $0x6FFFF;
	_ =	strace $0x90000049  }
0xb3: {  	s29 =	simm.s32 $0x9;
	_ =	strace $0x8000004B  }
0xb4: {  	_ =	swait.ge [sflag:s29], $0x1  }
0xb5: {  	[sflag:s29] =	ssyncadd.s32 $0xFFFFFFFF  }
0xb6: {  	_ =	strace $0x9000004B  }
0xb7: {  	_ =	sfence  }
0xb8: {  	s30 =	sld [smem:$0x0];
	_ =	sdelay $0x2  }
0xb9: {  	s31 =	sshll.u32 s1, $0xD;
	s1 =	sshrl.u32 s1, $0x2  }
0xba: {  	s3 =	sand.u32 $0x4000, s31;
	s1 =	sadd.s32 s1, s30  }
0xbb: {  	s0 =	sor.u32 s3, s0;
	s1 =	sshll.u32 s1, $0x11  }
0xbc: {  	s0 =	sor.u32 s1, s0  }
0xbd: {  	s0 =	sadd.s32 $0x8F2B, s0  }
0xbe: {  	[sflag:s0] =	ssyncadd.remote.s32 $0x1  }
0xbf: {  	_ =	sfence.sel $0xFFFF  }
0xc0: {  	[dreg:$0x0] =	wrdreg $0xFFFFFFFF;
	(pc) =	sbr.abs _section_cstart, $3  }
0xc1: {  	[dreg:$0x1] =	wrdreg $0xFFFFFFFF  }
0xc2: {  	_ =	task.clear_ibuf [dreg:s7], $0x2FFFF;
	_ =	strace $0x9FFFFFFF  }
0xc3: {  	(tm) =	ssettm $0x7FFFFFFF  }
tec
execute0_lowered:
.L_overlay_start_1:
0x0: {  	(tag) =	ssettag $0x1  }
0x1: {  	s1 =	rddreg [dreg:$0x0]  }
0x2: {  	s0 =	rddreg [dreg:$0x1]  }
0x3: {  	s3 =	rddreg [dreg:$0x2];
	s4 =	simm.s32 $0x0  }
0x4: {  	s2 =	srdreg.scid;
	s8 =	stileid.u32;
	s16 =	simm.s32 $0x5000  }
0x5: {  	s17 =	simm.s32 $0x1;
	s18 =	simm.s32 $0x5;
	s19 =	simm.s32 $0x7D  }
0x6: {  	s21 =	simm.s32 $0x6F40;
	s23 =	simm.s32 $0x8E80;
	s28 =	simm.s32 $0x3  }
0x7: {  	s29 =	simm.s32 $0x4;
	s30 =	simm.s32 $0x6;
	s31 =	simm.s32 $0x7  }
0x8: {  	s22 =	simm.s32 $0x4F80;
	s24 =	simm.s32 $0x0;
	s7 =	smul.u32 $0xA000, s8  }
0x9: {  	s2 =	sand.u32 $0x1, s2;
	s5 =	sshll.u32 s8, $0x1;
	s8 =	smul.u32 $0x28000, s8  }
0xa: {  	[smem:$0x7FF] =	sst s4;
	s5 =	sor.u32 s2, s5;
	s6 =	smul.u32 $0xA0000, s2  }
0xb: {  	_ =	strace $0x8000004A;
	s2 =	ssub.s32 $0x2, s2;
	s5 =	smul.u32 $0x500, s5  }
0xc: {  	s26 =	sshrl.u32 s2, $0x1;
	s8 =	sshrl.u32 s8, $0x2;
	s6 =	sadd.s32 s7, s6  }
0xd: {  	s2 =	ssub.s32 s2, s26;
	s12 =	sadd.s32 s8, s3;
	s7 =	sadd.s32 s7, s3  }
0xe: {  	s26 =	simm.s32 $0x2;
	s9 =	sadd.s32 s5, s0;
	s25 =	sshrl.u32 s6, $0x3  }
0xf: {  	s8 =	sadd.s32 $0x1F40, s12;
	s10 =	sadd.s32 $0x5DC0, s12;
	s11 =	sadd.s32 $0x7D00, s12  }
0x10: {  	s14 =	smax.u32 s2, $0x1;
	s0 =	sadd.s32 s25, s0;
	s5 =	sadd.s32 $0xDE00, s9  }
0x11: {  	s6 =	sadd.s32 $0x3E00, s9;
	s9 =	sadd.s32 $0x3E80, s12;
	s12 =	sadd.s32 $0x9C40, s12  }
0x12: {  	v0 =	vimm.f32 $0.0e+00;
	s25 =	simm.s32 $0xADC0;
	s13 =	sadd.s32 $0x17E00, s0;
	s0 =	simm.s32 $0x8  }
.LBB2_1:
0x13: {  	[tilespmem:s4], [sflag:$0x1] =	stream.linear.gather [hbm4b:s5+s4], $0x2800, $0x38;
	[tilespmem:$0x16D00] =	vst v63  }
0x14: {  	s2 =	simm.s32 $0x2800  }
0x15: {  	[tilespmem:s2], [sflag:$0x1] =	stream.linear.gather [hbm4b:s6+s4], $0x2800, $0x38;
	[tilespmem:$0x16D00] =	vst v63  }
0x16: {  	s15 =	simm.s32 $0x100;
	s2 =	simm.s32 $0x0  }
.LBB2_2:
0x17: {  	p0 =	sne.s32 s15, $0x7C00;
	[tilespmem:s2+$0x5030] =	vst v0;
	s20 =	smov.u32 s15;
	s15 =	sadd.s32 $0x100, s15  }
.Ltmp0:
0x18: {  	[tilespmem:s2+$0x5020] =	vst v0;
	(pc) =	sbr.rel @p0 .LBB2_2-.Ltmp0, $3  }
0x19: {  	[tilespmem:s2+$0x5000] =	vst v0  }
0x1a: {  	[tilespmem:s2+$0x5010] =	vst v0;
	_ =	sdelay $0x1  }
0x1b: {  	s2 =	sshra.s32 s20, $0x2  }
0x1c: {  	[tilespmem:s2+$0x5030] =	vst v0  }
0x1d: {  	[tilespmem:s2+$0x5020] =	vst v0  }
0x1e: {  	[tilespmem:s2+$0x5000] =	vst v0  }
0x1f: {  	[tilespmem:s2+$0x5010] =	vst v0  }
0x20: {  	[spmem:s7] =	stream.linear.scatter [tilespmem:s16], [sflag:$0x5], $0x1F40, $0x38;
	[tilespmem:$0x16D00] =	vst v63  }
0x21: {  	_ = 	snop  }
0x22: {  	[spmem:s8] =	stream.linear.scatter [tilespmem:s16], [sflag:$0x5], $0x1F40, $0x38;
	[tilespmem:$0x16D00] =	vst v63  }
0x23: {  	_ = 	snop  }
0x24: {  	[spmem:s9] =	stream.linear.scatter [tilespmem:s16], [sflag:$0x5], $0x1F40, $0x38;
	[tilespmem:$0x16D00] =	vst v63  }
0x25: {  	_ = 	snop  }
0x26: {  	[spmem:s10] =	stream.linear.scatter [tilespmem:s16], [sflag:$0x5], $0x1F40, $0x38;
	[tilespmem:$0x16D00] =	vst v63  }
0x27: {  	_ = 	snop  }
0x28: {  	[spmem:s11] =	stream.linear.scatter [tilespmem:s16], [sflag:$0x5], $0x1F40, $0x38;
	[tilespmem:$0x16D00] =	vst v63  }
0x29: {  	_ = 	snop  }
0x2a: {  	[spmem:s12] =	stream.linear.scatter [tilespmem:s16], [sflag:$0x5], $0x3C0, $0x38;
	[tilespmem:$0x16D00] =	vst v63  }
0x2b: {  	_ =	swait.ge [sflag:s17], $0x2800  }
0x2c: {  	[sflag:s17] =	ssyncset.done $0x0  }
0x2d: {  	[sflag:s17] =	ssyncadd.s32 $0xFFFFD800  }
0x2e: {  	_ =	swait.ge [sflag:s17], $0x2800  }
0x2f: {  	[sflag:s17] =	ssyncset.done $0x0  }
0x30: {  	[sflag:s17] =	ssyncadd.s32 $0xFFFFD800  }
0x31: {  	_ =	swait.ge [sflag:s18], $0x1F40  }
0x32: {  	[sflag:s18] =	ssyncset.done $0x0  }
0x33: {  	[sflag:s18] =	ssyncadd.s32 $0xFFFFE0C0  }
0x34: {  	_ =	swait.ge [sflag:s18], $0x1F40  }
0x35: {  	[sflag:s18] =	ssyncset.done $0x0  }
0x36: {  	[sflag:s18] =	ssyncadd.s32 $0xFFFFE0C0  }
0x37: {  	_ =	swait.ge [sflag:s18], $0x1F40  }
0x38: {  	[sflag:s18] =	ssyncset.done $0x0  }
0x39: {  	[sflag:s18] =	ssyncadd.s32 $0xFFFFE0C0  }
0x3a: {  	_ =	swait.ge [sflag:s18], $0x1F40  }
0x3b: {  	[sflag:s18] =	ssyncset.done $0x0  }
0x3c: {  	[sflag:s18] =	ssyncadd.s32 $0xFFFFE0C0  }
0x3d: {  	_ =	swait.ge [sflag:s18], $0x1F40  }
0x3e: {  	[sflag:s18] =	ssyncset.done $0x0  }
0x3f: {  	[sflag:s18] =	ssyncadd.s32 $0xFFFFE0C0  }
0x40: {  	_ =	swait.ge [sflag:s18], $0x3C0  }
0x41: {  	[sflag:s18] =	ssyncset.done $0x0  }
0x42: {  	s20 =	simm.s32 $0x0;
	[sflag:s18] =	ssyncadd.s32 $0xFFFFFC40  }
0x43: {  	[tilespmem:s16], [sflag:$0x1] =	stream.indirect.gather [hbm4b:s1+s19], $0x40, s20, s19, $0xb8;
	[tilespmem:$0x16D00] =	vst v63  }
0x44: {  	s15 =	simm.s32 $0x80  }
0x45: {  	[tilespmem:s21], [sflag:$0x2] =	stream.indirect.gather [hbm4b:s1+s19], $0x40, s15, s19, $0xb8;
	[tilespmem:$0x16D00] =	vst v63  }
0x46: {  	s20 =	simm.s32 $0x100  }
0x47: {  	[tilespmem:s23], [sflag:$0x3] =	stream.indirect.gather [hbm4b:s1+s19], $0x40, s20, s19, $0xb8;
	[tilespmem:$0x16D00] =	vst v63  }
0x48: {  	s15 =	simm.s32 $0x180  }
0x49: {  	[tilespmem:s25], [sflag:$0x4] =	stream.indirect.gather [hbm4b:s1+s19], $0x40, s15, s19, $0xb8;
	[tilespmem:$0x16D00] =	vst v63  }
0x4a: {  	[bflag:$0x0] =	sbarrier.arrive $0xFFFF  }
0x4b: {  	_ =	swait.ge [sflag:s17], $0x1F40  }
0x4c: {  	[sflag:s17] =	ssyncset.done $0x0  }
0x4d: {  	s20 =	simm.s32 $0x2800;
	[sflag:s17] =	ssyncadd.s32 $0xFFFFE0C0  }
0x4e: {  	[spmem:s3] =	stream.indirect.scatter.add.f32 [tilespmem:s16], [sflag:$0x5], $0x40, s20, s19, $0xb8;
	[tilespmem:$0x16D00] =	vst v63  }
0x4f: {  	_ =	swait.ge [sflag:s26], $0x1F40  }
0x50: {  	[sflag:s26] =	ssyncset.done $0x0  }
0x51: {  	s15 =	simm.s32 $0x2880;
	[sflag:s26] =	ssyncadd.s32 $0xFFFFE0C0  }
0x52: {  	[spmem:s3] =	stream.indirect.scatter.add.f32 [tilespmem:s21], [sflag:$0x6], $0x40, s15, s19, $0xb8;
	[tilespmem:$0x16D00] =	vst v63  }
0x53: {  	_ =	swait.ge [sflag:s28], $0x1F40  }
0x54: {  	[sflag:s28] =	ssyncset.done $0x0  }
0x55: {  	s20 =	simm.s32 $0x2900;
	[sflag:s28] =	ssyncadd.s32 $0xFFFFE0C0  }
0x56: {  	[spmem:s3] =	stream.indirect.scatter.add.f32 [tilespmem:s23], [sflag:$0x7], $0x40, s20, s19, $0xb8;
	[tilespmem:$0x16D00] =	vst v63  }
0x57: {  	_ =	swait.ge [sflag:s29], $0x1F40  }
0x58: {  	[sflag:s29] =	ssyncset.done $0x0  }
0x59: {  	s15 =	simm.s32 $0x2980;
	[sflag:s29] =	ssyncadd.s32 $0xFFFFE0C0  }
0x5a: {  	[spmem:s3] =	stream.indirect.scatter.add.f32 [tilespmem:s25], [sflag:$0x8], $0x40, s15, s19, $0xb8;
	[tilespmem:$0x16D00] =	vst v63  }
0x5b: {  	_ =	swait.ge [sflag:s18], $0x1F40  }
0x5c: {  	[sflag:s18] =	ssyncset.done $0x0  }
0x5d: {  	s20 =	simm.s32 $0x200;
	[sflag:s18] =	ssyncadd.s32 $0xFFFFE0C0  }
0x5e: {  	[tilespmem:s16], [sflag:$0x1] =	stream.indirect.gather [hbm4b:s1+s19], $0x40, s20, s19, $0xb8;
	[tilespmem:$0x16D00] =	vst v63  }
0x5f: {  	_ =	swait.ge [sflag:s30], $0x1F40  }
0x60: {  	[sflag:s30] =	ssyncset.done $0x0  }
0x61: {  	s15 =	simm.s32 $0x280;
	[sflag:s30] =	ssyncadd.s32 $0xFFFFE0C0  }
0x62: {  	[tilespmem:s21], [sflag:$0x2] =	stream.indirect.gather [hbm4b:s1+s19], $0x40, s15, s19, $0xb8;
	[tilespmem:$0x16D00] =	vst v63  }
0x63: {  	_ =	swait.ge [sflag:s31], $0x1F40  }
0x64: {  	[sflag:s31] =	ssyncset.done $0x0  }
0x65: {  	s20 =	simm.s32 $0x300;
	[sflag:s31] =	ssyncadd.s32 $0xFFFFE0C0  }
0x66: {  	[tilespmem:s23], [sflag:$0x3] =	stream.indirect.gather [hbm4b:s1+s19], $0x40, s20, s19, $0xb8;
	[tilespmem:$0x16D00] =	vst v63  }
0x67: {  	_ =	swait.ge [sflag:s0], $0x1F40  }
0x68: {  	[sflag:s0] =	ssyncset.done $0x0  }
0x69: {  	s2 =	simm.s32 $0x800;
	s15 =	simm.s32 $0x380;
	[sflag:s0] =	ssyncadd.s32 $0xFFFFE0C0  }
.LBB2_4:
0x6a: {  	[tilespmem:s25], [sflag:$0x4] =	stream.indirect.gather [hbm4b:s1+s19], $0x40, s15, s19, $0xb8;
	[tilespmem:$0x16D00] =	vst v63  }
0x6b: {  	s15 =	smov.u32 s2  }
0x6c: {  	p0 =	sne.s32 s2, $0x9000;
	s2 =	sadd.s32 $0x800, s2;
	_ =	swait.ge [sflag:s17], $0x1F40  }
0x6d: {  	s15 =	sshra.s32 s15, $0x2;
	[sflag:s17] =	ssyncset.done $0x0  }
0x6e: {  	s20 =	sadd.s32 $0x2800, s15;
	[sflag:s17] =	ssyncadd.s32 $0xFFFFE0C0  }
0x6f: {  	[spmem:s3] =	stream.indirect.scatter.add.f32 [tilespmem:s16], [sflag:$0x5], $0x40, s20, s19, $0xb8;
	[tilespmem:$0x16D00] =	vst v63  }
0x70: {  	_ =	swait.ge [sflag:s26], $0x1F40  }
0x71: {  	[sflag:s26] =	ssyncset.done $0x0  }
0x72: {  	s20 =	sadd.s32 $0x2880, s15;
	[sflag:s26] =	ssyncadd.s32 $0xFFFFE0C0  }
0x73: {  	[spmem:s3] =	stream.indirect.scatter.add.f32 [tilespmem:s21], [sflag:$0x6], $0x40, s20, s19, $0xb8;
	[tilespmem:$0x16D00] =	vst v63  }
0x74: {  	_ =	swait.ge [sflag:s28], $0x1F40  }
0x75: {  	[sflag:s28] =	ssyncset.done $0x0  }
0x76: {  	s20 =	sadd.s32 $0x2900, s15;
	[sflag:s28] =	ssyncadd.s32 $0xFFFFE0C0  }
0x77: {  	[spmem:s3] =	stream.indirect.scatter.add.f32 [tilespmem:s23], [sflag:$0x7], $0x40, s20, s19, $0xb8;
	[tilespmem:$0x16D00] =	vst v63  }
0x78: {  	_ =	swait.ge [sflag:s29], $0x1F40  }
0x79: {  	[sflag:s29] =	ssyncset.done $0x0  }
0x7a: {  	s20 =	sadd.s32 $0x2980, s15;
	[sflag:s29] =	ssyncadd.s32 $0xFFFFE0C0  }
0x7b: {  	[spmem:s3] =	stream.indirect.scatter.add.f32 [tilespmem:s25], [sflag:$0x8], $0x40, s20, s19, $0xb8;
	[tilespmem:$0x16D00] =	vst v63  }
0x7c: {  	_ =	swait.ge [sflag:s18], $0x1F40  }
0x7d: {  	[sflag:s18] =	ssyncset.done $0x0  }
0x7e: {  	s20 =	sadd.s32 $0x200, s15;
	[sflag:s18] =	ssyncadd.s32 $0xFFFFE0C0  }
0x7f: {  	[tilespmem:s16], [sflag:$0x1] =	stream.indirect.gather [hbm4b:s1+s19], $0x40, s20, s19, $0xb8;
	[tilespmem:$0x16D00] =	vst v63  }
0x80: {  	_ =	swait.ge [sflag:s30], $0x1F40  }
0x81: {  	[sflag:s30] =	ssyncset.done $0x0  }
0x82: {  	s20 =	sadd.s32 $0x280, s15;
	[sflag:s30] =	ssyncadd.s32 $0xFFFFE0C0  }
0x83: {  	[tilespmem:s21], [sflag:$0x2] =	stream.indirect.gather [hbm4b:s1+s19], $0x40, s20, s19, $0xb8;
	[tilespmem:$0x16D00] =	vst v63  }
0x84: {  	_ =	swait.ge [sflag:s31], $0x1F40  }
0x85: {  	[sflag:s31] =	ssyncset.done $0x0  }
.Ltmp1:
0x86: {  	s20 =	sadd.s32 $0x300, s15;
	[sflag:s31] =	ssyncadd.s32 $0xFFFFE0C0;
	(pc) =	sbr.rel @p0 .LBB2_4-.Ltmp1, $4  }
0x87: {  	[tilespmem:s23], [sflag:$0x3] =	stream.indirect.gather [hbm4b:s1+s19], $0x40, s20, s19, $0xb8;
	[tilespmem:$0x16D00] =	vst v63  }
0x88: {  	_ =	swait.ge [sflag:s0], $0x1F40  }
0x89: {  	[sflag:s0] =	ssyncset.done $0x0  }
0x8a: {  	s15 =	sadd.s32 $0x380, s15;
	[sflag:s0] =	ssyncadd.s32 $0xFFFFE0C0  }
0x8b: {  	[tilespmem:s25], [sflag:$0x4] =	stream.indirect.gather [hbm4b:s1+s19], $0x40, s15, s19, $0xb8;
	[tilespmem:$0x16D00] =	vst v63  }
0x8c: {  	_ =	swait.ge [sflag:s17], $0x1F40  }
0x8d: {  	[sflag:s17] =	ssyncset.done $0x0  }
0x8e: {  	s2 =	simm.s32 $0x4E00;
	[sflag:s17] =	ssyncadd.s32 $0xFFFFE0C0  }
0x8f: {  	[spmem:s3] =	stream.indirect.scatter.add.f32 [tilespmem:s16], [sflag:$0x5], $0x40, s2, s19, $0xb8;
	[tilespmem:$0x16D00] =	vst v63  }
0x90: {  	_ =	swait.ge [sflag:s26], $0x1F40  }
0x91: {  	[sflag:s26] =	ssyncset.done $0x0  }
0x92: {  	s15 =	simm.s32 $0x4E80;
	[sflag:s26] =	ssyncadd.s32 $0xFFFFE0C0  }
0x93: {  	[spmem:s3] =	stream.indirect.scatter.add.f32 [tilespmem:s21], [sflag:$0x6], $0x40, s15, s19, $0xb8;
	[tilespmem:$0x16D00] =	vst v63  }
0x94: {  	_ =	swait.ge [sflag:s28], $0x1F40  }
0x95: {  	[sflag:s28] =	ssyncset.done $0x0  }
0x96: {  	s20 =	simm.s32 $0x4F00;
	[sflag:s28] =	ssyncadd.s32 $0xFFFFE0C0  }
0x97: {  	[spmem:s3] =	stream.indirect.scatter.add.f32 [tilespmem:s23], [sflag:$0x7], $0x40, s20, s19, $0xb8;
	[tilespmem:$0x16D00] =	vst v63  }
0x98: {  	_ =	swait.ge [sflag:s29], $0x1F40  }
0x99: {  	[sflag:s29] =	ssyncset.done $0x0  }
0x9a: {  	[sflag:s29] =	ssyncadd.s32 $0xFFFFE0C0  }
0x9b: {  	[spmem:s3] =	stream.indirect.scatter.add.f32 [tilespmem:s25], [sflag:$0x8], $0x40, s22, s19, $0xb8;
	[tilespmem:$0x16D00] =	vst v63  }
0x9c: {  	_ =	swait.ge [sflag:s18], $0x1F40  }
0x9d: {  	[sflag:s18] =	ssyncset.done $0x0  }
0x9e: {  	[sflag:s18] =	ssyncadd.s32 $0xFFFFE0C0  }
0x9f: {  	_ =	swait.ge [sflag:s30], $0x1F40  }
0xa0: {  	[sflag:s30] =	ssyncset.done $0x0  }
0xa1: {  	[sflag:s30] =	ssyncadd.s32 $0xFFFFE0C0  }
0xa2: {  	_ =	swait.ge [sflag:s31], $0x1F40  }
0xa3: {  	[sflag:s31] =	ssyncset.done $0x0  }
0xa4: {  	[sflag:s31] =	ssyncadd.s32 $0xFFFFE0C0  }
0xa5: {  	s15 =	stileid.u32;
	_ =	swait.ge [sflag:s0], $0x1F40  }
0xa6: {  	s24 =	sadd.s32 $0x1, s24;
	s2 =	sshll.u32 s15, $0x6;
	[sflag:s0] =	ssyncset.done $0x0  }
0xa7: {  	p0 =	sne.s32 s24, s14;
	s2 =	sor.u32 $0x1C01, s2;
	[sflag:s0] =	ssyncadd.s32 $0xFFFFE0C0  }
.Ltmp2:
0xa8: {  	s20 =	sshrl.u32 s7, $0x3;
	[bflag:$0x0] =	sbarrier.arrive $0xFFFF;
	(pc) =	sbr.rel @p0 .LBB2_1-.Ltmp2, $4  }
0xa9: {  	[hbm:s13], [sflag:s2] =	dma.local [spmem:s20], $0x1400  }
0xaa: {  	_ =	swait.ge [sflag:s17], $0x1400  }
0xab: {  	[sflag:s17] =	ssyncset.done $0x0  }
0xac: {  	[sflag:s17] =	ssyncadd.s32 $0xFFFFEC00  }
0xad: {  	_ =	sfence.sel $0x180000  }
0xae: {  	[bflag:$0x0] =	sbarrier.arrive $0xFFFF  }
0xaf: {  	_ =	strace $0x9000004A  }
0xb0: {  	s0 =	stileid.u32;
	[bflag:$0x2] =	sbarrier.arrive $0xFFFF  }
0xb1: {  	p0 =	sne.s32 s0, $0x0;
	s0 =	rddreg [dreg:$0x3]  }
0xb2: {  	s0 =	sadd.s32 @!p0 $0x100000, s0  }
0xb3: {  	[sflag:s0] =	ssyncadd.tile.s32 @!p0 $0x1;
	_ =	shalt  }
.Lfunc_end2:
_tile_overlayer_lowered:
.L_overlay_start_2:
0xb4: {  	(tag) =	ssettag $0x2  }
0xb5: {  	s0 =	rddreg [dreg:$0x0];
	s2 =	stileid.u32  }
0xb6: {  	s1 =	rddreg [dreg:$0x1];
	p0 =	sne.s32 s2, $0x0  }
0xb7: {  	s3 =	rddreg [dreg:$0x2];
	[bflag:$0x3] =	sbarrier.arrive $0xFFFF;
	s2 =	simm.s32 @!p0 $0x1C09  }
0xb8: {  	[timem:s3], [sflag:s2] =	dma.local @!p0 [hbm:s0], s1  }
0xb9: {  	s0 =	simm.s32 @!p0 $0x9  }
0xba: {  	_ =	swait.ge @!p0 [sflag:s0], s1  }
0xbb: {  	s1 =	ssub.s32 @!p0 $0x0, s1;
	[sflag:s0] =	ssyncset.done @!p0 $0x0  }
0xbc: {  	[sflag:s0] =	ssyncadd.s32 @!p0 s1  }
0xbd: {  	[bflag:$0x3] =	sbarrier.arrive $0xFFFF  }
0xbe: {  	_ =	shalt  }

// kernel: _run.16.cloned.1.call-start
scs
__scs_entry_jumppad:
0x0: {  	(pc) =	sbr.rel $0x88, $3  }
0x1: {  	(tag) =	ssettag $0x0;
	lr =	simm.s32 $0x1  }
0x2: {  	[smem:$0x3F93] =	sst lr;
	_ =	strace $0xD0000000  }
0x3: {  	_ = 	snop  }
0x4: {  	_ = 	snop  }
0x5: {  	_ = 	snop  }
0x6: {  	_ = 	snop  }
0x7: {  	_ = 	snop  }
__scs_overlays_trampoline_lowered:
0x8: {  	[smem:$0x3FA2] =	sst s0  }
0x9: {  	[smem:$0x3FA3] =	sst s1  }
0xa: {  	[smem:$0x3FA4] =	sst s2  }
0xb: {  	[smem:$0x3FA5] =	sst s3  }
0xc: {  	[smem:$0x3FA6] =	sst s4  }
0xd: {  	[smem:$0x3FA7] =	sst s5  }
0xe: {  	[smem:$0x3FA8] =	sst s6  }
0xf: {  	[smem:$0x3FA9] =	sst s7  }
0x10: {  	[smem:$0x3FAA] =	sst s8  }
0x11: {  	[smem:$0x3FAB] =	sst s9;
	s0 =	simm.s32 @!p0 $0x0  }
0x12: {  	s1 =	sld [smem:$0x3F91];
	s0 =	simm.s32 @p0 $0x1  }
0x13: {  	[smem:$0x3FAC] =	sst s0;
	s0 =	simm.s32 @!p1 $0x0  }
0x14: {  	s2 =	sld [smem:$0x3F90];
	s0 =	simm.s32 @p1 $0x1  }
0x15: {  	[smem:$0x3FAD] =	sst s0;
	s0 =	simm.s32 @!p2 $0x0  }
0x16: {  	s3 =	sld [smem:$0x3FDB];
	s0 =	simm.s32 @p2 $0x1  }
0x17: {  	s4 =	simm.s32 $0x1BF5;
	[smem:$0x3FAF] =	sst s0  }
0x18: {  	s0 =	sld [smem:$0x3F92];
	_ =	swait.ge [sflag:s4], $0x0  }
0x19: {  	s7 =	sld [smem:$0x3F93]  }
0x1a: {  	s8 =	sadd.s32 $0xFFFFE003, lr  }
0x1b: {  	s9 =	sadd.s32 $0xFFFFFEF7, lr;
	s5 =	simm.s32 $0xFFFFFFFF;
	p2 =	slt.u32 s8, $0xFFFFF086  }
0x1c: {  	p1 =	slt.u32 s9, $0xF7A;
	s5 =	simm.s32 @!p2 $0x0  }
0x1d: {  	s5 =	simm.s32 @p1 $0x1;
	p0 =	seq.s32 s7, s2  }
0x1e: {  	s7 =	smul.u32 @!p0 $0xF7A, s2;
	p2 =	seq.s32 @!p0 s5, $0x0  }
0x1f: {  	s9 =	smul.u32 $0xF7A, s1;
	s8 =	simm.s32 @!p0 $0x1BF5;
	p2 =	por !p2, p0  }
0x20: {  	[sflag:s8] =	ssyncset.s32 @!p0 $0xFFFFF086;
	s6 =	sadd.s32 @!p0 s3, s7;
	s7 =	simm.s32 @!p0 $0x108  }
0x21: {  	s3 =	sadd.s32 s3, s9;
	s6 =	sadd.s32 @!p0 $0x88, s6;
	s7 =	simm.s32 @p2 $0x1082  }
0x22: {  	[simem:s7], [sflag:s8] =	dma.local @!p0 [hbm:s6], $0xF7A  }
0x23: {  	s9 =	sor.u32 $0xD0000000, s2;
	s6 =	simm.s32 $0x108;
	_ =	swait.ge @!p0 [sflag:s8], $0x0  }
0x24: {  	s3 =	sadd.s32 $0x88, s3;
	s6 =	simm.s32 @!p1 $0x1082;
	[sflag:s4] =	ssyncset.s32 $0xFFFFF086  }
0x25: {  	[simem:s6], [sflag:s4] =	dma.local [hbm:s3], $0xF7A  }
0x26: {  	[smem:$0x3F93] =	sst s1;
	(tag) =	ssettag s2;
	_ =	strace s9  }
0x27: {  	s1 =	sld [smem:$0x3FA3]  }
0x28: {  	s2 =	sld [smem:$0x3FA4]  }
0x29: {  	s4 =	sld [smem:$0x3FA6]  }
0x2a: {  	p0 =	seq.s32 s5, $0x0;
	s5 =	sld [smem:$0x3FA7]  }
0x2b: {  	s6 =	sld [smem:$0x3FA8]  }
0x2c: {  	s7 =	sld [smem:$0x3FA9]  }
0x2d: {  	s3 =	simm.s32 $0x108;
	s8 =	sld [smem:$0x3FAA]  }
0x2e: {  	s3 =	simm.s32 @!p0 $0x1082;
	s9 =	sld [smem:$0x3FAB]  }
0x2f: {  	lr =	sadd.s32 s0, s3;
	s0 =	sld [smem:$0x3FA2]  }
0x30: {  	s3 =	sld [smem:$0x3FA5]  }
0x31: {  	[smem:$0x3FAE] =	sst s10  }
0x32: {  	s10 =	sld [smem:$0x3FAC];
	_ =	sdelay $0x3  }
0x33: {  	p0 =	seq.s32 s10, $0x1;
	s10 =	sld [smem:$0x3FAE];
	_ =	sdelay $0x3  }
0x34: {  	[smem:$0x3FAE] =	sst s10  }
0x35: {  	s10 =	sld [smem:$0x3FAD];
	_ =	sdelay $0x3  }
0x36: {  	p1 =	seq.s32 s10, $0x1;
	s10 =	sld [smem:$0x3FAE];
	_ =	sdelay $0x3  }
0x37: {  	[smem:$0x3FAE] =	sst s10  }
0x38: {  	s10 =	sld [smem:$0x3FAF]  }
0x39: {  	_ = 	snop;
	(pc) =	sbr.ind lr, $3  }
0x3a: {  	_ = 	snop  }
0x3b: {  	_ = 	snop  }
0x3c: {  	p2 =	seq.s32 s10, $0x1;
	s10 =	sld [smem:$0x3FAE]  }
0x3d: {  	_ =	shalt  }
0x3e: {  	_ =	shalt  }
0x3f: {  	_ =	shalt  }
0x40: {  	_ =	shalt  }
0x41: {  	_ =	shalt  }
0x42: {  	_ =	shalt  }
0x43: {  	_ =	shalt  }
0x44: {  	_ =	shalt  }
0x45: {  	_ =	shalt  }
0x46: {  	_ =	shalt  }
0x47: {  	_ =	shalt  }
0x48: {  	_ =	shalt  }
0x49: {  	_ =	shalt  }
0x4a: {  	_ =	shalt  }
0x4b: {  	_ =	shalt  }
0x4c: {  	_ =	shalt  }
0x4d: {  	_ =	shalt  }
0x4e: {  	_ =	shalt  }
0x4f: {  	_ =	shalt  }
0x50: {  	_ =	shalt  }
0x51: {  	_ =	shalt  }
0x52: {  	_ =	shalt  }
0x53: {  	_ =	shalt  }
0x54: {  	_ =	shalt  }
0x55: {  	_ =	shalt  }
0x56: {  	_ =	shalt  }
0x57: {  	_ =	shalt  }
0x58: {  	_ =	shalt  }
0x59: {  	_ =	shalt  }
0x5a: {  	_ =	shalt  }
0x5b: {  	_ =	shalt  }
0x5c: {  	_ =	shalt  }
0x5d: {  	_ =	shalt  }
0x5e: {  	_ =	shalt  }
0x5f: {  	_ =	shalt  }
0x60: {  	_ =	shalt  }
0x61: {  	_ =	shalt  }
0x62: {  	_ =	shalt  }
0x63: {  	_ =	shalt  }
0x64: {  	_ =	shalt  }
0x65: {  	_ =	shalt  }
0x66: {  	_ =	shalt  }
0x67: {  	_ =	shalt  }
0x68: {  	_ =	shalt  }
0x69: {  	_ =	shalt  }
0x6a: {  	_ =	shalt  }
0x6b: {  	_ =	shalt  }
0x6c: {  	_ =	shalt  }
0x6d: {  	_ =	shalt  }
0x6e: {  	_ =	shalt  }
0x6f: {  	_ =	shalt  }
0x70: {  	_ =	shalt  }
0x71: {  	_ =	shalt  }
0x72: {  	_ =	shalt  }
0x73: {  	_ =	shalt  }
0x74: {  	_ =	shalt  }
0x75: {  	_ =	shalt  }
0x76: {  	_ =	shalt  }
0x77: {  	_ =	shalt  }
0x78: {  	_ =	shalt  }
0x79: {  	_ =	shalt  }
0x7a: {  	_ =	shalt  }
0x7b: {  	_ =	shalt  }
0x7c: {  	_ =	shalt  }
0x7d: {  	_ =	shalt  }
0x7e: {  	_ =	shalt  }
0x7f: {  	_ =	shalt  }
0x80: {  	_ =	shalt  }
0x81: {  	_ =	shalt  }
0x82: {  	_ =	shalt  }
0x83: {  	_ =	shalt  }
0x84: {  	_ =	shalt  }
0x85: {  	_ =	shalt  }
0x86: {  	_ =	shalt  }
0x87: {  	_ =	shalt  }
.Lfunc_end0:
.L_simem_size_0:
called_computation.2_lowered:
.L_overlay_start_0:
0x88: {  	s2 =	sld [smem:$0x3FD9]  }
0x89: {  	s3 =	sld [smem:$0x3FFE];
	_ =	sdelay $0x1  }
0x8a: {  	s1 =	srdreg.scid  }
0x8b: {  	s0 =	sand.u32 $0x1, s1  }
0x8c: {  	s17 =	sshll.u32 s0, $0xA;
	s2 =	sadd.s32 s3, s2  }
0x8d: {  	s2 =	sadd.s32 s2, s17  }
0x8e: {  	[smem:$0x3FBA] =	sst s2  }
0x8f: {  	_ = 	snop  }
0x90: {  	s2 =	sld [smem:$0x3FD0];
	(tm) =	ssettm $0x1  }
0x91: {  	s18 =	sld [smem:$0x3FFB];
	_ =	sdelay $0x3  }
0x92: {  	_ =	strace s18  }
0x93: {  	s3 =	sld [smem:$0x3FFC];
	_ =	sdelay $0x3  }
0x94: {  	_ =	strace s3  }
0x95: {  	s3 =	sld [smem:$0x3FFD];
	_ =	sdelay $0x3  }
0x96: {  	_ =	strace s3  }
0x97: {  	_ =	strace $0x8FFFFFFF  }
0x98: {  	s19 =	sld [smem:$0x3FDB];
	_ =	sdelay $0x1  }
0x99: {  	s4 =	simm.s32 $_scs_section_size  }
0x9a: {  	s5 =	simm.s32 $_size__tile_overlayer_lowered;
	s6 =	simm.s32 $_tile_overlayer_lowered  }
0x9b: {  	s22 =	simm.s32 $0x1BFF;
	s21 =	sshll.u32 s6, $0x1;
	s3 =	sadd.s32 s4, s19  }
0x9c: {  	s7 =	simm.s32 $0x0;
	s20 =	sshll.u32 s5, $0x1;
	s5 =	sadd.s32 s21, s3  }
0x9d: {  	[timem:s7], [sflag:s22] =	dma.local [hbm:s5], s20  }
0x9e: {  	_ =	swait.ge [sflag:s22], s20  }
0x9f: {  	s4 =	ssub.s32 $0x0, s20;
	[sflag:s22] =	ssyncset.done $0x0  }
0xa0: {  	[sflag:s22] =	ssyncadd.s32 s4;
	_ =	sdelay $0x1  }
0xa1: {  	s23 =	simm.s32 $0x1B8B  }
0xa2: {  	_ =	swait.ge [sflag:s23], $0x1  }
0xa3: {  	[sflag:s23] =	ssyncset.done $0x0  }
0xa4: {  	s25 =	simm.s32 $0x1B8E;
	s24 =	sld [smem:$0x3FFE];
	[sflag:s23] =	ssyncadd.s32 $0xFFFFFFFF  }
0xa5: {  	s26 =	simm.s32 $execute0_lowered;
	[smem:$0x3FD2] =	sst s25  }
0xa6: {  	s5 =	sshll.u32 s26, $0x1;
	_ =	strace $0x8000004C;
	[dreg:$0x1] =	wrdreg $0xFFFFFFFF  }
0xa7: {  	s28 =	simm.s32 $_size_execute0_lowered;
	s3 =	sadd.s32 s3, s5;
	[dreg:$0x0] =	wrdreg $0x0  }
0xa8: {  	s5 =	sshll.u32 s28, $0x1;
	[dreg:$0x2] =	wrdreg s3  }
0xa9: {  	[dreg:$0x3] =	wrdreg s5  }
0xaa: {  	[dreg:$0x4] =	wrdreg $0xC0  }
0xab: {  	_ =	task [dreg:s7], $0x5FFFF  }
0xac: {  	[dreg:$0x1] =	wrdreg $0xFFFFFFFF  }
0xad: {  	[dreg:$0x0] =	wrdreg $0x60  }
0xae: {  	[dreg:$0x2] =	wrdreg s2  }
0xaf: {  	[dreg:$0x3] =	wrdreg s24  }
0xb0: {  	[dreg:$0x4] =	wrdreg $0xCD000  }
0xb1: {  	[dreg:$0x5] =	wrdreg $0x9  }
0xb2: {  	_ =	task.clear_ibuf [dreg:s7], $0x6FFFF;
	_ =	strace $0x9000004C  }
0xb3: {  	s29 =	simm.s32 $0x9;
	_ =	strace $0x8000004E  }
0xb4: {  	_ =	swait.ge [sflag:s29], $0x1  }
0xb5: {  	[sflag:s29] =	ssyncadd.s32 $0xFFFFFFFF  }
0xb6: {  	_ =	strace $0x9000004E  }
0xb7: {  	_ =	sfence  }
0xb8: {  	s30 =	sld [smem:$0x0];
	_ =	sdelay $0x2  }
0xb9: {  	s31 =	sshll.u32 s1, $0xD;
	s1 =	sshrl.u32 s1, $0x2  }
0xba: {  	s3 =	sand.u32 $0x4000, s31;
	s1 =	sadd.s32 s1, s30  }
0xbb: {  	s0 =	sor.u32 s3, s0;
	s1 =	sshll.u32 s1, $0x11  }
0xbc: {  	s0 =	sor.u32 s1, s0  }
0xbd: {  	s0 =	sadd.s32 $0x8F2B, s0  }
0xbe: {  	[sflag:s0] =	ssyncadd.remote.s32 $0x1  }
0xbf: {  	_ =	sfence.sel $0xFFFF  }
0xc0: {  	[dreg:$0x0] =	wrdreg $0xFFFFFFFF;
	(pc) =	sbr.abs _section_cstart, $3  }
0xc1: {  	[dreg:$0x1] =	wrdreg $0xFFFFFFFF  }
0xc2: {  	_ =	task.clear_ibuf [dreg:s7], $0x2FFFF;
	_ =	strace $0x9FFFFFFF  }
0xc3: {  	(tm) =	ssettm $0x7FFFFFFF  }
tec
execute0_lowered:
.L_overlay_start_1:
0x0: {  	(tag) =	ssettag $0x1  }
0x1: {  	s1 =	rddreg [dreg:$0x0]  }
0x2: {  	s0 =	rddreg [dreg:$0x1]  }
0x3: {  	s3 =	rddreg [dreg:$0x2];
	s4 =	simm.s32 $0x0  }
0x4: {  	s2 =	srdreg.scid;
	s8 =	stileid.u32;
	s16 =	simm.s32 $0x5000  }
0x5: {  	s17 =	simm.s32 $0x1;
	s18 =	simm.s32 $0x5;
	s19 =	simm.s32 $0x7D  }
0x6: {  	s21 =	simm.s32 $0x6F40;
	s23 =	simm.s32 $0x8E80;
	s28 =	simm.s32 $0x3  }
0x7: {  	s29 =	simm.s32 $0x4;
	s30 =	simm.s32 $0x6;
	s31 =	simm.s32 $0x7  }
0x8: {  	s22 =	simm.s32 $0x4F80;
	s24 =	simm.s32 $0x0;
	s7 =	smul.u32 $0xA000, s8  }
0x9: {  	s2 =	sand.u32 $0x1, s2;
	s5 =	sshll.u32 s8, $0x1;
	s8 =	smul.u32 $0x28000, s8  }
0xa: {  	[smem:$0x7FF] =	sst s4;
	s5 =	sor.u32 s2, s5;
	s6 =	smul.u32 $0xA0000, s2  }
0xb: {  	_ =	strace $0x8000004D;
	s2 =	ssub.s32 $0x2, s2;
	s5 =	smul.u32 $0x500, s5  }
0xc: {  	s26 =	sshrl.u32 s2, $0x1;
	s8 =	sshrl.u32 s8, $0x2;
	s6 =	sadd.s32 s7, s6  }
0xd: {  	s2 =	ssub.s32 s2, s26;
	s12 =	sadd.s32 s8, s3;
	s7 =	sadd.s32 s7, s3  }
0xe: {  	s26 =	simm.s32 $0x2;
	s9 =	sadd.s32 s5, s0;
	s25 =	sshrl.u32 s6, $0x3  }
0xf: {  	s8 =	sadd.s32 $0x1F40, s12;
	s10 =	sadd.s32 $0x5DC0, s12;
	s11 =	sadd.s32 $0x7D00, s12  }
0x10: {  	s14 =	smax.u32 s2, $0x1;
	s0 =	sadd.s32 s25, s0;
	s5 =	sadd.s32 $0xDE00, s9  }
0x11: {  	s6 =	sadd.s32 $0x3E00, s9;
	s9 =	sadd.s32 $0x3E80, s12;
	s12 =	sadd.s32 $0x9C40, s12  }
0x12: {  	v0 =	vimm.f32 $0.0e+00;
	s25 =	simm.s32 $0xADC0;
	s13 =	sadd.s32 $0x17E00, s0;
	s0 =	simm.s32 $0x8  }
.LBB2_1:
0x13: {  	[tilespmem:s4], [sflag:$0x1] =	stream.linear.gather [hbm4b:s5+s4], $0x2800, $0x38;
	[tilespmem:$0x16D00] =	vst v63  }
0x14: {  	s2 =	simm.s32 $0x2800  }
0x15: {  	[tilespmem:s2], [sflag:$0x1] =	stream.linear.gather [hbm4b:s6+s4], $0x2800, $0x38;
	[tilespmem:$0x16D00] =	vst v63  }
0x16: {  	s15 =	simm.s32 $0x100;
	s2 =	simm.s32 $0x0  }
.LBB2_2:
0x17: {  	p0 =	sne.s32 s15, $0x7C00;
	[tilespmem:s2+$0x5030] =	vst v0;
	s20 =	smov.u32 s15;
	s15 =	sadd.s32 $0x100, s15  }
.Ltmp0:
0x18: {  	[tilespmem:s2+$0x5020] =	vst v0;
	(pc) =	sbr.rel @p0 .LBB2_2-.Ltmp0, $3  }
0x19: {  	[tilespmem:s2+$0x5000] =	vst v0  }
0x1a: {  	[tilespmem:s2+$0x5010] =	vst v0;
	_ =	sdelay $0x1  }
0x1b: {  	s2 =	sshra.s32 s20, $0x2  }
0x1c: {  	[tilespmem:s2+$0x5030] =	vst v0  }
0x1d: {  	[tilespmem:s2+$0x5020] =	vst v0  }
0x1e: {  	[tilespmem:s2+$0x5000] =	vst v0  }
0x1f: {  	[tilespmem:s2+$0x5010] =	vst v0  }
0x20: {  	[spmem:s7] =	stream.linear.scatter [tilespmem:s16], [sflag:$0x5], $0x1F40, $0x38;
	[tilespmem:$0x16D00] =	vst v63  }
0x21: {  	_ = 	snop  }
0x22: {  	[spmem:s8] =	stream.linear.scatter [tilespmem:s16], [sflag:$0x5], $0x1F40, $0x38;
	[tilespmem:$0x16D00] =	vst v63  }
0x23: {  	_ = 	snop  }
0x24: {  	[spmem:s9] =	stream.linear.scatter [tilespmem:s16], [sflag:$0x5], $0x1F40, $0x38;
	[tilespmem:$0x16D00] =	vst v63  }
0x25: {  	_ = 	snop  }
0x26: {  	[spmem:s10] =	stream.linear.scatter [tilespmem:s16], [sflag:$0x5], $0x1F40, $0x38;
	[tilespmem:$0x16D00] =	vst v63  }
0x27: {  	_ = 	snop  }
0x28: {  	[spmem:s11] =	stream.linear.scatter [tilespmem:s16], [sflag:$0x5], $0x1F40, $0x38;
	[tilespmem:$0x16D00] =	vst v63  }
0x29: {  	_ = 	snop  }
0x2a: {  	[spmem:s12] =	stream.linear.scatter [tilespmem:s16], [sflag:$0x5], $0x3C0, $0x38;
	[tilespmem:$0x16D00] =	vst v63  }
0x2b: {  	_ =	swait.ge [sflag:s17], $0x2800  }
0x2c: {  	[sflag:s17] =	ssyncset.done $0x0  }
0x2d: {  	[sflag:s17] =	ssyncadd.s32 $0xFFFFD800  }
0x2e: {  	_ =	swait.ge [sflag:s17], $0x2800  }
0x2f: {  	[sflag:s17] =	ssyncset.done $0x0  }
0x30: {  	[sflag:s17] =	ssyncadd.s32 $0xFFFFD800  }
0x31: {  	_ =	swait.ge [sflag:s18], $0x1F40  }
0x32: {  	[sflag:s18] =	ssyncset.done $0x0  }
0x33: {  	[sflag:s18] =	ssyncadd.s32 $0xFFFFE0C0  }
0x34: {  	_ =	swait.ge [sflag:s18], $0x1F40  }
0x35: {  	[sflag:s18] =	ssyncset.done $0x0  }
0x36: {  	[sflag:s18] =	ssyncadd.s32 $0xFFFFE0C0  }
0x37: {  	_ =	swait.ge [sflag:s18], $0x1F40  }
0x38: {  	[sflag:s18] =	ssyncset.done $0x0  }
0x39: {  	[sflag:s18] =	ssyncadd.s32 $0xFFFFE0C0  }
0x3a: {  	_ =	swait.ge [sflag:s18], $0x1F40  }
0x3b: {  	[sflag:s18] =	ssyncset.done $0x0  }
0x3c: {  	[sflag:s18] =	ssyncadd.s32 $0xFFFFE0C0  }
0x3d: {  	_ =	swait.ge [sflag:s18], $0x1F40  }
0x3e: {  	[sflag:s18] =	ssyncset.done $0x0  }
0x3f: {  	[sflag:s18] =	ssyncadd.s32 $0xFFFFE0C0  }
0x40: {  	_ =	swait.ge [sflag:s18], $0x3C0  }
0x41: {  	[sflag:s18] =	ssyncset.done $0x0  }
0x42: {  	s20 =	simm.s32 $0x0;
	[sflag:s18] =	ssyncadd.s32 $0xFFFFFC40  }
0x43: {  	[tilespmem:s16], [sflag:$0x1] =	stream.indirect.gather [hbm4b:s1+s19], $0x40, s20, s19, $0xb8;
	[tilespmem:$0x16D00] =	vst v63  }
0x44: {  	s15 =	simm.s32 $0x80  }
0x45: {  	[tilespmem:s21], [sflag:$0x2] =	stream.indirect.gather [hbm4b:s1+s19], $0x40, s15, s19, $0xb8;
	[tilespmem:$0x16D00] =	vst v63  }
0x46: {  	s20 =	simm.s32 $0x100  }
0x47: {  	[tilespmem:s23], [sflag:$0x3] =	stream.indirect.gather [hbm4b:s1+s19], $0x40, s20, s19, $0xb8;
	[tilespmem:$0x16D00] =	vst v63  }
0x48: {  	s15 =	simm.s32 $0x180  }
0x49: {  	[tilespmem:s25], [sflag:$0x4] =	stream.indirect.gather [hbm4b:s1+s19], $0x40, s15, s19, $0xb8;
	[tilespmem:$0x16D00] =	vst v63  }
0x4a: {  	[bflag:$0x0] =	sbarrier.arrive $0xFFFF  }
0x4b: {  	_ =	swait.ge [sflag:s17], $0x1F40  }
0x4c: {  	[sflag:s17] =	ssyncset.done $0x0  }
0x4d: {  	s20 =	simm.s32 $0x2800;
	[sflag:s17] =	ssyncadd.s32 $0xFFFFE0C0  }
0x4e: {  	[spmem:s3] =	stream.indirect.scatter.add.f32 [tilespmem:s16], [sflag:$0x5], $0x40, s20, s19, $0xb8;
	[tilespmem:$0x16D00] =	vst v63  }
0x4f: {  	_ =	swait.ge [sflag:s26], $0x1F40  }
0x50: {  	[sflag:s26] =	ssyncset.done $0x0  }
0x51: {  	s15 =	simm.s32 $0x2880;
	[sflag:s26] =	ssyncadd.s32 $0xFFFFE0C0  }
0x52: {  	[spmem:s3] =	stream.indirect.scatter.add.f32 [tilespmem:s21], [sflag:$0x6], $0x40, s15, s19, $0xb8;
	[tilespmem:$0x16D00] =	vst v63  }
0x53: {  	_ =	swait.ge [sflag:s28], $0x1F40  }
0x54: {  	[sflag:s28] =	ssyncset.done $0x0  }
0x55: {  	s20 =	simm.s32 $0x2900;
	[sflag:s28] =	ssyncadd.s32 $0xFFFFE0C0  }
0x56: {  	[spmem:s3] =	stream.indirect.scatter.add.f32 [tilespmem:s23], [sflag:$0x7], $0x40, s20, s19, $0xb8;
	[tilespmem:$0x16D00] =	vst v63  }
0x57: {  	_ =	swait.ge [sflag:s29], $0x1F40  }
0x58: {  	[sflag:s29] =	ssyncset.done $0x0  }
0x59: {  	s15 =	simm.s32 $0x2980;
	[sflag:s29] =	ssyncadd.s32 $0xFFFFE0C0  }
0x5a: {  	[spmem:s3] =	stream.indirect.scatter.add.f32 [tilespmem:s25], [sflag:$0x8], $0x40, s15, s19, $0xb8;
	[tilespmem:$0x16D00] =	vst v63  }
0x5b: {  	_ =	swait.ge [sflag:s18], $0x1F40  }
0x5c: {  	[sflag:s18] =	ssyncset.done $0x0  }
0x5d: {  	s20 =	simm.s32 $0x200;
	[sflag:s18] =	ssyncadd.s32 $0xFFFFE0C0  }
0x5e: {  	[tilespmem:s16], [sflag:$0x1] =	stream.indirect.gather [hbm4b:s1+s19], $0x40, s20, s19, $0xb8;
	[tilespmem:$0x16D00] =	vst v63  }
0x5f: {  	_ =	swait.ge [sflag:s30], $0x1F40  }
0x60: {  	[sflag:s30] =	ssyncset.done $0x0  }
0x61: {  	s15 =	simm.s32 $0x280;
	[sflag:s30] =	ssyncadd.s32 $0xFFFFE0C0  }
0x62: {  	[tilespmem:s21], [sflag:$0x2] =	stream.indirect.gather [hbm4b:s1+s19], $0x40, s15, s19, $0xb8;
	[tilespmem:$0x16D00] =	vst v63  }
0x63: {  	_ =	swait.ge [sflag:s31], $0x1F40  }
0x64: {  	[sflag:s31] =	ssyncset.done $0x0  }
0x65: {  	s20 =	simm.s32 $0x300;
	[sflag:s31] =	ssyncadd.s32 $0xFFFFE0C0  }
0x66: {  	[tilespmem:s23], [sflag:$0x3] =	stream.indirect.gather [hbm4b:s1+s19], $0x40, s20, s19, $0xb8;
	[tilespmem:$0x16D00] =	vst v63  }
0x67: {  	_ =	swait.ge [sflag:s0], $0x1F40  }
0x68: {  	[sflag:s0] =	ssyncset.done $0x0  }
0x69: {  	s2 =	simm.s32 $0x800;
	s15 =	simm.s32 $0x380;
	[sflag:s0] =	ssyncadd.s32 $0xFFFFE0C0  }
.LBB2_4:
0x6a: {  	[tilespmem:s25], [sflag:$0x4] =	stream.indirect.gather [hbm4b:s1+s19], $0x40, s15, s19, $0xb8;
	[tilespmem:$0x16D00] =	vst v63  }
0x6b: {  	s15 =	smov.u32 s2  }
0x6c: {  	p0 =	sne.s32 s2, $0x9000;
	s2 =	sadd.s32 $0x800, s2;
	_ =	swait.ge [sflag:s17], $0x1F40  }
0x6d: {  	s15 =	sshra.s32 s15, $0x2;
	[sflag:s17] =	ssyncset.done $0x0  }
0x6e: {  	s20 =	sadd.s32 $0x2800, s15;
	[sflag:s17] =	ssyncadd.s32 $0xFFFFE0C0  }
0x6f: {  	[spmem:s3] =	stream.indirect.scatter.add.f32 [tilespmem:s16], [sflag:$0x5], $0x40, s20, s19, $0xb8;
	[tilespmem:$0x16D00] =	vst v63  }
0x70: {  	_ =	swait.ge [sflag:s26], $0x1F40  }
0x71: {  	[sflag:s26] =	ssyncset.done $0x0  }
0x72: {  	s20 =	sadd.s32 $0x2880, s15;
	[sflag:s26] =	ssyncadd.s32 $0xFFFFE0C0  }
0x73: {  	[spmem:s3] =	stream.indirect.scatter.add.f32 [tilespmem:s21], [sflag:$0x6], $0x40, s20, s19, $0xb8;
	[tilespmem:$0x16D00] =	vst v63  }
0x74: {  	_ =	swait.ge [sflag:s28], $0x1F40  }
0x75: {  	[sflag:s28] =	ssyncset.done $0x0  }
0x76: {  	s20 =	sadd.s32 $0x2900, s15;
	[sflag:s28] =	ssyncadd.s32 $0xFFFFE0C0  }
0x77: {  	[spmem:s3] =	stream.indirect.scatter.add.f32 [tilespmem:s23], [sflag:$0x7], $0x40, s20, s19, $0xb8;
	[tilespmem:$0x16D00] =	vst v63  }
0x78: {  	_ =	swait.ge [sflag:s29], $0x1F40  }
0x79: {  	[sflag:s29] =	ssyncset.done $0x0  }
0x7a: {  	s20 =	sadd.s32 $0x2980, s15;
	[sflag:s29] =	ssyncadd.s32 $0xFFFFE0C0  }
0x7b: {  	[spmem:s3] =	stream.indirect.scatter.add.f32 [tilespmem:s25], [sflag:$0x8], $0x40, s20, s19, $0xb8;
	[tilespmem:$0x16D00] =	vst v63  }
0x7c: {  	_ =	swait.ge [sflag:s18], $0x1F40  }
0x7d: {  	[sflag:s18] =	ssyncset.done $0x0  }
0x7e: {  	s20 =	sadd.s32 $0x200, s15;
	[sflag:s18] =	ssyncadd.s32 $0xFFFFE0C0  }
0x7f: {  	[tilespmem:s16], [sflag:$0x1] =	stream.indirect.gather [hbm4b:s1+s19], $0x40, s20, s19, $0xb8;
	[tilespmem:$0x16D00] =	vst v63  }
0x80: {  	_ =	swait.ge [sflag:s30], $0x1F40  }
0x81: {  	[sflag:s30] =	ssyncset.done $0x0  }
0x82: {  	s20 =	sadd.s32 $0x280, s15;
	[sflag:s30] =	ssyncadd.s32 $0xFFFFE0C0  }
0x83: {  	[tilespmem:s21], [sflag:$0x2] =	stream.indirect.gather [hbm4b:s1+s19], $0x40, s20, s19, $0xb8;
	[tilespmem:$0x16D00] =	vst v63  }
0x84: {  	_ =	swait.ge [sflag:s31], $0x1F40  }
0x85: {  	[sflag:s31] =	ssyncset.done $0x0  }
.Ltmp1:
0x86: {  	s20 =	sadd.s32 $0x300, s15;
	[sflag:s31] =	ssyncadd.s32 $0xFFFFE0C0;
	(pc) =	sbr.rel @p0 .LBB2_4-.Ltmp1, $4  }
0x87: {  	[tilespmem:s23], [sflag:$0x3] =	stream.indirect.gather [hbm4b:s1+s19], $0x40, s20, s19, $0xb8;
	[tilespmem:$0x16D00] =	vst v63  }
0x88: {  	_ =	swait.ge [sflag:s0], $0x1F40  }
0x89: {  	[sflag:s0] =	ssyncset.done $0x0  }
0x8a: {  	s15 =	sadd.s32 $0x380, s15;
	[sflag:s0] =	ssyncadd.s32 $0xFFFFE0C0  }
0x8b: {  	[tilespmem:s25], [sflag:$0x4] =	stream.indirect.gather [hbm4b:s1+s19], $0x40, s15, s19, $0xb8;
	[tilespmem:$0x16D00] =	vst v63  }
0x8c: {  	_ =	swait.ge [sflag:s17], $0x1F40  }
0x8d: {  	[sflag:s17] =	ssyncset.done $0x0  }
0x8e: {  	s2 =	simm.s32 $0x4E00;
	[sflag:s17] =	ssyncadd.s32 $0xFFFFE0C0  }
0x8f: {  	[spmem:s3] =	stream.indirect.scatter.add.f32 [tilespmem:s16], [sflag:$0x5], $0x40, s2, s19, $0xb8;
	[tilespmem:$0x16D00] =	vst v63  }
0x90: {  	_ =	swait.ge [sflag:s26], $0x1F40  }
0x91: {  	[sflag:s26] =	ssyncset.done $0x0  }
0x92: {  	s15 =	simm.s32 $0x4E80;
	[sflag:s26] =	ssyncadd.s32 $0xFFFFE0C0  }
0x93: {  	[spmem:s3] =	stream.indirect.scatter.add.f32 [tilespmem:s21], [sflag:$0x6], $0x40, s15, s19, $0xb8;
	[tilespmem:$0x16D00] =	vst v63  }
0x94: {  	_ =	swait.ge [sflag:s28], $0x1F40  }
0x95: {  	[sflag:s28] =	ssyncset.done $0x0  }
0x96: {  	s20 =	simm.s32 $0x4F00;
	[sflag:s28] =	ssyncadd.s32 $0xFFFFE0C0  }
0x97: {  	[spmem:s3] =	stream.indirect.scatter.add.f32 [tilespmem:s23], [sflag:$0x7], $0x40, s20, s19, $0xb8;
	[tilespmem:$0x16D00] =	vst v63  }
0x98: {  	_ =	swait.ge [sflag:s29], $0x1F40  }
0x99: {  	[sflag:s29] =	ssyncset.done $0x0  }
0x9a: {  	[sflag:s29] =	ssyncadd.s32 $0xFFFFE0C0  }
0x9b: {  	[spmem:s3] =	stream.indirect.scatter.add.f32 [tilespmem:s25], [sflag:$0x8], $0x40, s22, s19, $0xb8;
	[tilespmem:$0x16D00] =	vst v63  }
0x9c: {  	_ =	swait.ge [sflag:s18], $0x1F40  }
0x9d: {  	[sflag:s18] =	ssyncset.done $0x0  }
0x9e: {  	[sflag:s18] =	ssyncadd.s32 $0xFFFFE0C0  }
0x9f: {  	_ =	swait.ge [sflag:s30], $0x1F40  }
0xa0: {  	[sflag:s30] =	ssyncset.done $0x0  }
0xa1: {  	[sflag:s30] =	ssyncadd.s32 $0xFFFFE0C0  }
0xa2: {  	_ =	swait.ge [sflag:s31], $0x1F40  }
0xa3: {  	[sflag:s31] =	ssyncset.done $0x0  }
0xa4: {  	[sflag:s31] =	ssyncadd.s32 $0xFFFFE0C0  }
0xa5: {  	s15 =	stileid.u32;
	_ =	swait.ge [sflag:s0], $0x1F40  }
0xa6: {  	s24 =	sadd.s32 $0x1, s24;
	s2 =	sshll.u32 s15, $0x6;
	[sflag:s0] =	ssyncset.done $0x0  }
0xa7: {  	p0 =	sne.s32 s24, s14;
	s2 =	sor.u32 $0x1C01, s2;
	[sflag:s0] =	ssyncadd.s32 $0xFFFFE0C0  }
.Ltmp2:
0xa8: {  	s20 =	sshrl.u32 s7, $0x3;
	[bflag:$0x0] =	sbarrier.arrive $0xFFFF;
	(pc) =	sbr.rel @p0 .LBB2_1-.Ltmp2, $4  }
0xa9: {  	[hbm:s13], [sflag:s2] =	dma.local [spmem:s20], $0x1400  }
0xaa: {  	_ =	swait.ge [sflag:s17], $0x1400  }
0xab: {  	[sflag:s17] =	ssyncset.done $0x0  }
0xac: {  	[sflag:s17] =	ssyncadd.s32 $0xFFFFEC00  }
0xad: {  	_ =	sfence.sel $0x180000  }
0xae: {  	[bflag:$0x0] =	sbarrier.arrive $0xFFFF  }
0xaf: {  	_ =	strace $0x9000004D  }
0xb0: {  	s0 =	stileid.u32;
	[bflag:$0x2] =	sbarrier.arrive $0xFFFF  }
0xb1: {  	p0 =	sne.s32 s0, $0x0;
	s0 =	rddreg [dreg:$0x3]  }
0xb2: {  	s0 =	sadd.s32 @!p0 $0x100000, s0  }
0xb3: {  	[sflag:s0] =	ssyncadd.tile.s32 @!p0 $0x1;
	_ =	shalt  }
.Lfunc_end2:
_tile_overlayer_lowered:
.L_overlay_start_2:
0xb4: {  	(tag) =	ssettag $0x2  }
0xb5: {  	s0 =	rddreg [dreg:$0x0];
	s2 =	stileid.u32  }
0xb6: {  	s1 =	rddreg [dreg:$0x1];
	p0 =	sne.s32 s2, $0x0  }
0xb7: {  	s3 =	rddreg [dreg:$0x2];
	[bflag:$0x3] =	sbarrier.arrive $0xFFFF;
	s2 =	simm.s32 @!p0 $0x1C09  }
0xb8: {  	[timem:s3], [sflag:s2] =	dma.local @!p0 [hbm:s0], s1  }
0xb9: {  	s0 =	simm.s32 @!p0 $0x9  }
0xba: {  	_ =	swait.ge @!p0 [sflag:s0], s1  }
0xbb: {  	s1 =	ssub.s32 @!p0 $0x0, s1;
	[sflag:s0] =	ssyncset.done @!p0 $0x0  }
0xbc: {  	[sflag:s0] =	ssyncadd.s32 @!p0 s1  }
0xbd: {  	[bflag:$0x3] =	sbarrier.arrive $0xFFFF  }
0xbe: {  	_ =	shalt  }

// kernel: _run.19.cloned.1.call-start
scs
__scs_entry_jumppad:
0x0: {  	(pc) =	sbr.rel $0x88, $3  }
0x1: {  	(tag) =	ssettag $0x0;
	lr =	simm.s32 $0x1  }
0x2: {  	[smem:$0x3F93] =	sst lr;
	_ =	strace $0xD0000000  }
0x3: {  	_ = 	snop  }
0x4: {  	_ = 	snop  }
0x5: {  	_ = 	snop  }
0x6: {  	_ = 	snop  }
0x7: {  	_ = 	snop  }
__scs_overlays_trampoline_lowered:
0x8: {  	[smem:$0x3FA2] =	sst s0  }
0x9: {  	[smem:$0x3FA3] =	sst s1  }
0xa: {  	[smem:$0x3FA4] =	sst s2  }
0xb: {  	[smem:$0x3FA5] =	sst s3  }
0xc: {  	[smem:$0x3FA6] =	sst s4  }
0xd: {  	[smem:$0x3FA7] =	sst s5  }
0xe: {  	[smem:$0x3FA8] =	sst s6  }
0xf: {  	[smem:$0x3FA9] =	sst s7  }
0x10: {  	[smem:$0x3FAA] =	sst s8  }
0x11: {  	[smem:$0x3FAB] =	sst s9;
	s0 =	simm.s32 @!p0 $0x0  }
0x12: {  	s1 =	sld [smem:$0x3F91];
	s0 =	simm.s32 @p0 $0x1  }
0x13: {  	[smem:$0x3FAC] =	sst s0;
	s0 =	simm.s32 @!p1 $0x0  }
0x14: {  	s2 =	sld [smem:$0x3F90];
	s0 =	simm.s32 @p1 $0x1  }
0x15: {  	[smem:$0x3FAD] =	sst s0;
	s0 =	simm.s32 @!p2 $0x0  }
0x16: {  	s3 =	sld [smem:$0x3FDB];
	s0 =	simm.s32 @p2 $0x1  }
0x17: {  	s4 =	simm.s32 $0x1BF5;
	[smem:$0x3FAF] =	sst s0  }
0x18: {  	s0 =	sld [smem:$0x3F92];
	_ =	swait.ge [sflag:s4], $0x0  }
0x19: {  	s7 =	sld [smem:$0x3F93]  }
0x1a: {  	s8 =	sadd.s32 $0xFFFFE003, lr  }
0x1b: {  	s9 =	sadd.s32 $0xFFFFFEF7, lr;
	s5 =	simm.s32 $0xFFFFFFFF;
	p2 =	slt.u32 s8, $0xFFFFF086  }
0x1c: {  	p1 =	slt.u32 s9, $0xF7A;
	s5 =	simm.s32 @!p2 $0x0  }
0x1d: {  	s5 =	simm.s32 @p1 $0x1;
	p0 =	seq.s32 s7, s2  }
0x1e: {  	s7 =	smul.u32 @!p0 $0xF7A, s2;
	p2 =	seq.s32 @!p0 s5, $0x0  }
0x1f: {  	s9 =	smul.u32 $0xF7A, s1;
	s8 =	simm.s32 @!p0 $0x1BF5;
	p2 =	por !p2, p0  }
0x20: {  	[sflag:s8] =	ssyncset.s32 @!p0 $0xFFFFF086;
	s6 =	sadd.s32 @!p0 s3, s7;
	s7 =	simm.s32 @!p0 $0x108  }
0x21: {  	s3 =	sadd.s32 s3, s9;
	s6 =	sadd.s32 @!p0 $0x88, s6;
	s7 =	simm.s32 @p2 $0x1082  }
0x22: {  	[simem:s7], [sflag:s8] =	dma.local @!p0 [hbm:s6], $0xF7A  }
0x23: {  	s9 =	sor.u32 $0xD0000000, s2;
	s6 =	simm.s32 $0x108;
	_ =	swait.ge @!p0 [sflag:s8], $0x0  }
0x24: {  	s3 =	sadd.s32 $0x88, s3;
	s6 =	simm.s32 @!p1 $0x1082;
	[sflag:s4] =	ssyncset.s32 $0xFFFFF086  }
0x25: {  	[simem:s6], [sflag:s4] =	dma.local [hbm:s3], $0xF7A  }
0x26: {  	[smem:$0x3F93] =	sst s1;
	(tag) =	ssettag s2;
	_ =	strace s9  }
0x27: {  	s1 =	sld [smem:$0x3FA3]  }
0x28: {  	s2 =	sld [smem:$0x3FA4]  }
0x29: {  	s4 =	sld [smem:$0x3FA6]  }
0x2a: {  	p0 =	seq.s32 s5, $0x0;
	s5 =	sld [smem:$0x3FA7]  }
0x2b: {  	s6 =	sld [smem:$0x3FA8]  }
0x2c: {  	s7 =	sld [smem:$0x3FA9]  }
0x2d: {  	s3 =	simm.s32 $0x108;
	s8 =	sld [smem:$0x3FAA]  }
0x2e: {  	s3 =	simm.s32 @!p0 $0x1082;
	s9 =	sld [smem:$0x3FAB]  }
0x2f: {  	lr =	sadd.s32 s0, s3;
	s0 =	sld [smem:$0x3FA2]  }
0x30: {  	s3 =	sld [smem:$0x3FA5]  }
0x31: {  	[smem:$0x3FAE] =	sst s10  }
0x32: {  	s10 =	sld [smem:$0x3FAC];
	_ =	sdelay $0x3  }
0x33: {  	p0 =	seq.s32 s10, $0x1;
	s10 =	sld [smem:$0x3FAE];
	_ =	sdelay $0x3  }
0x34: {  	[smem:$0x3FAE] =	sst s10  }
0x35: {  	s10 =	sld [smem:$0x3FAD];
	_ =	sdelay $0x3  }
0x36: {  	p1 =	seq.s32 s10, $0x1;
	s10 =	sld [smem:$0x3FAE];
	_ =	sdelay $0x3  }
0x37: {  	[smem:$0x3FAE] =	sst s10  }
0x38: {  	s10 =	sld [smem:$0x3FAF]  }
0x39: {  	_ = 	snop;
	(pc) =	sbr.ind lr, $3  }
0x3a: {  	_ = 	snop  }
0x3b: {  	_ = 	snop  }
0x3c: {  	p2 =	seq.s32 s10, $0x1;
	s10 =	sld [smem:$0x3FAE]  }
0x3d: {  	_ =	shalt  }
0x3e: {  	_ =	shalt  }
0x3f: {  	_ =	shalt  }
0x40: {  	_ =	shalt  }
0x41: {  	_ =	shalt  }
0x42: {  	_ =	shalt  }
0x43: {  	_ =	shalt  }
0x44: {  	_ =	shalt  }
0x45: {  	_ =	shalt  }
0x46: {  	_ =	shalt  }
0x47: {  	_ =	shalt  }
0x48: {  	_ =	shalt  }
0x49: {  	_ =	shalt  }
0x4a: {  	_ =	shalt  }
0x4b: {  	_ =	shalt  }
0x4c: {  	_ =	shalt  }
0x4d: {  	_ =	shalt  }
0x4e: {  	_ =	shalt  }
0x4f: {  	_ =	shalt  }
0x50: {  	_ =	shalt  }
0x51: {  	_ =	shalt  }
0x52: {  	_ =	shalt  }
0x53: {  	_ =	shalt  }
0x54: {  	_ =	shalt  }
0x55: {  	_ =	shalt  }
0x56: {  	_ =	shalt  }
0x57: {  	_ =	shalt  }
0x58: {  	_ =	shalt  }
0x59: {  	_ =	shalt  }
0x5a: {  	_ =	shalt  }
0x5b: {  	_ =	shalt  }
0x5c: {  	_ =	shalt  }
0x5d: {  	_ =	shalt  }
0x5e: {  	_ =	shalt  }
0x5f: {  	_ =	shalt  }
0x60: {  	_ =	shalt  }
0x61: {  	_ =	shalt  }
0x62: {  	_ =	shalt  }
0x63: {  	_ =	shalt  }
0x64: {  	_ =	shalt  }
0x65: {  	_ =	shalt  }
0x66: {  	_ =	shalt  }
0x67: {  	_ =	shalt  }
0x68: {  	_ =	shalt  }
0x69: {  	_ =	shalt  }
0x6a: {  	_ =	shalt  }
0x6b: {  	_ =	shalt  }
0x6c: {  	_ =	shalt  }
0x6d: {  	_ =	shalt  }
0x6e: {  	_ =	shalt  }
0x6f: {  	_ =	shalt  }
0x70: {  	_ =	shalt  }
0x71: {  	_ =	shalt  }
0x72: {  	_ =	shalt  }
0x73: {  	_ =	shalt  }
0x74: {  	_ =	shalt  }
0x75: {  	_ =	shalt  }
0x76: {  	_ =	shalt  }
0x77: {  	_ =	shalt  }
0x78: {  	_ =	shalt  }
0x79: {  	_ =	shalt  }
0x7a: {  	_ =	shalt  }
0x7b: {  	_ =	shalt  }
0x7c: {  	_ =	shalt  }
0x7d: {  	_ =	shalt  }
0x7e: {  	_ =	shalt  }
0x7f: {  	_ =	shalt  }
0x80: {  	_ =	shalt  }
0x81: {  	_ =	shalt  }
0x82: {  	_ =	shalt  }
0x83: {  	_ =	shalt  }
0x84: {  	_ =	shalt  }
0x85: {  	_ =	shalt  }
0x86: {  	_ =	shalt  }
0x87: {  	_ =	shalt  }
.Lfunc_end0:
.L_simem_size_0:
called_computation.3_lowered:
.L_overlay_start_0:
0x88: {  	s2 =	sld [smem:$0x3FD9]  }
0x89: {  	s3 =	sld [smem:$0x3FFE];
	_ =	sdelay $0x1  }
0x8a: {  	s1 =	srdreg.scid  }
0x8b: {  	s0 =	sand.u32 $0x1, s1  }
0x8c: {  	s17 =	sshll.u32 s0, $0xA;
	s2 =	sadd.s32 s3, s2  }
0x8d: {  	s2 =	sadd.s32 s2, s17  }
0x8e: {  	[smem:$0x3FBA] =	sst s2  }
0x8f: {  	_ = 	snop  }
0x90: {  	s2 =	sld [smem:$0x3FD0];
	(tm) =	ssettm $0x1  }
0x91: {  	s18 =	sld [smem:$0x3FFB];
	_ =	sdelay $0x3  }
0x92: {  	_ =	strace s18  }
0x93: {  	s3 =	sld [smem:$0x3FFC];
	_ =	sdelay $0x3  }
0x94: {  	_ =	strace s3  }
0x95: {  	s3 =	sld [smem:$0x3FFD];
	_ =	sdelay $0x3  }
0x96: {  	_ =	strace s3  }
0x97: {  	_ =	strace $0x8FFFFFFF  }
0x98: {  	s19 =	sld [smem:$0x3FDB];
	_ =	sdelay $0x1  }
0x99: {  	s4 =	simm.s32 $_scs_section_size  }
0x9a: {  	s5 =	simm.s32 $_size__tile_overlayer_lowered;
	s6 =	simm.s32 $_tile_overlayer_lowered  }
0x9b: {  	s22 =	simm.s32 $0x1BFF;
	s21 =	sshll.u32 s6, $0x1;
	s3 =	sadd.s32 s4, s19  }
0x9c: {  	s7 =	simm.s32 $0x0;
	s20 =	sshll.u32 s5, $0x1;
	s5 =	sadd.s32 s21, s3  }
0x9d: {  	[timem:s7], [sflag:s22] =	dma.local [hbm:s5], s20  }
0x9e: {  	_ =	swait.ge [sflag:s22], s20  }
0x9f: {  	s4 =	ssub.s32 $0x0, s20;
	[sflag:s22] =	ssyncset.done $0x0  }
0xa0: {  	[sflag:s22] =	ssyncadd.s32 s4;
	_ =	sdelay $0x1  }
0xa1: {  	s23 =	simm.s32 $0x1B8B  }
0xa2: {  	_ =	swait.ge [sflag:s23], $0x1  }
0xa3: {  	[sflag:s23] =	ssyncset.done $0x0  }
0xa4: {  	s25 =	simm.s32 $0x1B8E;
	s24 =	sld [smem:$0x3FFE];
	[sflag:s23] =	ssyncadd.s32 $0xFFFFFFFF  }
0xa5: {  	s26 =	simm.s32 $execute0_lowered;
	[smem:$0x3FD2] =	sst s25  }
0xa6: {  	s5 =	sshll.u32 s26, $0x1;
	_ =	strace $0x8000004F;
	[dreg:$0x1] =	wrdreg $0xFFFFFFFF  }
0xa7: {  	s28 =	simm.s32 $_size_execute0_lowered;
	s3 =	sadd.s32 s3, s5;
	[dreg:$0x0] =	wrdreg $0x0  }
0xa8: {  	s5 =	sshll.u32 s28, $0x1;
	[dreg:$0x2] =	wrdreg s3  }
0xa9: {  	[dreg:$0x3] =	wrdreg s5  }
0xaa: {  	[dreg:$0x4] =	wrdreg $0xC0  }
0xab: {  	_ =	task [dreg:s7], $0x5FFFF  }
0xac: {  	[dreg:$0x1] =	wrdreg $0xFFFFFFFF  }
0xad: {  	[dreg:$0x0] =	wrdreg $0x60  }
0xae: {  	[dreg:$0x2] =	wrdreg s2  }
0xaf: {  	[dreg:$0x3] =	wrdreg s24  }
0xb0: {  	[dreg:$0x4] =	wrdreg $0xCD000  }
0xb1: {  	[dreg:$0x5] =	wrdreg $0x9  }
0xb2: {  	_ =	task.clear_ibuf [dreg:s7], $0x6FFFF;
	_ =	strace $0x9000004F  }
0xb3: {  	s29 =	simm.s32 $0x9;
	_ =	strace $0x80000051  }
0xb4: {  	_ =	swait.ge [sflag:s29], $0x1  }
0xb5: {  	[sflag:s29] =	ssyncadd.s32 $0xFFFFFFFF  }
0xb6: {  	_ =	strace $0x90000051  }
0xb7: {  	_ =	sfence  }
0xb8: {  	s30 =	sld [smem:$0x0];
	_ =	sdelay $0x2  }
0xb9: {  	s31 =	sshll.u32 s1, $0xD;
	s1 =	sshrl.u32 s1, $0x2  }
0xba: {  	s3 =	sand.u32 $0x4000, s31;
	s1 =	sadd.s32 s1, s30  }
0xbb: {  	s0 =	sor.u32 s3, s0;
	s1 =	sshll.u32 s1, $0x11  }
0xbc: {  	s0 =	sor.u32 s1, s0  }
0xbd: {  	s0 =	sadd.s32 $0x8F2B, s0  }
0xbe: {  	[sflag:s0] =	ssyncadd.remote.s32 $0x1  }
0xbf: {  	_ =	sfence.sel $0xFFFF  }
0xc0: {  	[dreg:$0x0] =	wrdreg $0xFFFFFFFF;
	(pc) =	sbr.abs _section_cstart, $3  }
0xc1: {  	[dreg:$0x1] =	wrdreg $0xFFFFFFFF  }
0xc2: {  	_ =	task.clear_ibuf [dreg:s7], $0x2FFFF;
	_ =	strace $0x9FFFFFFF  }
0xc3: {  	(tm) =	ssettm $0x7FFFFFFF  }
tec
execute0_lowered:
.L_overlay_start_1:
0x0: {  	(tag) =	ssettag $0x1  }
0x1: {  	s2 =	rddreg [dreg:$0x0]  }
0x2: {  	s0 =	rddreg [dreg:$0x1]  }
0x3: {  	s3 =	rddreg [dreg:$0x2]  }
0x4: {  	s1 =	srdreg.scid;
	s8 =	stileid.u32  }
0x5: {  	s4 =	simm.s32 $0x0;
	s16 =	simm.s32 $0x5000;
	s17 =	simm.s32 $0x1  }
0x6: {  	s18 =	simm.s32 $0x5;
	s19 =	simm.s32 $0x7D;
	s21 =	simm.s32 $0x6F40  }
0x7: {  	s23 =	simm.s32 $0x8E80;
	s25 =	simm.s32 $0xADC0;
	s28 =	simm.s32 $0x3  }
0x8: {  	s29 =	simm.s32 $0x4;
	s30 =	simm.s32 $0x6;
	s31 =	simm.s32 $0x7  }
0x9: {  	s22 =	simm.s32 $0x4F80;
	s24 =	simm.s32 $0x0;
	s7 =	smul.u32 $0x14000, s8  }
0xa: {  	s1 =	sand.u32 $0x1, s1;
	s5 =	sshll.u32 s8, $0x1;
	s8 =	smul.u32 $0x28000, s8  }
0xb: {  	[smem:$0x7FF] =	sst s4;
	s6 =	smul.u32 $0x140000, s1;
	s5 =	sor.u32 s1, s5  }
0xc: {  	_ =	strace $0x80000050;
	s1 =	ssub.s32 $0x2, s1;
	s5 =	smul.u32 $0x500, s5  }
0xd: {  	s26 =	sshrl.u32 s1, $0x1;
	s8 =	sshrl.u32 s8, $0x2;
	s6 =	sadd.s32 s7, s6  }
0xe: {  	s1 =	ssub.s32 s1, s26;
	s7 =	sshrl.u32 s7, $0x1;
	s12 =	sadd.s32 s8, s3  }
0xf: {  	s26 =	simm.s32 $0x2;
	s6 =	sshrl.u32 s6, $0x4;
	s9 =	sadd.s32 s5, s0  }
0x10: {  	s7 =	sadd.s32 s7, s3;
	s8 =	sadd.s32 $0x1F40, s12;
	s10 =	sadd.s32 $0x5DC0, s12  }
0x11: {  	s11 =	sadd.s32 $0x7D00, s12;
	s14 =	smax.u32 s1, $0x1;
	s0 =	sadd.s32 s6, s0  }
0x12: {  	s5 =	sadd.s32 $0xDE00, s9;
	s6 =	sadd.s32 $0x3E00, s9;
	s9 =	sadd.s32 $0x3E80, s12  }
0x13: {  	v0 =	vimm.bf16 $0.0e+00;
	s12 =	sadd.s32 $0x9C40, s12;
	s13 =	sadd.s32 $0x17E00, s0;
	s0 =	simm.s32 $0x8  }
.LBB2_1:
0x14: {  	[tilespmem:s4], [sflag:$0x1] =	stream.linear.gather [hbm4b:s5+s4], $0x2800, $0x38;
	[tilespmem:$0x16D00] =	vst v63  }
0x15: {  	s1 =	simm.s32 $0x2800  }
0x16: {  	[tilespmem:s1], [sflag:$0x1] =	stream.linear.gather [hbm4b:s6+s4], $0x2800, $0x38;
	[tilespmem:$0x16D00] =	vst v63  }
0x17: {  	s15 =	simm.s32 $0x100;
	s1 =	simm.s32 $0x0  }
.LBB2_2:
0x18: {  	p0 =	sne.s32 s15, $0x7C00;
	[tilespmem:s1+$0x5030] =	vst v0;
	s20 =	smov.u32 s15;
	s15 =	sadd.s32 $0x100, s15  }
.Ltmp0:
0x19: {  	[tilespmem:s1+$0x5020] =	vst v0;
	(pc) =	sbr.rel @p0 .LBB2_2-.Ltmp0, $3  }
0x1a: {  	[tilespmem:s1+$0x5000] =	vst v0  }
0x1b: {  	[tilespmem:s1+$0x5010] =	vst v0;
	_ =	sdelay $0x1  }
0x1c: {  	s1 =	sshra.s32 s20, $0x2  }
0x1d: {  	[tilespmem:s1+$0x5030] =	vst v0  }
0x1e: {  	[tilespmem:s1+$0x5020] =	vst v0  }
0x1f: {  	[tilespmem:s1+$0x5000] =	vst v0  }
0x20: {  	[tilespmem:s1+$0x5010] =	vst v0  }
0x21: {  	[spmem:s7] =	stream.linear.scatter [tilespmem:s16], [sflag:$0x5], $0x1F40, $0x38;
	[tilespmem:$0x16D00] =	vst v63  }
0x22: {  	_ = 	snop  }
0x23: {  	[spmem:s8] =	stream.linear.scatter [tilespmem:s16], [sflag:$0x5], $0x1F40, $0x38;
	[tilespmem:$0x16D00] =	vst v63  }
0x24: {  	_ = 	snop  }
0x25: {  	[spmem:s9] =	stream.linear.scatter [tilespmem:s16], [sflag:$0x5], $0x1F40, $0x38;
	[tilespmem:$0x16D00] =	vst v63  }
0x26: {  	_ = 	snop  }
0x27: {  	[spmem:s10] =	stream.linear.scatter [tilespmem:s16], [sflag:$0x5], $0x1F40, $0x38;
	[tilespmem:$0x16D00] =	vst v63  }
0x28: {  	_ = 	snop  }
0x29: {  	[spmem:s11] =	stream.linear.scatter [tilespmem:s16], [sflag:$0x5], $0x1F40, $0x38;
	[tilespmem:$0x16D00] =	vst v63  }
0x2a: {  	_ = 	snop  }
0x2b: {  	[spmem:s12] =	stream.linear.scatter [tilespmem:s16], [sflag:$0x5], $0x3C0, $0x38;
	[tilespmem:$0x16D00] =	vst v63  }
0x2c: {  	_ =	swait.ge [sflag:s17], $0x2800  }
0x2d: {  	[sflag:s17] =	ssyncset.done $0x0  }
0x2e: {  	[sflag:s17] =	ssyncadd.s32 $0xFFFFD800  }
0x2f: {  	_ =	swait.ge [sflag:s17], $0x2800  }
0x30: {  	[sflag:s17] =	ssyncset.done $0x0  }
0x31: {  	[sflag:s17] =	ssyncadd.s32 $0xFFFFD800  }
0x32: {  	_ =	swait.ge [sflag:s18], $0x1F40  }
0x33: {  	[sflag:s18] =	ssyncset.done $0x0  }
0x34: {  	[sflag:s18] =	ssyncadd.s32 $0xFFFFE0C0  }
0x35: {  	_ =	swait.ge [sflag:s18], $0x1F40  }
0x36: {  	[sflag:s18] =	ssyncset.done $0x0  }
0x37: {  	[sflag:s18] =	ssyncadd.s32 $0xFFFFE0C0  }
0x38: {  	_ =	swait.ge [sflag:s18], $0x1F40  }
0x39: {  	[sflag:s18] =	ssyncset.done $0x0  }
0x3a: {  	[sflag:s18] =	ssyncadd.s32 $0xFFFFE0C0  }
0x3b: {  	_ =	swait.ge [sflag:s18], $0x1F40  }
0x3c: {  	[sflag:s18] =	ssyncset.done $0x0  }
0x3d: {  	[sflag:s18] =	ssyncadd.s32 $0xFFFFE0C0  }
0x3e: {  	_ =	swait.ge [sflag:s18], $0x1F40  }
0x3f: {  	[sflag:s18] =	ssyncset.done $0x0  }
0x40: {  	[sflag:s18] =	ssyncadd.s32 $0xFFFFE0C0  }
0x41: {  	_ =	swait.ge [sflag:s18], $0x3C0  }
0x42: {  	[sflag:s18] =	ssyncset.done $0x0  }
0x43: {  	s20 =	simm.s32 $0x0;
	[sflag:s18] =	ssyncadd.s32 $0xFFFFFC40  }
0x44: {  	[tilespmem:s16], [sflag:$0x1] =	stream.indirect.gather [hbm4b:s2+s19], $0x40, s20, s19, $0xb8;
	[tilespmem:$0x16D00] =	vst v63  }
0x45: {  	s15 =	simm.s32 $0x80  }
0x46: {  	[tilespmem:s21], [sflag:$0x2] =	stream.indirect.gather [hbm4b:s2+s19], $0x40, s15, s19, $0xb8;
	[tilespmem:$0x16D00] =	vst v63  }
0x47: {  	s20 =	simm.s32 $0x100  }
0x48: {  	[tilespmem:s23], [sflag:$0x3] =	stream.indirect.gather [hbm4b:s2+s19], $0x40, s20, s19, $0xb8;
	[tilespmem:$0x16D00] =	vst v63  }
0x49: {  	s15 =	simm.s32 $0x180  }
0x4a: {  	[tilespmem:s25], [sflag:$0x4] =	stream.indirect.gather [hbm4b:s2+s19], $0x40, s15, s19, $0xb8;
	[tilespmem:$0x16D00] =	vst v63  }
0x4b: {  	[bflag:$0x0] =	sbarrier.arrive $0xFFFF  }
0x4c: {  	_ =	swait.ge [sflag:s17], $0x1F40  }
0x4d: {  	[sflag:s17] =	ssyncset.done $0x0  }
0x4e: {  	s20 =	simm.s32 $0x2800;
	[sflag:s17] =	ssyncadd.s32 $0xFFFFE0C0  }
0x4f: {  	[spmem:s3] =	stream.indirect.scatter.add.bf16 [tilespmem:s16], [sflag:$0x5], $0x40, s20, s19, $0xb8;
	[tilespmem:$0x16D00] =	vst v63  }
0x50: {  	_ =	swait.ge [sflag:s26], $0x1F40  }
0x51: {  	[sflag:s26] =	ssyncset.done $0x0  }
0x52: {  	s15 =	simm.s32 $0x2880;
	[sflag:s26] =	ssyncadd.s32 $0xFFFFE0C0  }
0x53: {  	[spmem:s3] =	stream.indirect.scatter.add.bf16 [tilespmem:s21], [sflag:$0x6], $0x40, s15, s19, $0xb8;
	[tilespmem:$0x16D00] =	vst v63  }
0x54: {  	_ =	swait.ge [sflag:s28], $0x1F40  }
0x55: {  	[sflag:s28] =	ssyncset.done $0x0  }
0x56: {  	s20 =	simm.s32 $0x2900;
	[sflag:s28] =	ssyncadd.s32 $0xFFFFE0C0  }
0x57: {  	[spmem:s3] =	stream.indirect.scatter.add.bf16 [tilespmem:s23], [sflag:$0x7], $0x40, s20, s19, $0xb8;
	[tilespmem:$0x16D00] =	vst v63  }
0x58: {  	_ =	swait.ge [sflag:s29], $0x1F40  }
0x59: {  	[sflag:s29] =	ssyncset.done $0x0  }
0x5a: {  	s15 =	simm.s32 $0x2980;
	[sflag:s29] =	ssyncadd.s32 $0xFFFFE0C0  }
0x5b: {  	[spmem:s3] =	stream.indirect.scatter.add.bf16 [tilespmem:s25], [sflag:$0x8], $0x40, s15, s19, $0xb8;
	[tilespmem:$0x16D00] =	vst v63  }
0x5c: {  	_ =	swait.ge [sflag:s18], $0x1F40  }
0x5d: {  	[sflag:s18] =	ssyncset.done $0x0  }
0x5e: {  	s20 =	simm.s32 $0x200;
	[sflag:s18] =	ssyncadd.s32 $0xFFFFE0C0  }
0x5f: {  	[tilespmem:s16], [sflag:$0x1] =	stream.indirect.gather [hbm4b:s2+s19], $0x40, s20, s19, $0xb8;
	[tilespmem:$0x16D00] =	vst v63  }
0x60: {  	_ =	swait.ge [sflag:s30], $0x1F40  }
0x61: {  	[sflag:s30] =	ssyncset.done $0x0  }
0x62: {  	s15 =	simm.s32 $0x280;
	[sflag:s30] =	ssyncadd.s32 $0xFFFFE0C0  }
0x63: {  	[tilespmem:s21], [sflag:$0x2] =	stream.indirect.gather [hbm4b:s2+s19], $0x40, s15, s19, $0xb8;
	[tilespmem:$0x16D00] =	vst v63  }
0x64: {  	_ =	swait.ge [sflag:s31], $0x1F40  }
0x65: {  	[sflag:s31] =	ssyncset.done $0x0  }
0x66: {  	s20 =	simm.s32 $0x300;
	[sflag:s31] =	ssyncadd.s32 $0xFFFFE0C0  }
0x67: {  	[tilespmem:s23], [sflag:$0x3] =	stream.indirect.gather [hbm4b:s2+s19], $0x40, s20, s19, $0xb8;
	[tilespmem:$0x16D00] =	vst v63  }
0x68: {  	_ =	swait.ge [sflag:s0], $0x1F40  }
0x69: {  	[sflag:s0] =	ssyncset.done $0x0  }
0x6a: {  	s1 =	simm.s32 $0x800;
	s15 =	simm.s32 $0x380;
	[sflag:s0] =	ssyncadd.s32 $0xFFFFE0C0  }
.LBB2_4:
0x6b: {  	[tilespmem:s25], [sflag:$0x4] =	stream.indirect.gather [hbm4b:s2+s19], $0x40, s15, s19, $0xb8;
	[tilespmem:$0x16D00] =	vst v63  }
0x6c: {  	s15 =	smov.u32 s1  }
0x6d: {  	p0 =	sne.s32 s1, $0x9000;
	s1 =	sadd.s32 $0x800, s1;
	_ =	swait.ge [sflag:s17], $0x1F40  }
0x6e: {  	s15 =	sshra.s32 s15, $0x2;
	[sflag:s17] =	ssyncset.done $0x0  }
0x6f: {  	s20 =	sadd.s32 $0x2800, s15;
	[sflag:s17] =	ssyncadd.s32 $0xFFFFE0C0  }
0x70: {  	[spmem:s3] =	stream.indirect.scatter.add.bf16 [tilespmem:s16], [sflag:$0x5], $0x40, s20, s19, $0xb8;
	[tilespmem:$0x16D00] =	vst v63  }
0x71: {  	_ =	swait.ge [sflag:s26], $0x1F40  }
0x72: {  	[sflag:s26] =	ssyncset.done $0x0  }
0x73: {  	s20 =	sadd.s32 $0x2880, s15;
	[sflag:s26] =	ssyncadd.s32 $0xFFFFE0C0  }
0x74: {  	[spmem:s3] =	stream.indirect.scatter.add.bf16 [tilespmem:s21], [sflag:$0x6], $0x40, s20, s19, $0xb8;
	[tilespmem:$0x16D00] =	vst v63  }
0x75: {  	_ =	swait.ge [sflag:s28], $0x1F40  }
0x76: {  	[sflag:s28] =	ssyncset.done $0x0  }
0x77: {  	s20 =	sadd.s32 $0x2900, s15;
	[sflag:s28] =	ssyncadd.s32 $0xFFFFE0C0  }
0x78: {  	[spmem:s3] =	stream.indirect.scatter.add.bf16 [tilespmem:s23], [sflag:$0x7], $0x40, s20, s19, $0xb8;
	[tilespmem:$0x16D00] =	vst v63  }
0x79: {  	_ =	swait.ge [sflag:s29], $0x1F40  }
0x7a: {  	[sflag:s29] =	ssyncset.done $0x0  }
0x7b: {  	s20 =	sadd.s32 $0x2980, s15;
	[sflag:s29] =	ssyncadd.s32 $0xFFFFE0C0  }
0x7c: {  	[spmem:s3] =	stream.indirect.scatter.add.bf16 [tilespmem:s25], [sflag:$0x8], $0x40, s20, s19, $0xb8;
	[tilespmem:$0x16D00] =	vst v63  }
0x7d: {  	_ =	swait.ge [sflag:s18], $0x1F40  }
0x7e: {  	[sflag:s18] =	ssyncset.done $0x0  }
0x7f: {  	s20 =	sadd.s32 $0x200, s15;
	[sflag:s18] =	ssyncadd.s32 $0xFFFFE0C0  }
0x80: {  	[tilespmem:s16], [sflag:$0x1] =	stream.indirect.gather [hbm4b:s2+s19], $0x40, s20, s19, $0xb8;
	[tilespmem:$0x16D00] =	vst v63  }
0x81: {  	_ =	swait.ge [sflag:s30], $0x1F40  }
0x82: {  	[sflag:s30] =	ssyncset.done $0x0  }
0x83: {  	s20 =	sadd.s32 $0x280, s15;
	[sflag:s30] =	ssyncadd.s32 $0xFFFFE0C0  }
0x84: {  	[tilespmem:s21], [sflag:$0x2] =	stream.indirect.gather [hbm4b:s2+s19], $0x40, s20, s19, $0xb8;
	[tilespmem:$0x16D00] =	vst v63  }
0x85: {  	_ =	swait.ge [sflag:s31], $0x1F40  }
0x86: {  	[sflag:s31] =	ssyncset.done $0x0  }
.Ltmp1:
0x87: {  	s20 =	sadd.s32 $0x300, s15;
	[sflag:s31] =	ssyncadd.s32 $0xFFFFE0C0;
	(pc) =	sbr.rel @p0 .LBB2_4-.Ltmp1, $4  }
0x88: {  	[tilespmem:s23], [sflag:$0x3] =	stream.indirect.gather [hbm4b:s2+s19], $0x40, s20, s19, $0xb8;
	[tilespmem:$0x16D00] =	vst v63  }
0x89: {  	_ =	swait.ge [sflag:s0], $0x1F40  }
0x8a: {  	[sflag:s0] =	ssyncset.done $0x0  }
0x8b: {  	s15 =	sadd.s32 $0x380, s15;
	[sflag:s0] =	ssyncadd.s32 $0xFFFFE0C0  }
0x8c: {  	[tilespmem:s25], [sflag:$0x4] =	stream.indirect.gather [hbm4b:s2+s19], $0x40, s15, s19, $0xb8;
	[tilespmem:$0x16D00] =	vst v63  }
0x8d: {  	_ =	swait.ge [sflag:s17], $0x1F40  }
0x8e: {  	[sflag:s17] =	ssyncset.done $0x0  }
0x8f: {  	s1 =	simm.s32 $0x4E00;
	[sflag:s17] =	ssyncadd.s32 $0xFFFFE0C0  }
0x90: {  	[spmem:s3] =	stream.indirect.scatter.add.bf16 [tilespmem:s16], [sflag:$0x5], $0x40, s1, s19, $0xb8;
	[tilespmem:$0x16D00] =	vst v63  }
0x91: {  	_ =	swait.ge [sflag:s26], $0x1F40  }
0x92: {  	[sflag:s26] =	ssyncset.done $0x0  }
0x93: {  	s15 =	simm.s32 $0x4E80;
	[sflag:s26] =	ssyncadd.s32 $0xFFFFE0C0  }
0x94: {  	[spmem:s3] =	stream.indirect.scatter.add.bf16 [tilespmem:s21], [sflag:$0x6], $0x40, s15, s19, $0xb8;
	[tilespmem:$0x16D00] =	vst v63  }
0x95: {  	_ =	swait.ge [sflag:s28], $0x1F40  }
0x96: {  	[sflag:s28] =	ssyncset.done $0x0  }
0x97: {  	s20 =	simm.s32 $0x4F00;
	[sflag:s28] =	ssyncadd.s32 $0xFFFFE0C0  }
0x98: {  	[spmem:s3] =	stream.indirect.scatter.add.bf16 [tilespmem:s23], [sflag:$0x7], $0x40, s20, s19, $0xb8;
	[tilespmem:$0x16D00] =	vst v63  }
0x99: {  	_ =	swait.ge [sflag:s29], $0x1F40  }
0x9a: {  	[sflag:s29] =	ssyncset.done $0x0  }
0x9b: {  	[sflag:s29] =	ssyncadd.s32 $0xFFFFE0C0  }
0x9c: {  	[spmem:s3] =	stream.indirect.scatter.add.bf16 [tilespmem:s25], [sflag:$0x8], $0x40, s22, s19, $0xb8;
	[tilespmem:$0x16D00] =	vst v63  }
0x9d: {  	_ =	swait.ge [sflag:s18], $0x1F40  }
0x9e: {  	[sflag:s18] =	ssyncset.done $0x0  }
0x9f: {  	[sflag:s18] =	ssyncadd.s32 $0xFFFFE0C0  }
0xa0: {  	_ =	swait.ge [sflag:s30], $0x1F40  }
0xa1: {  	[sflag:s30] =	ssyncset.done $0x0  }
0xa2: {  	[sflag:s30] =	ssyncadd.s32 $0xFFFFE0C0  }
0xa3: {  	_ =	swait.ge [sflag:s31], $0x1F40  }
0xa4: {  	[sflag:s31] =	ssyncset.done $0x0  }
0xa5: {  	[sflag:s31] =	ssyncadd.s32 $0xFFFFE0C0  }
0xa6: {  	s15 =	stileid.u32;
	_ =	swait.ge [sflag:s0], $0x1F40  }
0xa7: {  	s24 =	sadd.s32 $0x1, s24;
	s1 =	sshll.u32 s15, $0x6;
	[sflag:s0] =	ssyncset.done $0x0  }
0xa8: {  	p0 =	sne.s32 s24, s14;
	s1 =	sor.u32 $0x1C01, s1;
	[sflag:s0] =	ssyncadd.s32 $0xFFFFE0C0  }
.Ltmp2:
0xa9: {  	s20 =	sshrl.u32 s7, $0x3;
	[bflag:$0x0] =	sbarrier.arrive $0xFFFF;
	(pc) =	sbr.rel @p0 .LBB2_1-.Ltmp2, $4  }
0xaa: {  	[hbm:s13], [sflag:s1] =	dma.local [spmem:s20], $0x1400  }
0xab: {  	_ =	swait.ge [sflag:s17], $0x1400  }
0xac: {  	[sflag:s17] =	ssyncset.done $0x0  }
0xad: {  	[sflag:s17] =	ssyncadd.s32 $0xFFFFEC00  }
0xae: {  	_ =	sfence.sel $0x180000  }
0xaf: {  	[bflag:$0x0] =	sbarrier.arrive $0xFFFF  }
0xb0: {  	_ =	strace $0x90000050  }
0xb1: {  	s0 =	stileid.u32;
	[bflag:$0x2] =	sbarrier.arrive $0xFFFF  }
0xb2: {  	p0 =	sne.s32 s0, $0x0;
	s0 =	rddreg [dreg:$0x3]  }
0xb3: {  	s0 =	sadd.s32 @!p0 $0x100000, s0  }
0xb4: {  	[sflag:s0] =	ssyncadd.tile.s32 @!p0 $0x1;
	_ =	shalt  }
.Lfunc_end2:
_tile_overlayer_lowered:
.L_overlay_start_2:
0xb5: {  	(tag) =	ssettag $0x2  }
0xb6: {  	s0 =	rddreg [dreg:$0x0];
	s2 =	stileid.u32  }
0xb7: {  	s1 =	rddreg [dreg:$0x1];
	p0 =	sne.s32 s2, $0x0  }
0xb8: {  	s3 =	rddreg [dreg:$0x2];
	[bflag:$0x3] =	sbarrier.arrive $0xFFFF;
	s2 =	simm.s32 @!p0 $0x1C09  }
0xb9: {  	[timem:s3], [sflag:s2] =	dma.local @!p0 [hbm:s0], s1  }
0xba: {  	s0 =	simm.s32 @!p0 $0x9  }
0xbb: {  	_ =	swait.ge @!p0 [sflag:s0], s1  }
0xbc: {  	s1 =	ssub.s32 @!p0 $0x0, s1;
	[sflag:s0] =	ssyncset.done @!p0 $0x0  }
0xbd: {  	[sflag:s0] =	ssyncadd.s32 @!p0 s1  }
0xbe: {  	[bflag:$0x3] =	sbarrier.arrive $0xFFFF  }
0xbf: {  	_ =	shalt  }

</sc_bundles>
